<compile_context>
chip_gen: v7x
topology: tpu7x:2x2x1
jax: 0.10.2.dev20260603
libtpu: 0.0.44.dev20260713+nightly
codegen_flags: <defaults>
</compile_context>

<pallas_src>
import dataclasses
import functools

import jax
import jax.numpy as jnp
from jax import lax
from jax.experimental import pallas as pl
from jax.experimental.pallas import tpu as pltpu
from jax.experimental.pallas import tpu_sc as plsc

N = 10000
E = 160000
D = 128
DP = 64
DF = 192
N2 = 10240
E2 = 163840

NC = 2
NS = 16
NW = NC * NS

EPW = E // NW
GCH = 384
GN = EPW // GCH
GTL = EPW - GN * GCH

EPW2 = E2 // NW
PCH = 1280
PN = EPW2 // PCH

EPS = E // NS
SCH = 160
SNF = EPS // SCH
STL = EPS - SNF * SCH

ZPS = N2 // NS

_sc_mesh = lambda: plsc.VectorSubcoreMesh(core_axis_name="c", subcore_axis_name="s")


def _no_layout_cp():
    cp = pltpu.CompilerParams()
    if "needs_layout_passes" in pltpu.CompilerParams.__dataclass_fields__:
        cp = dataclasses.replace(cp, needs_layout_passes=False)
    return cp


def _sc_gather_rows(table, idx):

    @functools.partial(
        pl.kernel,
        mesh=_sc_mesh(),
        out_type=jax.ShapeDtypeStruct((E, D), jnp.float32),
        scratch_types=[
            pltpu.VMEM((EPW,), jnp.int32),
            pltpu.VMEM((GCH, D), jnp.float32),
            pltpu.VMEM((GCH, D), jnp.float32),
            pltpu.SemaphoreType.DMA,
            pltpu.SemaphoreType.DMA,
            pltpu.SemaphoreType.DMA,
        ],
    )
    def k(table_hbm, idx_hbm, out_hbm, idx_v, rows0, rows1, sg, sw0, sw1):
        wid = lax.axis_index("s") * NC + lax.axis_index("c")
        base = wid * EPW
        pltpu.sync_copy(idx_hbm.at[pl.ds(base, EPW)], idx_v)
        rows = (rows0, rows1)
        sw = (sw0, sw1)

        def gather_sync(ci, b):
            pltpu.async_copy(
                table_hbm.at[idx_v.at[pl.ds(ci * GCH, GCH)]], rows[b], sg
            ).wait()

        def write_start(ci, b):
            pltpu.async_copy(rows[b], out_hbm.at[pl.ds(base + ci * GCH, GCH)], sw[b])

        def write_wait(b):
            pltpu.make_async_copy(rows[b], out_hbm.at[pl.ds(base, GCH)], sw[b]).wait()

        def gather_sync_tail(ci):
            pltpu.async_copy(
                table_hbm.at[idx_v.at[pl.ds(ci * GCH, GTL)]],
                rows0.at[pl.ds(0, GTL)], sg,
            ).wait()

        @pl.loop(0, (GN - 1) // 2)
        def _(ii):
            c0 = ii * 2

            @pl.when(ii > 0)
            def _():
                write_wait(0)

            gather_sync(c0, 0)
            write_start(c0, 0)

            @pl.when(ii > 0)
            def _():
                write_wait(1)

            gather_sync(c0 + 1, 1)
            write_start(c0 + 1, 1)

        write_wait(0)
        gather_sync(GN - 1, 0)
        write_start(GN - 1, 0)
        write_wait(0)
        write_wait(1)

        gather_sync_tail(GN)
        pltpu.sync_copy(rows0.at[pl.ds(0, GTL)],
                        out_hbm.at[pl.ds(base + GN * GCH, GTL)])

    return k(table, idx)


def _sc_gather_pos(pos_flat, srcp, dstp):

    @functools.partial(
        pl.kernel,
        mesh=_sc_mesh(),
        out_type=[
            jax.ShapeDtypeStruct((8, E2), jnp.float32),
            jax.ShapeDtypeStruct((8, E2), jnp.float32),
        ],
        compiler_params=_no_layout_cp(),
        scratch_types=[
            pltpu.VMEM((N2 * 4,), jnp.float32),
            pltpu.VMEM((PCH,), jnp.int32),
            pltpu.VMEM((PCH,), jnp.int32),
            pltpu.VMEM((8, PCH), jnp.float32),
            pltpu.VMEM((8, PCH), jnp.float32),
            pltpu.SemaphoreType.DMA,
        ],
    )
    def k(pos_hbm, src_hbm, dst_hbm, pit_hbm, pjt_hbm,
          pos_v, sidx, didx, pit_v, pjt_v, sem):
        wid = lax.axis_index("s") * NC + lax.axis_index("c")
        base = wid * EPW2
        pltpu.sync_copy(pos_hbm, pos_v)

        @pl.loop(0, PCH // 16)
        def _(i):
            z = jnp.zeros((16,), jnp.float32)
            for r in range(4, 8):
                pit_v[r, pl.ds(i * 16, 16)] = z
            for r in range(3, 8):
                pjt_v[r, pl.ds(i * 16, 16)] = z

        @pl.loop(0, PN)
        def _(ci):
            off = base + ci * PCH
            pltpu.sync_copy(src_hbm.at[pl.ds(off, PCH)], sidx)
            pltpu.sync_copy(dst_hbm.at[pl.ds(off, PCH)], didx)

            @pl.loop(0, PCH // 16)
            def _(kk):
                sl = pl.ds(kk * 16, 16)
                s16 = sidx[sl] * 4
                d16 = didx[sl] * 4
                pcoord = []
                for col in range(3):
                    pj_c = plsc.load_gather(pos_v, [s16 + col])
                    pi_c = plsc.load_gather(pos_v, [d16 + col])
                    pjt_v[col, sl] = pj_c
                    pit_v[col, sl] = pi_c
                    pcoord.append((pi_c, pj_c))
                dx = pcoord[0][0] - pcoord[0][1]
                dy = pcoord[1][0] - pcoord[1][1]
                dz = pcoord[2][0] - pcoord[2][1]
                pit_v[3, sl] = dx * dx + dy * dy + dz * dz

            pltpu.sync_copy(pit_v, pit_hbm.at[:, pl.ds(off, PCH)])
            pltpu.sync_copy(pjt_v, pjt_hbm.at[:, pl.ds(off, PCH)])

    return k(pos_flat, srcp, dstp)


def _sc_scatter_add2(msgA, msgB, dst, zeros):

    @functools.partial(
        pl.kernel,
        mesh=_sc_mesh(),
        out_type=[
            jax.ShapeDtypeStruct((N2, D), jnp.float32),
            jax.ShapeDtypeStruct((N2, D), jnp.float32),
        ],
        scratch_types=[
            pltpu.VMEM((SCH,), jnp.int32),
            pltpu.VMEM((SCH,), jnp.int32),
            pltpu.VMEM((STL,), jnp.int32),
            pltpu.VMEM((SCH, D), jnp.float32),
            pltpu.VMEM((SCH, D), jnp.float32),
            pltpu.VMEM_SHARED((N2, D), jnp.float32),
            pltpu.SemaphoreType.DMA,
            pltpu.SemaphoreType.DMA,
        ],
    )
    def k(msgA_hbm, msgB_hbm, dst_hbm, z_hbm, outA_hbm, outB_hbm,
          idx0, idx1, idx_t, rows0, rows1, acc_sh, sl0, sl1):
        c = lax.axis_index("c")
        s = lax.axis_index("s")
        pltpu.sync_copy(z_hbm.at[pl.ds(s * ZPS, ZPS)], acc_sh.at[pl.ds(s * ZPS, ZPS)])
        plsc.subcore_barrier()
        base = s * EPS
        idxs = (idx0, idx1)
        rows = (rows0, rows1)
        sl = (sl0, sl1)

        def run_pass(msg_hbm, out_hbm):
            def load_start(ci, b):
                pltpu.async_copy(dst_hbm.at[pl.ds(base + ci * SCH, SCH)], idxs[b], sl[b])
                pltpu.async_copy(msg_hbm.at[pl.ds(base + ci * SCH, SCH)], rows[b], sl[b])

            def load_wait(b):
                pltpu.make_async_copy(dst_hbm.at[pl.ds(base, SCH)], idxs[b], sl[b]).wait()
                pltpu.make_async_copy(msg_hbm.at[pl.ds(base, SCH)], rows[b], sl[b]).wait()

            def scat_sync(b):
                pltpu.sync_copy(rows[b], acc_sh.at[idxs[b]], add=True)

            load_start(0, 0)
            load_start(1, 1)

            @pl.loop(0, (SNF - 2) // 2)
            def _(ii):
                c0 = ii * 2
                load_wait(0)
                scat_sync(0)
                load_start(c0 + 2, 0)
                load_wait(1)
                scat_sync(1)
                load_start(c0 + 3, 1)

            load_wait(0)
            scat_sync(0)
            load_wait(1)
            scat_sync(1)

            toff = base + SNF * SCH
            pltpu.sync_copy(dst_hbm.at[pl.ds(toff, STL)], idx_t)
            pltpu.sync_copy(msg_hbm.at[pl.ds(toff, STL)], rows0.at[pl.ds(0, STL)])
            pltpu.sync_copy(rows0.at[pl.ds(0, STL)], acc_sh.at[idx_t], add=True)

            plsc.subcore_barrier()
            pltpu.sync_copy(acc_sh.at[pl.ds(s * ZPS, ZPS)], out_hbm.at[pl.ds(s * ZPS, ZPS)])

        @pl.when(c == 0)
        def _():
            run_pass(msgA_hbm, outA_hbm)

        @pl.when(c == 1)
        def _():
            run_pass(msgB_hbm, outB_hbm)

    return k(msgA, msgB, dst, zeros)


BE = 1280


def _edge_body(xj_ref, pit_ref, pjt_ref, w8_ref, ppb_ref, aW_ref, ab_ref,
               msgA_ref, msgB_ref):
    pit = pit_ref[...]
    pjt = pjt_ref[...]
    dij = jnp.sqrt(pit[3:4, :])
    m8 = jnp.concatenate(
        [pit[0:3, :], pjt[0:3, :], dij, jnp.zeros((1, BE), jnp.float32)], axis=0)
    rij = lax.dot_general(
        m8, w8_ref[...], (((0,), (0,)), ((), ())),
        preferred_element_type=jnp.float32) + ppb_ref[...]
    rij = jnp.maximum(rij, 0.0)
    fij = jnp.concatenate([xj_ref[...], rij], axis=1)
    g = jnp.dot(fij, aW_ref[...], preferred_element_type=jnp.float32) + ab_ref[...]
    g = jnp.maximum(g, 0.0)
    m = jnp.max(g, axis=1, keepdims=True)
    ex = jnp.exp(g - m)
    sm = ex / jnp.sum(ex, axis=1, keepdims=True)
    smf = sm * fij
    msgA_ref[...] = smf[:, :D]
    msgB_ref[...] = jnp.concatenate(
        [smf[:, D:], jnp.zeros((BE, D - DP), jnp.float32)], axis=1)


def _tc_edge(xj, pit, pjt, w8, ppb, aW, ab):
    return pl.pallas_call(
        _edge_body,
        grid=(E // BE,),
        in_specs=[
            pl.BlockSpec((BE, D), lambda i: (i, 0)),
            pl.BlockSpec((8, BE), lambda i: (0, i)),
            pl.BlockSpec((8, BE), lambda i: (0, i)),
            pl.BlockSpec((8, DP), lambda i: (0, 0)),
            pl.BlockSpec((1, DP), lambda i: (0, 0)),
            pl.BlockSpec((DF, DF), lambda i: (0, 0)),
            pl.BlockSpec((1, DF), lambda i: (0, 0)),
        ],
        out_specs=[
            pl.BlockSpec((BE, D), lambda i: (i, 0)),
            pl.BlockSpec((BE, D), lambda i: (i, 0)),
        ],
        out_shape=[
            jax.ShapeDtypeStruct((E, D), jnp.float32),
            jax.ShapeDtypeStruct((E, D), jnp.float32),
        ],
    )(xj, pit, pjt, w8, ppb, aW, ab)


BN = 1024


def _update_body(a_ref, b_ref, gW_ref, gb_ref, o_ref):
    aggr = jnp.concatenate([a_ref[...], b_ref[:, :DP]], axis=1)
    h = jnp.dot(aggr, gW_ref[...], preferred_element_type=jnp.float32) + gb_ref[...]
    o_ref[...] = jnp.maximum(h, 0.0)


def _tc_update(pA, pB, gW, gb):
    return pl.pallas_call(
        _update_body,
        grid=(N2 // BN,),
        in_specs=[
            pl.BlockSpec((BN, D), lambda i: (i, 0)),
            pl.BlockSpec((BN, D), lambda i: (i, 0)),
            pl.BlockSpec((DF, D), lambda i: (0, 0)),
            pl.BlockSpec((1, D), lambda i: (0, 0)),
        ],
        out_specs=pl.BlockSpec((BN, D), lambda i: (i, 0)),
        out_shape=jax.ShapeDtypeStruct((N2, D), jnp.float32),
    )(pA, pB, gW, gb)


def _final_body(a_ref, b_ref, x_ref, gW_ref, gb_ref, scW_ref, scb_ref, o_ref):
    aggr = jnp.concatenate([a_ref[...], b_ref[:, :DP]], axis=1)
    h = jnp.dot(aggr, gW_ref[...], preferred_element_type=jnp.float32) + gb_ref[...]
    h = jnp.maximum(h, 0.0)
    sc = jnp.dot(x_ref[...], scW_ref[...], preferred_element_type=jnp.float32) + scb_ref[...]
    o_ref[...] = jnp.maximum(h + sc, 0.0)


def _tc_final(pA, pB, x, gW, gb, scW, scb):
    return pl.pallas_call(
        _final_body,
        grid=(N2 // BN,),
        in_specs=[
            pl.BlockSpec((BN, D), lambda i: (i, 0)),
            pl.BlockSpec((BN, D), lambda i: (i, 0)),
            pl.BlockSpec((BN, D), lambda i: (i, 0)),
            pl.BlockSpec((DF, D), lambda i: (0, 0)),
            pl.BlockSpec((1, D), lambda i: (0, 0)),
            pl.BlockSpec((D, D), lambda i: (0, 0)),
            pl.BlockSpec((1, D), lambda i: (0, 0)),
        ],
        out_specs=pl.BlockSpec((BN, D), lambda i: (i, 0)),
        out_shape=jax.ShapeDtypeStruct((N2, D), jnp.float32),
    )(pA, pB, x, gW, gb, scW, scb)


def _prep_pp(ppW):
    return jnp.concatenate([
        ppW[0:3] + ppW[6:9],
        ppW[3:6] - ppW[6:9],
        ppW[9:10],
        jnp.zeros((1, DP), jnp.float32),
    ], axis=0)


def kernel(x, pos, edge_index, ppW1, ppb1, aW1, ab1, gW1, gb1,
           ppW2, ppb2, aW2, ab2, gW2, gb2, scW, scb):
    src = edge_index[0]
    dst = edge_index[1]
    srcp = jnp.zeros((E2,), jnp.int32).at[:E].set(src)
    dstp = jnp.zeros((E2,), jnp.int32).at[:E].set(dst)

    xp = jnp.zeros((N2, D), jnp.float32).at[:N].set(x)
    pos4 = jnp.zeros((N2, 4), jnp.float32).at[:N, :3].set(pos)
    zeros = jnp.zeros((N2, D), jnp.float32)

    w81 = _prep_pp(ppW1)
    w82 = _prep_pp(ppW2)
    ppb1r = ppb1.reshape(1, DP)
    ppb2r = ppb2.reshape(1, DP)
    ab1r = ab1.reshape(1, DF)
    ab2r = ab2.reshape(1, DF)
    gb1r = gb1.reshape(1, D)
    gb2r = gb2.reshape(1, D)
    scbr = scb.reshape(1, D)

    pit, pjt = _sc_gather_pos(pos4.reshape(-1), srcp, dstp)

    xj1 = _sc_gather_rows(xp, src)
    msgA1, msgB1 = _tc_edge(xj1, pit, pjt, w81, ppb1r, aW1, ab1r)
    pA1, pB1 = _sc_scatter_add2(msgA1, msgB1, dst, zeros)
    h1 = _tc_update(pA1, pB1, gW1, gb1r)

    xj2 = _sc_gather_rows(h1, src)
    msgA2, msgB2 = _tc_edge(xj2, pit, pjt, w82, ppb2r, aW2, ab2r)
    pA2, pB2 = _sc_scatter_add2(msgA2, msgB2, dst, zeros)
    out = _tc_final(pA2, pB2, xp, gW2, gb2r, scW, scbr)

    return out[:N]

# --- scband reference (transcript-rebuilt; emitter-appended) ---
"""Pipeline reference for scband-rand-lanet-res-32323923870347 (READ-ONLY COPY).

The authoritative reference and input builder live on the scoring server;
editing this copy changes nothing except your own understanding.
"""

import jax, jax.numpy as jnp
import numpy as np


def _mlp(h, W, b):
    return jax.nn.relu(h @ W + b)


def _randla_conv(x, pos, src, dst, ppW, ppb, aW, ab, gW, gb):
    # Local Spatial Encoding + Attentive Pooling (RandLA-Net message/aggregate/update)
    pos_i = pos[dst]
    pos_j = pos[src]
    x_j = x[src]
    vij = pos_i - pos_j
    dij = jnp.linalg.norm(vij, axis=1)[:, None]
    relPointPos = jnp.concatenate([pos_i, pos_j, vij, dij], axis=1)  # [E, 10]
    rij = _mlp(relPointPos, ppW, ppb)                                 # point_pos_nn
    fij_hat = jnp.concatenate([x_j, rij], axis=1)                     # [E, D+DP]
    g_fij = _mlp(fij_hat, aW, ab)                                     # attention_nn
    s_ij = jax.nn.softmax(g_fij, axis=1)                              # F.softmax (implicit last dim)
    msg = s_ij * fij_hat
    aggr = jax.ops.segment_sum(msg, dst, num_segments=x.shape[0])     # aggr='add'
    return _mlp(aggr, gW, gb)                                         # global_nn (update)


def setup_inputs(seed: int = 0):
    key = jax.random.key(seed)
    ks = jax.random.split(key, 24)
    N = 10000
    E = N * 16
    D = 128
    DP = 64
    DF = D + DP  # 192

    def init(k, fan_in, shape):
        return jax.random.normal(k, shape, dtype=jnp.float32) * (1.0 / np.sqrt(fan_in))

    inp = {}
    inp['x'] = jax.random.normal(ks[0], (N, D), dtype=jnp.float32)
    inp['pos'] = jax.random.normal(ks[1], (N, 3), dtype=jnp.float32)
    inp['edge_index'] = jax.random.randint(ks[2], (2, E), 0, N, dtype=jnp.int32)
    # conv1 params
    inp['ppW1'] = init(ks[3], 10, (10, DP)); inp['ppb1'] = jnp.zeros((DP,), jnp.float32)
    inp['aW1'] = init(ks[4], DF, (DF, DF)); inp['ab1'] = jnp.zeros((DF,), jnp.float32)
    inp['gW1'] = init(ks[5], DF, (DF, D)); inp['gb1'] = jnp.zeros((D,), jnp.float32)
    # conv2 params
    inp['ppW2'] = init(ks[6], 10, (10, DP)); inp['ppb2'] = jnp.zeros((DP,), jnp.float32)
    inp['aW2'] = init(ks[7], DF, (DF, DF)); inp['ab2'] = jnp.zeros((DF,), jnp.float32)
    inp['gW2'] = init(ks[8], DF, (DF, D)); inp['gb2'] = jnp.zeros((D,), jnp.float32)
    # residual shortcut (BaseResnetBlock, indim -> outdim)
    inp['scW'] = init(ks[9], D, (D, D)); inp['scb'] = jnp.zeros((D,), jnp.float32)
    return inp


def reference(x, pos, edge_index, ppW1, ppb1, aW1, ab1, gW1, gb1, ppW2, ppb2, aW2, ab2, gW2, gb2, scW, scb):
    src = edge_index[0]
    dst = edge_index[1]
    # Dilated residual block: two RandlaConv layers (ratio=None -> no sampling, idx=None)
    h1 = _randla_conv(x, pos, src, dst, ppW1, ppb1, aW1, ab1, gW1, gb1)
    h2 = _randla_conv(h1, pos, src, dst, ppW2, ppb2, aW2, ab2, gW2, gb2)
    shortcut = x @ scW + scb
    out = jax.nn.relu(h2 + shortcut)
    return out

if __name__ == "__main__":
    import jax
    _d = setup_inputs()
    print(jax.jit(kernel)(*tuple(_d.values())))

</pallas_src>

<mosaic_0001>
#map = affine_map<(d0, d1) -> (0)>
#map1 = affine_map<(d0, d1) -> (0, 0)>
module attributes {stable_mosaic.version = 14 : i64} {
  func.func @k(%arg0: i32, %arg1: i32, %arg2: memref<40960xf32, #tpu.memory_space<hbm>>, %arg3: memref<163840xi32, #tpu.memory_space<hbm>>, %arg4: memref<163840xi32, #tpu.memory_space<hbm>>, %arg5: memref<8x163840xf32, #tpu.memory_space<hbm>>, %arg6: memref<8x163840xf32, #tpu.memory_space<hbm>>, %arg7: memref<40960xf32, #tpu.memory_space<vmem>>, %arg8: memref<1280xi32, #tpu.memory_space<vmem>>, %arg9: memref<1280xi32, #tpu.memory_space<vmem>>, %arg10: memref<8x1280xf32, #tpu.memory_space<vmem>>, %arg11: memref<8x1280xf32, #tpu.memory_space<vmem>>, %arg12: memref<!tpu.dma_semaphore, #tpu.memory_space<semaphore_mem>>) attributes {dimension_semantics = [#tpu.dimension_semantics<core_parallel>, #tpu.dimension_semantics<subcore_parallel>], iteration_bounds = array<i64: 2, 16>, scalar_prefetch = 0 : i64, scratch_operands = 6 : i64, tpu.core_type = #tpu.core_type<sc_vector_subcore>, window_params = [{transform_indices = #map}, {transform_indices = #map}, {transform_indices = #map}, {transform_indices = #map1}, {transform_indices = #map1}]} {
    %mul3A = arith.constant 2 : i32
    %mul3A_0 = arith.muli %arg1, %mul3A : i32
    %add3A = arith.addi %mul3A_0, %arg0 : i32
    %mul3A_1 = arith.constant 5120 : i32
    %mul3A_2 = arith.muli %add3A, %mul3A_1 : i32
    "tpu.region"() ({
      %run_scoped3A = tpu.sem_alloc : memref<!tpu.dma_semaphore, #tpu.memory_space<semaphore_mem>>
      tpu.enqueue_dma source(%arg2 : memref<40960xf32, #tpu.memory_space<hbm>>) target(%arg7 : memref<40960xf32, #tpu.memory_space<vmem>>) target_semaphore(%run_scoped3A : memref<!tpu.dma_semaphore, #tpu.memory_space<semaphore_mem>>)
      tpu.wait_dma2 semaphore(%run_scoped3A : memref<!tpu.dma_semaphore, #tpu.memory_space<semaphore_mem>>) src(%arg2 : memref<40960xf32, #tpu.memory_space<hbm>>) dst(%arg7 : memref<40960xf32, #tpu.memory_space<vmem>>)
      tpu.yield
    }) : () -> ()
    %scan3A = arith.constant 0 : i32
    %scan3A_3 = arith.constant 80 : i32
    %scan3A_4 = arith.addi %scan3A, %scan3A_3 : i32
    %scan3A_5 = arith.constant 1 : i32
    scf.for %scan3A_12 = %scan3A to %scan3A_4 step %scan3A_5  : i32 {
      %mul3A_13 = arith.constant 1 : i32
      %mul3A_14 = arith.muli %scan3A_12, %mul3A_13 : i32
      %add3A_15 = arith.constant 0 : i32
      %add3A_16 = arith.addi %add3A_15, %mul3A_14 : i32
      %broadcast_in_dim3A = arith.constant 0.000000e+00 : f32
      %broadcast_in_dim3A_17 = vector.broadcast %broadcast_in_dim3A : f32 to vector<16xf32>
      %mul3A_18 = arith.constant 16 : i32
      %mul3A_19 = arith.muli %add3A_16, %mul3A_18 : i32
      %swap3A = arith.constant 4 : i32
      %swap3A_20 = arith.index_cast %swap3A : i32 to index
      %swap3A_21 = arith.index_cast %mul3A_19 : i32 to index
      %swap3A_22 = tpu.vector_load %arg10[%swap3A_20, %swap3A_21] {strides = array<i32>} : memref<8x1280xf32, #tpu.memory_space<vmem>>, vector<16xf32>,
      tpu.vector_store %arg10[%swap3A_20, %swap3A_21], %broadcast_in_dim3A_17 {strides = array<i32>} : memref<8x1280xf32, #tpu.memory_space<vmem>>, vector<16xf32>,
      %mul3A_23 = arith.constant 16 : i32
      %mul3A_24 = arith.muli %add3A_16, %mul3A_23 : i32
      %swap3A_25 = arith.constant 5 : i32
      %swap3A_26 = arith.index_cast %swap3A_25 : i32 to index
      %swap3A_27 = arith.index_cast %mul3A_24 : i32 to index
      %swap3A_28 = tpu.vector_load %arg10[%swap3A_26, %swap3A_27] {strides = array<i32>} : memref<8x1280xf32, #tpu.memory_space<vmem>>, vector<16xf32>,
      tpu.vector_store %arg10[%swap3A_26, %swap3A_27], %broadcast_in_dim3A_17 {strides = array<i32>} : memref<8x1280xf32, #tpu.memory_space<vmem>>, vector<16xf32>,
      %mul3A_29 = arith.constant 16 : i32
      %mul3A_30 = arith.muli %add3A_16, %mul3A_29 : i32
      %swap3A_31 = arith.constant 6 : i32
      %swap3A_32 = arith.index_cast %swap3A_31 : i32 to index
      %swap3A_33 = arith.index_cast %mul3A_30 : i32 to index
      %swap3A_34 = tpu.vector_load %arg10[%swap3A_32, %swap3A_33] {strides = array<i32>} : memref<8x1280xf32, #tpu.memory_space<vmem>>, vector<16xf32>,
      tpu.vector_store %arg10[%swap3A_32, %swap3A_33], %broadcast_in_dim3A_17 {strides = array<i32>} : memref<8x1280xf32, #tpu.memory_space<vmem>>, vector<16xf32>,
      %mul3A_35 = arith.constant 16 : i32
      %mul3A_36 = arith.muli %add3A_16, %mul3A_35 : i32
      %swap3A_37 = arith.constant 7 : i32
      %swap3A_38 = arith.index_cast %swap3A_37 : i32 to index
      %swap3A_39 = arith.index_cast %mul3A_36 : i32 to index
      %swap3A_40 = tpu.vector_load %arg10[%swap3A_38, %swap3A_39] {strides = array<i32>} : memref<8x1280xf32, #tpu.memory_space<vmem>>, vector<16xf32>,
      tpu.vector_store %arg10[%swap3A_38, %swap3A_39], %broadcast_in_dim3A_17 {strides = array<i32>} : memref<8x1280xf32, #tpu.memory_space<vmem>>, vector<16xf32>,
      %mul3A_41 = arith.constant 16 : i32
      %mul3A_42 = arith.muli %add3A_16, %mul3A_41 : i32
      %swap3A_43 = arith.constant 3 : i32
      %swap3A_44 = arith.index_cast %swap3A_43 : i32 to index
      %swap3A_45 = arith.index_cast %mul3A_42 : i32 to index
      %swap3A_46 = tpu.vector_load %arg11[%swap3A_44, %swap3A_45] {strides = array<i32>} : memref<8x1280xf32, #tpu.memory_space<vmem>>, vector<16xf32>,
      tpu.vector_store %arg11[%swap3A_44, %swap3A_45], %broadcast_in_dim3A_17 {strides = array<i32>} : memref<8x1280xf32, #tpu.memory_space<vmem>>, vector<16xf32>,
      %mul3A_47 = arith.constant 16 : i32
      %mul3A_48 = arith.muli %add3A_16, %mul3A_47 : i32
      %swap3A_49 = arith.constant 4 : i32
      %swap3A_50 = arith.index_cast %swap3A_49 : i32 to index
      %swap3A_51 = arith.index_cast %mul3A_48 : i32 to index
      %swap3A_52 = tpu.vector_load %arg11[%swap3A_50, %swap3A_51] {strides = array<i32>} : memref<8x1280xf32, #tpu.memory_space<vmem>>, vector<16xf32>,
      tpu.vector_store %arg11[%swap3A_50, %swap3A_51], %broadcast_in_dim3A_17 {strides = array<i32>} : memref<8x1280xf32, #tpu.memory_space<vmem>>, vector<16xf32>,
      %mul3A_53 = arith.constant 16 : i32
      %mul3A_54 = arith.muli %add3A_16, %mul3A_53 : i32
      %swap3A_55 = arith.constant 5 : i32
      %swap3A_56 = arith.index_cast %swap3A_55 : i32 to index
      %swap3A_57 = arith.index_cast %mul3A_54 : i32 to index
      %swap3A_58 = tpu.vector_load %arg11[%swap3A_56, %swap3A_57] {strides = array<i32>} : memref<8x1280xf32, #tpu.memory_space<vmem>>, vector<16xf32>,
      tpu.vector_store %arg11[%swap3A_56, %swap3A_57], %broadcast_in_dim3A_17 {strides = array<i32>} : memref<8x1280xf32, #tpu.memory_space<vmem>>, vector<16xf32>,
      %mul3A_59 = arith.constant 16 : i32
      %mul3A_60 = arith.muli %add3A_16, %mul3A_59 : i32
      %swap3A_61 = arith.constant 6 : i32
      %swap3A_62 = arith.index_cast %swap3A_61 : i32 to index
      %swap3A_63 = arith.index_cast %mul3A_60 : i32 to index
      %swap3A_64 = tpu.vector_load %arg11[%swap3A_62, %swap3A_63] {strides = array<i32>} : memref<8x1280xf32, #tpu.memory_space<vmem>>, vector<16xf32>,
      tpu.vector_store %arg11[%swap3A_62, %swap3A_63], %broadcast_in_dim3A_17 {strides = array<i32>} : memref<8x1280xf32, #tpu.memory_space<vmem>>, vector<16xf32>,
      %mul3A_65 = arith.constant 16 : i32
      %mul3A_66 = arith.muli %add3A_16, %mul3A_65 : i32
      %swap3A_67 = arith.constant 7 : i32
      %swap3A_68 = arith.index_cast %swap3A_67 : i32 to index
      %swap3A_69 = arith.index_cast %mul3A_66 : i32 to index
      %swap3A_70 = tpu.vector_load %arg11[%swap3A_68, %swap3A_69] {strides = array<i32>} : memref<8x1280xf32, #tpu.memory_space<vmem>>, vector<16xf32>,
      tpu.vector_store %arg11[%swap3A_68, %swap3A_69], %broadcast_in_dim3A_17 {strides = array<i32>} : memref<8x1280xf32, #tpu.memory_space<vmem>>, vector<16xf32>,
    }
    %scan3A_6 = arith.constant 80 : i32
    %scan3A_7 = arith.constant 0 : i32
    %scan3A_8 = arith.constant 4 : i32
    %scan3A_9 = arith.addi %scan3A_7, %scan3A_8 : i32
    %scan3A_10 = arith.constant 1 : i32
    scf.for %scan3A_12 = %scan3A_7 to %scan3A_9 step %scan3A_10  : i32 {
      %mul3A_13 = arith.constant 1 : i32
      %mul3A_14 = arith.muli %scan3A_12, %mul3A_13 : i32
      %add3A_15 = arith.constant 0 : i32
      %add3A_16 = arith.addi %add3A_15, %mul3A_14 : i32
      %mul3A_17 = arith.constant 1280 : i32
      %mul3A_18 = arith.muli %add3A_16, %mul3A_17 : i32
      %add3A_19 = arith.addi %mul3A_2, %mul3A_18 : i32
      "tpu.region"() ({
        %run_scoped3A = tpu.sem_alloc : memref<!tpu.dma_semaphore, #tpu.memory_space<semaphore_mem>>
        %dma_start3A = tpu.memref_slice %arg3[%add3A_19] : memref<163840xi32, #tpu.memory_space<hbm>> -> memref<1280xi32, #tpu.memory_space<hbm>>
        %dma_start3A_25 = tpu.memref_slice %arg3[%add3A_19] : memref<163840xi32, #tpu.memory_space<hbm>> -> memref<1280xi32, #tpu.memory_space<hbm>>
        tpu.enqueue_dma source(%dma_start3A_25 : memref<1280xi32, #tpu.memory_space<hbm>>) target(%arg8 : memref<1280xi32, #tpu.memory_space<vmem>>) target_semaphore(%run_scoped3A : memref<!tpu.dma_semaphore, #tpu.memory_space<semaphore_mem>>)
        %dma_wait3A = tpu.memref_slice %arg3[%add3A_19] : memref<163840xi32, #tpu.memory_space<hbm>> -> memref<1280xi32, #tpu.memory_space<hbm>>
        %dma_wait3A_26 = tpu.memref_slice %arg3[%add3A_19] : memref<163840xi32, #tpu.memory_space<hbm>> -> memref<1280xi32, #tpu.memory_space<hbm>>
        tpu.wait_dma2 semaphore(%run_scoped3A : memref<!tpu.dma_semaphore, #tpu.memory_space<semaphore_mem>>) src(%dma_wait3A_26 : memref<1280xi32, #tpu.memory_space<hbm>>) dst(%arg8 : memref<1280xi32, #tpu.memory_space<vmem>>)
        tpu.yield
      }) : () -> ()
      "tpu.region"() ({
        %run_scoped3A = tpu.sem_alloc : memref<!tpu.dma_semaphore, #tpu.memory_space<semaphore_mem>>
        %dma_start3A = tpu.memref_slice %arg4[%add3A_19] : memref<163840xi32, #tpu.memory_space<hbm>> -> memref<1280xi32, #tpu.memory_space<hbm>>
        %dma_start3A_25 = tpu.memref_slice %arg4[%add3A_19] : memref<163840xi32, #tpu.memory_space<hbm>> -> memref<1280xi32, #tpu.memory_space<hbm>>
        tpu.enqueue_dma source(%dma_start3A_25 : memref<1280xi32, #tpu.memory_space<hbm>>) target(%arg9 : memref<1280xi32, #tpu.memory_space<vmem>>) target_semaphore(%run_scoped3A : memref<!tpu.dma_semaphore, #tpu.memory_space<semaphore_mem>>)
        %dma_wait3A = tpu.memref_slice %arg4[%add3A_19] : memref<163840xi32, #tpu.memory_space<hbm>> -> memref<1280xi32, #tpu.memory_space<hbm>>
        %dma_wait3A_26 = tpu.memref_slice %arg4[%add3A_19] : memref<163840xi32, #tpu.memory_space<hbm>> -> memref<1280xi32, #tpu.memory_space<hbm>>
        tpu.wait_dma2 semaphore(%run_scoped3A : memref<!tpu.dma_semaphore, #tpu.memory_space<semaphore_mem>>) src(%dma_wait3A_26 : memref<1280xi32, #tpu.memory_space<hbm>>) dst(%arg9 : memref<1280xi32, #tpu.memory_space<vmem>>)
        tpu.yield
      }) : () -> ()
      %scan3A_20 = arith.constant 0 : i32
      %scan3A_21 = arith.constant 80 : i32
      %scan3A_22 = arith.addi %scan3A_20, %scan3A_21 : i32
      %scan3A_23 = arith.constant 1 : i32
      scf.for %scan3A_25 = %scan3A_20 to %scan3A_22 step %scan3A_23  : i32 {
        %mul3A_26 = arith.constant 1 : i32
        %mul3A_27 = arith.muli %scan3A_25, %mul3A_26 : i32
        %add3A_28 = arith.constant 0 : i32
        %add3A_29 = arith.addi %add3A_28, %mul3A_27 : i32
        %mul3A_30 = arith.constant 16 : i32
        %mul3A_31 = arith.muli %add3A_29, %mul3A_30 : i32
        %get3A = arith.index_cast %mul3A_31 : i32 to index
        %get3A_32 = tpu.vector_load %arg8[%get3A] {strides = array<i32>} : memref<1280xi32, #tpu.memory_space<vmem>>, vector<16xi32>,
        %mul3A_33 = arith.constant 4 : i32
        %mul3A_34 = vector.broadcast %mul3A_33 : i32 to vector<16xi32>
        %mul3A_35 = arith.muli %get3A_32, %mul3A_34 : vector<16xi32>
        %get3A_36 = arith.index_cast %mul3A_31 : i32 to index
        %get3A_37 = tpu.vector_load %arg9[%get3A_36] {strides = array<i32>} : memref<1280xi32, #tpu.memory_space<vmem>>, vector<16xi32>,
        %mul3A_38 = arith.constant 4 : i32
        %mul3A_39 = vector.broadcast %mul3A_38 : i32 to vector<16xi32>
        %mul3A_40 = arith.muli %get3A_37, %mul3A_39 : vector<16xi32>
        %add3A_41 = arith.constant 0 : i32
        %add3A_42 = vector.broadcast %add3A_41 : i32 to vector<16xi32>
        %add3A_43 = arith.addi %mul3A_35, %add3A_42 : vector<16xi32>
        %gather3A = tpu.vector_load_idx %arg7[%add3A_43] : memref<40960xf32, #tpu.memory_space<vmem>>[vector<16xi32>], vector<16xf32>,
        %add3A_44 = arith.constant 0 : i32
        %add3A_45 = vector.broadcast %add3A_44 : i32 to vector<16xi32>
        %add3A_46 = arith.addi %mul3A_40, %add3A_45 : vector<16xi32>
        %gather3A_47 = tpu.vector_load_idx %arg7[%add3A_46] : memref<40960xf32, #tpu.memory_space<vmem>>[vector<16xi32>], vector<16xf32>,
        %swap3A = arith.constant 0 : i32
        %swap3A_48 = arith.index_cast %swap3A : i32 to index
        %swap3A_49 = arith.index_cast %mul3A_31 : i32 to index
        %swap3A_50 = tpu.vector_load %arg11[%swap3A_48, %swap3A_49] {strides = array<i32>} : memref<8x1280xf32, #tpu.memory_space<vmem>>, vector<16xf32>,
        tpu.vector_store %arg11[%swap3A_48, %swap3A_49], %gather3A {strides = array<i32>} : memref<8x1280xf32, #tpu.memory_space<vmem>>, vector<16xf32>,
        %swap3A_51 = arith.constant 0 : i32
        %swap3A_52 = arith.index_cast %swap3A_51 : i32 to index
        %swap3A_53 = arith.index_cast %mul3A_31 : i32 to index
        %swap3A_54 = tpu.vector_load %arg10[%swap3A_52, %swap3A_53] {strides = array<i32>} : memref<8x1280xf32, #tpu.memory_space<vmem>>, vector<16xf32>,
        tpu.vector_store %arg10[%swap3A_52, %swap3A_53], %gather3A_47 {strides = array<i32>} : memref<8x1280xf32, #tpu.memory_space<vmem>>, vector<16xf32>,
        %add3A_55 = arith.constant 1 : i32
        %add3A_56 = vector.broadcast %add3A_55 : i32 to vector<16xi32>
        %add3A_57 = arith.addi %mul3A_35, %add3A_56 : vector<16xi32>
        %gather3A_58 = tpu.vector_load_idx %arg7[%add3A_57] : memref<40960xf32, #tpu.memory_space<vmem>>[vector<16xi32>], vector<16xf32>,
        %add3A_59 = arith.constant 1 : i32
        %add3A_60 = vector.broadcast %add3A_59 : i32 to vector<16xi32>
        %add3A_61 = arith.addi %mul3A_40, %add3A_60 : vector<16xi32>
        %gather3A_62 = tpu.vector_load_idx %arg7[%add3A_61] : memref<40960xf32, #tpu.memory_space<vmem>>[vector<16xi32>], vector<16xf32>,
        %swap3A_63 = arith.constant 1 : i32
        %swap3A_64 = arith.index_cast %swap3A_63 : i32 to index
        %swap3A_65 = arith.index_cast %mul3A_31 : i32 to index
        %swap3A_66 = tpu.vector_load %arg11[%swap3A_64, %swap3A_65] {strides = array<i32>} : memref<8x1280xf32, #tpu.memory_space<vmem>>, vector<16xf32>,
        tpu.vector_store %arg11[%swap3A_64, %swap3A_65], %gather3A_58 {strides = array<i32>} : memref<8x1280xf32, #tpu.memory_space<vmem>>, vector<16xf32>,
        %swap3A_67 = arith.constant 1 : i32
        %swap3A_68 = arith.index_cast %swap3A_67 : i32 to index
        %swap3A_69 = arith.index_cast %mul3A_31 : i32 to index
        %swap3A_70 = tpu.vector_load %arg10[%swap3A_68, %swap3A_69] {strides = array<i32>} : memref<8x1280xf32, #tpu.memory_space<vmem>>, vector<16xf32>,
        tpu.vector_store %arg10[%swap3A_68, %swap3A_69], %gather3A_62 {strides = array<i32>} : memref<8x1280xf32, #tpu.memory_space<vmem>>, vector<16xf32>,
        %add3A_71 = arith.constant 2 : i32
        %add3A_72 = vector.broadcast %add3A_71 : i32 to vector<16xi32>
        %add3A_73 = arith.addi %mul3A_35, %add3A_72 : vector<16xi32>
        %gather3A_74 = tpu.vector_load_idx %arg7[%add3A_73] : memref<40960xf32, #tpu.memory_space<vmem>>[vector<16xi32>], vector<16xf32>,
        %add3A_75 = arith.constant 2 : i32
        %add3A_76 = vector.broadcast %add3A_75 : i32 to vector<16xi32>
        %add3A_77 = arith.addi %mul3A_40, %add3A_76 : vector<16xi32>
        %gather3A_78 = tpu.vector_load_idx %arg7[%add3A_77] : memref<40960xf32, #tpu.memory_space<vmem>>[vector<16xi32>], vector<16xf32>,
        %swap3A_79 = arith.constant 2 : i32
        %swap3A_80 = arith.index_cast %swap3A_79 : i32 to index
        %swap3A_81 = arith.index_cast %mul3A_31 : i32 to index
        %swap3A_82 = tpu.vector_load %arg11[%swap3A_80, %swap3A_81] {strides = array<i32>} : memref<8x1280xf32, #tpu.memory_space<vmem>>, vector<16xf32>,
        tpu.vector_store %arg11[%swap3A_80, %swap3A_81], %gather3A_74 {strides = array<i32>} : memref<8x1280xf32, #tpu.memory_space<vmem>>, vector<16xf32>,
        %swap3A_83 = arith.constant 2 : i32
        %swap3A_84 = arith.index_cast %swap3A_83 : i32 to index
        %swap3A_85 = arith.index_cast %mul3A_31 : i32 to index
        %swap3A_86 = tpu.vector_load %arg10[%swap3A_84, %swap3A_85] {strides = array<i32>} : memref<8x1280xf32, #tpu.memory_space<vmem>>, vector<16xf32>,
        tpu.vector_store %arg10[%swap3A_84, %swap3A_85], %gather3A_78 {strides = array<i32>} : memref<8x1280xf32, #tpu.memory_space<vmem>>, vector<16xf32>,
        %sub3A = arith.subf %gather3A_47, %gather3A : vector<16xf32>
        %sub3A_87 = arith.subf %gather3A_62, %gather3A_58 : vector<16xf32>
        %sub3A_88 = arith.subf %gather3A_78, %gather3A_74 : vector<16xf32>
        %mul3A_89 = arith.mulf %sub3A, %sub3A : vector<16xf32>
        %mul3A_90 = arith.mulf %sub3A_87, %sub3A_87 : vector<16xf32>
        %add3A_91 = arith.addf %mul3A_89, %mul3A_90 : vector<16xf32>
        %mul3A_92 = arith.mulf %sub3A_88, %sub3A_88 : vector<16xf32>
        %add3A_93 = arith.addf %add3A_91, %mul3A_92 : vector<16xf32>
        %swap3A_94 = arith.constant 3 : i32
        %swap3A_95 = arith.index_cast %swap3A_94 : i32 to index
        %swap3A_96 = arith.index_cast %mul3A_31 : i32 to index
        %swap3A_97 = tpu.vector_load %arg10[%swap3A_95, %swap3A_96] {strides = array<i32>} : memref<8x1280xf32, #tpu.memory_space<vmem>>, vector<16xf32>,
        tpu.vector_store %arg10[%swap3A_95, %swap3A_96], %add3A_93 {strides = array<i32>} : memref<8x1280xf32, #tpu.memory_space<vmem>>, vector<16xf32>,
      }
      %scan3A_24 = arith.constant 80 : i32
      "tpu.region"() ({
        %run_scoped3A = tpu.sem_alloc : memref<!tpu.dma_semaphore, #tpu.memory_space<semaphore_mem>>
        %dma_start3A = arith.constant 0 : i32
        %dma_start3A_25 = tpu.memref_slice %arg5[%dma_start3A, %add3A_19] : memref<8x163840xf32, #tpu.memory_space<hbm>> -> memref<8x1280xf32, #tpu.memory_space<hbm>>
        %dma_start3A_26 = arith.constant 0 : i32
        %dma_start3A_27 = tpu.memref_slice %arg5[%dma_start3A_26, %add3A_19] : memref<8x163840xf32, #tpu.memory_space<hbm>> -> memref<8x1280xf32, #tpu.memory_space<hbm>>
        tpu.enqueue_dma source(%arg10 : memref<8x1280xf32, #tpu.memory_space<vmem>>) target(%dma_start3A_27 : memref<8x1280xf32, #tpu.memory_space<hbm>>) target_semaphore(%run_scoped3A : memref<!tpu.dma_semaphore, #tpu.memory_space<semaphore_mem>>)
        %dma_wait3A = arith.constant 0 : i32
        %dma_wait3A_28 = tpu.memref_slice %arg5[%dma_wait3A, %add3A_19] : memref<8x163840xf32, #tpu.memory_space<hbm>> -> memref<8x1280xf32, #tpu.memory_space<hbm>>
        %dma_wait3A_29 = arith.constant 0 : i32
        %dma_wait3A_30 = tpu.memref_slice %arg5[%dma_wait3A_29, %add3A_19] : memref<8x163840xf32, #tpu.memory_space<hbm>> -> memref<8x1280xf32, #tpu.memory_space<hbm>>
        tpu.wait_dma2 semaphore(%run_scoped3A : memref<!tpu.dma_semaphore, #tpu.memory_space<semaphore_mem>>) src(%arg10 : memref<8x1280xf32, #tpu.memory_space<vmem>>) dst(%dma_wait3A_30 : memref<8x1280xf32, #tpu.memory_space<hbm>>)
        tpu.yield
      }) : () -> ()
      "tpu.region"() ({
        %run_scoped3A = tpu.sem_alloc : memref<!tpu.dma_semaphore, #tpu.memory_space<semaphore_mem>>
        %dma_start3A = arith.constant 0 : i32
        %dma_start3A_25 = tpu.memref_slice %arg6[%dma_start3A, %add3A_19] : memref<8x163840xf32, #tpu.memory_space<hbm>> -> memref<8x1280xf32, #tpu.memory_space<hbm>>
        %dma_start3A_26 = arith.constant 0 : i32
        %dma_start3A_27 = tpu.memref_slice %arg6[%dma_start3A_26, %add3A_19] : memref<8x163840xf32, #tpu.memory_space<hbm>> -> memref<8x1280xf32, #tpu.memory_space<hbm>>
        tpu.enqueue_dma source(%arg11 : memref<8x1280xf32, #tpu.memory_space<vmem>>) target(%dma_start3A_27 : memref<8x1280xf32, #tpu.memory_space<hbm>>) target_semaphore(%run_scoped3A : memref<!tpu.dma_semaphore, #tpu.memory_space<semaphore_mem>>)
        %dma_wait3A = arith.constant 0 : i32
        %dma_wait3A_28 = tpu.memref_slice %arg6[%dma_wait3A, %add3A_19] : memref<8x163840xf32, #tpu.memory_space<hbm>> -> memref<8x1280xf32, #tpu.memory_space<hbm>>
        %dma_wait3A_29 = arith.constant 0 : i32
        %dma_wait3A_30 = tpu.memref_slice %arg6[%dma_wait3A_29, %add3A_19] : memref<8x163840xf32, #tpu.memory_space<hbm>> -> memref<8x1280xf32, #tpu.memory_space<hbm>>
        tpu.wait_dma2 semaphore(%run_scoped3A : memref<!tpu.dma_semaphore, #tpu.memory_space<semaphore_mem>>) src(%arg11 : memref<8x1280xf32, #tpu.memory_space<vmem>>) dst(%dma_wait3A_30 : memref<8x1280xf32, #tpu.memory_space<hbm>>)
        tpu.yield
      }) : () -> ()
    }
    %scan3A_11 = arith.constant 4 : i32
    return
  }
}

#map = affine_map<(d0, d1) -> (0, 0)>
#map1 = affine_map<(d0, d1) -> (0)>
module attributes {stable_mosaic.version = 14 : i64} {
  func.func @k(%arg0: i32, %arg1: i32, %arg2: memref<10240x128xf32, #tpu.memory_space<hbm>>, %arg3: memref<160000xi32, #tpu.memory_space<hbm>>, %arg4: memref<160000x128xf32, #tpu.memory_space<hbm>>, %arg5: memref<5000xi32, #tpu.memory_space<vmem>>, %arg6: memref<384x128xf32, #tpu.memory_space<vmem>>, %arg7: memref<384x128xf32, #tpu.memory_space<vmem>>, %arg8: memref<!tpu.dma_semaphore, #tpu.memory_space<semaphore_mem>>, %arg9: memref<!tpu.dma_semaphore, #tpu.memory_space<semaphore_mem>>, %arg10: memref<!tpu.dma_semaphore, #tpu.memory_space<semaphore_mem>>) attributes {dimension_semantics = [#tpu.dimension_semantics<core_parallel>, #tpu.dimension_semantics<subcore_parallel>], iteration_bounds = array<i64: 2, 16>, scalar_prefetch = 0 : i64, scratch_operands = 6 : i64, tpu.core_type = #tpu.core_type<sc_vector_subcore>, window_params = [{transform_indices = #map}, {transform_indices = #map1}, {transform_indices = #map}]} {
    %mul3A = arith.constant 2 : i32
    %mul3A_0 = arith.muli %arg1, %mul3A : i32
    %add3A = arith.addi %mul3A_0, %arg0 : i32
    %mul3A_1 = arith.constant 5000 : i32
    %mul3A_2 = arith.muli %add3A, %mul3A_1 : i32
    "tpu.region"() ({
      %run_scoped3A = tpu.sem_alloc : memref<!tpu.dma_semaphore, #tpu.memory_space<semaphore_mem>>
      %dma_start3A_51 = tpu.memref_slice %arg3[%mul3A_2] : memref<160000xi32, #tpu.memory_space<hbm>> -> memref<5000xi32, #tpu.memory_space<hbm>>
      %dma_start3A_52 = tpu.memref_slice %arg3[%mul3A_2] : memref<160000xi32, #tpu.memory_space<hbm>> -> memref<5000xi32, #tpu.memory_space<hbm>>
      tpu.enqueue_dma source(%dma_start3A_52 : memref<5000xi32, #tpu.memory_space<hbm>>) target(%arg5 : memref<5000xi32, #tpu.memory_space<vmem>>) target_semaphore(%run_scoped3A : memref<!tpu.dma_semaphore, #tpu.memory_space<semaphore_mem>>)
      %dma_wait3A_53 = tpu.memref_slice %arg3[%mul3A_2] : memref<160000xi32, #tpu.memory_space<hbm>> -> memref<5000xi32, #tpu.memory_space<hbm>>
      %dma_wait3A_54 = tpu.memref_slice %arg3[%mul3A_2] : memref<160000xi32, #tpu.memory_space<hbm>> -> memref<5000xi32, #tpu.memory_space<hbm>>
      tpu.wait_dma2 semaphore(%run_scoped3A : memref<!tpu.dma_semaphore, #tpu.memory_space<semaphore_mem>>) src(%dma_wait3A_54 : memref<5000xi32, #tpu.memory_space<hbm>>) dst(%arg5 : memref<5000xi32, #tpu.memory_space<vmem>>)
      tpu.yield
    }) : () -> ()
    %scan3A = arith.constant 0 : i32
    %scan3A_3 = arith.constant 6 : i32
    %scan3A_4 = arith.addi %scan3A, %scan3A_3 : i32
    %scan3A_5 = arith.constant 1 : i32
    scf.for %scan3A_51 = %scan3A to %scan3A_4 step %scan3A_5  : i32 {
      %mul3A_52 = arith.constant 1 : i32
      %mul3A_53 = arith.muli %scan3A_51, %mul3A_52 : i32
      %add3A_54 = arith.constant 0 : i32
      %add3A_55 = arith.addi %add3A_54, %mul3A_53 : i32
      %mul3A_56 = arith.constant 2 : i32
      %mul3A_57 = arith.muli %add3A_55, %mul3A_56 : i32
      %gt3A = arith.constant 0 : i32
      %gt3A_58 = arith.cmpi sgt, %add3A_55, %gt3A : i32
      %convert_element_type3A = arith.extui %gt3A_58 : i1 to i32
      %cond3A = arith.constant 0 : i32
      %cond3A_59 = arith.cmpi ne, %convert_element_type3A, %cond3A : i32
      scf.if %cond3A_59 {
        %dma_wait3A_103 = arith.constant 0 : i32
        %dma_wait3A_104 = tpu.memref_slice %arg4[%mul3A_2, %dma_wait3A_103] : memref<160000x128xf32, #tpu.memory_space<hbm>> -> memref<384x128xf32, #tpu.memory_space<hbm>>
        %dma_wait3A_105 = arith.constant 0 : i32
        %dma_wait3A_106 = tpu.memref_slice %arg4[%mul3A_2, %dma_wait3A_105] : memref<160000x128xf32, #tpu.memory_space<hbm>> -> memref<384x128xf32, #tpu.memory_space<hbm>>
        tpu.wait_dma2 semaphore(%arg9 : memref<!tpu.dma_semaphore, #tpu.memory_space<semaphore_mem>>) src(%arg6 : memref<384x128xf32, #tpu.memory_space<vmem>>) dst(%dma_wait3A_106 : memref<384x128xf32, #tpu.memory_space<hbm>>)
      } else {
      }
      %mul3A_60 = arith.constant 384 : i32
      %mul3A_61 = arith.muli %mul3A_57, %mul3A_60 : i32
      %dma_start3A_62 = tpu.memref_slice %arg5[%mul3A_61] : memref<5000xi32, #tpu.memory_space<vmem>> -> memref<384xi32, #tpu.memory_space<vmem>>
      %dma_start3A_63 = arith.constant 0 : i32
      %dma_start3A_64 = arith.constant 0 : i32
      %dma_start3A_65 = tpu.memref_slice %arg2[%dma_start3A_63, %dma_start3A_64] : memref<10240x128xf32, #tpu.memory_space<hbm>> -> memref<10240x128xf32, #tpu.memory_space<hbm>>
      tpu.enqueue_indirect_dma source(%dma_start3A_65 : memref<10240x128xf32, #tpu.memory_space<hbm>>) target(%arg6 : memref<384x128xf32, #tpu.memory_space<vmem>>) offsets(%dma_start3A_62 : memref<384xi32, #tpu.memory_space<vmem>>) semaphore(%arg8 : memref<!tpu.dma_semaphore, #tpu.memory_space<semaphore_mem>>)
      %dma_wait3A_66 = tpu.memref_slice %arg5[%mul3A_61] : memref<5000xi32, #tpu.memory_space<vmem>> -> memref<384xi32, #tpu.memory_space<vmem>>
      %dma_wait3A_67 = arith.constant 0 : i32
      %dma_wait3A_68 = arith.constant 0 : i32
      %dma_wait3A_69 = tpu.memref_slice %arg2[%dma_wait3A_67, %dma_wait3A_68] : memref<10240x128xf32, #tpu.memory_space<hbm>> -> memref<10240x128xf32, #tpu.memory_space<hbm>>
      tpu.wait_indirect_dma semaphore(%arg8 : memref<!tpu.dma_semaphore, #tpu.memory_space<semaphore_mem>>) src(%dma_wait3A_69 : memref<10240x128xf32, #tpu.memory_space<hbm>>) dst(%arg6 : memref<384x128xf32, #tpu.memory_space<vmem>>)
      %mul3A_70 = arith.constant 384 : i32
      %mul3A_71 = arith.muli %mul3A_57, %mul3A_70 : i32
      %add3A_72 = arith.addi %mul3A_2, %mul3A_71 : i32
      %dma_start3A_73 = arith.constant 0 : i32
      %dma_start3A_74 = tpu.memref_slice %arg4[%add3A_72, %dma_start3A_73] : memref<160000x128xf32, #tpu.memory_space<hbm>> -> memref<384x128xf32, #tpu.memory_space<hbm>>
      %dma_start3A_75 = arith.constant 0 : i32
      %dma_start3A_76 = tpu.memref_slice %arg4[%add3A_72, %dma_start3A_75] : memref<160000x128xf32, #tpu.memory_space<hbm>> -> memref<384x128xf32, #tpu.memory_space<hbm>>
      tpu.enqueue_dma source(%arg6 : memref<384x128xf32, #tpu.memory_space<vmem>>) target(%dma_start3A_76 : memref<384x128xf32, #tpu.memory_space<hbm>>) target_semaphore(%arg9 : memref<!tpu.dma_semaphore, #tpu.memory_space<semaphore_mem>>)
      %gt3A_77 = arith.constant 0 : i32
      %gt3A_78 = arith.cmpi sgt, %add3A_55, %gt3A_77 : i32
      %convert_element_type3A_79 = arith.extui %gt3A_78 : i1 to i32
      %cond3A_80 = arith.constant 0 : i32
      %cond3A_81 = arith.cmpi ne, %convert_element_type3A_79, %cond3A_80 : i32
      scf.if %cond3A_81 {
        %dma_wait3A_103 = arith.constant 0 : i32
        %dma_wait3A_104 = tpu.memref_slice %arg4[%mul3A_2, %dma_wait3A_103] : memref<160000x128xf32, #tpu.memory_space<hbm>> -> memref<384x128xf32, #tpu.memory_space<hbm>>
        %dma_wait3A_105 = arith.constant 0 : i32
        %dma_wait3A_106 = tpu.memref_slice %arg4[%mul3A_2, %dma_wait3A_105] : memref<160000x128xf32, #tpu.memory_space<hbm>> -> memref<384x128xf32, #tpu.memory_space<hbm>>
        tpu.wait_dma2 semaphore(%arg10 : memref<!tpu.dma_semaphore, #tpu.memory_space<semaphore_mem>>) src(%arg7 : memref<384x128xf32, #tpu.memory_space<vmem>>) dst(%dma_wait3A_106 : memref<384x128xf32, #tpu.memory_space<hbm>>)
      } else {
      }
      %add3A_82 = arith.constant 1 : i32
      %add3A_83 = arith.addi %mul3A_57, %add3A_82 : i32
      %mul3A_84 = arith.constant 384 : i32
      %mul3A_85 = arith.muli %add3A_83, %mul3A_84 : i32
      %dma_start3A_86 = tpu.memref_slice %arg5[%mul3A_85] : memref<5000xi32, #tpu.memory_space<vmem>> -> memref<384xi32, #tpu.memory_space<vmem>>
      %dma_start3A_87 = arith.constant 0 : i32
      %dma_start3A_88 = arith.constant 0 : i32
      %dma_start3A_89 = tpu.memref_slice %arg2[%dma_start3A_87, %dma_start3A_88] : memref<10240x128xf32, #tpu.memory_space<hbm>> -> memref<10240x128xf32, #tpu.memory_space<hbm>>
      tpu.enqueue_indirect_dma source(%dma_start3A_89 : memref<10240x128xf32, #tpu.memory_space<hbm>>) target(%arg7 : memref<384x128xf32, #tpu.memory_space<vmem>>) offsets(%dma_start3A_86 : memref<384xi32, #tpu.memory_space<vmem>>) semaphore(%arg8 : memref<!tpu.dma_semaphore, #tpu.memory_space<semaphore_mem>>)
      %dma_wait3A_90 = tpu.memref_slice %arg5[%mul3A_85] : memref<5000xi32, #tpu.memory_space<vmem>> -> memref<384xi32, #tpu.memory_space<vmem>>
      %dma_wait3A_91 = arith.constant 0 : i32
      %dma_wait3A_92 = arith.constant 0 : i32
      %dma_wait3A_93 = tpu.memref_slice %arg2[%dma_wait3A_91, %dma_wait3A_92] : memref<10240x128xf32, #tpu.memory_space<hbm>> -> memref<10240x128xf32, #tpu.memory_space<hbm>>
      tpu.wait_indirect_dma semaphore(%arg8 : memref<!tpu.dma_semaphore, #tpu.memory_space<semaphore_mem>>) src(%dma_wait3A_93 : memref<10240x128xf32, #tpu.memory_space<hbm>>) dst(%arg7 : memref<384x128xf32, #tpu.memory_space<vmem>>)
      %add3A_94 = arith.constant 1 : i32
      %add3A_95 = arith.addi %mul3A_57, %add3A_94 : i32
      %mul3A_96 = arith.constant 384 : i32
      %mul3A_97 = arith.muli %add3A_95, %mul3A_96 : i32
      %add3A_98 = arith.addi %mul3A_2, %mul3A_97 : i32
      %dma_start3A_99 = arith.constant 0 : i32
      %dma_start3A_100 = tpu.memref_slice %arg4[%add3A_98, %dma_start3A_99] : memref<160000x128xf32, #tpu.memory_space<hbm>> -> memref<384x128xf32, #tpu.memory_space<hbm>>
      %dma_start3A_101 = arith.constant 0 : i32
      %dma_start3A_102 = tpu.memref_slice %arg4[%add3A_98, %dma_start3A_101] : memref<160000x128xf32, #tpu.memory_space<hbm>> -> memref<384x128xf32, #tpu.memory_space<hbm>>
      tpu.enqueue_dma source(%arg7 : memref<384x128xf32, #tpu.memory_space<vmem>>) target(%dma_start3A_102 : memref<384x128xf32, #tpu.memory_space<hbm>>) target_semaphore(%arg10 : memref<!tpu.dma_semaphore, #tpu.memory_space<semaphore_mem>>)
    }
    %scan3A_6 = arith.constant 6 : i32
    %dma_wait3A = arith.constant 0 : i32
    %dma_wait3A_7 = tpu.memref_slice %arg4[%mul3A_2, %dma_wait3A] : memref<160000x128xf32, #tpu.memory_space<hbm>> -> memref<384x128xf32, #tpu.memory_space<hbm>>
    %dma_wait3A_8 = arith.constant 0 : i32
    %dma_wait3A_9 = tpu.memref_slice %arg4[%mul3A_2, %dma_wait3A_8] : memref<160000x128xf32, #tpu.memory_space<hbm>> -> memref<384x128xf32, #tpu.memory_space<hbm>>
    tpu.wait_dma2 semaphore(%arg9 : memref<!tpu.dma_semaphore, #tpu.memory_space<semaphore_mem>>) src(%arg6 : memref<384x128xf32, #tpu.memory_space<vmem>>) dst(%dma_wait3A_9 : memref<384x128xf32, #tpu.memory_space<hbm>>)
    %dma_start3A = arith.constant 4608 : i32
    %dma_start3A_10 = tpu.memref_slice %arg5[%dma_start3A] : memref<5000xi32, #tpu.memory_space<vmem>> -> memref<384xi32, #tpu.memory_space<vmem>>
    %dma_start3A_11 = arith.constant 0 : i32
    %dma_start3A_12 = arith.constant 0 : i32
    %dma_start3A_13 = tpu.memref_slice %arg2[%dma_start3A_11, %dma_start3A_12] : memref<10240x128xf32, #tpu.memory_space<hbm>> -> memref<10240x128xf32, #tpu.memory_space<hbm>>
    tpu.enqueue_indirect_dma source(%dma_start3A_13 : memref<10240x128xf32, #tpu.memory_space<hbm>>) target(%arg6 : memref<384x128xf32, #tpu.memory_space<vmem>>) offsets(%dma_start3A_10 : memref<384xi32, #tpu.memory_space<vmem>>) semaphore(%arg8 : memref<!tpu.dma_semaphore, #tpu.memory_space<semaphore_mem>>)
    %dma_wait3A_14 = arith.constant 4608 : i32
    %dma_wait3A_15 = tpu.memref_slice %arg5[%dma_wait3A_14] : memref<5000xi32, #tpu.memory_space<vmem>> -> memref<384xi32, #tpu.memory_space<vmem>>
    %dma_wait3A_16 = arith.constant 0 : i32
    %dma_wait3A_17 = arith.constant 0 : i32
    %dma_wait3A_18 = tpu.memref_slice %arg2[%dma_wait3A_16, %dma_wait3A_17] : memref<10240x128xf32, #tpu.memory_space<hbm>> -> memref<10240x128xf32, #tpu.memory_space<hbm>>
    tpu.wait_indirect_dma semaphore(%arg8 : memref<!tpu.dma_semaphore, #tpu.memory_space<semaphore_mem>>) src(%dma_wait3A_18 : memref<10240x128xf32, #tpu.memory_space<hbm>>) dst(%arg6 : memref<384x128xf32, #tpu.memory_space<vmem>>)
    %add3A_19 = arith.constant 4608 : i32
    %add3A_20 = arith.addi %mul3A_2, %add3A_19 : i32
    %dma_start3A_21 = arith.constant 0 : i32
    %dma_start3A_22 = tpu.memref_slice %arg4[%add3A_20, %dma_start3A_21] : memref<160000x128xf32, #tpu.memory_space<hbm>> -> memref<384x128xf32, #tpu.memory_space<hbm>>
    %dma_start3A_23 = arith.constant 0 : i32
    %dma_start3A_24 = tpu.memref_slice %arg4[%add3A_20, %dma_start3A_23] : memref<160000x128xf32, #tpu.memory_space<hbm>> -> memref<384x128xf32, #tpu.memory_space<hbm>>
    tpu.enqueue_dma source(%arg6 : memref<384x128xf32, #tpu.memory_space<vmem>>) target(%dma_start3A_24 : memref<384x128xf32, #tpu.memory_space<hbm>>) target_semaphore(%arg9 : memref<!tpu.dma_semaphore, #tpu.memory_space<semaphore_mem>>)
    %dma_wait3A_25 = arith.constant 0 : i32
    %dma_wait3A_26 = tpu.memref_slice %arg4[%mul3A_2, %dma_wait3A_25] : memref<160000x128xf32, #tpu.memory_space<hbm>> -> memref<384x128xf32, #tpu.memory_space<hbm>>
    %dma_wait3A_27 = arith.constant 0 : i32
    %dma_wait3A_28 = tpu.memref_slice %arg4[%mul3A_2, %dma_wait3A_27] : memref<160000x128xf32, #tpu.memory_space<hbm>> -> memref<384x128xf32, #tpu.memory_space<hbm>>
    tpu.wait_dma2 semaphore(%arg9 : memref<!tpu.dma_semaphore, #tpu.memory_space<semaphore_mem>>) src(%arg6 : memref<384x128xf32, #tpu.memory_space<vmem>>) dst(%dma_wait3A_28 : memref<384x128xf32, #tpu.memory_space<hbm>>)
    %dma_wait3A_29 = arith.constant 0 : i32
    %dma_wait3A_30 = tpu.memref_slice %arg4[%mul3A_2, %dma_wait3A_29] : memref<160000x128xf32, #tpu.memory_space<hbm>> -> memref<384x128xf32, #tpu.memory_space<hbm>>
    %dma_wait3A_31 = arith.constant 0 : i32
    %dma_wait3A_32 = tpu.memref_slice %arg4[%mul3A_2, %dma_wait3A_31] : memref<160000x128xf32, #tpu.memory_space<hbm>> -> memref<384x128xf32, #tpu.memory_space<hbm>>
    tpu.wait_dma2 semaphore(%arg10 : memref<!tpu.dma_semaphore, #tpu.memory_space<semaphore_mem>>) src(%arg7 : memref<384x128xf32, #tpu.memory_space<vmem>>) dst(%dma_wait3A_32 : memref<384x128xf32, #tpu.memory_space<hbm>>)
    %dma_start3A_33 = arith.constant 0 : i32
    %dma_start3A_34 = arith.constant 0 : i32
    %dma_start3A_35 = tpu.memref_slice %arg6[%dma_start3A_33, %dma_start3A_34] : memref<384x128xf32, #tpu.memory_space<vmem>> -> memref<8x128xf32, #tpu.memory_space<vmem>>
    %dma_start3A_36 = arith.constant 4992 : i32
    %dma_start3A_37 = tpu.memref_slice %arg5[%dma_start3A_36] : memref<5000xi32, #tpu.memory_space<vmem>> -> memref<8xi32, #tpu.memory_space<vmem>>
    %dma_start3A_38 = arith.constant 0 : i32
    %dma_start3A_39 = arith.constant 0 : i32
    %dma_start3A_40 = tpu.memref_slice %arg2[%dma_start3A_38, %dma_start3A_39] : memref<10240x128xf32, #tpu.memory_space<hbm>> -> memref<10240x128xf32, #tpu.memory_space<hbm>>
    tpu.enqueue_indirect_dma source(%dma_start3A_40 : memref<10240x128xf32, #tpu.memory_space<hbm>>) target(%dma_start3A_35 : memref<8x128xf32, #tpu.memory_space<vmem>>) offsets(%dma_start3A_37 : memref<8xi32, #tpu.memory_space<vmem>>) semaphore(%arg8 : memref<!tpu.dma_semaphore, #tpu.memory_space<semaphore_mem>>)
    %dma_wait3A_41 = arith.constant 0 : i32
    %dma_wait3A_42 = arith.constant 0 : i32
    %dma_wait3A_43 = tpu.memref_slice %arg6[%dma_wait3A_41, %dma_wait3A_42] : memref<384x128xf32, #tpu.memory_space<vmem>> -> memref<8x128xf32, #tpu.memory_space<vmem>>
    %dma_wait3A_44 = arith.constant 4992 : i32
    %dma_wait3A_45 = tpu.memref_slice %arg5[%dma_wait3A_44] : memref<5000xi32, #tpu.memory_space<vmem>> -> memref<8xi32, #tpu.memory_space<vmem>>
    %dma_wait3A_46 = arith.constant 0 : i32
    %dma_wait3A_47 = arith.constant 0 : i32
    %dma_wait3A_48 = tpu.memref_slice %arg2[%dma_wait3A_46, %dma_wait3A_47] : memref<10240x128xf32, #tpu.memory_space<hbm>> -> memref<10240x128xf32, #tpu.memory_space<hbm>>
    tpu.wait_indirect_dma semaphore(%arg8 : memref<!tpu.dma_semaphore, #tpu.memory_space<semaphore_mem>>) src(%dma_wait3A_48 : memref<10240x128xf32, #tpu.memory_space<hbm>>) dst(%dma_wait3A_43 : memref<8x128xf32, #tpu.memory_space<vmem>>)
    %add3A_49 = arith.constant 4992 : i32
    %add3A_50 = arith.addi %mul3A_2, %add3A_49 : i32
    "tpu.region"() ({
      %run_scoped3A = tpu.sem_alloc : memref<!tpu.dma_semaphore, #tpu.memory_space<semaphore_mem>>
      %dma_start3A_51 = arith.constant 0 : i32
      %dma_start3A_52 = arith.constant 0 : i32
      %dma_start3A_53 = tpu.memref_slice %arg6[%dma_start3A_51, %dma_start3A_52] : memref<384x128xf32, #tpu.memory_space<vmem>> -> memref<8x128xf32, #tpu.memory_space<vmem>>
      %dma_start3A_54 = arith.constant 0 : i32
      %dma_start3A_55 = tpu.memref_slice %arg4[%add3A_50, %dma_start3A_54] : memref<160000x128xf32, #tpu.memory_space<hbm>> -> memref<8x128xf32, #tpu.memory_space<hbm>>
      %dma_start3A_56 = arith.constant 0 : i32
      %dma_start3A_57 = tpu.memref_slice %arg4[%add3A_50, %dma_start3A_56] : memref<160000x128xf32, #tpu.memory_space<hbm>> -> memref<8x128xf32, #tpu.memory_space<hbm>>
      %dma_start3A_58 = arith.constant 0 : i32
      %dma_start3A_59 = arith.constant 0 : i32
      %dma_start3A_60 = tpu.memref_slice %arg6[%dma_start3A_58, %dma_start3A_59] : memref<384x128xf32, #tpu.memory_space<vmem>> -> memref<8x128xf32, #tpu.memory_space<vmem>>
      tpu.enqueue_dma source(%dma_start3A_60 : memref<8x128xf32, #tpu.memory_space<vmem>>) target(%dma_start3A_57 : memref<8x128xf32, #tpu.memory_space<hbm>>) target_semaphore(%run_scoped3A : memref<!tpu.dma_semaphore, #tpu.memory_space<semaphore_mem>>)
      %dma_wait3A_61 = arith.constant 0 : i32
      %dma_wait3A_62 = arith.constant 0 : i32
      %dma_wait3A_63 = tpu.memref_slice %arg6[%dma_wait3A_61, %dma_wait3A_62] : memref<384x128xf32, #tpu.memory_space<vmem>> -> memref<8x128xf32, #tpu.memory_space<vmem>>
      %dma_wait3A_64 = arith.constant 0 : i32
      %dma_wait3A_65 = tpu.memref_slice %arg4[%add3A_50, %dma_wait3A_64] : memref<160000x128xf32, #tpu.memory_space<hbm>> -> memref<8x128xf32, #tpu.memory_space<hbm>>
      %dma_wait3A_66 = arith.constant 0 : i32
      %dma_wait3A_67 = tpu.memref_slice %arg4[%add3A_50, %dma_wait3A_66] : memref<160000x128xf32, #tpu.memory_space<hbm>> -> memref<8x128xf32, #tpu.memory_space<hbm>>
      %dma_wait3A_68 = arith.constant 0 : i32
      %dma_wait3A_69 = arith.constant 0 : i32
      %dma_wait3A_70 = tpu.memref_slice %arg6[%dma_wait3A_68, %dma_wait3A_69] : memref<384x128xf32, #tpu.memory_space<vmem>> -> memref<8x128xf32, #tpu.memory_space<vmem>>
      tpu.wait_dma2 semaphore(%run_scoped3A : memref<!tpu.dma_semaphore, #tpu.memory_space<semaphore_mem>>) src(%dma_wait3A_70 : memref<8x128xf32, #tpu.memory_space<vmem>>) dst(%dma_wait3A_67 : memref<8x128xf32, #tpu.memory_space<hbm>>)
      tpu.yield
    }) : () -> ()
    return
  }
}

#map = affine_map<(d0, d1) -> (0, 0)>
#map1 = affine_map<(d0, d1) -> (0)>
module attributes {stable_mosaic.version = 14 : i64} {
  func.func @k(%arg0: i32, %arg1: i32, %arg2: memref<10240x128xf32, #tpu.memory_space<hbm>>, %arg3: memref<160000xi32, #tpu.memory_space<hbm>>, %arg4: memref<160000x128xf32, #tpu.memory_space<hbm>>, %arg5: memref<5000xi32, #tpu.memory_space<vmem>>, %arg6: memref<384x128xf32, #tpu.memory_space<vmem>>, %arg7: memref<384x128xf32, #tpu.memory_space<vmem>>, %arg8: memref<!tpu.dma_semaphore, #tpu.memory_space<semaphore_mem>>, %arg9: memref<!tpu.dma_semaphore, #tpu.memory_space<semaphore_mem>>, %arg10: memref<!tpu.dma_semaphore, #tpu.memory_space<semaphore_mem>>) attributes {dimension_semantics = [#tpu.dimension_semantics<core_parallel>, #tpu.dimension_semantics<subcore_parallel>], iteration_bounds = array<i64: 2, 16>, scalar_prefetch = 0 : i64, scratch_operands = 6 : i64, tpu.core_type = #tpu.core_type<sc_vector_subcore>, window_params = [{transform_indices = #map}, {transform_indices = #map1}, {transform_indices = #map}]} {
    %mul3A = arith.constant 2 : i32
    %mul3A_0 = arith.muli %arg1, %mul3A : i32
    %add3A = arith.addi %mul3A_0, %arg0 : i32
    %mul3A_1 = arith.constant 5000 : i32
    %mul3A_2 = arith.muli %add3A, %mul3A_1 : i32
    "tpu.region"() ({
      %run_scoped3A = tpu.sem_alloc : memref<!tpu.dma_semaphore, #tpu.memory_space<semaphore_mem>>
      %dma_start3A_51 = tpu.memref_slice %arg3[%mul3A_2] : memref<160000xi32, #tpu.memory_space<hbm>> -> memref<5000xi32, #tpu.memory_space<hbm>>
      %dma_start3A_52 = tpu.memref_slice %arg3[%mul3A_2] : memref<160000xi32, #tpu.memory_space<hbm>> -> memref<5000xi32, #tpu.memory_space<hbm>>
      tpu.enqueue_dma source(%dma_start3A_52 : memref<5000xi32, #tpu.memory_space<hbm>>) target(%arg5 : memref<5000xi32, #tpu.memory_space<vmem>>) target_semaphore(%run_scoped3A : memref<!tpu.dma_semaphore, #tpu.memory_space<semaphore_mem>>)
      %dma_wait3A_53 = tpu.memref_slice %arg3[%mul3A_2] : memref<160000xi32, #tpu.memory_space<hbm>> -> memref<5000xi32, #tpu.memory_space<hbm>>
      %dma_wait3A_54 = tpu.memref_slice %arg3[%mul3A_2] : memref<160000xi32, #tpu.memory_space<hbm>> -> memref<5000xi32, #tpu.memory_space<hbm>>
      tpu.wait_dma2 semaphore(%run_scoped3A : memref<!tpu.dma_semaphore, #tpu.memory_space<semaphore_mem>>) src(%dma_wait3A_54 : memref<5000xi32, #tpu.memory_space<hbm>>) dst(%arg5 : memref<5000xi32, #tpu.memory_space<vmem>>)
      tpu.yield
    }) : () -> ()
    %scan3A = arith.constant 0 : i32
    %scan3A_3 = arith.constant 6 : i32
    %scan3A_4 = arith.addi %scan3A, %scan3A_3 : i32
    %scan3A_5 = arith.constant 1 : i32
    scf.for %scan3A_51 = %scan3A to %scan3A_4 step %scan3A_5  : i32 {
      %mul3A_52 = arith.constant 1 : i32
      %mul3A_53 = arith.muli %scan3A_51, %mul3A_52 : i32
      %add3A_54 = arith.constant 0 : i32
      %add3A_55 = arith.addi %add3A_54, %mul3A_53 : i32
      %mul3A_56 = arith.constant 2 : i32
      %mul3A_57 = arith.muli %add3A_55, %mul3A_56 : i32
      %gt3A = arith.constant 0 : i32
      %gt3A_58 = arith.cmpi sgt, %add3A_55, %gt3A : i32
      %convert_element_type3A = arith.extui %gt3A_58 : i1 to i32
      %cond3A = arith.constant 0 : i32
      %cond3A_59 = arith.cmpi ne, %convert_element_type3A, %cond3A : i32
      scf.if %cond3A_59 {
        %dma_wait3A_103 = arith.constant 0 : i32
        %dma_wait3A_104 = tpu.memref_slice %arg4[%mul3A_2, %dma_wait3A_103] : memref<160000x128xf32, #tpu.memory_space<hbm>> -> memref<384x128xf32, #tpu.memory_space<hbm>>
        %dma_wait3A_105 = arith.constant 0 : i32
        %dma_wait3A_106 = tpu.memref_slice %arg4[%mul3A_2, %dma_wait3A_105] : memref<160000x128xf32, #tpu.memory_space<hbm>> -> memref<384x128xf32, #tpu.memory_space<hbm>>
        tpu.wait_dma2 semaphore(%arg9 : memref<!tpu.dma_semaphore, #tpu.memory_space<semaphore_mem>>) src(%arg6 : memref<384x128xf32, #tpu.memory_space<vmem>>) dst(%dma_wait3A_106 : memref<384x128xf32, #tpu.memory_space<hbm>>)
      } else {
      }
      %mul3A_60 = arith.constant 384 : i32
      %mul3A_61 = arith.muli %mul3A_57, %mul3A_60 : i32
      %dma_start3A_62 = tpu.memref_slice %arg5[%mul3A_61] : memref<5000xi32, #tpu.memory_space<vmem>> -> memref<384xi32, #tpu.memory_space<vmem>>
      %dma_start3A_63 = arith.constant 0 : i32
      %dma_start3A_64 = arith.constant 0 : i32
      %dma_start3A_65 = tpu.memref_slice %arg2[%dma_start3A_63, %dma_start3A_64] : memref<10240x128xf32, #tpu.memory_space<hbm>> -> memref<10240x128xf32, #tpu.memory_space<hbm>>
      tpu.enqueue_indirect_dma source(%dma_start3A_65 : memref<10240x128xf32, #tpu.memory_space<hbm>>) target(%arg6 : memref<384x128xf32, #tpu.memory_space<vmem>>) offsets(%dma_start3A_62 : memref<384xi32, #tpu.memory_space<vmem>>) semaphore(%arg8 : memref<!tpu.dma_semaphore, #tpu.memory_space<semaphore_mem>>)
      %dma_wait3A_66 = tpu.memref_slice %arg5[%mul3A_61] : memref<5000xi32, #tpu.memory_space<vmem>> -> memref<384xi32, #tpu.memory_space<vmem>>
      %dma_wait3A_67 = arith.constant 0 : i32
      %dma_wait3A_68 = arith.constant 0 : i32
      %dma_wait3A_69 = tpu.memref_slice %arg2[%dma_wait3A_67, %dma_wait3A_68] : memref<10240x128xf32, #tpu.memory_space<hbm>> -> memref<10240x128xf32, #tpu.memory_space<hbm>>
      tpu.wait_indirect_dma semaphore(%arg8 : memref<!tpu.dma_semaphore, #tpu.memory_space<semaphore_mem>>) src(%dma_wait3A_69 : memref<10240x128xf32, #tpu.memory_space<hbm>>) dst(%arg6 : memref<384x128xf32, #tpu.memory_space<vmem>>)
      %mul3A_70 = arith.constant 384 : i32
      %mul3A_71 = arith.muli %mul3A_57, %mul3A_70 : i32
      %add3A_72 = arith.addi %mul3A_2, %mul3A_71 : i32
      %dma_start3A_73 = arith.constant 0 : i32
      %dma_start3A_74 = tpu.memref_slice %arg4[%add3A_72, %dma_start3A_73] : memref<160000x128xf32, #tpu.memory_space<hbm>> -> memref<384x128xf32, #tpu.memory_space<hbm>>
      %dma_start3A_75 = arith.constant 0 : i32
      %dma_start3A_76 = tpu.memref_slice %arg4[%add3A_72, %dma_start3A_75] : memref<160000x128xf32, #tpu.memory_space<hbm>> -> memref<384x128xf32, #tpu.memory_space<hbm>>
      tpu.enqueue_dma source(%arg6 : memref<384x128xf32, #tpu.memory_space<vmem>>) target(%dma_start3A_76 : memref<384x128xf32, #tpu.memory_space<hbm>>) target_semaphore(%arg9 : memref<!tpu.dma_semaphore, #tpu.memory_space<semaphore_mem>>)
      %gt3A_77 = arith.constant 0 : i32
      %gt3A_78 = arith.cmpi sgt, %add3A_55, %gt3A_77 : i32
      %convert_element_type3A_79 = arith.extui %gt3A_78 : i1 to i32
      %cond3A_80 = arith.constant 0 : i32
      %cond3A_81 = arith.cmpi ne, %convert_element_type3A_79, %cond3A_80 : i32
      scf.if %cond3A_81 {
        %dma_wait3A_103 = arith.constant 0 : i32
        %dma_wait3A_104 = tpu.memref_slice %arg4[%mul3A_2, %dma_wait3A_103] : memref<160000x128xf32, #tpu.memory_space<hbm>> -> memref<384x128xf32, #tpu.memory_space<hbm>>
        %dma_wait3A_105 = arith.constant 0 : i32
        %dma_wait3A_106 = tpu.memref_slice %arg4[%mul3A_2, %dma_wait3A_105] : memref<160000x128xf32, #tpu.memory_space<hbm>> -> memref<384x128xf32, #tpu.memory_space<hbm>>
        tpu.wait_dma2 semaphore(%arg10 : memref<!tpu.dma_semaphore, #tpu.memory_space<semaphore_mem>>) src(%arg7 : memref<384x128xf32, #tpu.memory_space<vmem>>) dst(%dma_wait3A_106 : memref<384x128xf32, #tpu.memory_space<hbm>>)
      } else {
      }
      %add3A_82 = arith.constant 1 : i32
      %add3A_83 = arith.addi %mul3A_57, %add3A_82 : i32
      %mul3A_84 = arith.constant 384 : i32
      %mul3A_85 = arith.muli %add3A_83, %mul3A_84 : i32
      %dma_start3A_86 = tpu.memref_slice %arg5[%mul3A_85] : memref<5000xi32, #tpu.memory_space<vmem>> -> memref<384xi32, #tpu.memory_space<vmem>>
      %dma_start3A_87 = arith.constant 0 : i32
      %dma_start3A_88 = arith.constant 0 : i32
      %dma_start3A_89 = tpu.memref_slice %arg2[%dma_start3A_87, %dma_start3A_88] : memref<10240x128xf32, #tpu.memory_space<hbm>> -> memref<10240x128xf32, #tpu.memory_space<hbm>>
      tpu.enqueue_indirect_dma source(%dma_start3A_89 : memref<10240x128xf32, #tpu.memory_space<hbm>>) target(%arg7 : memref<384x128xf32, #tpu.memory_space<vmem>>) offsets(%dma_start3A_86 : memref<384xi32, #tpu.memory_space<vmem>>) semaphore(%arg8 : memref<!tpu.dma_semaphore, #tpu.memory_space<semaphore_mem>>)
      %dma_wait3A_90 = tpu.memref_slice %arg5[%mul3A_85] : memref<5000xi32, #tpu.memory_space<vmem>> -> memref<384xi32, #tpu.memory_space<vmem>>
      %dma_wait3A_91 = arith.constant 0 : i32
      %dma_wait3A_92 = arith.constant 0 : i32
      %dma_wait3A_93 = tpu.memref_slice %arg2[%dma_wait3A_91, %dma_wait3A_92] : memref<10240x128xf32, #tpu.memory_space<hbm>> -> memref<10240x128xf32, #tpu.memory_space<hbm>>
      tpu.wait_indirect_dma semaphore(%arg8 : memref<!tpu.dma_semaphore, #tpu.memory_space<semaphore_mem>>) src(%dma_wait3A_93 : memref<10240x128xf32, #tpu.memory_space<hbm>>) dst(%arg7 : memref<384x128xf32, #tpu.memory_space<vmem>>)
      %add3A_94 = arith.constant 1 : i32
      %add3A_95 = arith.addi %mul3A_57, %add3A_94 : i32
      %mul3A_96 = arith.constant 384 : i32
      %mul3A_97 = arith.muli %add3A_95, %mul3A_96 : i32
      %add3A_98 = arith.addi %mul3A_2, %mul3A_97 : i32
      %dma_start3A_99 = arith.constant 0 : i32
      %dma_start3A_100 = tpu.memref_slice %arg4[%add3A_98, %dma_start3A_99] : memref<160000x128xf32, #tpu.memory_space<hbm>> -> memref<384x128xf32, #tpu.memory_space<hbm>>
      %dma_start3A_101 = arith.constant 0 : i32
      %dma_start3A_102 = tpu.memref_slice %arg4[%add3A_98, %dma_start3A_101] : memref<160000x128xf32, #tpu.memory_space<hbm>> -> memref<384x128xf32, #tpu.memory_space<hbm>>
      tpu.enqueue_dma source(%arg7 : memref<384x128xf32, #tpu.memory_space<vmem>>) target(%dma_start3A_102 : memref<384x128xf32, #tpu.memory_space<hbm>>) target_semaphore(%arg10 : memref<!tpu.dma_semaphore, #tpu.memory_space<semaphore_mem>>)
    }
    %scan3A_6 = arith.constant 6 : i32
    %dma_wait3A = arith.constant 0 : i32
    %dma_wait3A_7 = tpu.memref_slice %arg4[%mul3A_2, %dma_wait3A] : memref<160000x128xf32, #tpu.memory_space<hbm>> -> memref<384x128xf32, #tpu.memory_space<hbm>>
    %dma_wait3A_8 = arith.constant 0 : i32
    %dma_wait3A_9 = tpu.memref_slice %arg4[%mul3A_2, %dma_wait3A_8] : memref<160000x128xf32, #tpu.memory_space<hbm>> -> memref<384x128xf32, #tpu.memory_space<hbm>>
    tpu.wait_dma2 semaphore(%arg9 : memref<!tpu.dma_semaphore, #tpu.memory_space<semaphore_mem>>) src(%arg6 : memref<384x128xf32, #tpu.memory_space<vmem>>) dst(%dma_wait3A_9 : memref<384x128xf32, #tpu.memory_space<hbm>>)
    %dma_start3A = arith.constant 4608 : i32
    %dma_start3A_10 = tpu.memref_slice %arg5[%dma_start3A] : memref<5000xi32, #tpu.memory_space<vmem>> -> memref<384xi32, #tpu.memory_space<vmem>>
    %dma_start3A_11 = arith.constant 0 : i32
    %dma_start3A_12 = arith.constant 0 : i32
    %dma_start3A_13 = tpu.memref_slice %arg2[%dma_start3A_11, %dma_start3A_12] : memref<10240x128xf32, #tpu.memory_space<hbm>> -> memref<10240x128xf32, #tpu.memory_space<hbm>>
    tpu.enqueue_indirect_dma source(%dma_start3A_13 : memref<10240x128xf32, #tpu.memory_space<hbm>>) target(%arg6 : memref<384x128xf32, #tpu.memory_space<vmem>>) offsets(%dma_start3A_10 : memref<384xi32, #tpu.memory_space<vmem>>) semaphore(%arg8 : memref<!tpu.dma_semaphore, #tpu.memory_space<semaphore_mem>>)
    %dma_wait3A_14 = arith.constant 4608 : i32
    %dma_wait3A_15 = tpu.memref_slice %arg5[%dma_wait3A_14] : memref<5000xi32, #tpu.memory_space<vmem>> -> memref<384xi32, #tpu.memory_space<vmem>>
    %dma_wait3A_16 = arith.constant 0 : i32
    %dma_wait3A_17 = arith.constant 0 : i32
    %dma_wait3A_18 = tpu.memref_slice %arg2[%dma_wait3A_16, %dma_wait3A_17] : memref<10240x128xf32, #tpu.memory_space<hbm>> -> memref<10240x128xf32, #tpu.memory_space<hbm>>
    tpu.wait_indirect_dma semaphore(%arg8 : memref<!tpu.dma_semaphore, #tpu.memory_space<semaphore_mem>>) src(%dma_wait3A_18 : memref<10240x128xf32, #tpu.memory_space<hbm>>) dst(%arg6 : memref<384x128xf32, #tpu.memory_space<vmem>>)
    %add3A_19 = arith.constant 4608 : i32
    %add3A_20 = arith.addi %mul3A_2, %add3A_19 : i32
    %dma_start3A_21 = arith.constant 0 : i32
    %dma_start3A_22 = tpu.memref_slice %arg4[%add3A_20, %dma_start3A_21] : memref<160000x128xf32, #tpu.memory_space<hbm>> -> memref<384x128xf32, #tpu.memory_space<hbm>>
    %dma_start3A_23 = arith.constant 0 : i32
    %dma_start3A_24 = tpu.memref_slice %arg4[%add3A_20, %dma_start3A_23] : memref<160000x128xf32, #tpu.memory_space<hbm>> -> memref<384x128xf32, #tpu.memory_space<hbm>>
    tpu.enqueue_dma source(%arg6 : memref<384x128xf32, #tpu.memory_space<vmem>>) target(%dma_start3A_24 : memref<384x128xf32, #tpu.memory_space<hbm>>) target_semaphore(%arg9 : memref<!tpu.dma_semaphore, #tpu.memory_space<semaphore_mem>>)
    %dma_wait3A_25 = arith.constant 0 : i32
    %dma_wait3A_26 = tpu.memref_slice %arg4[%mul3A_2, %dma_wait3A_25] : memref<160000x128xf32, #tpu.memory_space<hbm>> -> memref<384x128xf32, #tpu.memory_space<hbm>>
    %dma_wait3A_27 = arith.constant 0 : i32
    %dma_wait3A_28 = tpu.memref_slice %arg4[%mul3A_2, %dma_wait3A_27] : memref<160000x128xf32, #tpu.memory_space<hbm>> -> memref<384x128xf32, #tpu.memory_space<hbm>>
    tpu.wait_dma2 semaphore(%arg9 : memref<!tpu.dma_semaphore, #tpu.memory_space<semaphore_mem>>) src(%arg6 : memref<384x128xf32, #tpu.memory_space<vmem>>) dst(%dma_wait3A_28 : memref<384x128xf32, #tpu.memory_space<hbm>>)
    %dma_wait3A_29 = arith.constant 0 : i32
    %dma_wait3A_30 = tpu.memref_slice %arg4[%mul3A_2, %dma_wait3A_29] : memref<160000x128xf32, #tpu.memory_space<hbm>> -> memref<384x128xf32, #tpu.memory_space<hbm>>
    %dma_wait3A_31 = arith.constant 0 : i32
    %dma_wait3A_32 = tpu.memref_slice %arg4[%mul3A_2, %dma_wait3A_31] : memref<160000x128xf32, #tpu.memory_space<hbm>> -> memref<384x128xf32, #tpu.memory_space<hbm>>
    tpu.wait_dma2 semaphore(%arg10 : memref<!tpu.dma_semaphore, #tpu.memory_space<semaphore_mem>>) src(%arg7 : memref<384x128xf32, #tpu.memory_space<vmem>>) dst(%dma_wait3A_32 : memref<384x128xf32, #tpu.memory_space<hbm>>)
    %dma_start3A_33 = arith.constant 0 : i32
    %dma_start3A_34 = arith.constant 0 : i32
    %dma_start3A_35 = tpu.memref_slice %arg6[%dma_start3A_33, %dma_start3A_34] : memref<384x128xf32, #tpu.memory_space<vmem>> -> memref<8x128xf32, #tpu.memory_space<vmem>>
    %dma_start3A_36 = arith.constant 4992 : i32
    %dma_start3A_37 = tpu.memref_slice %arg5[%dma_start3A_36] : memref<5000xi32, #tpu.memory_space<vmem>> -> memref<8xi32, #tpu.memory_space<vmem>>
    %dma_start3A_38 = arith.constant 0 : i32
    %dma_start3A_39 = arith.constant 0 : i32
    %dma_start3A_40 = tpu.memref_slice %arg2[%dma_start3A_38, %dma_start3A_39] : memref<10240x128xf32, #tpu.memory_space<hbm>> -> memref<10240x128xf32, #tpu.memory_space<hbm>>
    tpu.enqueue_indirect_dma source(%dma_start3A_40 : memref<10240x128xf32, #tpu.memory_space<hbm>>) target(%dma_start3A_35 : memref<8x128xf32, #tpu.memory_space<vmem>>) offsets(%dma_start3A_37 : memref<8xi32, #tpu.memory_space<vmem>>) semaphore(%arg8 : memref<!tpu.dma_semaphore, #tpu.memory_space<semaphore_mem>>)
    %dma_wait3A_41 = arith.constant 0 : i32
    %dma_wait3A_42 = arith.constant 0 : i32
    %dma_wait3A_43 = tpu.memref_slice %arg6[%dma_wait3A_41, %dma_wait3A_42] : memref<384x128xf32, #tpu.memory_space<vmem>> -> memref<8x128xf32, #tpu.memory_space<vmem>>
    %dma_wait3A_44 = arith.constant 4992 : i32
    %dma_wait3A_45 = tpu.memref_slice %arg5[%dma_wait3A_44] : memref<5000xi32, #tpu.memory_space<vmem>> -> memref<8xi32, #tpu.memory_space<vmem>>
    %dma_wait3A_46 = arith.constant 0 : i32
    %dma_wait3A_47 = arith.constant 0 : i32
    %dma_wait3A_48 = tpu.memref_slice %arg2[%dma_wait3A_46, %dma_wait3A_47] : memref<10240x128xf32, #tpu.memory_space<hbm>> -> memref<10240x128xf32, #tpu.memory_space<hbm>>
    tpu.wait_indirect_dma semaphore(%arg8 : memref<!tpu.dma_semaphore, #tpu.memory_space<semaphore_mem>>) src(%dma_wait3A_48 : memref<10240x128xf32, #tpu.memory_space<hbm>>) dst(%dma_wait3A_43 : memref<8x128xf32, #tpu.memory_space<vmem>>)
    %add3A_49 = arith.constant 4992 : i32
    %add3A_50 = arith.addi %mul3A_2, %add3A_49 : i32
    "tpu.region"() ({
      %run_scoped3A = tpu.sem_alloc : memref<!tpu.dma_semaphore, #tpu.memory_space<semaphore_mem>>
      %dma_start3A_51 = arith.constant 0 : i32
      %dma_start3A_52 = arith.constant 0 : i32
      %dma_start3A_53 = tpu.memref_slice %arg6[%dma_start3A_51, %dma_start3A_52] : memref<384x128xf32, #tpu.memory_space<vmem>> -> memref<8x128xf32, #tpu.memory_space<vmem>>
      %dma_start3A_54 = arith.constant 0 : i32
      %dma_start3A_55 = tpu.memref_slice %arg4[%add3A_50, %dma_start3A_54] : memref<160000x128xf32, #tpu.memory_space<hbm>> -> memref<8x128xf32, #tpu.memory_space<hbm>>
      %dma_start3A_56 = arith.constant 0 : i32
      %dma_start3A_57 = tpu.memref_slice %arg4[%add3A_50, %dma_start3A_56] : memref<160000x128xf32, #tpu.memory_space<hbm>> -> memref<8x128xf32, #tpu.memory_space<hbm>>
      %dma_start3A_58 = arith.constant 0 : i32
      %dma_start3A_59 = arith.constant 0 : i32
      %dma_start3A_60 = tpu.memref_slice %arg6[%dma_start3A_58, %dma_start3A_59] : memref<384x128xf32, #tpu.memory_space<vmem>> -> memref<8x128xf32, #tpu.memory_space<vmem>>
      tpu.enqueue_dma source(%dma_start3A_60 : memref<8x128xf32, #tpu.memory_space<vmem>>) target(%dma_start3A_57 : memref<8x128xf32, #tpu.memory_space<hbm>>) target_semaphore(%run_scoped3A : memref<!tpu.dma_semaphore, #tpu.memory_space<semaphore_mem>>)
      %dma_wait3A_61 = arith.constant 0 : i32
      %dma_wait3A_62 = arith.constant 0 : i32
      %dma_wait3A_63 = tpu.memref_slice %arg6[%dma_wait3A_61, %dma_wait3A_62] : memref<384x128xf32, #tpu.memory_space<vmem>> -> memref<8x128xf32, #tpu.memory_space<vmem>>
      %dma_wait3A_64 = arith.constant 0 : i32
      %dma_wait3A_65 = tpu.memref_slice %arg4[%add3A_50, %dma_wait3A_64] : memref<160000x128xf32, #tpu.memory_space<hbm>> -> memref<8x128xf32, #tpu.memory_space<hbm>>
      %dma_wait3A_66 = arith.constant 0 : i32
      %dma_wait3A_67 = tpu.memref_slice %arg4[%add3A_50, %dma_wait3A_66] : memref<160000x128xf32, #tpu.memory_space<hbm>> -> memref<8x128xf32, #tpu.memory_space<hbm>>
      %dma_wait3A_68 = arith.constant 0 : i32
      %dma_wait3A_69 = arith.constant 0 : i32
      %dma_wait3A_70 = tpu.memref_slice %arg6[%dma_wait3A_68, %dma_wait3A_69] : memref<384x128xf32, #tpu.memory_space<vmem>> -> memref<8x128xf32, #tpu.memory_space<vmem>>
      tpu.wait_dma2 semaphore(%run_scoped3A : memref<!tpu.dma_semaphore, #tpu.memory_space<semaphore_mem>>) src(%dma_wait3A_70 : memref<8x128xf32, #tpu.memory_space<vmem>>) dst(%dma_wait3A_67 : memref<8x128xf32, #tpu.memory_space<hbm>>)
      tpu.yield
    }) : () -> ()
    return
  }
}

#map = affine_map<(d0, d1) -> (0, 0)>
#map1 = affine_map<(d0, d1) -> (0)>
module attributes {stable_mosaic.version = 14 : i64} {
  func.func @k(%arg0: i32, %arg1: i32, %arg2: memref<160000x128xf32, #tpu.memory_space<hbm>>, %arg3: memref<160000x128xf32, #tpu.memory_space<hbm>>, %arg4: memref<160000xi32, #tpu.memory_space<hbm>>, %arg5: memref<10240x128xf32, #tpu.memory_space<hbm>>, %arg6: memref<10240x128xf32, #tpu.memory_space<hbm>>, %arg7: memref<10240x128xf32, #tpu.memory_space<hbm>>, %arg8: memref<160xi32, #tpu.memory_space<vmem>>, %arg9: memref<160xi32, #tpu.memory_space<vmem>>, %arg10: memref<80xi32, #tpu.memory_space<vmem>>, %arg11: memref<160x128xf32, #tpu.memory_space<vmem>>, %arg12: memref<160x128xf32, #tpu.memory_space<vmem>>, %arg13: memref<10240x128xf32, #tpu.memory_space<vmem_shared>>, %arg14: memref<!tpu.dma_semaphore, #tpu.memory_space<semaphore_mem>>, %arg15: memref<!tpu.dma_semaphore, #tpu.memory_space<semaphore_mem>>) attributes {dimension_semantics = [#tpu.dimension_semantics<core_parallel>, #tpu.dimension_semantics<subcore_parallel>], iteration_bounds = array<i64: 2, 16>, scalar_prefetch = 0 : i64, scratch_operands = 8 : i64, tpu.core_type = #tpu.core_type<sc_vector_subcore>, window_params = [{transform_indices = #map}, {transform_indices = #map}, {transform_indices = #map1}, {transform_indices = #map}, {transform_indices = #map}, {transform_indices = #map}]} {
    %mul3A = arith.constant 640 : i32
    %mul3A_0 = arith.muli %arg1, %mul3A : i32
    %mul3A_1 = arith.constant 640 : i32
    %mul3A_2 = arith.muli %arg1, %mul3A_1 : i32
    "tpu.region"() ({
      %run_scoped3A = tpu.sem_alloc : memref<!tpu.dma_semaphore, #tpu.memory_space<semaphore_mem>>
      %dma_start3A = arith.constant 0 : i32
      %dma_start3A_12 = tpu.memref_slice %arg13[%mul3A_2, %dma_start3A] : memref<10240x128xf32, #tpu.memory_space<vmem_shared>> -> memref<640x128xf32, #tpu.memory_space<vmem_shared>>
      %dma_start3A_13 = arith.constant 0 : i32
      %dma_start3A_14 = tpu.memref_slice %arg5[%mul3A_0, %dma_start3A_13] : memref<10240x128xf32, #tpu.memory_space<hbm>> -> memref<640x128xf32, #tpu.memory_space<hbm>>
      tpu.enqueue_dma source(%dma_start3A_14 : memref<640x128xf32, #tpu.memory_space<hbm>>) target(%dma_start3A_12 : memref<640x128xf32, #tpu.memory_space<vmem_shared>>) target_semaphore(%run_scoped3A : memref<!tpu.dma_semaphore, #tpu.memory_space<semaphore_mem>>)
      %dma_wait3A = arith.constant 0 : i32
      %dma_wait3A_15 = tpu.memref_slice %arg13[%mul3A_2, %dma_wait3A] : memref<10240x128xf32, #tpu.memory_space<vmem_shared>> -> memref<640x128xf32, #tpu.memory_space<vmem_shared>>
      %dma_wait3A_16 = arith.constant 0 : i32
      %dma_wait3A_17 = tpu.memref_slice %arg5[%mul3A_0, %dma_wait3A_16] : memref<10240x128xf32, #tpu.memory_space<hbm>> -> memref<640x128xf32, #tpu.memory_space<hbm>>
      tpu.wait_dma2 semaphore(%run_scoped3A : memref<!tpu.dma_semaphore, #tpu.memory_space<semaphore_mem>>) src(%dma_wait3A_17 : memref<640x128xf32, #tpu.memory_space<hbm>>) dst(%dma_wait3A_15 : memref<640x128xf32, #tpu.memory_space<vmem_shared>>)
      tpu.yield
    }) : () -> ()
    %barrier3A = arith.constant 0 : index
    tpu.barrier barrier_id(%barrier3A)
    %mul3A_3 = arith.constant 10000 : i32
    %mul3A_4 = arith.muli %arg1, %mul3A_3 : i32
    %eq3A = arith.constant 0 : i32
    %eq3A_5 = arith.cmpi eq, %arg0, %eq3A : i32
    %convert_element_type3A = arith.extui %eq3A_5 : i1 to i32
    %cond3A = arith.constant 0 : i32
    %cond3A_6 = arith.cmpi ne, %convert_element_type3A, %cond3A : i32
    scf.if %cond3A_6 {
      %add3A = arith.constant 0 : i32
      %add3A_12 = arith.addi %mul3A_4, %add3A : i32
      %dma_start3A = tpu.memref_slice %arg4[%add3A_12] : memref<160000xi32, #tpu.memory_space<hbm>> -> memref<160xi32, #tpu.memory_space<hbm>>
      %dma_start3A_13 = tpu.memref_slice %arg4[%add3A_12] : memref<160000xi32, #tpu.memory_space<hbm>> -> memref<160xi32, #tpu.memory_space<hbm>>
      tpu.enqueue_dma source(%dma_start3A_13 : memref<160xi32, #tpu.memory_space<hbm>>) target(%arg8 : memref<160xi32, #tpu.memory_space<vmem>>) target_semaphore(%arg14 : memref<!tpu.dma_semaphore, #tpu.memory_space<semaphore_mem>>)
      %add3A_14 = arith.constant 0 : i32
      %add3A_15 = arith.addi %mul3A_4, %add3A_14 : i32
      %dma_start3A_16 = arith.constant 0 : i32
      %dma_start3A_17 = tpu.memref_slice %arg2[%add3A_15, %dma_start3A_16] : memref<160000x128xf32, #tpu.memory_space<hbm>> -> memref<160x128xf32, #tpu.memory_space<hbm>>
      %dma_start3A_18 = arith.constant 0 : i32
      %dma_start3A_19 = tpu.memref_slice %arg2[%add3A_15, %dma_start3A_18] : memref<160000x128xf32, #tpu.memory_space<hbm>> -> memref<160x128xf32, #tpu.memory_space<hbm>>
      tpu.enqueue_dma source(%dma_start3A_19 : memref<160x128xf32, #tpu.memory_space<hbm>>) target(%arg11 : memref<160x128xf32, #tpu.memory_space<vmem>>) target_semaphore(%arg14 : memref<!tpu.dma_semaphore, #tpu.memory_space<semaphore_mem>>)
      %add3A_20 = arith.constant 160 : i32
      %add3A_21 = arith.addi %mul3A_4, %add3A_20 : i32
      %dma_start3A_22 = tpu.memref_slice %arg4[%add3A_21] : memref<160000xi32, #tpu.memory_space<hbm>> -> memref<160xi32, #tpu.memory_space<hbm>>
      %dma_start3A_23 = tpu.memref_slice %arg4[%add3A_21] : memref<160000xi32, #tpu.memory_space<hbm>> -> memref<160xi32, #tpu.memory_space<hbm>>
      tpu.enqueue_dma source(%dma_start3A_23 : memref<160xi32, #tpu.memory_space<hbm>>) target(%arg9 : memref<160xi32, #tpu.memory_space<vmem>>) target_semaphore(%arg15 : memref<!tpu.dma_semaphore, #tpu.memory_space<semaphore_mem>>)
      %add3A_24 = arith.constant 160 : i32
      %add3A_25 = arith.addi %mul3A_4, %add3A_24 : i32
      %dma_start3A_26 = arith.constant 0 : i32
      %dma_start3A_27 = tpu.memref_slice %arg2[%add3A_25, %dma_start3A_26] : memref<160000x128xf32, #tpu.memory_space<hbm>> -> memref<160x128xf32, #tpu.memory_space<hbm>>
      %dma_start3A_28 = arith.constant 0 : i32
      %dma_start3A_29 = tpu.memref_slice %arg2[%add3A_25, %dma_start3A_28] : memref<160000x128xf32, #tpu.memory_space<hbm>> -> memref<160x128xf32, #tpu.memory_space<hbm>>
      tpu.enqueue_dma source(%dma_start3A_29 : memref<160x128xf32, #tpu.memory_space<hbm>>) target(%arg12 : memref<160x128xf32, #tpu.memory_space<vmem>>) target_semaphore(%arg15 : memref<!tpu.dma_semaphore, #tpu.memory_space<semaphore_mem>>)
      %scan3A = arith.constant 0 : i32
      %scan3A_30 = arith.constant 30 : i32
      %scan3A_31 = arith.addi %scan3A, %scan3A_30 : i32
      %scan3A_32 = arith.constant 1 : i32
      scf.for %scan3A_52 = %scan3A to %scan3A_31 step %scan3A_32  : i32 {
        %mul3A_53 = arith.constant 1 : i32
        %mul3A_54 = arith.muli %scan3A_52, %mul3A_53 : i32
        %add3A_55 = arith.constant 0 : i32
        %add3A_56 = arith.addi %add3A_55, %mul3A_54 : i32
        %mul3A_57 = arith.constant 2 : i32
        %mul3A_58 = arith.muli %add3A_56, %mul3A_57 : i32
        %dma_wait3A_59 = tpu.memref_slice %arg4[%mul3A_4] : memref<160000xi32, #tpu.memory_space<hbm>> -> memref<160xi32, #tpu.memory_space<hbm>>
        %dma_wait3A_60 = tpu.memref_slice %arg4[%mul3A_4] : memref<160000xi32, #tpu.memory_space<hbm>> -> memref<160xi32, #tpu.memory_space<hbm>>
        tpu.wait_dma2 semaphore(%arg14 : memref<!tpu.dma_semaphore, #tpu.memory_space<semaphore_mem>>) src(%dma_wait3A_60 : memref<160xi32, #tpu.memory_space<hbm>>) dst(%arg8 : memref<160xi32, #tpu.memory_space<vmem>>)
        %dma_wait3A_61 = arith.constant 0 : i32
        %dma_wait3A_62 = tpu.memref_slice %arg2[%mul3A_4, %dma_wait3A_61] : memref<160000x128xf32, #tpu.memory_space<hbm>> -> memref<160x128xf32, #tpu.memory_space<hbm>>
        %dma_wait3A_63 = arith.constant 0 : i32
        %dma_wait3A_64 = tpu.memref_slice %arg2[%mul3A_4, %dma_wait3A_63] : memref<160000x128xf32, #tpu.memory_space<hbm>> -> memref<160x128xf32, #tpu.memory_space<hbm>>
        tpu.wait_dma2 semaphore(%arg14 : memref<!tpu.dma_semaphore, #tpu.memory_space<semaphore_mem>>) src(%dma_wait3A_64 : memref<160x128xf32, #tpu.memory_space<hbm>>) dst(%arg11 : memref<160x128xf32, #tpu.memory_space<vmem>>)
        "tpu.region"() ({
          %run_scoped3A = tpu.sem_alloc : memref<!tpu.dma_semaphore, #tpu.memory_space<semaphore_mem>>
          %dma_start3A_99 = arith.constant 0 : i32
          %dma_start3A_100 = arith.constant 0 : i32
          %dma_start3A_101 = tpu.memref_slice %arg13[%dma_start3A_99, %dma_start3A_100] : memref<10240x128xf32, #tpu.memory_space<vmem_shared>> -> memref<10240x128xf32, #tpu.memory_space<vmem_shared>>
          tpu.enqueue_indirect_dma source(%arg11 : memref<160x128xf32, #tpu.memory_space<vmem>>) target(%dma_start3A_101 : memref<10240x128xf32, #tpu.memory_space<vmem_shared>>) offsets(%arg8 : memref<160xi32, #tpu.memory_space<vmem>>) semaphore(%run_scoped3A : memref<!tpu.dma_semaphore, #tpu.memory_space<semaphore_mem>>) {add = true}
          %dma_wait3A_102 = arith.constant 0 : i32
          %dma_wait3A_103 = arith.constant 0 : i32
          %dma_wait3A_104 = tpu.memref_slice %arg13[%dma_wait3A_102, %dma_wait3A_103] : memref<10240x128xf32, #tpu.memory_space<vmem_shared>> -> memref<10240x128xf32, #tpu.memory_space<vmem_shared>>
          tpu.wait_indirect_dma semaphore(%run_scoped3A : memref<!tpu.dma_semaphore, #tpu.memory_space<semaphore_mem>>) src(%arg11 : memref<160x128xf32, #tpu.memory_space<vmem>>) dst(%dma_wait3A_104 : memref<10240x128xf32, #tpu.memory_space<vmem_shared>>)
          tpu.yield
        }) : () -> ()
        %add3A_65 = arith.constant 2 : i32
        %add3A_66 = arith.addi %mul3A_58, %add3A_65 : i32
        %mul3A_67 = arith.constant 160 : i32
        %mul3A_68 = arith.muli %add3A_66, %mul3A_67 : i32
        %add3A_69 = arith.addi %mul3A_4, %mul3A_68 : i32
        %dma_start3A_70 = tpu.memref_slice %arg4[%add3A_69] : memref<160000xi32, #tpu.memory_space<hbm>> -> memref<160xi32, #tpu.memory_space<hbm>>
        %dma_start3A_71 = tpu.memref_slice %arg4[%add3A_69] : memref<160000xi32, #tpu.memory_space<hbm>> -> memref<160xi32, #tpu.memory_space<hbm>>
        tpu.enqueue_dma source(%dma_start3A_71 : memref<160xi32, #tpu.memory_space<hbm>>) target(%arg8 : memref<160xi32, #tpu.memory_space<vmem>>) target_semaphore(%arg14 : memref<!tpu.dma_semaphore, #tpu.memory_space<semaphore_mem>>)
        %mul3A_72 = arith.constant 160 : i32
        %mul3A_73 = arith.muli %add3A_66, %mul3A_72 : i32
        %add3A_74 = arith.addi %mul3A_4, %mul3A_73 : i32
        %dma_start3A_75 = arith.constant 0 : i32
        %dma_start3A_76 = tpu.memref_slice %arg2[%add3A_74, %dma_start3A_75] : memref<160000x128xf32, #tpu.memory_space<hbm>> -> memref<160x128xf32, #tpu.memory_space<hbm>>
        %dma_start3A_77 = arith.constant 0 : i32
        %dma_start3A_78 = tpu.memref_slice %arg2[%add3A_74, %dma_start3A_77] : memref<160000x128xf32, #tpu.memory_space<hbm>> -> memref<160x128xf32, #tpu.memory_space<hbm>>
        tpu.enqueue_dma source(%dma_start3A_78 : memref<160x128xf32, #tpu.memory_space<hbm>>) target(%arg11 : memref<160x128xf32, #tpu.memory_space<vmem>>) target_semaphore(%arg14 : memref<!tpu.dma_semaphore, #tpu.memory_space<semaphore_mem>>)
        %dma_wait3A_79 = tpu.memref_slice %arg4[%mul3A_4] : memref<160000xi32, #tpu.memory_space<hbm>> -> memref<160xi32, #tpu.memory_space<hbm>>
        %dma_wait3A_80 = tpu.memref_slice %arg4[%mul3A_4] : memref<160000xi32, #tpu.memory_space<hbm>> -> memref<160xi32, #tpu.memory_space<hbm>>
        tpu.wait_dma2 semaphore(%arg15 : memref<!tpu.dma_semaphore, #tpu.memory_space<semaphore_mem>>) src(%dma_wait3A_80 : memref<160xi32, #tpu.memory_space<hbm>>) dst(%arg9 : memref<160xi32, #tpu.memory_space<vmem>>)
        %dma_wait3A_81 = arith.constant 0 : i32
        %dma_wait3A_82 = tpu.memref_slice %arg2[%mul3A_4, %dma_wait3A_81] : memref<160000x128xf32, #tpu.memory_space<hbm>> -> memref<160x128xf32, #tpu.memory_space<hbm>>
        %dma_wait3A_83 = arith.constant 0 : i32
        %dma_wait3A_84 = tpu.memref_slice %arg2[%mul3A_4, %dma_wait3A_83] : memref<160000x128xf32, #tpu.memory_space<hbm>> -> memref<160x128xf32, #tpu.memory_space<hbm>>
        tpu.wait_dma2 semaphore(%arg15 : memref<!tpu.dma_semaphore, #tpu.memory_space<semaphore_mem>>) src(%dma_wait3A_84 : memref<160x128xf32, #tpu.memory_space<hbm>>) dst(%arg12 : memref<160x128xf32, #tpu.memory_space<vmem>>)
        "tpu.region"() ({
          %run_scoped3A = tpu.sem_alloc : memref<!tpu.dma_semaphore, #tpu.memory_space<semaphore_mem>>
          %dma_start3A_99 = arith.constant 0 : i32
          %dma_start3A_100 = arith.constant 0 : i32
          %dma_start3A_101 = tpu.memref_slice %arg13[%dma_start3A_99, %dma_start3A_100] : memref<10240x128xf32, #tpu.memory_space<vmem_shared>> -> memref<10240x128xf32, #tpu.memory_space<vmem_shared>>
          tpu.enqueue_indirect_dma source(%arg12 : memref<160x128xf32, #tpu.memory_space<vmem>>) target(%dma_start3A_101 : memref<10240x128xf32, #tpu.memory_space<vmem_shared>>) offsets(%arg9 : memref<160xi32, #tpu.memory_space<vmem>>) semaphore(%run_scoped3A : memref<!tpu.dma_semaphore, #tpu.memory_space<semaphore_mem>>) {add = true}
          %dma_wait3A_102 = arith.constant 0 : i32
          %dma_wait3A_103 = arith.constant 0 : i32
          %dma_wait3A_104 = tpu.memref_slice %arg13[%dma_wait3A_102, %dma_wait3A_103] : memref<10240x128xf32, #tpu.memory_space<vmem_shared>> -> memref<10240x128xf32, #tpu.memory_space<vmem_shared>>
          tpu.wait_indirect_dma semaphore(%run_scoped3A : memref<!tpu.dma_semaphore, #tpu.memory_space<semaphore_mem>>) src(%arg12 : memref<160x128xf32, #tpu.memory_space<vmem>>) dst(%dma_wait3A_104 : memref<10240x128xf32, #tpu.memory_space<vmem_shared>>)
          tpu.yield
        }) : () -> ()
        %add3A_85 = arith.constant 3 : i32
        %add3A_86 = arith.addi %mul3A_58, %add3A_85 : i32
        %mul3A_87 = arith.constant 160 : i32
        %mul3A_88 = arith.muli %add3A_86, %mul3A_87 : i32
        %add3A_89 = arith.addi %mul3A_4, %mul3A_88 : i32
        %dma_start3A_90 = tpu.memref_slice %arg4[%add3A_89] : memref<160000xi32, #tpu.memory_space<hbm>> -> memref<160xi32, #tpu.memory_space<hbm>>
        %dma_start3A_91 = tpu.memref_slice %arg4[%add3A_89] : memref<160000xi32, #tpu.memory_space<hbm>> -> memref<160xi32, #tpu.memory_space<hbm>>
        tpu.enqueue_dma source(%dma_start3A_91 : memref<160xi32, #tpu.memory_space<hbm>>) target(%arg9 : memref<160xi32, #tpu.memory_space<vmem>>) target_semaphore(%arg15 : memref<!tpu.dma_semaphore, #tpu.memory_space<semaphore_mem>>)
        %mul3A_92 = arith.constant 160 : i32
        %mul3A_93 = arith.muli %add3A_86, %mul3A_92 : i32
        %add3A_94 = arith.addi %mul3A_4, %mul3A_93 : i32
        %dma_start3A_95 = arith.constant 0 : i32
        %dma_start3A_96 = tpu.memref_slice %arg2[%add3A_94, %dma_start3A_95] : memref<160000x128xf32, #tpu.memory_space<hbm>> -> memref<160x128xf32, #tpu.memory_space<hbm>>
        %dma_start3A_97 = arith.constant 0 : i32
        %dma_start3A_98 = tpu.memref_slice %arg2[%add3A_94, %dma_start3A_97] : memref<160000x128xf32, #tpu.memory_space<hbm>> -> memref<160x128xf32, #tpu.memory_space<hbm>>
        tpu.enqueue_dma source(%dma_start3A_98 : memref<160x128xf32, #tpu.memory_space<hbm>>) target(%arg12 : memref<160x128xf32, #tpu.memory_space<vmem>>) target_semaphore(%arg15 : memref<!tpu.dma_semaphore, #tpu.memory_space<semaphore_mem>>)
      }
      %scan3A_33 = arith.constant 30 : i32
      %dma_wait3A = tpu.memref_slice %arg4[%mul3A_4] : memref<160000xi32, #tpu.memory_space<hbm>> -> memref<160xi32, #tpu.memory_space<hbm>>
      %dma_wait3A_34 = tpu.memref_slice %arg4[%mul3A_4] : memref<160000xi32, #tpu.memory_space<hbm>> -> memref<160xi32, #tpu.memory_space<hbm>>
      tpu.wait_dma2 semaphore(%arg14 : memref<!tpu.dma_semaphore, #tpu.memory_space<semaphore_mem>>) src(%dma_wait3A_34 : memref<160xi32, #tpu.memory_space<hbm>>) dst(%arg8 : memref<160xi32, #tpu.memory_space<vmem>>)
      %dma_wait3A_35 = arith.constant 0 : i32
      %dma_wait3A_36 = tpu.memref_slice %arg2[%mul3A_4, %dma_wait3A_35] : memref<160000x128xf32, #tpu.memory_space<hbm>> -> memref<160x128xf32, #tpu.memory_space<hbm>>
      %dma_wait3A_37 = arith.constant 0 : i32
      %dma_wait3A_38 = tpu.memref_slice %arg2[%mul3A_4, %dma_wait3A_37] : memref<160000x128xf32, #tpu.memory_space<hbm>> -> memref<160x128xf32, #tpu.memory_space<hbm>>
      tpu.wait_dma2 semaphore(%arg14 : memref<!tpu.dma_semaphore, #tpu.memory_space<semaphore_mem>>) src(%dma_wait3A_38 : memref<160x128xf32, #tpu.memory_space<hbm>>) dst(%arg11 : memref<160x128xf32, #tpu.memory_space<vmem>>)
      "tpu.region"() ({
        %run_scoped3A = tpu.sem_alloc : memref<!tpu.dma_semaphore, #tpu.memory_space<semaphore_mem>>
        %dma_start3A_52 = arith.constant 0 : i32
        %dma_start3A_53 = arith.constant 0 : i32
        %dma_start3A_54 = tpu.memref_slice %arg13[%dma_start3A_52, %dma_start3A_53] : memref<10240x128xf32, #tpu.memory_space<vmem_shared>> -> memref<10240x128xf32, #tpu.memory_space<vmem_shared>>
        tpu.enqueue_indirect_dma source(%arg11 : memref<160x128xf32, #tpu.memory_space<vmem>>) target(%dma_start3A_54 : memref<10240x128xf32, #tpu.memory_space<vmem_shared>>) offsets(%arg8 : memref<160xi32, #tpu.memory_space<vmem>>) semaphore(%run_scoped3A : memref<!tpu.dma_semaphore, #tpu.memory_space<semaphore_mem>>) {add = true}
        %dma_wait3A_55 = arith.constant 0 : i32
        %dma_wait3A_56 = arith.constant 0 : i32
        %dma_wait3A_57 = tpu.memref_slice %arg13[%dma_wait3A_55, %dma_wait3A_56] : memref<10240x128xf32, #tpu.memory_space<vmem_shared>> -> memref<10240x128xf32, #tpu.memory_space<vmem_shared>>
        tpu.wait_indirect_dma semaphore(%run_scoped3A : memref<!tpu.dma_semaphore, #tpu.memory_space<semaphore_mem>>) src(%arg11 : memref<160x128xf32, #tpu.memory_space<vmem>>) dst(%dma_wait3A_57 : memref<10240x128xf32, #tpu.memory_space<vmem_shared>>)
        tpu.yield
      }) : () -> ()
      %dma_wait3A_39 = tpu.memref_slice %arg4[%mul3A_4] : memref<160000xi32, #tpu.memory_space<hbm>> -> memref<160xi32, #tpu.memory_space<hbm>>
      %dma_wait3A_40 = tpu.memref_slice %arg4[%mul3A_4] : memref<160000xi32, #tpu.memory_space<hbm>> -> memref<160xi32, #tpu.memory_space<hbm>>
      tpu.wait_dma2 semaphore(%arg15 : memref<!tpu.dma_semaphore, #tpu.memory_space<semaphore_mem>>) src(%dma_wait3A_40 : memref<160xi32, #tpu.memory_space<hbm>>) dst(%arg9 : memref<160xi32, #tpu.memory_space<vmem>>)
      %dma_wait3A_41 = arith.constant 0 : i32
      %dma_wait3A_42 = tpu.memref_slice %arg2[%mul3A_4, %dma_wait3A_41] : memref<160000x128xf32, #tpu.memory_space<hbm>> -> memref<160x128xf32, #tpu.memory_space<hbm>>
      %dma_wait3A_43 = arith.constant 0 : i32
      %dma_wait3A_44 = tpu.memref_slice %arg2[%mul3A_4, %dma_wait3A_43] : memref<160000x128xf32, #tpu.memory_space<hbm>> -> memref<160x128xf32, #tpu.memory_space<hbm>>
      tpu.wait_dma2 semaphore(%arg15 : memref<!tpu.dma_semaphore, #tpu.memory_space<semaphore_mem>>) src(%dma_wait3A_44 : memref<160x128xf32, #tpu.memory_space<hbm>>) dst(%arg12 : memref<160x128xf32, #tpu.memory_space<vmem>>)
      "tpu.region"() ({
        %run_scoped3A = tpu.sem_alloc : memref<!tpu.dma_semaphore, #tpu.memory_space<semaphore_mem>>
        %dma_start3A_52 = arith.constant 0 : i32
        %dma_start3A_53 = arith.constant 0 : i32
        %dma_start3A_54 = tpu.memref_slice %arg13[%dma_start3A_52, %dma_start3A_53] : memref<10240x128xf32, #tpu.memory_space<vmem_shared>> -> memref<10240x128xf32, #tpu.memory_space<vmem_shared>>
        tpu.enqueue_indirect_dma source(%arg12 : memref<160x128xf32, #tpu.memory_space<vmem>>) target(%dma_start3A_54 : memref<10240x128xf32, #tpu.memory_space<vmem_shared>>) offsets(%arg9 : memref<160xi32, #tpu.memory_space<vmem>>) semaphore(%run_scoped3A : memref<!tpu.dma_semaphore, #tpu.memory_space<semaphore_mem>>) {add = true}
        %dma_wait3A_55 = arith.constant 0 : i32
        %dma_wait3A_56 = arith.constant 0 : i32
        %dma_wait3A_57 = tpu.memref_slice %arg13[%dma_wait3A_55, %dma_wait3A_56] : memref<10240x128xf32, #tpu.memory_space<vmem_shared>> -> memref<10240x128xf32, #tpu.memory_space<vmem_shared>>
        tpu.wait_indirect_dma semaphore(%run_scoped3A : memref<!tpu.dma_semaphore, #tpu.memory_space<semaphore_mem>>) src(%arg12 : memref<160x128xf32, #tpu.memory_space<vmem>>) dst(%dma_wait3A_57 : memref<10240x128xf32, #tpu.memory_space<vmem_shared>>)
        tpu.yield
      }) : () -> ()
      %add3A_45 = arith.constant 9920 : i32
      %add3A_46 = arith.addi %mul3A_4, %add3A_45 : i32
      "tpu.region"() ({
        %run_scoped3A = tpu.sem_alloc : memref<!tpu.dma_semaphore, #tpu.memory_space<semaphore_mem>>
        %dma_start3A_52 = tpu.memref_slice %arg4[%add3A_46] : memref<160000xi32, #tpu.memory_space<hbm>> -> memref<80xi32, #tpu.memory_space<hbm>>
        %dma_start3A_53 = tpu.memref_slice %arg4[%add3A_46] : memref<160000xi32, #tpu.memory_space<hbm>> -> memref<80xi32, #tpu.memory_space<hbm>>
        tpu.enqueue_dma source(%dma_start3A_53 : memref<80xi32, #tpu.memory_space<hbm>>) target(%arg10 : memref<80xi32, #tpu.memory_space<vmem>>) target_semaphore(%run_scoped3A : memref<!tpu.dma_semaphore, #tpu.memory_space<semaphore_mem>>)
        %dma_wait3A_54 = tpu.memref_slice %arg4[%add3A_46] : memref<160000xi32, #tpu.memory_space<hbm>> -> memref<80xi32, #tpu.memory_space<hbm>>
        %dma_wait3A_55 = tpu.memref_slice %arg4[%add3A_46] : memref<160000xi32, #tpu.memory_space<hbm>> -> memref<80xi32, #tpu.memory_space<hbm>>
        tpu.wait_dma2 semaphore(%run_scoped3A : memref<!tpu.dma_semaphore, #tpu.memory_space<semaphore_mem>>) src(%dma_wait3A_55 : memref<80xi32, #tpu.memory_space<hbm>>) dst(%arg10 : memref<80xi32, #tpu.memory_space<vmem>>)
        tpu.yield
      }) : () -> ()
      "tpu.region"() ({
        %run_scoped3A = tpu.sem_alloc : memref<!tpu.dma_semaphore, #tpu.memory_space<semaphore_mem>>
        %dma_start3A_52 = arith.constant 0 : i32
        %dma_start3A_53 = arith.constant 0 : i32
        %dma_start3A_54 = tpu.memref_slice %arg11[%dma_start3A_52, %dma_start3A_53] : memref<160x128xf32, #tpu.memory_space<vmem>> -> memref<80x128xf32, #tpu.memory_space<vmem>>
        %dma_start3A_55 = arith.constant 0 : i32
        %dma_start3A_56 = tpu.memref_slice %arg2[%add3A_46, %dma_start3A_55] : memref<160000x128xf32, #tpu.memory_space<hbm>> -> memref<80x128xf32, #tpu.memory_space<hbm>>
        %dma_start3A_57 = arith.constant 0 : i32
        %dma_start3A_58 = arith.constant 0 : i32
        %dma_start3A_59 = tpu.memref_slice %arg11[%dma_start3A_57, %dma_start3A_58] : memref<160x128xf32, #tpu.memory_space<vmem>> -> memref<80x128xf32, #tpu.memory_space<vmem>>
        %dma_start3A_60 = arith.constant 0 : i32
        %dma_start3A_61 = tpu.memref_slice %arg2[%add3A_46, %dma_start3A_60] : memref<160000x128xf32, #tpu.memory_space<hbm>> -> memref<80x128xf32, #tpu.memory_space<hbm>>
        tpu.enqueue_dma source(%dma_start3A_61 : memref<80x128xf32, #tpu.memory_space<hbm>>) target(%dma_start3A_59 : memref<80x128xf32, #tpu.memory_space<vmem>>) target_semaphore(%run_scoped3A : memref<!tpu.dma_semaphore, #tpu.memory_space<semaphore_mem>>)
        %dma_wait3A_62 = arith.constant 0 : i32
        %dma_wait3A_63 = arith.constant 0 : i32
        %dma_wait3A_64 = tpu.memref_slice %arg11[%dma_wait3A_62, %dma_wait3A_63] : memref<160x128xf32, #tpu.memory_space<vmem>> -> memref<80x128xf32, #tpu.memory_space<vmem>>
        %dma_wait3A_65 = arith.constant 0 : i32
        %dma_wait3A_66 = tpu.memref_slice %arg2[%add3A_46, %dma_wait3A_65] : memref<160000x128xf32, #tpu.memory_space<hbm>> -> memref<80x128xf32, #tpu.memory_space<hbm>>
        %dma_wait3A_67 = arith.constant 0 : i32
        %dma_wait3A_68 = arith.constant 0 : i32
        %dma_wait3A_69 = tpu.memref_slice %arg11[%dma_wait3A_67, %dma_wait3A_68] : memref<160x128xf32, #tpu.memory_space<vmem>> -> memref<80x128xf32, #tpu.memory_space<vmem>>
        %dma_wait3A_70 = arith.constant 0 : i32
        %dma_wait3A_71 = tpu.memref_slice %arg2[%add3A_46, %dma_wait3A_70] : memref<160000x128xf32, #tpu.memory_space<hbm>> -> memref<80x128xf32, #tpu.memory_space<hbm>>
        tpu.wait_dma2 semaphore(%run_scoped3A : memref<!tpu.dma_semaphore, #tpu.memory_space<semaphore_mem>>) src(%dma_wait3A_71 : memref<80x128xf32, #tpu.memory_space<hbm>>) dst(%dma_wait3A_69 : memref<80x128xf32, #tpu.memory_space<vmem>>)
        tpu.yield
      }) : () -> ()
      "tpu.region"() ({
        %run_scoped3A = tpu.sem_alloc : memref<!tpu.dma_semaphore, #tpu.memory_space<semaphore_mem>>
        %dma_start3A_52 = arith.constant 0 : i32
        %dma_start3A_53 = arith.constant 0 : i32
        %dma_start3A_54 = tpu.memref_slice %arg11[%dma_start3A_52, %dma_start3A_53] : memref<160x128xf32, #tpu.memory_space<vmem>> -> memref<80x128xf32, #tpu.memory_space<vmem>>
        %dma_start3A_55 = arith.constant 0 : i32
        %dma_start3A_56 = arith.constant 0 : i32
        %dma_start3A_57 = tpu.memref_slice %arg13[%dma_start3A_55, %dma_start3A_56] : memref<10240x128xf32, #tpu.memory_space<vmem_shared>> -> memref<10240x128xf32, #tpu.memory_space<vmem_shared>>
        tpu.enqueue_indirect_dma source(%dma_start3A_54 : memref<80x128xf32, #tpu.memory_space<vmem>>) target(%dma_start3A_57 : memref<10240x128xf32, #tpu.memory_space<vmem_shared>>) offsets(%arg10 : memref<80xi32, #tpu.memory_space<vmem>>) semaphore(%run_scoped3A : memref<!tpu.dma_semaphore, #tpu.memory_space<semaphore_mem>>) {add = true}
        %dma_wait3A_58 = arith.constant 0 : i32
        %dma_wait3A_59 = arith.constant 0 : i32
        %dma_wait3A_60 = tpu.memref_slice %arg11[%dma_wait3A_58, %dma_wait3A_59] : memref<160x128xf32, #tpu.memory_space<vmem>> -> memref<80x128xf32, #tpu.memory_space<vmem>>
        %dma_wait3A_61 = arith.constant 0 : i32
        %dma_wait3A_62 = arith.constant 0 : i32
        %dma_wait3A_63 = tpu.memref_slice %arg13[%dma_wait3A_61, %dma_wait3A_62] : memref<10240x128xf32, #tpu.memory_space<vmem_shared>> -> memref<10240x128xf32, #tpu.memory_space<vmem_shared>>
        tpu.wait_indirect_dma semaphore(%run_scoped3A : memref<!tpu.dma_semaphore, #tpu.memory_space<semaphore_mem>>) src(%dma_wait3A_60 : memref<80x128xf32, #tpu.memory_space<vmem>>) dst(%dma_wait3A_63 : memref<10240x128xf32, #tpu.memory_space<vmem_shared>>)
        tpu.yield
      }) : () -> ()
      %barrier3A_47 = arith.constant 0 : index
      tpu.barrier barrier_id(%barrier3A_47)
      %mul3A_48 = arith.constant 640 : i32
      %mul3A_49 = arith.muli %arg1, %mul3A_48 : i32
      %mul3A_50 = arith.constant 640 : i32
      %mul3A_51 = arith.muli %arg1, %mul3A_50 : i32
      "tpu.region"() ({
        %run_scoped3A = tpu.sem_alloc : memref<!tpu.dma_semaphore, #tpu.memory_space<semaphore_mem>>
        %dma_start3A_52 = arith.constant 0 : i32
        %dma_start3A_53 = tpu.memref_slice %arg6[%mul3A_51, %dma_start3A_52] : memref<10240x128xf32, #tpu.memory_space<hbm>> -> memref<640x128xf32, #tpu.memory_space<hbm>>
        %dma_start3A_54 = arith.constant 0 : i32
        %dma_start3A_55 = tpu.memref_slice %arg13[%mul3A_49, %dma_start3A_54] : memref<10240x128xf32, #tpu.memory_space<vmem_shared>> -> memref<640x128xf32, #tpu.memory_space<vmem_shared>>
        tpu.enqueue_dma source(%dma_start3A_55 : memref<640x128xf32, #tpu.memory_space<vmem_shared>>) target(%dma_start3A_53 : memref<640x128xf32, #tpu.memory_space<hbm>>) target_semaphore(%run_scoped3A : memref<!tpu.dma_semaphore, #tpu.memory_space<semaphore_mem>>)
        %dma_wait3A_56 = arith.constant 0 : i32
        %dma_wait3A_57 = tpu.memref_slice %arg6[%mul3A_51, %dma_wait3A_56] : memref<10240x128xf32, #tpu.memory_space<hbm>> -> memref<640x128xf32, #tpu.memory_space<hbm>>
        %dma_wait3A_58 = arith.constant 0 : i32
        %dma_wait3A_59 = tpu.memref_slice %arg13[%mul3A_49, %dma_wait3A_58] : memref<10240x128xf32, #tpu.memory_space<vmem_shared>> -> memref<640x128xf32, #tpu.memory_space<vmem_shared>>
        tpu.wait_dma2 semaphore(%run_scoped3A : memref<!tpu.dma_semaphore, #tpu.memory_space<semaphore_mem>>) src(%dma_wait3A_59 : memref<640x128xf32, #tpu.memory_space<vmem_shared>>) dst(%dma_wait3A_57 : memref<640x128xf32, #tpu.memory_space<hbm>>)
        tpu.yield
      }) : () -> ()
    } else {
    }
    %eq3A_7 = arith.constant 1 : i32
    %eq3A_8 = arith.cmpi eq, %arg0, %eq3A_7 : i32
    %convert_element_type3A_9 = arith.extui %eq3A_8 : i1 to i32
    %cond3A_10 = arith.constant 0 : i32
    %cond3A_11 = arith.cmpi ne, %convert_element_type3A_9, %cond3A_10 : i32
    scf.if %cond3A_11 {
      %add3A = arith.constant 0 : i32
      %add3A_12 = arith.addi %mul3A_4, %add3A : i32
      %dma_start3A = tpu.memref_slice %arg4[%add3A_12] : memref<160000xi32, #tpu.memory_space<hbm>> -> memref<160xi32, #tpu.memory_space<hbm>>
      %dma_start3A_13 = tpu.memref_slice %arg4[%add3A_12] : memref<160000xi32, #tpu.memory_space<hbm>> -> memref<160xi32, #tpu.memory_space<hbm>>
      tpu.enqueue_dma source(%dma_start3A_13 : memref<160xi32, #tpu.memory_space<hbm>>) target(%arg8 : memref<160xi32, #tpu.memory_space<vmem>>) target_semaphore(%arg14 : memref<!tpu.dma_semaphore, #tpu.memory_space<semaphore_mem>>)
      %add3A_14 = arith.constant 0 : i32
      %add3A_15 = arith.addi %mul3A_4, %add3A_14 : i32
      %dma_start3A_16 = arith.constant 0 : i32
      %dma_start3A_17 = tpu.memref_slice %arg3[%add3A_15, %dma_start3A_16] : memref<160000x128xf32, #tpu.memory_space<hbm>> -> memref<160x128xf32, #tpu.memory_space<hbm>>
      %dma_start3A_18 = arith.constant 0 : i32
      %dma_start3A_19 = tpu.memref_slice %arg3[%add3A_15, %dma_start3A_18] : memref<160000x128xf32, #tpu.memory_space<hbm>> -> memref<160x128xf32, #tpu.memory_space<hbm>>
      tpu.enqueue_dma source(%dma_start3A_19 : memref<160x128xf32, #tpu.memory_space<hbm>>) target(%arg11 : memref<160x128xf32, #tpu.memory_space<vmem>>) target_semaphore(%arg14 : memref<!tpu.dma_semaphore, #tpu.memory_space<semaphore_mem>>)
      %add3A_20 = arith.constant 160 : i32
      %add3A_21 = arith.addi %mul3A_4, %add3A_20 : i32
      %dma_start3A_22 = tpu.memref_slice %arg4[%add3A_21] : memref<160000xi32, #tpu.memory_space<hbm>> -> memref<160xi32, #tpu.memory_space<hbm>>
      %dma_start3A_23 = tpu.memref_slice %arg4[%add3A_21] : memref<160000xi32, #tpu.memory_space<hbm>> -> memref<160xi32, #tpu.memory_space<hbm>>
      tpu.enqueue_dma source(%dma_start3A_23 : memref<160xi32, #tpu.memory_space<hbm>>) target(%arg9 : memref<160xi32, #tpu.memory_space<vmem>>) target_semaphore(%arg15 : memref<!tpu.dma_semaphore, #tpu.memory_space<semaphore_mem>>)
      %add3A_24 = arith.constant 160 : i32
      %add3A_25 = arith.addi %mul3A_4, %add3A_24 : i32
      %dma_start3A_26 = arith.constant 0 : i32
      %dma_start3A_27 = tpu.memref_slice %arg3[%add3A_25, %dma_start3A_26] : memref<160000x128xf32, #tpu.memory_space<hbm>> -> memref<160x128xf32, #tpu.memory_space<hbm>>
      %dma_start3A_28 = arith.constant 0 : i32
      %dma_start3A_29 = tpu.memref_slice %arg3[%add3A_25, %dma_start3A_28] : memref<160000x128xf32, #tpu.memory_space<hbm>> -> memref<160x128xf32, #tpu.memory_space<hbm>>
      tpu.enqueue_dma source(%dma_start3A_29 : memref<160x128xf32, #tpu.memory_space<hbm>>) target(%arg12 : memref<160x128xf32, #tpu.memory_space<vmem>>) target_semaphore(%arg15 : memref<!tpu.dma_semaphore, #tpu.memory_space<semaphore_mem>>)
      %scan3A = arith.constant 0 : i32
      %scan3A_30 = arith.constant 30 : i32
      %scan3A_31 = arith.addi %scan3A, %scan3A_30 : i32
      %scan3A_32 = arith.constant 1 : i32
      scf.for %scan3A_52 = %scan3A to %scan3A_31 step %scan3A_32  : i32 {
        %mul3A_53 = arith.constant 1 : i32
        %mul3A_54 = arith.muli %scan3A_52, %mul3A_53 : i32
        %add3A_55 = arith.constant 0 : i32
        %add3A_56 = arith.addi %add3A_55, %mul3A_54 : i32
        %mul3A_57 = arith.constant 2 : i32
        %mul3A_58 = arith.muli %add3A_56, %mul3A_57 : i32
        %dma_wait3A_59 = tpu.memref_slice %arg4[%mul3A_4] : memref<160000xi32, #tpu.memory_space<hbm>> -> memref<160xi32, #tpu.memory_space<hbm>>
        %dma_wait3A_60 = tpu.memref_slice %arg4[%mul3A_4] : memref<160000xi32, #tpu.memory_space<hbm>> -> memref<160xi32, #tpu.memory_space<hbm>>
        tpu.wait_dma2 semaphore(%arg14 : memref<!tpu.dma_semaphore, #tpu.memory_space<semaphore_mem>>) src(%dma_wait3A_60 : memref<160xi32, #tpu.memory_space<hbm>>) dst(%arg8 : memref<160xi32, #tpu.memory_space<vmem>>)
        %dma_wait3A_61 = arith.constant 0 : i32
        %dma_wait3A_62 = tpu.memref_slice %arg3[%mul3A_4, %dma_wait3A_61] : memref<160000x128xf32, #tpu.memory_space<hbm>> -> memref<160x128xf32, #tpu.memory_space<hbm>>
        %dma_wait3A_63 = arith.constant 0 : i32
        %dma_wait3A_64 = tpu.memref_slice %arg3[%mul3A_4, %dma_wait3A_63] : memref<160000x128xf32, #tpu.memory_space<hbm>> -> memref<160x128xf32, #tpu.memory_space<hbm>>
        tpu.wait_dma2 semaphore(%arg14 : memref<!tpu.dma_semaphore, #tpu.memory_space<semaphore_mem>>) src(%dma_wait3A_64 : memref<160x128xf32, #tpu.memory_space<hbm>>) dst(%arg11 : memref<160x128xf32, #tpu.memory_space<vmem>>)
        "tpu.region"() ({
          %run_scoped3A = tpu.sem_alloc : memref<!tpu.dma_semaphore, #tpu.memory_space<semaphore_mem>>
          %dma_start3A_99 = arith.constant 0 : i32
          %dma_start3A_100 = arith.constant 0 : i32
          %dma_start3A_101 = tpu.memref_slice %arg13[%dma_start3A_99, %dma_start3A_100] : memref<10240x128xf32, #tpu.memory_space<vmem_shared>> -> memref<10240x128xf32, #tpu.memory_space<vmem_shared>>
          tpu.enqueue_indirect_dma source(%arg11 : memref<160x128xf32, #tpu.memory_space<vmem>>) target(%dma_start3A_101 : memref<10240x128xf32, #tpu.memory_space<vmem_shared>>) offsets(%arg8 : memref<160xi32, #tpu.memory_space<vmem>>) semaphore(%run_scoped3A : memref<!tpu.dma_semaphore, #tpu.memory_space<semaphore_mem>>) {add = true}
          %dma_wait3A_102 = arith.constant 0 : i32
          %dma_wait3A_103 = arith.constant 0 : i32
          %dma_wait3A_104 = tpu.memref_slice %arg13[%dma_wait3A_102, %dma_wait3A_103] : memref<10240x128xf32, #tpu.memory_space<vmem_shared>> -> memref<10240x128xf32, #tpu.memory_space<vmem_shared>>
          tpu.wait_indirect_dma semaphore(%run_scoped3A : memref<!tpu.dma_semaphore, #tpu.memory_space<semaphore_mem>>) src(%arg11 : memref<160x128xf32, #tpu.memory_space<vmem>>) dst(%dma_wait3A_104 : memref<10240x128xf32, #tpu.memory_space<vmem_shared>>)
          tpu.yield
        }) : () -> ()
        %add3A_65 = arith.constant 2 : i32
        %add3A_66 = arith.addi %mul3A_58, %add3A_65 : i32
        %mul3A_67 = arith.constant 160 : i32
        %mul3A_68 = arith.muli %add3A_66, %mul3A_67 : i32
        %add3A_69 = arith.addi %mul3A_4, %mul3A_68 : i32
        %dma_start3A_70 = tpu.memref_slice %arg4[%add3A_69] : memref<160000xi32, #tpu.memory_space<hbm>> -> memref<160xi32, #tpu.memory_space<hbm>>
        %dma_start3A_71 = tpu.memref_slice %arg4[%add3A_69] : memref<160000xi32, #tpu.memory_space<hbm>> -> memref<160xi32, #tpu.memory_space<hbm>>
        tpu.enqueue_dma source(%dma_start3A_71 : memref<160xi32, #tpu.memory_space<hbm>>) target(%arg8 : memref<160xi32, #tpu.memory_space<vmem>>) target_semaphore(%arg14 : memref<!tpu.dma_semaphore, #tpu.memory_space<semaphore_mem>>)
        %mul3A_72 = arith.constant 160 : i32
        %mul3A_73 = arith.muli %add3A_66, %mul3A_72 : i32
        %add3A_74 = arith.addi %mul3A_4, %mul3A_73 : i32
        %dma_start3A_75 = arith.constant 0 : i32
        %dma_start3A_76 = tpu.memref_slice %arg3[%add3A_74, %dma_start3A_75] : memref<160000x128xf32, #tpu.memory_space<hbm>> -> memref<160x128xf32, #tpu.memory_space<hbm>>
        %dma_start3A_77 = arith.constant 0 : i32
        %dma_start3A_78 = tpu.memref_slice %arg3[%add3A_74, %dma_start3A_77] : memref<160000x128xf32, #tpu.memory_space<hbm>> -> memref<160x128xf32, #tpu.memory_space<hbm>>
        tpu.enqueue_dma source(%dma_start3A_78 : memref<160x128xf32, #tpu.memory_space<hbm>>) target(%arg11 : memref<160x128xf32, #tpu.memory_space<vmem>>) target_semaphore(%arg14 : memref<!tpu.dma_semaphore, #tpu.memory_space<semaphore_mem>>)
        %dma_wait3A_79 = tpu.memref_slice %arg4[%mul3A_4] : memref<160000xi32, #tpu.memory_space<hbm>> -> memref<160xi32, #tpu.memory_space<hbm>>
        %dma_wait3A_80 = tpu.memref_slice %arg4[%mul3A_4] : memref<160000xi32, #tpu.memory_space<hbm>> -> memref<160xi32, #tpu.memory_space<hbm>>
        tpu.wait_dma2 semaphore(%arg15 : memref<!tpu.dma_semaphore, #tpu.memory_space<semaphore_mem>>) src(%dma_wait3A_80 : memref<160xi32, #tpu.memory_space<hbm>>) dst(%arg9 : memref<160xi32, #tpu.memory_space<vmem>>)
        %dma_wait3A_81 = arith.constant 0 : i32
        %dma_wait3A_82 = tpu.memref_slice %arg3[%mul3A_4, %dma_wait3A_81] : memref<160000x128xf32, #tpu.memory_space<hbm>> -> memref<160x128xf32, #tpu.memory_space<hbm>>
        %dma_wait3A_83 = arith.constant 0 : i32
        %dma_wait3A_84 = tpu.memref_slice %arg3[%mul3A_4, %dma_wait3A_83] : memref<160000x128xf32, #tpu.memory_space<hbm>> -> memref<160x128xf32, #tpu.memory_space<hbm>>
        tpu.wait_dma2 semaphore(%arg15 : memref<!tpu.dma_semaphore, #tpu.memory_space<semaphore_mem>>) src(%dma_wait3A_84 : memref<160x128xf32, #tpu.memory_space<hbm>>) dst(%arg12 : memref<160x128xf32, #tpu.memory_space<vmem>>)
        "tpu.region"() ({
          %run_scoped3A = tpu.sem_alloc : memref<!tpu.dma_semaphore, #tpu.memory_space<semaphore_mem>>
          %dma_start3A_99 = arith.constant 0 : i32
          %dma_start3A_100 = arith.constant 0 : i32
          %dma_start3A_101 = tpu.memref_slice %arg13[%dma_start3A_99, %dma_start3A_100] : memref<10240x128xf32, #tpu.memory_space<vmem_shared>> -> memref<10240x128xf32, #tpu.memory_space<vmem_shared>>
          tpu.enqueue_indirect_dma source(%arg12 : memref<160x128xf32, #tpu.memory_space<vmem>>) target(%dma_start3A_101 : memref<10240x128xf32, #tpu.memory_space<vmem_shared>>) offsets(%arg9 : memref<160xi32, #tpu.memory_space<vmem>>) semaphore(%run_scoped3A : memref<!tpu.dma_semaphore, #tpu.memory_space<semaphore_mem>>) {add = true}
          %dma_wait3A_102 = arith.constant 0 : i32
          %dma_wait3A_103 = arith.constant 0 : i32
          %dma_wait3A_104 = tpu.memref_slice %arg13[%dma_wait3A_102, %dma_wait3A_103] : memref<10240x128xf32, #tpu.memory_space<vmem_shared>> -> memref<10240x128xf32, #tpu.memory_space<vmem_shared>>
          tpu.wait_indirect_dma semaphore(%run_scoped3A : memref<!tpu.dma_semaphore, #tpu.memory_space<semaphore_mem>>) src(%arg12 : memref<160x128xf32, #tpu.memory_space<vmem>>) dst(%dma_wait3A_104 : memref<10240x128xf32, #tpu.memory_space<vmem_shared>>)
          tpu.yield
        }) : () -> ()
        %add3A_85 = arith.constant 3 : i32
        %add3A_86 = arith.addi %mul3A_58, %add3A_85 : i32
        %mul3A_87 = arith.constant 160 : i32
        %mul3A_88 = arith.muli %add3A_86, %mul3A_87 : i32
        %add3A_89 = arith.addi %mul3A_4, %mul3A_88 : i32
        %dma_start3A_90 = tpu.memref_slice %arg4[%add3A_89] : memref<160000xi32, #tpu.memory_space<hbm>> -> memref<160xi32, #tpu.memory_space<hbm>>
        %dma_start3A_91 = tpu.memref_slice %arg4[%add3A_89] : memref<160000xi32, #tpu.memory_space<hbm>> -> memref<160xi32, #tpu.memory_space<hbm>>
        tpu.enqueue_dma source(%dma_start3A_91 : memref<160xi32, #tpu.memory_space<hbm>>) target(%arg9 : memref<160xi32, #tpu.memory_space<vmem>>) target_semaphore(%arg15 : memref<!tpu.dma_semaphore, #tpu.memory_space<semaphore_mem>>)
        %mul3A_92 = arith.constant 160 : i32
        %mul3A_93 = arith.muli %add3A_86, %mul3A_92 : i32
        %add3A_94 = arith.addi %mul3A_4, %mul3A_93 : i32
        %dma_start3A_95 = arith.constant 0 : i32
        %dma_start3A_96 = tpu.memref_slice %arg3[%add3A_94, %dma_start3A_95] : memref<160000x128xf32, #tpu.memory_space<hbm>> -> memref<160x128xf32, #tpu.memory_space<hbm>>
        %dma_start3A_97 = arith.constant 0 : i32
        %dma_start3A_98 = tpu.memref_slice %arg3[%add3A_94, %dma_start3A_97] : memref<160000x128xf32, #tpu.memory_space<hbm>> -> memref<160x128xf32, #tpu.memory_space<hbm>>
        tpu.enqueue_dma source(%dma_start3A_98 : memref<160x128xf32, #tpu.memory_space<hbm>>) target(%arg12 : memref<160x128xf32, #tpu.memory_space<vmem>>) target_semaphore(%arg15 : memref<!tpu.dma_semaphore, #tpu.memory_space<semaphore_mem>>)
      }
      %scan3A_33 = arith.constant 30 : i32
      %dma_wait3A = tpu.memref_slice %arg4[%mul3A_4] : memref<160000xi32, #tpu.memory_space<hbm>> -> memref<160xi32, #tpu.memory_space<hbm>>
      %dma_wait3A_34 = tpu.memref_slice %arg4[%mul3A_4] : memref<160000xi32, #tpu.memory_space<hbm>> -> memref<160xi32, #tpu.memory_space<hbm>>
      tpu.wait_dma2 semaphore(%arg14 : memref<!tpu.dma_semaphore, #tpu.memory_space<semaphore_mem>>) src(%dma_wait3A_34 : memref<160xi32, #tpu.memory_space<hbm>>) dst(%arg8 : memref<160xi32, #tpu.memory_space<vmem>>)
      %dma_wait3A_35 = arith.constant 0 : i32
      %dma_wait3A_36 = tpu.memref_slice %arg3[%mul3A_4, %dma_wait3A_35] : memref<160000x128xf32, #tpu.memory_space<hbm>> -> memref<160x128xf32, #tpu.memory_space<hbm>>
      %dma_wait3A_37 = arith.constant 0 : i32
      %dma_wait3A_38 = tpu.memref_slice %arg3[%mul3A_4, %dma_wait3A_37] : memref<160000x128xf32, #tpu.memory_space<hbm>> -> memref<160x128xf32, #tpu.memory_space<hbm>>
      tpu.wait_dma2 semaphore(%arg14 : memref<!tpu.dma_semaphore, #tpu.memory_space<semaphore_mem>>) src(%dma_wait3A_38 : memref<160x128xf32, #tpu.memory_space<hbm>>) dst(%arg11 : memref<160x128xf32, #tpu.memory_space<vmem>>)
      "tpu.region"() ({
        %run_scoped3A = tpu.sem_alloc : memref<!tpu.dma_semaphore, #tpu.memory_space<semaphore_mem>>
        %dma_start3A_52 = arith.constant 0 : i32
        %dma_start3A_53 = arith.constant 0 : i32
        %dma_start3A_54 = tpu.memref_slice %arg13[%dma_start3A_52, %dma_start3A_53] : memref<10240x128xf32, #tpu.memory_space<vmem_shared>> -> memref<10240x128xf32, #tpu.memory_space<vmem_shared>>
        tpu.enqueue_indirect_dma source(%arg11 : memref<160x128xf32, #tpu.memory_space<vmem>>) target(%dma_start3A_54 : memref<10240x128xf32, #tpu.memory_space<vmem_shared>>) offsets(%arg8 : memref<160xi32, #tpu.memory_space<vmem>>) semaphore(%run_scoped3A : memref<!tpu.dma_semaphore, #tpu.memory_space<semaphore_mem>>) {add = true}
        %dma_wait3A_55 = arith.constant 0 : i32
        %dma_wait3A_56 = arith.constant 0 : i32
        %dma_wait3A_57 = tpu.memref_slice %arg13[%dma_wait3A_55, %dma_wait3A_56] : memref<10240x128xf32, #tpu.memory_space<vmem_shared>> -> memref<10240x128xf32, #tpu.memory_space<vmem_shared>>
        tpu.wait_indirect_dma semaphore(%run_scoped3A : memref<!tpu.dma_semaphore, #tpu.memory_space<semaphore_mem>>) src(%arg11 : memref<160x128xf32, #tpu.memory_space<vmem>>) dst(%dma_wait3A_57 : memref<10240x128xf32, #tpu.memory_space<vmem_shared>>)
        tpu.yield
      }) : () -> ()
      %dma_wait3A_39 = tpu.memref_slice %arg4[%mul3A_4] : memref<160000xi32, #tpu.memory_space<hbm>> -> memref<160xi32, #tpu.memory_space<hbm>>
      %dma_wait3A_40 = tpu.memref_slice %arg4[%mul3A_4] : memref<160000xi32, #tpu.memory_space<hbm>> -> memref<160xi32, #tpu.memory_space<hbm>>
      tpu.wait_dma2 semaphore(%arg15 : memref<!tpu.dma_semaphore, #tpu.memory_space<semaphore_mem>>) src(%dma_wait3A_40 : memref<160xi32, #tpu.memory_space<hbm>>) dst(%arg9 : memref<160xi32, #tpu.memory_space<vmem>>)
      %dma_wait3A_41 = arith.constant 0 : i32
      %dma_wait3A_42 = tpu.memref_slice %arg3[%mul3A_4, %dma_wait3A_41] : memref<160000x128xf32, #tpu.memory_space<hbm>> -> memref<160x128xf32, #tpu.memory_space<hbm>>
      %dma_wait3A_43 = arith.constant 0 : i32
      %dma_wait3A_44 = tpu.memref_slice %arg3[%mul3A_4, %dma_wait3A_43] : memref<160000x128xf32, #tpu.memory_space<hbm>> -> memref<160x128xf32, #tpu.memory_space<hbm>>
      tpu.wait_dma2 semaphore(%arg15 : memref<!tpu.dma_semaphore, #tpu.memory_space<semaphore_mem>>) src(%dma_wait3A_44 : memref<160x128xf32, #tpu.memory_space<hbm>>) dst(%arg12 : memref<160x128xf32, #tpu.memory_space<vmem>>)
      "tpu.region"() ({
        %run_scoped3A = tpu.sem_alloc : memref<!tpu.dma_semaphore, #tpu.memory_space<semaphore_mem>>
        %dma_start3A_52 = arith.constant 0 : i32
        %dma_start3A_53 = arith.constant 0 : i32
        %dma_start3A_54 = tpu.memref_slice %arg13[%dma_start3A_52, %dma_start3A_53] : memref<10240x128xf32, #tpu.memory_space<vmem_shared>> -> memref<10240x128xf32, #tpu.memory_space<vmem_shared>>
        tpu.enqueue_indirect_dma source(%arg12 : memref<160x128xf32, #tpu.memory_space<vmem>>) target(%dma_start3A_54 : memref<10240x128xf32, #tpu.memory_space<vmem_shared>>) offsets(%arg9 : memref<160xi32, #tpu.memory_space<vmem>>) semaphore(%run_scoped3A : memref<!tpu.dma_semaphore, #tpu.memory_space<semaphore_mem>>) {add = true}
        %dma_wait3A_55 = arith.constant 0 : i32
        %dma_wait3A_56 = arith.constant 0 : i32
        %dma_wait3A_57 = tpu.memref_slice %arg13[%dma_wait3A_55, %dma_wait3A_56] : memref<10240x128xf32, #tpu.memory_space<vmem_shared>> -> memref<10240x128xf32, #tpu.memory_space<vmem_shared>>
        tpu.wait_indirect_dma semaphore(%run_scoped3A : memref<!tpu.dma_semaphore, #tpu.memory_space<semaphore_mem>>) src(%arg12 : memref<160x128xf32, #tpu.memory_space<vmem>>) dst(%dma_wait3A_57 : memref<10240x128xf32, #tpu.memory_space<vmem_shared>>)
        tpu.yield
      }) : () -> ()
      %add3A_45 = arith.constant 9920 : i32
      %add3A_46 = arith.addi %mul3A_4, %add3A_45 : i32
      "tpu.region"() ({
        %run_scoped3A = tpu.sem_alloc : memref<!tpu.dma_semaphore, #tpu.memory_space<semaphore_mem>>
        %dma_start3A_52 = tpu.memref_slice %arg4[%add3A_46] : memref<160000xi32, #tpu.memory_space<hbm>> -> memref<80xi32, #tpu.memory_space<hbm>>
        %dma_start3A_53 = tpu.memref_slice %arg4[%add3A_46] : memref<160000xi32, #tpu.memory_space<hbm>> -> memref<80xi32, #tpu.memory_space<hbm>>
        tpu.enqueue_dma source(%dma_start3A_53 : memref<80xi32, #tpu.memory_space<hbm>>) target(%arg10 : memref<80xi32, #tpu.memory_space<vmem>>) target_semaphore(%run_scoped3A : memref<!tpu.dma_semaphore, #tpu.memory_space<semaphore_mem>>)
        %dma_wait3A_54 = tpu.memref_slice %arg4[%add3A_46] : memref<160000xi32, #tpu.memory_space<hbm>> -> memref<80xi32, #tpu.memory_space<hbm>>
        %dma_wait3A_55 = tpu.memref_slice %arg4[%add3A_46] : memref<160000xi32, #tpu.memory_space<hbm>> -> memref<80xi32, #tpu.memory_space<hbm>>
        tpu.wait_dma2 semaphore(%run_scoped3A : memref<!tpu.dma_semaphore, #tpu.memory_space<semaphore_mem>>) src(%dma_wait3A_55 : memref<80xi32, #tpu.memory_space<hbm>>) dst(%arg10 : memref<80xi32, #tpu.memory_space<vmem>>)
        tpu.yield
      }) : () -> ()
      "tpu.region"() ({
        %run_scoped3A = tpu.sem_alloc : memref<!tpu.dma_semaphore, #tpu.memory_space<semaphore_mem>>
        %dma_start3A_52 = arith.constant 0 : i32
        %dma_start3A_53 = arith.constant 0 : i32
        %dma_start3A_54 = tpu.memref_slice %arg11[%dma_start3A_52, %dma_start3A_53] : memref<160x128xf32, #tpu.memory_space<vmem>> -> memref<80x128xf32, #tpu.memory_space<vmem>>
        %dma_start3A_55 = arith.constant 0 : i32
        %dma_start3A_56 = tpu.memref_slice %arg3[%add3A_46, %dma_start3A_55] : memref<160000x128xf32, #tpu.memory_space<hbm>> -> memref<80x128xf32, #tpu.memory_space<hbm>>
        %dma_start3A_57 = arith.constant 0 : i32
        %dma_start3A_58 = arith.constant 0 : i32
        %dma_start3A_59 = tpu.memref_slice %arg11[%dma_start3A_57, %dma_start3A_58] : memref<160x128xf32, #tpu.memory_space<vmem>> -> memref<80x128xf32, #tpu.memory_space<vmem>>
        %dma_start3A_60 = arith.constant 0 : i32
        %dma_start3A_61 = tpu.memref_slice %arg3[%add3A_46, %dma_start3A_60] : memref<160000x128xf32, #tpu.memory_space<hbm>> -> memref<80x128xf32, #tpu.memory_space<hbm>>
        tpu.enqueue_dma source(%dma_start3A_61 : memref<80x128xf32, #tpu.memory_space<hbm>>) target(%dma_start3A_59 : memref<80x128xf32, #tpu.memory_space<vmem>>) target_semaphore(%run_scoped3A : memref<!tpu.dma_semaphore, #tpu.memory_space<semaphore_mem>>)
        %dma_wait3A_62 = arith.constant 0 : i32
        %dma_wait3A_63 = arith.constant 0 : i32
        %dma_wait3A_64 = tpu.memref_slice %arg11[%dma_wait3A_62, %dma_wait3A_63] : memref<160x128xf32, #tpu.memory_space<vmem>> -> memref<80x128xf32, #tpu.memory_space<vmem>>
        %dma_wait3A_65 = arith.constant 0 : i32
        %dma_wait3A_66 = tpu.memref_slice %arg3[%add3A_46, %dma_wait3A_65] : memref<160000x128xf32, #tpu.memory_space<hbm>> -> memref<80x128xf32, #tpu.memory_space<hbm>>
        %dma_wait3A_67 = arith.constant 0 : i32
        %dma_wait3A_68 = arith.constant 0 : i32
        %dma_wait3A_69 = tpu.memref_slice %arg11[%dma_wait3A_67, %dma_wait3A_68] : memref<160x128xf32, #tpu.memory_space<vmem>> -> memref<80x128xf32, #tpu.memory_space<vmem>>
        %dma_wait3A_70 = arith.constant 0 : i32
        %dma_wait3A_71 = tpu.memref_slice %arg3[%add3A_46, %dma_wait3A_70] : memref<160000x128xf32, #tpu.memory_space<hbm>> -> memref<80x128xf32, #tpu.memory_space<hbm>>
        tpu.wait_dma2 semaphore(%run_scoped3A : memref<!tpu.dma_semaphore, #tpu.memory_space<semaphore_mem>>) src(%dma_wait3A_71 : memref<80x128xf32, #tpu.memory_space<hbm>>) dst(%dma_wait3A_69 : memref<80x128xf32, #tpu.memory_space<vmem>>)
        tpu.yield
      }) : () -> ()
      "tpu.region"() ({
        %run_scoped3A = tpu.sem_alloc : memref<!tpu.dma_semaphore, #tpu.memory_space<semaphore_mem>>
        %dma_start3A_52 = arith.constant 0 : i32
        %dma_start3A_53 = arith.constant 0 : i32
        %dma_start3A_54 = tpu.memref_slice %arg11[%dma_start3A_52, %dma_start3A_53] : memref<160x128xf32, #tpu.memory_space<vmem>> -> memref<80x128xf32, #tpu.memory_space<vmem>>
        %dma_start3A_55 = arith.constant 0 : i32
        %dma_start3A_56 = arith.constant 0 : i32
        %dma_start3A_57 = tpu.memref_slice %arg13[%dma_start3A_55, %dma_start3A_56] : memref<10240x128xf32, #tpu.memory_space<vmem_shared>> -> memref<10240x128xf32, #tpu.memory_space<vmem_shared>>
        tpu.enqueue_indirect_dma source(%dma_start3A_54 : memref<80x128xf32, #tpu.memory_space<vmem>>) target(%dma_start3A_57 : memref<10240x128xf32, #tpu.memory_space<vmem_shared>>) offsets(%arg10 : memref<80xi32, #tpu.memory_space<vmem>>) semaphore(%run_scoped3A : memref<!tpu.dma_semaphore, #tpu.memory_space<semaphore_mem>>) {add = true}
        %dma_wait3A_58 = arith.constant 0 : i32
        %dma_wait3A_59 = arith.constant 0 : i32
        %dma_wait3A_60 = tpu.memref_slice %arg11[%dma_wait3A_58, %dma_wait3A_59] : memref<160x128xf32, #tpu.memory_space<vmem>> -> memref<80x128xf32, #tpu.memory_space<vmem>>
        %dma_wait3A_61 = arith.constant 0 : i32
        %dma_wait3A_62 = arith.constant 0 : i32
        %dma_wait3A_63 = tpu.memref_slice %arg13[%dma_wait3A_61, %dma_wait3A_62] : memref<10240x128xf32, #tpu.memory_space<vmem_shared>> -> memref<10240x128xf32, #tpu.memory_space<vmem_shared>>
        tpu.wait_indirect_dma semaphore(%run_scoped3A : memref<!tpu.dma_semaphore, #tpu.memory_space<semaphore_mem>>) src(%dma_wait3A_60 : memref<80x128xf32, #tpu.memory_space<vmem>>) dst(%dma_wait3A_63 : memref<10240x128xf32, #tpu.memory_space<vmem_shared>>)
        tpu.yield
      }) : () -> ()
      %barrier3A_47 = arith.constant 0 : index
      tpu.barrier barrier_id(%barrier3A_47)
      %mul3A_48 = arith.constant 640 : i32
      %mul3A_49 = arith.muli %arg1, %mul3A_48 : i32
      %mul3A_50 = arith.constant 640 : i32
      %mul3A_51 = arith.muli %arg1, %mul3A_50 : i32
      "tpu.region"() ({
        %run_scoped3A = tpu.sem_alloc : memref<!tpu.dma_semaphore, #tpu.memory_space<semaphore_mem>>
        %dma_start3A_52 = arith.constant 0 : i32
        %dma_start3A_53 = tpu.memref_slice %arg7[%mul3A_51, %dma_start3A_52] : memref<10240x128xf32, #tpu.memory_space<hbm>> -> memref<640x128xf32, #tpu.memory_space<hbm>>
        %dma_start3A_54 = arith.constant 0 : i32
        %dma_start3A_55 = tpu.memref_slice %arg13[%mul3A_49, %dma_start3A_54] : memref<10240x128xf32, #tpu.memory_space<vmem_shared>> -> memref<640x128xf32, #tpu.memory_space<vmem_shared>>
        tpu.enqueue_dma source(%dma_start3A_55 : memref<640x128xf32, #tpu.memory_space<vmem_shared>>) target(%dma_start3A_53 : memref<640x128xf32, #tpu.memory_space<hbm>>) target_semaphore(%run_scoped3A : memref<!tpu.dma_semaphore, #tpu.memory_space<semaphore_mem>>)
        %dma_wait3A_56 = arith.constant 0 : i32
        %dma_wait3A_57 = tpu.memref_slice %arg7[%mul3A_51, %dma_wait3A_56] : memref<10240x128xf32, #tpu.memory_space<hbm>> -> memref<640x128xf32, #tpu.memory_space<hbm>>
        %dma_wait3A_58 = arith.constant 0 : i32
        %dma_wait3A_59 = tpu.memref_slice %arg13[%mul3A_49, %dma_wait3A_58] : memref<10240x128xf32, #tpu.memory_space<vmem_shared>> -> memref<640x128xf32, #tpu.memory_space<vmem_shared>>
        tpu.wait_dma2 semaphore(%run_scoped3A : memref<!tpu.dma_semaphore, #tpu.memory_space<semaphore_mem>>) src(%dma_wait3A_59 : memref<640x128xf32, #tpu.memory_space<vmem_shared>>) dst(%dma_wait3A_57 : memref<640x128xf32, #tpu.memory_space<hbm>>)
        tpu.yield
      }) : () -> ()
    } else {
    }
    return
  }
}

#map = affine_map<(d0, d1) -> (0, 0)>
#map1 = affine_map<(d0, d1) -> (0)>
module attributes {stable_mosaic.version = 14 : i64} {
  func.func @k(%arg0: i32, %arg1: i32, %arg2: memref<160000x128xf32, #tpu.memory_space<hbm>>, %arg3: memref<160000x128xf32, #tpu.memory_space<hbm>>, %arg4: memref<160000xi32, #tpu.memory_space<hbm>>, %arg5: memref<10240x128xf32, #tpu.memory_space<hbm>>, %arg6: memref<10240x128xf32, #tpu.memory_space<hbm>>, %arg7: memref<10240x128xf32, #tpu.memory_space<hbm>>, %arg8: memref<160xi32, #tpu.memory_space<vmem>>, %arg9: memref<160xi32, #tpu.memory_space<vmem>>, %arg10: memref<80xi32, #tpu.memory_space<vmem>>, %arg11: memref<160x128xf32, #tpu.memory_space<vmem>>, %arg12: memref<160x128xf32, #tpu.memory_space<vmem>>, %arg13: memref<10240x128xf32, #tpu.memory_space<vmem_shared>>, %arg14: memref<!tpu.dma_semaphore, #tpu.memory_space<semaphore_mem>>, %arg15: memref<!tpu.dma_semaphore, #tpu.memory_space<semaphore_mem>>) attributes {dimension_semantics = [#tpu.dimension_semantics<core_parallel>, #tpu.dimension_semantics<subcore_parallel>], iteration_bounds = array<i64: 2, 16>, scalar_prefetch = 0 : i64, scratch_operands = 8 : i64, tpu.core_type = #tpu.core_type<sc_vector_subcore>, window_params = [{transform_indices = #map}, {transform_indices = #map}, {transform_indices = #map1}, {transform_indices = #map}, {transform_indices = #map}, {transform_indices = #map}]} {
    %mul3A = arith.constant 640 : i32
    %mul3A_0 = arith.muli %arg1, %mul3A : i32
    %mul3A_1 = arith.constant 640 : i32
    %mul3A_2 = arith.muli %arg1, %mul3A_1 : i32
    "tpu.region"() ({
      %run_scoped3A = tpu.sem_alloc : memref<!tpu.dma_semaphore, #tpu.memory_space<semaphore_mem>>
      %dma_start3A = arith.constant 0 : i32
      %dma_start3A_12 = tpu.memref_slice %arg13[%mul3A_2, %dma_start3A] : memref<10240x128xf32, #tpu.memory_space<vmem_shared>> -> memref<640x128xf32, #tpu.memory_space<vmem_shared>>
      %dma_start3A_13 = arith.constant 0 : i32
      %dma_start3A_14 = tpu.memref_slice %arg5[%mul3A_0, %dma_start3A_13] : memref<10240x128xf32, #tpu.memory_space<hbm>> -> memref<640x128xf32, #tpu.memory_space<hbm>>
      tpu.enqueue_dma source(%dma_start3A_14 : memref<640x128xf32, #tpu.memory_space<hbm>>) target(%dma_start3A_12 : memref<640x128xf32, #tpu.memory_space<vmem_shared>>) target_semaphore(%run_scoped3A : memref<!tpu.dma_semaphore, #tpu.memory_space<semaphore_mem>>)
      %dma_wait3A = arith.constant 0 : i32
      %dma_wait3A_15 = tpu.memref_slice %arg13[%mul3A_2, %dma_wait3A] : memref<10240x128xf32, #tpu.memory_space<vmem_shared>> -> memref<640x128xf32, #tpu.memory_space<vmem_shared>>
      %dma_wait3A_16 = arith.constant 0 : i32
      %dma_wait3A_17 = tpu.memref_slice %arg5[%mul3A_0, %dma_wait3A_16] : memref<10240x128xf32, #tpu.memory_space<hbm>> -> memref<640x128xf32, #tpu.memory_space<hbm>>
      tpu.wait_dma2 semaphore(%run_scoped3A : memref<!tpu.dma_semaphore, #tpu.memory_space<semaphore_mem>>) src(%dma_wait3A_17 : memref<640x128xf32, #tpu.memory_space<hbm>>) dst(%dma_wait3A_15 : memref<640x128xf32, #tpu.memory_space<vmem_shared>>)
      tpu.yield
    }) : () -> ()
    %barrier3A = arith.constant 0 : index
    tpu.barrier barrier_id(%barrier3A)
    %mul3A_3 = arith.constant 10000 : i32
    %mul3A_4 = arith.muli %arg1, %mul3A_3 : i32
    %eq3A = arith.constant 0 : i32
    %eq3A_5 = arith.cmpi eq, %arg0, %eq3A : i32
    %convert_element_type3A = arith.extui %eq3A_5 : i1 to i32
    %cond3A = arith.constant 0 : i32
    %cond3A_6 = arith.cmpi ne, %convert_element_type3A, %cond3A : i32
    scf.if %cond3A_6 {
      %add3A = arith.constant 0 : i32
      %add3A_12 = arith.addi %mul3A_4, %add3A : i32
      %dma_start3A = tpu.memref_slice %arg4[%add3A_12] : memref<160000xi32, #tpu.memory_space<hbm>> -> memref<160xi32, #tpu.memory_space<hbm>>
      %dma_start3A_13 = tpu.memref_slice %arg4[%add3A_12] : memref<160000xi32, #tpu.memory_space<hbm>> -> memref<160xi32, #tpu.memory_space<hbm>>
      tpu.enqueue_dma source(%dma_start3A_13 : memref<160xi32, #tpu.memory_space<hbm>>) target(%arg8 : memref<160xi32, #tpu.memory_space<vmem>>) target_semaphore(%arg14 : memref<!tpu.dma_semaphore, #tpu.memory_space<semaphore_mem>>)
      %add3A_14 = arith.constant 0 : i32
      %add3A_15 = arith.addi %mul3A_4, %add3A_14 : i32
      %dma_start3A_16 = arith.constant 0 : i32
      %dma_start3A_17 = tpu.memref_slice %arg2[%add3A_15, %dma_start3A_16] : memref<160000x128xf32, #tpu.memory_space<hbm>> -> memref<160x128xf32, #tpu.memory_space<hbm>>
      %dma_start3A_18 = arith.constant 0 : i32
      %dma_start3A_19 = tpu.memref_slice %arg2[%add3A_15, %dma_start3A_18] : memref<160000x128xf32, #tpu.memory_space<hbm>> -> memref<160x128xf32, #tpu.memory_space<hbm>>
      tpu.enqueue_dma source(%dma_start3A_19 : memref<160x128xf32, #tpu.memory_space<hbm>>) target(%arg11 : memref<160x128xf32, #tpu.memory_space<vmem>>) target_semaphore(%arg14 : memref<!tpu.dma_semaphore, #tpu.memory_space<semaphore_mem>>)
      %add3A_20 = arith.constant 160 : i32
      %add3A_21 = arith.addi %mul3A_4, %add3A_20 : i32
      %dma_start3A_22 = tpu.memref_slice %arg4[%add3A_21] : memref<160000xi32, #tpu.memory_space<hbm>> -> memref<160xi32, #tpu.memory_space<hbm>>
      %dma_start3A_23 = tpu.memref_slice %arg4[%add3A_21] : memref<160000xi32, #tpu.memory_space<hbm>> -> memref<160xi32, #tpu.memory_space<hbm>>
      tpu.enqueue_dma source(%dma_start3A_23 : memref<160xi32, #tpu.memory_space<hbm>>) target(%arg9 : memref<160xi32, #tpu.memory_space<vmem>>) target_semaphore(%arg15 : memref<!tpu.dma_semaphore, #tpu.memory_space<semaphore_mem>>)
      %add3A_24 = arith.constant 160 : i32
      %add3A_25 = arith.addi %mul3A_4, %add3A_24 : i32
      %dma_start3A_26 = arith.constant 0 : i32
      %dma_start3A_27 = tpu.memref_slice %arg2[%add3A_25, %dma_start3A_26] : memref<160000x128xf32, #tpu.memory_space<hbm>> -> memref<160x128xf32, #tpu.memory_space<hbm>>
      %dma_start3A_28 = arith.constant 0 : i32
      %dma_start3A_29 = tpu.memref_slice %arg2[%add3A_25, %dma_start3A_28] : memref<160000x128xf32, #tpu.memory_space<hbm>> -> memref<160x128xf32, #tpu.memory_space<hbm>>
      tpu.enqueue_dma source(%dma_start3A_29 : memref<160x128xf32, #tpu.memory_space<hbm>>) target(%arg12 : memref<160x128xf32, #tpu.memory_space<vmem>>) target_semaphore(%arg15 : memref<!tpu.dma_semaphore, #tpu.memory_space<semaphore_mem>>)
      %scan3A = arith.constant 0 : i32
      %scan3A_30 = arith.constant 30 : i32
      %scan3A_31 = arith.addi %scan3A, %scan3A_30 : i32
      %scan3A_32 = arith.constant 1 : i32
      scf.for %scan3A_52 = %scan3A to %scan3A_31 step %scan3A_32  : i32 {
        %mul3A_53 = arith.constant 1 : i32
        %mul3A_54 = arith.muli %scan3A_52, %mul3A_53 : i32
        %add3A_55 = arith.constant 0 : i32
        %add3A_56 = arith.addi %add3A_55, %mul3A_54 : i32
        %mul3A_57 = arith.constant 2 : i32
        %mul3A_58 = arith.muli %add3A_56, %mul3A_57 : i32
        %dma_wait3A_59 = tpu.memref_slice %arg4[%mul3A_4] : memref<160000xi32, #tpu.memory_space<hbm>> -> memref<160xi32, #tpu.memory_space<hbm>>
        %dma_wait3A_60 = tpu.memref_slice %arg4[%mul3A_4] : memref<160000xi32, #tpu.memory_space<hbm>> -> memref<160xi32, #tpu.memory_space<hbm>>
        tpu.wait_dma2 semaphore(%arg14 : memref<!tpu.dma_semaphore, #tpu.memory_space<semaphore_mem>>) src(%dma_wait3A_60 : memref<160xi32, #tpu.memory_space<hbm>>) dst(%arg8 : memref<160xi32, #tpu.memory_space<vmem>>)
        %dma_wait3A_61 = arith.constant 0 : i32
        %dma_wait3A_62 = tpu.memref_slice %arg2[%mul3A_4, %dma_wait3A_61] : memref<160000x128xf32, #tpu.memory_space<hbm>> -> memref<160x128xf32, #tpu.memory_space<hbm>>
        %dma_wait3A_63 = arith.constant 0 : i32
        %dma_wait3A_64 = tpu.memref_slice %arg2[%mul3A_4, %dma_wait3A_63] : memref<160000x128xf32, #tpu.memory_space<hbm>> -> memref<160x128xf32, #tpu.memory_space<hbm>>
        tpu.wait_dma2 semaphore(%arg14 : memref<!tpu.dma_semaphore, #tpu.memory_space<semaphore_mem>>) src(%dma_wait3A_64 : memref<160x128xf32, #tpu.memory_space<hbm>>) dst(%arg11 : memref<160x128xf32, #tpu.memory_space<vmem>>)
        "tpu.region"() ({
          %run_scoped3A = tpu.sem_alloc : memref<!tpu.dma_semaphore, #tpu.memory_space<semaphore_mem>>
          %dma_start3A_99 = arith.constant 0 : i32
          %dma_start3A_100 = arith.constant 0 : i32
          %dma_start3A_101 = tpu.memref_slice %arg13[%dma_start3A_99, %dma_start3A_100] : memref<10240x128xf32, #tpu.memory_space<vmem_shared>> -> memref<10240x128xf32, #tpu.memory_space<vmem_shared>>
          tpu.enqueue_indirect_dma source(%arg11 : memref<160x128xf32, #tpu.memory_space<vmem>>) target(%dma_start3A_101 : memref<10240x128xf32, #tpu.memory_space<vmem_shared>>) offsets(%arg8 : memref<160xi32, #tpu.memory_space<vmem>>) semaphore(%run_scoped3A : memref<!tpu.dma_semaphore, #tpu.memory_space<semaphore_mem>>) {add = true}
          %dma_wait3A_102 = arith.constant 0 : i32
          %dma_wait3A_103 = arith.constant 0 : i32
          %dma_wait3A_104 = tpu.memref_slice %arg13[%dma_wait3A_102, %dma_wait3A_103] : memref<10240x128xf32, #tpu.memory_space<vmem_shared>> -> memref<10240x128xf32, #tpu.memory_space<vmem_shared>>
          tpu.wait_indirect_dma semaphore(%run_scoped3A : memref<!tpu.dma_semaphore, #tpu.memory_space<semaphore_mem>>) src(%arg11 : memref<160x128xf32, #tpu.memory_space<vmem>>) dst(%dma_wait3A_104 : memref<10240x128xf32, #tpu.memory_space<vmem_shared>>)
          tpu.yield
        }) : () -> ()
        %add3A_65 = arith.constant 2 : i32
        %add3A_66 = arith.addi %mul3A_58, %add3A_65 : i32
        %mul3A_67 = arith.constant 160 : i32
        %mul3A_68 = arith.muli %add3A_66, %mul3A_67 : i32
        %add3A_69 = arith.addi %mul3A_4, %mul3A_68 : i32
        %dma_start3A_70 = tpu.memref_slice %arg4[%add3A_69] : memref<160000xi32, #tpu.memory_space<hbm>> -> memref<160xi32, #tpu.memory_space<hbm>>
        %dma_start3A_71 = tpu.memref_slice %arg4[%add3A_69] : memref<160000xi32, #tpu.memory_space<hbm>> -> memref<160xi32, #tpu.memory_space<hbm>>
        tpu.enqueue_dma source(%dma_start3A_71 : memref<160xi32, #tpu.memory_space<hbm>>) target(%arg8 : memref<160xi32, #tpu.memory_space<vmem>>) target_semaphore(%arg14 : memref<!tpu.dma_semaphore, #tpu.memory_space<semaphore_mem>>)
        %mul3A_72 = arith.constant 160 : i32
        %mul3A_73 = arith.muli %add3A_66, %mul3A_72 : i32
        %add3A_74 = arith.addi %mul3A_4, %mul3A_73 : i32
        %dma_start3A_75 = arith.constant 0 : i32
        %dma_start3A_76 = tpu.memref_slice %arg2[%add3A_74, %dma_start3A_75] : memref<160000x128xf32, #tpu.memory_space<hbm>> -> memref<160x128xf32, #tpu.memory_space<hbm>>
        %dma_start3A_77 = arith.constant 0 : i32
        %dma_start3A_78 = tpu.memref_slice %arg2[%add3A_74, %dma_start3A_77] : memref<160000x128xf32, #tpu.memory_space<hbm>> -> memref<160x128xf32, #tpu.memory_space<hbm>>
        tpu.enqueue_dma source(%dma_start3A_78 : memref<160x128xf32, #tpu.memory_space<hbm>>) target(%arg11 : memref<160x128xf32, #tpu.memory_space<vmem>>) target_semaphore(%arg14 : memref<!tpu.dma_semaphore, #tpu.memory_space<semaphore_mem>>)
        %dma_wait3A_79 = tpu.memref_slice %arg4[%mul3A_4] : memref<160000xi32, #tpu.memory_space<hbm>> -> memref<160xi32, #tpu.memory_space<hbm>>
        %dma_wait3A_80 = tpu.memref_slice %arg4[%mul3A_4] : memref<160000xi32, #tpu.memory_space<hbm>> -> memref<160xi32, #tpu.memory_space<hbm>>
        tpu.wait_dma2 semaphore(%arg15 : memref<!tpu.dma_semaphore, #tpu.memory_space<semaphore_mem>>) src(%dma_wait3A_80 : memref<160xi32, #tpu.memory_space<hbm>>) dst(%arg9 : memref<160xi32, #tpu.memory_space<vmem>>)
        %dma_wait3A_81 = arith.constant 0 : i32
        %dma_wait3A_82 = tpu.memref_slice %arg2[%mul3A_4, %dma_wait3A_81] : memref<160000x128xf32, #tpu.memory_space<hbm>> -> memref<160x128xf32, #tpu.memory_space<hbm>>
        %dma_wait3A_83 = arith.constant 0 : i32
        %dma_wait3A_84 = tpu.memref_slice %arg2[%mul3A_4, %dma_wait3A_83] : memref<160000x128xf32, #tpu.memory_space<hbm>> -> memref<160x128xf32, #tpu.memory_space<hbm>>
        tpu.wait_dma2 semaphore(%arg15 : memref<!tpu.dma_semaphore, #tpu.memory_space<semaphore_mem>>) src(%dma_wait3A_84 : memref<160x128xf32, #tpu.memory_space<hbm>>) dst(%arg12 : memref<160x128xf32, #tpu.memory_space<vmem>>)
        "tpu.region"() ({
          %run_scoped3A = tpu.sem_alloc : memref<!tpu.dma_semaphore, #tpu.memory_space<semaphore_mem>>
          %dma_start3A_99 = arith.constant 0 : i32
          %dma_start3A_100 = arith.constant 0 : i32
          %dma_start3A_101 = tpu.memref_slice %arg13[%dma_start3A_99, %dma_start3A_100] : memref<10240x128xf32, #tpu.memory_space<vmem_shared>> -> memref<10240x128xf32, #tpu.memory_space<vmem_shared>>
          tpu.enqueue_indirect_dma source(%arg12 : memref<160x128xf32, #tpu.memory_space<vmem>>) target(%dma_start3A_101 : memref<10240x128xf32, #tpu.memory_space<vmem_shared>>) offsets(%arg9 : memref<160xi32, #tpu.memory_space<vmem>>) semaphore(%run_scoped3A : memref<!tpu.dma_semaphore, #tpu.memory_space<semaphore_mem>>) {add = true}
          %dma_wait3A_102 = arith.constant 0 : i32
          %dma_wait3A_103 = arith.constant 0 : i32
          %dma_wait3A_104 = tpu.memref_slice %arg13[%dma_wait3A_102, %dma_wait3A_103] : memref<10240x128xf32, #tpu.memory_space<vmem_shared>> -> memref<10240x128xf32, #tpu.memory_space<vmem_shared>>
          tpu.wait_indirect_dma semaphore(%run_scoped3A : memref<!tpu.dma_semaphore, #tpu.memory_space<semaphore_mem>>) src(%arg12 : memref<160x128xf32, #tpu.memory_space<vmem>>) dst(%dma_wait3A_104 : memref<10240x128xf32, #tpu.memory_space<vmem_shared>>)
          tpu.yield
        }) : () -> ()
        %add3A_85 = arith.constant 3 : i32
        %add3A_86 = arith.addi %mul3A_58, %add3A_85 : i32
        %mul3A_87 = arith.constant 160 : i32
        %mul3A_88 = arith.muli %add3A_86, %mul3A_87 : i32
        %add3A_89 = arith.addi %mul3A_4, %mul3A_88 : i32
        %dma_start3A_90 = tpu.memref_slice %arg4[%add3A_89] : memref<160000xi32, #tpu.memory_space<hbm>> -> memref<160xi32, #tpu.memory_space<hbm>>
        %dma_start3A_91 = tpu.memref_slice %arg4[%add3A_89] : memref<160000xi32, #tpu.memory_space<hbm>> -> memref<160xi32, #tpu.memory_space<hbm>>
        tpu.enqueue_dma source(%dma_start3A_91 : memref<160xi32, #tpu.memory_space<hbm>>) target(%arg9 : memref<160xi32, #tpu.memory_space<vmem>>) target_semaphore(%arg15 : memref<!tpu.dma_semaphore, #tpu.memory_space<semaphore_mem>>)
        %mul3A_92 = arith.constant 160 : i32
        %mul3A_93 = arith.muli %add3A_86, %mul3A_92 : i32
        %add3A_94 = arith.addi %mul3A_4, %mul3A_93 : i32
        %dma_start3A_95 = arith.constant 0 : i32
        %dma_start3A_96 = tpu.memref_slice %arg2[%add3A_94, %dma_start3A_95] : memref<160000x128xf32, #tpu.memory_space<hbm>> -> memref<160x128xf32, #tpu.memory_space<hbm>>
        %dma_start3A_97 = arith.constant 0 : i32
        %dma_start3A_98 = tpu.memref_slice %arg2[%add3A_94, %dma_start3A_97] : memref<160000x128xf32, #tpu.memory_space<hbm>> -> memref<160x128xf32, #tpu.memory_space<hbm>>
        tpu.enqueue_dma source(%dma_start3A_98 : memref<160x128xf32, #tpu.memory_space<hbm>>) target(%arg12 : memref<160x128xf32, #tpu.memory_space<vmem>>) target_semaphore(%arg15 : memref<!tpu.dma_semaphore, #tpu.memory_space<semaphore_mem>>)
      }
      %scan3A_33 = arith.constant 30 : i32
      %dma_wait3A = tpu.memref_slice %arg4[%mul3A_4] : memref<160000xi32, #tpu.memory_space<hbm>> -> memref<160xi32, #tpu.memory_space<hbm>>
      %dma_wait3A_34 = tpu.memref_slice %arg4[%mul3A_4] : memref<160000xi32, #tpu.memory_space<hbm>> -> memref<160xi32, #tpu.memory_space<hbm>>
      tpu.wait_dma2 semaphore(%arg14 : memref<!tpu.dma_semaphore, #tpu.memory_space<semaphore_mem>>) src(%dma_wait3A_34 : memref<160xi32, #tpu.memory_space<hbm>>) dst(%arg8 : memref<160xi32, #tpu.memory_space<vmem>>)
      %dma_wait3A_35 = arith.constant 0 : i32
      %dma_wait3A_36 = tpu.memref_slice %arg2[%mul3A_4, %dma_wait3A_35] : memref<160000x128xf32, #tpu.memory_space<hbm>> -> memref<160x128xf32, #tpu.memory_space<hbm>>
      %dma_wait3A_37 = arith.constant 0 : i32
      %dma_wait3A_38 = tpu.memref_slice %arg2[%mul3A_4, %dma_wait3A_37] : memref<160000x128xf32, #tpu.memory_space<hbm>> -> memref<160x128xf32, #tpu.memory_space<hbm>>
      tpu.wait_dma2 semaphore(%arg14 : memref<!tpu.dma_semaphore, #tpu.memory_space<semaphore_mem>>) src(%dma_wait3A_38 : memref<160x128xf32, #tpu.memory_space<hbm>>) dst(%arg11 : memref<160x128xf32, #tpu.memory_space<vmem>>)
      "tpu.region"() ({
        %run_scoped3A = tpu.sem_alloc : memref<!tpu.dma_semaphore, #tpu.memory_space<semaphore_mem>>
        %dma_start3A_52 = arith.constant 0 : i32
        %dma_start3A_53 = arith.constant 0 : i32
        %dma_start3A_54 = tpu.memref_slice %arg13[%dma_start3A_52, %dma_start3A_53] : memref<10240x128xf32, #tpu.memory_space<vmem_shared>> -> memref<10240x128xf32, #tpu.memory_space<vmem_shared>>
        tpu.enqueue_indirect_dma source(%arg11 : memref<160x128xf32, #tpu.memory_space<vmem>>) target(%dma_start3A_54 : memref<10240x128xf32, #tpu.memory_space<vmem_shared>>) offsets(%arg8 : memref<160xi32, #tpu.memory_space<vmem>>) semaphore(%run_scoped3A : memref<!tpu.dma_semaphore, #tpu.memory_space<semaphore_mem>>) {add = true}
        %dma_wait3A_55 = arith.constant 0 : i32
        %dma_wait3A_56 = arith.constant 0 : i32
        %dma_wait3A_57 = tpu.memref_slice %arg13[%dma_wait3A_55, %dma_wait3A_56] : memref<10240x128xf32, #tpu.memory_space<vmem_shared>> -> memref<10240x128xf32, #tpu.memory_space<vmem_shared>>
        tpu.wait_indirect_dma semaphore(%run_scoped3A : memref<!tpu.dma_semaphore, #tpu.memory_space<semaphore_mem>>) src(%arg11 : memref<160x128xf32, #tpu.memory_space<vmem>>) dst(%dma_wait3A_57 : memref<10240x128xf32, #tpu.memory_space<vmem_shared>>)
        tpu.yield
      }) : () -> ()
      %dma_wait3A_39 = tpu.memref_slice %arg4[%mul3A_4] : memref<160000xi32, #tpu.memory_space<hbm>> -> memref<160xi32, #tpu.memory_space<hbm>>
      %dma_wait3A_40 = tpu.memref_slice %arg4[%mul3A_4] : memref<160000xi32, #tpu.memory_space<hbm>> -> memref<160xi32, #tpu.memory_space<hbm>>
      tpu.wait_dma2 semaphore(%arg15 : memref<!tpu.dma_semaphore, #tpu.memory_space<semaphore_mem>>) src(%dma_wait3A_40 : memref<160xi32, #tpu.memory_space<hbm>>) dst(%arg9 : memref<160xi32, #tpu.memory_space<vmem>>)
      %dma_wait3A_41 = arith.constant 0 : i32
      %dma_wait3A_42 = tpu.memref_slice %arg2[%mul3A_4, %dma_wait3A_41] : memref<160000x128xf32, #tpu.memory_space<hbm>> -> memref<160x128xf32, #tpu.memory_space<hbm>>
      %dma_wait3A_43 = arith.constant 0 : i32
      %dma_wait3A_44 = tpu.memref_slice %arg2[%mul3A_4, %dma_wait3A_43] : memref<160000x128xf32, #tpu.memory_space<hbm>> -> memref<160x128xf32, #tpu.memory_space<hbm>>
      tpu.wait_dma2 semaphore(%arg15 : memref<!tpu.dma_semaphore, #tpu.memory_space<semaphore_mem>>) src(%dma_wait3A_44 : memref<160x128xf32, #tpu.memory_space<hbm>>) dst(%arg12 : memref<160x128xf32, #tpu.memory_space<vmem>>)
      "tpu.region"() ({
        %run_scoped3A = tpu.sem_alloc : memref<!tpu.dma_semaphore, #tpu.memory_space<semaphore_mem>>
        %dma_start3A_52 = arith.constant 0 : i32
        %dma_start3A_53 = arith.constant 0 : i32
        %dma_start3A_54 = tpu.memref_slice %arg13[%dma_start3A_52, %dma_start3A_53] : memref<10240x128xf32, #tpu.memory_space<vmem_shared>> -> memref<10240x128xf32, #tpu.memory_space<vmem_shared>>
        tpu.enqueue_indirect_dma source(%arg12 : memref<160x128xf32, #tpu.memory_space<vmem>>) target(%dma_start3A_54 : memref<10240x128xf32, #tpu.memory_space<vmem_shared>>) offsets(%arg9 : memref<160xi32, #tpu.memory_space<vmem>>) semaphore(%run_scoped3A : memref<!tpu.dma_semaphore, #tpu.memory_space<semaphore_mem>>) {add = true}
        %dma_wait3A_55 = arith.constant 0 : i32
        %dma_wait3A_56 = arith.constant 0 : i32
        %dma_wait3A_57 = tpu.memref_slice %arg13[%dma_wait3A_55, %dma_wait3A_56] : memref<10240x128xf32, #tpu.memory_space<vmem_shared>> -> memref<10240x128xf32, #tpu.memory_space<vmem_shared>>
        tpu.wait_indirect_dma semaphore(%run_scoped3A : memref<!tpu.dma_semaphore, #tpu.memory_space<semaphore_mem>>) src(%arg12 : memref<160x128xf32, #tpu.memory_space<vmem>>) dst(%dma_wait3A_57 : memref<10240x128xf32, #tpu.memory_space<vmem_shared>>)
        tpu.yield
      }) : () -> ()
      %add3A_45 = arith.constant 9920 : i32
      %add3A_46 = arith.addi %mul3A_4, %add3A_45 : i32
      "tpu.region"() ({
        %run_scoped3A = tpu.sem_alloc : memref<!tpu.dma_semaphore, #tpu.memory_space<semaphore_mem>>
        %dma_start3A_52 = tpu.memref_slice %arg4[%add3A_46] : memref<160000xi32, #tpu.memory_space<hbm>> -> memref<80xi32, #tpu.memory_space<hbm>>
        %dma_start3A_53 = tpu.memref_slice %arg4[%add3A_46] : memref<160000xi32, #tpu.memory_space<hbm>> -> memref<80xi32, #tpu.memory_space<hbm>>
        tpu.enqueue_dma source(%dma_start3A_53 : memref<80xi32, #tpu.memory_space<hbm>>) target(%arg10 : memref<80xi32, #tpu.memory_space<vmem>>) target_semaphore(%run_scoped3A : memref<!tpu.dma_semaphore, #tpu.memory_space<semaphore_mem>>)
        %dma_wait3A_54 = tpu.memref_slice %arg4[%add3A_46] : memref<160000xi32, #tpu.memory_space<hbm>> -> memref<80xi32, #tpu.memory_space<hbm>>
        %dma_wait3A_55 = tpu.memref_slice %arg4[%add3A_46] : memref<160000xi32, #tpu.memory_space<hbm>> -> memref<80xi32, #tpu.memory_space<hbm>>
        tpu.wait_dma2 semaphore(%run_scoped3A : memref<!tpu.dma_semaphore, #tpu.memory_space<semaphore_mem>>) src(%dma_wait3A_55 : memref<80xi32, #tpu.memory_space<hbm>>) dst(%arg10 : memref<80xi32, #tpu.memory_space<vmem>>)
        tpu.yield
      }) : () -> ()
      "tpu.region"() ({
        %run_scoped3A = tpu.sem_alloc : memref<!tpu.dma_semaphore, #tpu.memory_space<semaphore_mem>>
        %dma_start3A_52 = arith.constant 0 : i32
        %dma_start3A_53 = arith.constant 0 : i32
        %dma_start3A_54 = tpu.memref_slice %arg11[%dma_start3A_52, %dma_start3A_53] : memref<160x128xf32, #tpu.memory_space<vmem>> -> memref<80x128xf32, #tpu.memory_space<vmem>>
        %dma_start3A_55 = arith.constant 0 : i32
        %dma_start3A_56 = tpu.memref_slice %arg2[%add3A_46, %dma_start3A_55] : memref<160000x128xf32, #tpu.memory_space<hbm>> -> memref<80x128xf32, #tpu.memory_space<hbm>>
        %dma_start3A_57 = arith.constant 0 : i32
        %dma_start3A_58 = arith.constant 0 : i32
        %dma_start3A_59 = tpu.memref_slice %arg11[%dma_start3A_57, %dma_start3A_58] : memref<160x128xf32, #tpu.memory_space<vmem>> -> memref<80x128xf32, #tpu.memory_space<vmem>>
        %dma_start3A_60 = arith.constant 0 : i32
        %dma_start3A_61 = tpu.memref_slice %arg2[%add3A_46, %dma_start3A_60] : memref<160000x128xf32, #tpu.memory_space<hbm>> -> memref<80x128xf32, #tpu.memory_space<hbm>>
        tpu.enqueue_dma source(%dma_start3A_61 : memref<80x128xf32, #tpu.memory_space<hbm>>) target(%dma_start3A_59 : memref<80x128xf32, #tpu.memory_space<vmem>>) target_semaphore(%run_scoped3A : memref<!tpu.dma_semaphore, #tpu.memory_space<semaphore_mem>>)
        %dma_wait3A_62 = arith.constant 0 : i32
        %dma_wait3A_63 = arith.constant 0 : i32
        %dma_wait3A_64 = tpu.memref_slice %arg11[%dma_wait3A_62, %dma_wait3A_63] : memref<160x128xf32, #tpu.memory_space<vmem>> -> memref<80x128xf32, #tpu.memory_space<vmem>>
        %dma_wait3A_65 = arith.constant 0 : i32
        %dma_wait3A_66 = tpu.memref_slice %arg2[%add3A_46, %dma_wait3A_65] : memref<160000x128xf32, #tpu.memory_space<hbm>> -> memref<80x128xf32, #tpu.memory_space<hbm>>
        %dma_wait3A_67 = arith.constant 0 : i32
        %dma_wait3A_68 = arith.constant 0 : i32
        %dma_wait3A_69 = tpu.memref_slice %arg11[%dma_wait3A_67, %dma_wait3A_68] : memref<160x128xf32, #tpu.memory_space<vmem>> -> memref<80x128xf32, #tpu.memory_space<vmem>>
        %dma_wait3A_70 = arith.constant 0 : i32
        %dma_wait3A_71 = tpu.memref_slice %arg2[%add3A_46, %dma_wait3A_70] : memref<160000x128xf32, #tpu.memory_space<hbm>> -> memref<80x128xf32, #tpu.memory_space<hbm>>
        tpu.wait_dma2 semaphore(%run_scoped3A : memref<!tpu.dma_semaphore, #tpu.memory_space<semaphore_mem>>) src(%dma_wait3A_71 : memref<80x128xf32, #tpu.memory_space<hbm>>) dst(%dma_wait3A_69 : memref<80x128xf32, #tpu.memory_space<vmem>>)
        tpu.yield
      }) : () -> ()
      "tpu.region"() ({
        %run_scoped3A = tpu.sem_alloc : memref<!tpu.dma_semaphore, #tpu.memory_space<semaphore_mem>>
        %dma_start3A_52 = arith.constant 0 : i32
        %dma_start3A_53 = arith.constant 0 : i32
        %dma_start3A_54 = tpu.memref_slice %arg11[%dma_start3A_52, %dma_start3A_53] : memref<160x128xf32, #tpu.memory_space<vmem>> -> memref<80x128xf32, #tpu.memory_space<vmem>>
        %dma_start3A_55 = arith.constant 0 : i32
        %dma_start3A_56 = arith.constant 0 : i32
        %dma_start3A_57 = tpu.memref_slice %arg13[%dma_start3A_55, %dma_start3A_56] : memref<10240x128xf32, #tpu.memory_space<vmem_shared>> -> memref<10240x128xf32, #tpu.memory_space<vmem_shared>>
        tpu.enqueue_indirect_dma source(%dma_start3A_54 : memref<80x128xf32, #tpu.memory_space<vmem>>) target(%dma_start3A_57 : memref<10240x128xf32, #tpu.memory_space<vmem_shared>>) offsets(%arg10 : memref<80xi32, #tpu.memory_space<vmem>>) semaphore(%run_scoped3A : memref<!tpu.dma_semaphore, #tpu.memory_space<semaphore_mem>>) {add = true}
        %dma_wait3A_58 = arith.constant 0 : i32
        %dma_wait3A_59 = arith.constant 0 : i32
        %dma_wait3A_60 = tpu.memref_slice %arg11[%dma_wait3A_58, %dma_wait3A_59] : memref<160x128xf32, #tpu.memory_space<vmem>> -> memref<80x128xf32, #tpu.memory_space<vmem>>
        %dma_wait3A_61 = arith.constant 0 : i32
        %dma_wait3A_62 = arith.constant 0 : i32
        %dma_wait3A_63 = tpu.memref_slice %arg13[%dma_wait3A_61, %dma_wait3A_62] : memref<10240x128xf32, #tpu.memory_space<vmem_shared>> -> memref<10240x128xf32, #tpu.memory_space<vmem_shared>>
        tpu.wait_indirect_dma semaphore(%run_scoped3A : memref<!tpu.dma_semaphore, #tpu.memory_space<semaphore_mem>>) src(%dma_wait3A_60 : memref<80x128xf32, #tpu.memory_space<vmem>>) dst(%dma_wait3A_63 : memref<10240x128xf32, #tpu.memory_space<vmem_shared>>)
        tpu.yield
      }) : () -> ()
      %barrier3A_47 = arith.constant 0 : index
      tpu.barrier barrier_id(%barrier3A_47)
      %mul3A_48 = arith.constant 640 : i32
      %mul3A_49 = arith.muli %arg1, %mul3A_48 : i32
      %mul3A_50 = arith.constant 640 : i32
      %mul3A_51 = arith.muli %arg1, %mul3A_50 : i32
      "tpu.region"() ({
        %run_scoped3A = tpu.sem_alloc : memref<!tpu.dma_semaphore, #tpu.memory_space<semaphore_mem>>
        %dma_start3A_52 = arith.constant 0 : i32
        %dma_start3A_53 = tpu.memref_slice %arg6[%mul3A_51, %dma_start3A_52] : memref<10240x128xf32, #tpu.memory_space<hbm>> -> memref<640x128xf32, #tpu.memory_space<hbm>>
        %dma_start3A_54 = arith.constant 0 : i32
        %dma_start3A_55 = tpu.memref_slice %arg13[%mul3A_49, %dma_start3A_54] : memref<10240x128xf32, #tpu.memory_space<vmem_shared>> -> memref<640x128xf32, #tpu.memory_space<vmem_shared>>
        tpu.enqueue_dma source(%dma_start3A_55 : memref<640x128xf32, #tpu.memory_space<vmem_shared>>) target(%dma_start3A_53 : memref<640x128xf32, #tpu.memory_space<hbm>>) target_semaphore(%run_scoped3A : memref<!tpu.dma_semaphore, #tpu.memory_space<semaphore_mem>>)
        %dma_wait3A_56 = arith.constant 0 : i32
        %dma_wait3A_57 = tpu.memref_slice %arg6[%mul3A_51, %dma_wait3A_56] : memref<10240x128xf32, #tpu.memory_space<hbm>> -> memref<640x128xf32, #tpu.memory_space<hbm>>
        %dma_wait3A_58 = arith.constant 0 : i32
        %dma_wait3A_59 = tpu.memref_slice %arg13[%mul3A_49, %dma_wait3A_58] : memref<10240x128xf32, #tpu.memory_space<vmem_shared>> -> memref<640x128xf32, #tpu.memory_space<vmem_shared>>
        tpu.wait_dma2 semaphore(%run_scoped3A : memref<!tpu.dma_semaphore, #tpu.memory_space<semaphore_mem>>) src(%dma_wait3A_59 : memref<640x128xf32, #tpu.memory_space<vmem_shared>>) dst(%dma_wait3A_57 : memref<640x128xf32, #tpu.memory_space<hbm>>)
        tpu.yield
      }) : () -> ()
    } else {
    }
    %eq3A_7 = arith.constant 1 : i32
    %eq3A_8 = arith.cmpi eq, %arg0, %eq3A_7 : i32
    %convert_element_type3A_9 = arith.extui %eq3A_8 : i1 to i32
    %cond3A_10 = arith.constant 0 : i32
    %cond3A_11 = arith.cmpi ne, %convert_element_type3A_9, %cond3A_10 : i32
    scf.if %cond3A_11 {
      %add3A = arith.constant 0 : i32
      %add3A_12 = arith.addi %mul3A_4, %add3A : i32
      %dma_start3A = tpu.memref_slice %arg4[%add3A_12] : memref<160000xi32, #tpu.memory_space<hbm>> -> memref<160xi32, #tpu.memory_space<hbm>>
      %dma_start3A_13 = tpu.memref_slice %arg4[%add3A_12] : memref<160000xi32, #tpu.memory_space<hbm>> -> memref<160xi32, #tpu.memory_space<hbm>>
      tpu.enqueue_dma source(%dma_start3A_13 : memref<160xi32, #tpu.memory_space<hbm>>) target(%arg8 : memref<160xi32, #tpu.memory_space<vmem>>) target_semaphore(%arg14 : memref<!tpu.dma_semaphore, #tpu.memory_space<semaphore_mem>>)
      %add3A_14 = arith.constant 0 : i32
      %add3A_15 = arith.addi %mul3A_4, %add3A_14 : i32
      %dma_start3A_16 = arith.constant 0 : i32
      %dma_start3A_17 = tpu.memref_slice %arg3[%add3A_15, %dma_start3A_16] : memref<160000x128xf32, #tpu.memory_space<hbm>> -> memref<160x128xf32, #tpu.memory_space<hbm>>
      %dma_start3A_18 = arith.constant 0 : i32
      %dma_start3A_19 = tpu.memref_slice %arg3[%add3A_15, %dma_start3A_18] : memref<160000x128xf32, #tpu.memory_space<hbm>> -> memref<160x128xf32, #tpu.memory_space<hbm>>
      tpu.enqueue_dma source(%dma_start3A_19 : memref<160x128xf32, #tpu.memory_space<hbm>>) target(%arg11 : memref<160x128xf32, #tpu.memory_space<vmem>>) target_semaphore(%arg14 : memref<!tpu.dma_semaphore, #tpu.memory_space<semaphore_mem>>)
      %add3A_20 = arith.constant 160 : i32
      %add3A_21 = arith.addi %mul3A_4, %add3A_20 : i32
      %dma_start3A_22 = tpu.memref_slice %arg4[%add3A_21] : memref<160000xi32, #tpu.memory_space<hbm>> -> memref<160xi32, #tpu.memory_space<hbm>>
      %dma_start3A_23 = tpu.memref_slice %arg4[%add3A_21] : memref<160000xi32, #tpu.memory_space<hbm>> -> memref<160xi32, #tpu.memory_space<hbm>>
      tpu.enqueue_dma source(%dma_start3A_23 : memref<160xi32, #tpu.memory_space<hbm>>) target(%arg9 : memref<160xi32, #tpu.memory_space<vmem>>) target_semaphore(%arg15 : memref<!tpu.dma_semaphore, #tpu.memory_space<semaphore_mem>>)
      %add3A_24 = arith.constant 160 : i32
      %add3A_25 = arith.addi %mul3A_4, %add3A_24 : i32
      %dma_start3A_26 = arith.constant 0 : i32
      %dma_start3A_27 = tpu.memref_slice %arg3[%add3A_25, %dma_start3A_26] : memref<160000x128xf32, #tpu.memory_space<hbm>> -> memref<160x128xf32, #tpu.memory_space<hbm>>
      %dma_start3A_28 = arith.constant 0 : i32
      %dma_start3A_29 = tpu.memref_slice %arg3[%add3A_25, %dma_start3A_28] : memref<160000x128xf32, #tpu.memory_space<hbm>> -> memref<160x128xf32, #tpu.memory_space<hbm>>
      tpu.enqueue_dma source(%dma_start3A_29 : memref<160x128xf32, #tpu.memory_space<hbm>>) target(%arg12 : memref<160x128xf32, #tpu.memory_space<vmem>>) target_semaphore(%arg15 : memref<!tpu.dma_semaphore, #tpu.memory_space<semaphore_mem>>)
      %scan3A = arith.constant 0 : i32
      %scan3A_30 = arith.constant 30 : i32
      %scan3A_31 = arith.addi %scan3A, %scan3A_30 : i32
      %scan3A_32 = arith.constant 1 : i32
      scf.for %scan3A_52 = %scan3A to %scan3A_31 step %scan3A_32  : i32 {
        %mul3A_53 = arith.constant 1 : i32
        %mul3A_54 = arith.muli %scan3A_52, %mul3A_53 : i32
        %add3A_55 = arith.constant 0 : i32
        %add3A_56 = arith.addi %add3A_55, %mul3A_54 : i32
        %mul3A_57 = arith.constant 2 : i32
        %mul3A_58 = arith.muli %add3A_56, %mul3A_57 : i32
        %dma_wait3A_59 = tpu.memref_slice %arg4[%mul3A_4] : memref<160000xi32, #tpu.memory_space<hbm>> -> memref<160xi32, #tpu.memory_space<hbm>>
        %dma_wait3A_60 = tpu.memref_slice %arg4[%mul3A_4] : memref<160000xi32, #tpu.memory_space<hbm>> -> memref<160xi32, #tpu.memory_space<hbm>>
        tpu.wait_dma2 semaphore(%arg14 : memref<!tpu.dma_semaphore, #tpu.memory_space<semaphore_mem>>) src(%dma_wait3A_60 : memref<160xi32, #tpu.memory_space<hbm>>) dst(%arg8 : memref<160xi32, #tpu.memory_space<vmem>>)
        %dma_wait3A_61 = arith.constant 0 : i32
        %dma_wait3A_62 = tpu.memref_slice %arg3[%mul3A_4, %dma_wait3A_61] : memref<160000x128xf32, #tpu.memory_space<hbm>> -> memref<160x128xf32, #tpu.memory_space<hbm>>
        %dma_wait3A_63 = arith.constant 0 : i32
        %dma_wait3A_64 = tpu.memref_slice %arg3[%mul3A_4, %dma_wait3A_63] : memref<160000x128xf32, #tpu.memory_space<hbm>> -> memref<160x128xf32, #tpu.memory_space<hbm>>
        tpu.wait_dma2 semaphore(%arg14 : memref<!tpu.dma_semaphore, #tpu.memory_space<semaphore_mem>>) src(%dma_wait3A_64 : memref<160x128xf32, #tpu.memory_space<hbm>>) dst(%arg11 : memref<160x128xf32, #tpu.memory_space<vmem>>)
        "tpu.region"() ({
          %run_scoped3A = tpu.sem_alloc : memref<!tpu.dma_semaphore, #tpu.memory_space<semaphore_mem>>
          %dma_start3A_99 = arith.constant 0 : i32
          %dma_start3A_100 = arith.constant 0 : i32
          %dma_start3A_101 = tpu.memref_slice %arg13[%dma_start3A_99, %dma_start3A_100] : memref<10240x128xf32, #tpu.memory_space<vmem_shared>> -> memref<10240x128xf32, #tpu.memory_space<vmem_shared>>
          tpu.enqueue_indirect_dma source(%arg11 : memref<160x128xf32, #tpu.memory_space<vmem>>) target(%dma_start3A_101 : memref<10240x128xf32, #tpu.memory_space<vmem_shared>>) offsets(%arg8 : memref<160xi32, #tpu.memory_space<vmem>>) semaphore(%run_scoped3A : memref<!tpu.dma_semaphore, #tpu.memory_space<semaphore_mem>>) {add = true}
          %dma_wait3A_102 = arith.constant 0 : i32
          %dma_wait3A_103 = arith.constant 0 : i32
          %dma_wait3A_104 = tpu.memref_slice %arg13[%dma_wait3A_102, %dma_wait3A_103] : memref<10240x128xf32, #tpu.memory_space<vmem_shared>> -> memref<10240x128xf32, #tpu.memory_space<vmem_shared>>
          tpu.wait_indirect_dma semaphore(%run_scoped3A : memref<!tpu.dma_semaphore, #tpu.memory_space<semaphore_mem>>) src(%arg11 : memref<160x128xf32, #tpu.memory_space<vmem>>) dst(%dma_wait3A_104 : memref<10240x128xf32, #tpu.memory_space<vmem_shared>>)
          tpu.yield
        }) : () -> ()
        %add3A_65 = arith.constant 2 : i32
        %add3A_66 = arith.addi %mul3A_58, %add3A_65 : i32
        %mul3A_67 = arith.constant 160 : i32
        %mul3A_68 = arith.muli %add3A_66, %mul3A_67 : i32
        %add3A_69 = arith.addi %mul3A_4, %mul3A_68 : i32
        %dma_start3A_70 = tpu.memref_slice %arg4[%add3A_69] : memref<160000xi32, #tpu.memory_space<hbm>> -> memref<160xi32, #tpu.memory_space<hbm>>
        %dma_start3A_71 = tpu.memref_slice %arg4[%add3A_69] : memref<160000xi32, #tpu.memory_space<hbm>> -> memref<160xi32, #tpu.memory_space<hbm>>
        tpu.enqueue_dma source(%dma_start3A_71 : memref<160xi32, #tpu.memory_space<hbm>>) target(%arg8 : memref<160xi32, #tpu.memory_space<vmem>>) target_semaphore(%arg14 : memref<!tpu.dma_semaphore, #tpu.memory_space<semaphore_mem>>)
        %mul3A_72 = arith.constant 160 : i32
        %mul3A_73 = arith.muli %add3A_66, %mul3A_72 : i32
        %add3A_74 = arith.addi %mul3A_4, %mul3A_73 : i32
        %dma_start3A_75 = arith.constant 0 : i32
        %dma_start3A_76 = tpu.memref_slice %arg3[%add3A_74, %dma_start3A_75] : memref<160000x128xf32, #tpu.memory_space<hbm>> -> memref<160x128xf32, #tpu.memory_space<hbm>>
        %dma_start3A_77 = arith.constant 0 : i32
        %dma_start3A_78 = tpu.memref_slice %arg3[%add3A_74, %dma_start3A_77] : memref<160000x128xf32, #tpu.memory_space<hbm>> -> memref<160x128xf32, #tpu.memory_space<hbm>>
        tpu.enqueue_dma source(%dma_start3A_78 : memref<160x128xf32, #tpu.memory_space<hbm>>) target(%arg11 : memref<160x128xf32, #tpu.memory_space<vmem>>) target_semaphore(%arg14 : memref<!tpu.dma_semaphore, #tpu.memory_space<semaphore_mem>>)
        %dma_wait3A_79 = tpu.memref_slice %arg4[%mul3A_4] : memref<160000xi32, #tpu.memory_space<hbm>> -> memref<160xi32, #tpu.memory_space<hbm>>
        %dma_wait3A_80 = tpu.memref_slice %arg4[%mul3A_4] : memref<160000xi32, #tpu.memory_space<hbm>> -> memref<160xi32, #tpu.memory_space<hbm>>
        tpu.wait_dma2 semaphore(%arg15 : memref<!tpu.dma_semaphore, #tpu.memory_space<semaphore_mem>>) src(%dma_wait3A_80 : memref<160xi32, #tpu.memory_space<hbm>>) dst(%arg9 : memref<160xi32, #tpu.memory_space<vmem>>)
        %dma_wait3A_81 = arith.constant 0 : i32
        %dma_wait3A_82 = tpu.memref_slice %arg3[%mul3A_4, %dma_wait3A_81] : memref<160000x128xf32, #tpu.memory_space<hbm>> -> memref<160x128xf32, #tpu.memory_space<hbm>>
        %dma_wait3A_83 = arith.constant 0 : i32
        %dma_wait3A_84 = tpu.memref_slice %arg3[%mul3A_4, %dma_wait3A_83] : memref<160000x128xf32, #tpu.memory_space<hbm>> -> memref<160x128xf32, #tpu.memory_space<hbm>>
        tpu.wait_dma2 semaphore(%arg15 : memref<!tpu.dma_semaphore, #tpu.memory_space<semaphore_mem>>) src(%dma_wait3A_84 : memref<160x128xf32, #tpu.memory_space<hbm>>) dst(%arg12 : memref<160x128xf32, #tpu.memory_space<vmem>>)
        "tpu.region"() ({
          %run_scoped3A = tpu.sem_alloc : memref<!tpu.dma_semaphore, #tpu.memory_space<semaphore_mem>>
          %dma_start3A_99 = arith.constant 0 : i32
          %dma_start3A_100 = arith.constant 0 : i32
          %dma_start3A_101 = tpu.memref_slice %arg13[%dma_start3A_99, %dma_start3A_100] : memref<10240x128xf32, #tpu.memory_space<vmem_shared>> -> memref<10240x128xf32, #tpu.memory_space<vmem_shared>>
          tpu.enqueue_indirect_dma source(%arg12 : memref<160x128xf32, #tpu.memory_space<vmem>>) target(%dma_start3A_101 : memref<10240x128xf32, #tpu.memory_space<vmem_shared>>) offsets(%arg9 : memref<160xi32, #tpu.memory_space<vmem>>) semaphore(%run_scoped3A : memref<!tpu.dma_semaphore, #tpu.memory_space<semaphore_mem>>) {add = true}
          %dma_wait3A_102 = arith.constant 0 : i32
          %dma_wait3A_103 = arith.constant 0 : i32
          %dma_wait3A_104 = tpu.memref_slice %arg13[%dma_wait3A_102, %dma_wait3A_103] : memref<10240x128xf32, #tpu.memory_space<vmem_shared>> -> memref<10240x128xf32, #tpu.memory_space<vmem_shared>>
          tpu.wait_indirect_dma semaphore(%run_scoped3A : memref<!tpu.dma_semaphore, #tpu.memory_space<semaphore_mem>>) src(%arg12 : memref<160x128xf32, #tpu.memory_space<vmem>>) dst(%dma_wait3A_104 : memref<10240x128xf32, #tpu.memory_space<vmem_shared>>)
          tpu.yield
        }) : () -> ()
        %add3A_85 = arith.constant 3 : i32
        %add3A_86 = arith.addi %mul3A_58, %add3A_85 : i32
        %mul3A_87 = arith.constant 160 : i32
        %mul3A_88 = arith.muli %add3A_86, %mul3A_87 : i32
        %add3A_89 = arith.addi %mul3A_4, %mul3A_88 : i32
        %dma_start3A_90 = tpu.memref_slice %arg4[%add3A_89] : memref<160000xi32, #tpu.memory_space<hbm>> -> memref<160xi32, #tpu.memory_space<hbm>>
        %dma_start3A_91 = tpu.memref_slice %arg4[%add3A_89] : memref<160000xi32, #tpu.memory_space<hbm>> -> memref<160xi32, #tpu.memory_space<hbm>>
        tpu.enqueue_dma source(%dma_start3A_91 : memref<160xi32, #tpu.memory_space<hbm>>) target(%arg9 : memref<160xi32, #tpu.memory_space<vmem>>) target_semaphore(%arg15 : memref<!tpu.dma_semaphore, #tpu.memory_space<semaphore_mem>>)
        %mul3A_92 = arith.constant 160 : i32
        %mul3A_93 = arith.muli %add3A_86, %mul3A_92 : i32
        %add3A_94 = arith.addi %mul3A_4, %mul3A_93 : i32
        %dma_start3A_95 = arith.constant 0 : i32
        %dma_start3A_96 = tpu.memref_slice %arg3[%add3A_94, %dma_start3A_95] : memref<160000x128xf32, #tpu.memory_space<hbm>> -> memref<160x128xf32, #tpu.memory_space<hbm>>
        %dma_start3A_97 = arith.constant 0 : i32
        %dma_start3A_98 = tpu.memref_slice %arg3[%add3A_94, %dma_start3A_97] : memref<160000x128xf32, #tpu.memory_space<hbm>> -> memref<160x128xf32, #tpu.memory_space<hbm>>
        tpu.enqueue_dma source(%dma_start3A_98 : memref<160x128xf32, #tpu.memory_space<hbm>>) target(%arg12 : memref<160x128xf32, #tpu.memory_space<vmem>>) target_semaphore(%arg15 : memref<!tpu.dma_semaphore, #tpu.memory_space<semaphore_mem>>)
      }
      %scan3A_33 = arith.constant 30 : i32
      %dma_wait3A = tpu.memref_slice %arg4[%mul3A_4] : memref<160000xi32, #tpu.memory_space<hbm>> -> memref<160xi32, #tpu.memory_space<hbm>>
      %dma_wait3A_34 = tpu.memref_slice %arg4[%mul3A_4] : memref<160000xi32, #tpu.memory_space<hbm>> -> memref<160xi32, #tpu.memory_space<hbm>>
      tpu.wait_dma2 semaphore(%arg14 : memref<!tpu.dma_semaphore, #tpu.memory_space<semaphore_mem>>) src(%dma_wait3A_34 : memref<160xi32, #tpu.memory_space<hbm>>) dst(%arg8 : memref<160xi32, #tpu.memory_space<vmem>>)
      %dma_wait3A_35 = arith.constant 0 : i32
      %dma_wait3A_36 = tpu.memref_slice %arg3[%mul3A_4, %dma_wait3A_35] : memref<160000x128xf32, #tpu.memory_space<hbm>> -> memref<160x128xf32, #tpu.memory_space<hbm>>
      %dma_wait3A_37 = arith.constant 0 : i32
      %dma_wait3A_38 = tpu.memref_slice %arg3[%mul3A_4, %dma_wait3A_37] : memref<160000x128xf32, #tpu.memory_space<hbm>> -> memref<160x128xf32, #tpu.memory_space<hbm>>
      tpu.wait_dma2 semaphore(%arg14 : memref<!tpu.dma_semaphore, #tpu.memory_space<semaphore_mem>>) src(%dma_wait3A_38 : memref<160x128xf32, #tpu.memory_space<hbm>>) dst(%arg11 : memref<160x128xf32, #tpu.memory_space<vmem>>)
      "tpu.region"() ({
        %run_scoped3A = tpu.sem_alloc : memref<!tpu.dma_semaphore, #tpu.memory_space<semaphore_mem>>
        %dma_start3A_52 = arith.constant 0 : i32
        %dma_start3A_53 = arith.constant 0 : i32
        %dma_start3A_54 = tpu.memref_slice %arg13[%dma_start3A_52, %dma_start3A_53] : memref<10240x128xf32, #tpu.memory_space<vmem_shared>> -> memref<10240x128xf32, #tpu.memory_space<vmem_shared>>
        tpu.enqueue_indirect_dma source(%arg11 : memref<160x128xf32, #tpu.memory_space<vmem>>) target(%dma_start3A_54 : memref<10240x128xf32, #tpu.memory_space<vmem_shared>>) offsets(%arg8 : memref<160xi32, #tpu.memory_space<vmem>>) semaphore(%run_scoped3A : memref<!tpu.dma_semaphore, #tpu.memory_space<semaphore_mem>>) {add = true}
        %dma_wait3A_55 = arith.constant 0 : i32
        %dma_wait3A_56 = arith.constant 0 : i32
        %dma_wait3A_57 = tpu.memref_slice %arg13[%dma_wait3A_55, %dma_wait3A_56] : memref<10240x128xf32, #tpu.memory_space<vmem_shared>> -> memref<10240x128xf32, #tpu.memory_space<vmem_shared>>
        tpu.wait_indirect_dma semaphore(%run_scoped3A : memref<!tpu.dma_semaphore, #tpu.memory_space<semaphore_mem>>) src(%arg11 : memref<160x128xf32, #tpu.memory_space<vmem>>) dst(%dma_wait3A_57 : memref<10240x128xf32, #tpu.memory_space<vmem_shared>>)
        tpu.yield
      }) : () -> ()
      %dma_wait3A_39 = tpu.memref_slice %arg4[%mul3A_4] : memref<160000xi32, #tpu.memory_space<hbm>> -> memref<160xi32, #tpu.memory_space<hbm>>
      %dma_wait3A_40 = tpu.memref_slice %arg4[%mul3A_4] : memref<160000xi32, #tpu.memory_space<hbm>> -> memref<160xi32, #tpu.memory_space<hbm>>
      tpu.wait_dma2 semaphore(%arg15 : memref<!tpu.dma_semaphore, #tpu.memory_space<semaphore_mem>>) src(%dma_wait3A_40 : memref<160xi32, #tpu.memory_space<hbm>>) dst(%arg9 : memref<160xi32, #tpu.memory_space<vmem>>)
      %dma_wait3A_41 = arith.constant 0 : i32
      %dma_wait3A_42 = tpu.memref_slice %arg3[%mul3A_4, %dma_wait3A_41] : memref<160000x128xf32, #tpu.memory_space<hbm>> -> memref<160x128xf32, #tpu.memory_space<hbm>>
      %dma_wait3A_43 = arith.constant 0 : i32
      %dma_wait3A_44 = tpu.memref_slice %arg3[%mul3A_4, %dma_wait3A_43] : memref<160000x128xf32, #tpu.memory_space<hbm>> -> memref<160x128xf32, #tpu.memory_space<hbm>>
      tpu.wait_dma2 semaphore(%arg15 : memref<!tpu.dma_semaphore, #tpu.memory_space<semaphore_mem>>) src(%dma_wait3A_44 : memref<160x128xf32, #tpu.memory_space<hbm>>) dst(%arg12 : memref<160x128xf32, #tpu.memory_space<vmem>>)
      "tpu.region"() ({
        %run_scoped3A = tpu.sem_alloc : memref<!tpu.dma_semaphore, #tpu.memory_space<semaphore_mem>>
        %dma_start3A_52 = arith.constant 0 : i32
        %dma_start3A_53 = arith.constant 0 : i32
        %dma_start3A_54 = tpu.memref_slice %arg13[%dma_start3A_52, %dma_start3A_53] : memref<10240x128xf32, #tpu.memory_space<vmem_shared>> -> memref<10240x128xf32, #tpu.memory_space<vmem_shared>>
        tpu.enqueue_indirect_dma source(%arg12 : memref<160x128xf32, #tpu.memory_space<vmem>>) target(%dma_start3A_54 : memref<10240x128xf32, #tpu.memory_space<vmem_shared>>) offsets(%arg9 : memref<160xi32, #tpu.memory_space<vmem>>) semaphore(%run_scoped3A : memref<!tpu.dma_semaphore, #tpu.memory_space<semaphore_mem>>) {add = true}
        %dma_wait3A_55 = arith.constant 0 : i32
        %dma_wait3A_56 = arith.constant 0 : i32
        %dma_wait3A_57 = tpu.memref_slice %arg13[%dma_wait3A_55, %dma_wait3A_56] : memref<10240x128xf32, #tpu.memory_space<vmem_shared>> -> memref<10240x128xf32, #tpu.memory_space<vmem_shared>>
        tpu.wait_indirect_dma semaphore(%run_scoped3A : memref<!tpu.dma_semaphore, #tpu.memory_space<semaphore_mem>>) src(%arg12 : memref<160x128xf32, #tpu.memory_space<vmem>>) dst(%dma_wait3A_57 : memref<10240x128xf32, #tpu.memory_space<vmem_shared>>)
        tpu.yield
      }) : () -> ()
      %add3A_45 = arith.constant 9920 : i32
      %add3A_46 = arith.addi %mul3A_4, %add3A_45 : i32
      "tpu.region"() ({
        %run_scoped3A = tpu.sem_alloc : memref<!tpu.dma_semaphore, #tpu.memory_space<semaphore_mem>>
        %dma_start3A_52 = tpu.memref_slice %arg4[%add3A_46] : memref<160000xi32, #tpu.memory_space<hbm>> -> memref<80xi32, #tpu.memory_space<hbm>>
        %dma_start3A_53 = tpu.memref_slice %arg4[%add3A_46] : memref<160000xi32, #tpu.memory_space<hbm>> -> memref<80xi32, #tpu.memory_space<hbm>>
        tpu.enqueue_dma source(%dma_start3A_53 : memref<80xi32, #tpu.memory_space<hbm>>) target(%arg10 : memref<80xi32, #tpu.memory_space<vmem>>) target_semaphore(%run_scoped3A : memref<!tpu.dma_semaphore, #tpu.memory_space<semaphore_mem>>)
        %dma_wait3A_54 = tpu.memref_slice %arg4[%add3A_46] : memref<160000xi32, #tpu.memory_space<hbm>> -> memref<80xi32, #tpu.memory_space<hbm>>
        %dma_wait3A_55 = tpu.memref_slice %arg4[%add3A_46] : memref<160000xi32, #tpu.memory_space<hbm>> -> memref<80xi32, #tpu.memory_space<hbm>>
        tpu.wait_dma2 semaphore(%run_scoped3A : memref<!tpu.dma_semaphore, #tpu.memory_space<semaphore_mem>>) src(%dma_wait3A_55 : memref<80xi32, #tpu.memory_space<hbm>>) dst(%arg10 : memref<80xi32, #tpu.memory_space<vmem>>)
        tpu.yield
      }) : () -> ()
      "tpu.region"() ({
        %run_scoped3A = tpu.sem_alloc : memref<!tpu.dma_semaphore, #tpu.memory_space<semaphore_mem>>
        %dma_start3A_52 = arith.constant 0 : i32
        %dma_start3A_53 = arith.constant 0 : i32
        %dma_start3A_54 = tpu.memref_slice %arg11[%dma_start3A_52, %dma_start3A_53] : memref<160x128xf32, #tpu.memory_space<vmem>> -> memref<80x128xf32, #tpu.memory_space<vmem>>
        %dma_start3A_55 = arith.constant 0 : i32
        %dma_start3A_56 = tpu.memref_slice %arg3[%add3A_46, %dma_start3A_55] : memref<160000x128xf32, #tpu.memory_space<hbm>> -> memref<80x128xf32, #tpu.memory_space<hbm>>
        %dma_start3A_57 = arith.constant 0 : i32
        %dma_start3A_58 = arith.constant 0 : i32
        %dma_start3A_59 = tpu.memref_slice %arg11[%dma_start3A_57, %dma_start3A_58] : memref<160x128xf32, #tpu.memory_space<vmem>> -> memref<80x128xf32, #tpu.memory_space<vmem>>
        %dma_start3A_60 = arith.constant 0 : i32
        %dma_start3A_61 = tpu.memref_slice %arg3[%add3A_46, %dma_start3A_60] : memref<160000x128xf32, #tpu.memory_space<hbm>> -> memref<80x128xf32, #tpu.memory_space<hbm>>
        tpu.enqueue_dma source(%dma_start3A_61 : memref<80x128xf32, #tpu.memory_space<hbm>>) target(%dma_start3A_59 : memref<80x128xf32, #tpu.memory_space<vmem>>) target_semaphore(%run_scoped3A : memref<!tpu.dma_semaphore, #tpu.memory_space<semaphore_mem>>)
        %dma_wait3A_62 = arith.constant 0 : i32
        %dma_wait3A_63 = arith.constant 0 : i32
        %dma_wait3A_64 = tpu.memref_slice %arg11[%dma_wait3A_62, %dma_wait3A_63] : memref<160x128xf32, #tpu.memory_space<vmem>> -> memref<80x128xf32, #tpu.memory_space<vmem>>
        %dma_wait3A_65 = arith.constant 0 : i32
        %dma_wait3A_66 = tpu.memref_slice %arg3[%add3A_46, %dma_wait3A_65] : memref<160000x128xf32, #tpu.memory_space<hbm>> -> memref<80x128xf32, #tpu.memory_space<hbm>>
        %dma_wait3A_67 = arith.constant 0 : i32
        %dma_wait3A_68 = arith.constant 0 : i32
        %dma_wait3A_69 = tpu.memref_slice %arg11[%dma_wait3A_67, %dma_wait3A_68] : memref<160x128xf32, #tpu.memory_space<vmem>> -> memref<80x128xf32, #tpu.memory_space<vmem>>
        %dma_wait3A_70 = arith.constant 0 : i32
        %dma_wait3A_71 = tpu.memref_slice %arg3[%add3A_46, %dma_wait3A_70] : memref<160000x128xf32, #tpu.memory_space<hbm>> -> memref<80x128xf32, #tpu.memory_space<hbm>>
        tpu.wait_dma2 semaphore(%run_scoped3A : memref<!tpu.dma_semaphore, #tpu.memory_space<semaphore_mem>>) src(%dma_wait3A_71 : memref<80x128xf32, #tpu.memory_space<hbm>>) dst(%dma_wait3A_69 : memref<80x128xf32, #tpu.memory_space<vmem>>)
        tpu.yield
      }) : () -> ()
      "tpu.region"() ({
        %run_scoped3A = tpu.sem_alloc : memref<!tpu.dma_semaphore, #tpu.memory_space<semaphore_mem>>
        %dma_start3A_52 = arith.constant 0 : i32
        %dma_start3A_53 = arith.constant 0 : i32
        %dma_start3A_54 = tpu.memref_slice %arg11[%dma_start3A_52, %dma_start3A_53] : memref<160x128xf32, #tpu.memory_space<vmem>> -> memref<80x128xf32, #tpu.memory_space<vmem>>
        %dma_start3A_55 = arith.constant 0 : i32
        %dma_start3A_56 = arith.constant 0 : i32
        %dma_start3A_57 = tpu.memref_slice %arg13[%dma_start3A_55, %dma_start3A_56] : memref<10240x128xf32, #tpu.memory_space<vmem_shared>> -> memref<10240x128xf32, #tpu.memory_space<vmem_shared>>
        tpu.enqueue_indirect_dma source(%dma_start3A_54 : memref<80x128xf32, #tpu.memory_space<vmem>>) target(%dma_start3A_57 : memref<10240x128xf32, #tpu.memory_space<vmem_shared>>) offsets(%arg10 : memref<80xi32, #tpu.memory_space<vmem>>) semaphore(%run_scoped3A : memref<!tpu.dma_semaphore, #tpu.memory_space<semaphore_mem>>) {add = true}
        %dma_wait3A_58 = arith.constant 0 : i32
        %dma_wait3A_59 = arith.constant 0 : i32
        %dma_wait3A_60 = tpu.memref_slice %arg11[%dma_wait3A_58, %dma_wait3A_59] : memref<160x128xf32, #tpu.memory_space<vmem>> -> memref<80x128xf32, #tpu.memory_space<vmem>>
        %dma_wait3A_61 = arith.constant 0 : i32
        %dma_wait3A_62 = arith.constant 0 : i32
        %dma_wait3A_63 = tpu.memref_slice %arg13[%dma_wait3A_61, %dma_wait3A_62] : memref<10240x128xf32, #tpu.memory_space<vmem_shared>> -> memref<10240x128xf32, #tpu.memory_space<vmem_shared>>
        tpu.wait_indirect_dma semaphore(%run_scoped3A : memref<!tpu.dma_semaphore, #tpu.memory_space<semaphore_mem>>) src(%dma_wait3A_60 : memref<80x128xf32, #tpu.memory_space<vmem>>) dst(%dma_wait3A_63 : memref<10240x128xf32, #tpu.memory_space<vmem_shared>>)
        tpu.yield
      }) : () -> ()
      %barrier3A_47 = arith.constant 0 : index
      tpu.barrier barrier_id(%barrier3A_47)
      %mul3A_48 = arith.constant 640 : i32
      %mul3A_49 = arith.muli %arg1, %mul3A_48 : i32
      %mul3A_50 = arith.constant 640 : i32
      %mul3A_51 = arith.muli %arg1, %mul3A_50 : i32
      "tpu.region"() ({
        %run_scoped3A = tpu.sem_alloc : memref<!tpu.dma_semaphore, #tpu.memory_space<semaphore_mem>>
        %dma_start3A_52 = arith.constant 0 : i32
        %dma_start3A_53 = tpu.memref_slice %arg7[%mul3A_51, %dma_start3A_52] : memref<10240x128xf32, #tpu.memory_space<hbm>> -> memref<640x128xf32, #tpu.memory_space<hbm>>
        %dma_start3A_54 = arith.constant 0 : i32
        %dma_start3A_55 = tpu.memref_slice %arg13[%mul3A_49, %dma_start3A_54] : memref<10240x128xf32, #tpu.memory_space<vmem_shared>> -> memref<640x128xf32, #tpu.memory_space<vmem_shared>>
        tpu.enqueue_dma source(%dma_start3A_55 : memref<640x128xf32, #tpu.memory_space<vmem_shared>>) target(%dma_start3A_53 : memref<640x128xf32, #tpu.memory_space<hbm>>) target_semaphore(%run_scoped3A : memref<!tpu.dma_semaphore, #tpu.memory_space<semaphore_mem>>)
        %dma_wait3A_56 = arith.constant 0 : i32
        %dma_wait3A_57 = tpu.memref_slice %arg7[%mul3A_51, %dma_wait3A_56] : memref<10240x128xf32, #tpu.memory_space<hbm>> -> memref<640x128xf32, #tpu.memory_space<hbm>>
        %dma_wait3A_58 = arith.constant 0 : i32
        %dma_wait3A_59 = tpu.memref_slice %arg13[%mul3A_49, %dma_wait3A_58] : memref<10240x128xf32, #tpu.memory_space<vmem_shared>> -> memref<640x128xf32, #tpu.memory_space<vmem_shared>>
        tpu.wait_dma2 semaphore(%run_scoped3A : memref<!tpu.dma_semaphore, #tpu.memory_space<semaphore_mem>>) src(%dma_wait3A_59 : memref<640x128xf32, #tpu.memory_space<vmem_shared>>) dst(%dma_wait3A_57 : memref<640x128xf32, #tpu.memory_space<hbm>>)
        tpu.yield
      }) : () -> ()
    } else {
    }
    return
  }
}

module attributes {stable_mosaic.version = 14 : i64} {
  func.func @_edge_body(%arg0: i32, %arg1: memref<1280x128xf32, #tpu.memory_space<vmem>>, %arg2: memref<8x1280xf32, #tpu.memory_space<vmem>>, %arg3: memref<8x1280xf32, #tpu.memory_space<vmem>>, %arg4: memref<8x64xf32, #tpu.memory_space<vmem>>, %arg5: memref<1x64xf32, #tpu.memory_space<vmem>>, %arg6: memref<192x192xf32, #tpu.memory_space<vmem>>, %arg7: memref<1x192xf32, #tpu.memory_space<vmem>>, %arg8: memref<1280x128xf32, #tpu.memory_space<vmem>>, %arg9: memref<1280x128xf32, #tpu.memory_space<vmem>>) attributes {dimension_semantics = [#tpu.dimension_semantics<arbitrary>], iteration_bounds = array<i64: 125>, scalar_prefetch = 0 : i64, scratch_operands = 0 : i64, tpu.core_type = #tpu.core_type<tc>, window_params = [{transform_indices = @transform_0, window_bounds = array<i64: 1280, 128>}, {transform_indices = @transform_1, window_bounds = array<i64: 8, 1280>}, {transform_indices = @transform_2, window_bounds = array<i64: 8, 1280>}, {pipeline_mode = #tpu.pipeline_mode<synchronous>, transform_indices = @transform_3, window_bounds = array<i64: 8, 64>}, {pipeline_mode = #tpu.pipeline_mode<synchronous>, transform_indices = @transform_4, window_bounds = array<i64: 1, 64>}, {pipeline_mode = #tpu.pipeline_mode<synchronous>, transform_indices = @transform_5, window_bounds = array<i64: 192, 192>}, {pipeline_mode = #tpu.pipeline_mode<synchronous>, transform_indices = @transform_6, window_bounds = array<i64: 1, 192>}, {transform_indices = @transform_7, window_bounds = array<i64: 1280, 128>}, {transform_indices = @transform_8, window_bounds = array<i64: 1280, 128>}]} {
    %get3A = arith.constant 0 : index
    %get3A_0 = arith.constant 0 : index
    %get3A_1 = vector.load %arg2[%get3A, %get3A_0] : memref<8x1280xf32, #tpu.memory_space<vmem>>, vector<8x1280xf32>
    %get3A_2 = arith.constant 0 : index
    %get3A_3 = arith.constant 0 : index
    %get3A_4 = vector.load %arg3[%get3A_2, %get3A_3] : memref<8x1280xf32, #tpu.memory_space<vmem>>, vector<8x1280xf32>
    %slice3A = vector.extract_strided_slice %get3A_1 {offsets = [3, 0], sizes = [1, 1280], strides = [1, 1]} : vector<8x1280xf32> to vector<1x1280xf32>
    %sqrt3A = math.sqrt %slice3A : vector<1x1280xf32>
    %slice3A_5 = vector.extract_strided_slice %get3A_1 {offsets = [0, 0], sizes = [3, 1280], strides = [1, 1]} : vector<8x1280xf32> to vector<3x1280xf32>
    %slice3A_6 = vector.extract_strided_slice %get3A_4 {offsets = [0, 0], sizes = [3, 1280], strides = [1, 1]} : vector<8x1280xf32> to vector<3x1280xf32>
    %broadcast_in_dim3A = arith.constant 0.000000e+00 : f32
    %broadcast_in_dim3A_7 = vector.broadcast %broadcast_in_dim3A : f32 to vector<1x1280xf32>
    %concatenate3A = tpu.concatenate %slice3A_5, %slice3A_6, %sqrt3A, %broadcast_in_dim3A_7 in 0 : vector<3x1280xf32>, vector<3x1280xf32>, vector<1x1280xf32>, vector<1x1280xf32> -> vector<8x1280xf32>
    %get3A_8 = arith.constant 0 : index
    %get3A_9 = arith.constant 0 : index
    %get3A_10 = vector.load %arg4[%get3A_8, %get3A_9] : memref<8x64xf32, #tpu.memory_space<vmem>>, vector<8x64xf32>
    %dot_general3A = arith.constant dense<0.000000e+00> : vector<1280x64xf32>
    %dot_general3A_11 = tpu.matmul %concatenate3A, %get3A_10, %dot_general3A {dimension_numbers = #tpu.dot_dimension_numbers<[0], [0], [1], [1], [0, 1, 1, 1], [], []>, transpose_lhs_hint = false} : vector<8x1280xf32>, vector<8x64xf32>, vector<1280x64xf32> -> vector<1280x64xf32>
    %get3A_12 = arith.constant 0 : index
    %get3A_13 = arith.constant 0 : index
    %get3A_14 = vector.load %arg5[%get3A_12, %get3A_13] : memref<1x64xf32, #tpu.memory_space<vmem>>, vector<1x64xf32>
    %add3A = vector.broadcast %get3A_14 : vector<1x64xf32> to vector<1280x64xf32>
    %add3A_15 = arith.addf %dot_general3A_11, %add3A : vector<1280x64xf32>
    %max3A = arith.constant 0.000000e+00 : f32
    %max3A_16 = vector.broadcast %max3A : f32 to vector<1280x64xf32>
    %max3A_17 = arith.maximumf %add3A_15, %max3A_16 : vector<1280x64xf32>
    %get3A_18 = arith.constant 0 : index
    %get3A_19 = arith.constant 0 : index
    %get3A_20 = vector.load %arg1[%get3A_18, %get3A_19] : memref<1280x128xf32, #tpu.memory_space<vmem>>, vector<1280x128xf32>
    %concatenate3A_21 = tpu.concatenate %get3A_20, %max3A_17 in 1 : vector<1280x128xf32>, vector<1280x64xf32> -> vector<1280x192xf32>
    %get3A_22 = arith.constant 0 : index
    %get3A_23 = arith.constant 0 : index
    %get3A_24 = vector.load %arg6[%get3A_22, %get3A_23] : memref<192x192xf32, #tpu.memory_space<vmem>>, vector<192x192xf32>
    %dot_general3A_25 = arith.constant dense<0.000000e+00> : vector<1280x192xf32>
    %dot_general3A_26 = tpu.matmul %concatenate3A_21, %get3A_24, %dot_general3A_25 {dimension_numbers = #tpu.dot_dimension_numbers<[1], [0], [0], [1], [0, 0, 1, 1], [], []>, transpose_lhs_hint = false} : vector<1280x192xf32>, vector<192x192xf32>, vector<1280x192xf32> -> vector<1280x192xf32>
    %get3A_27 = arith.constant 0 : index
    %get3A_28 = arith.constant 0 : index
    %get3A_29 = vector.load %arg7[%get3A_27, %get3A_28] : memref<1x192xf32, #tpu.memory_space<vmem>>, vector<1x192xf32>
    %add3A_30 = vector.broadcast %get3A_29 : vector<1x192xf32> to vector<1280x192xf32>
    %add3A_31 = arith.addf %dot_general3A_26, %add3A_30 : vector<1280x192xf32>
    %max3A_32 = arith.constant 0.000000e+00 : f32
    %max3A_33 = vector.broadcast %max3A_32 : f32 to vector<1280x192xf32>
    %max3A_34 = arith.maximumf %add3A_31, %max3A_33 : vector<1280x192xf32>
    %reduce_max3A = arith.constant dense<0xFF800000> : vector<1280xf32>
    %reduce_max3A_35 = vector.multi_reduction <maximumf>, %max3A_34, %reduce_max3A [1] : vector<1280x192xf32> to vector<1280xf32>
    %broadcast_in_dim3A_36 = vector.shape_cast %reduce_max3A_35 : vector<1280xf32> to vector<1280x1xf32>
    %sub3A = vector.broadcast %broadcast_in_dim3A_36 : vector<1280x1xf32> to vector<1280x192xf32>
    %sub3A_37 = arith.subf %max3A_34, %sub3A : vector<1280x192xf32>
    %exp3A = math.exp %sub3A_37 : vector<1280x192xf32>
    %reduce_sum3A = arith.constant dense<0.000000e+00> : vector<1280xf32>
    %reduce_sum3A_38 = vector.multi_reduction <add>, %exp3A, %reduce_sum3A [1] : vector<1280x192xf32> to vector<1280xf32>
    %broadcast_in_dim3A_39 = vector.shape_cast %reduce_sum3A_38 : vector<1280xf32> to vector<1280x1xf32>
    %div3A = vector.broadcast %broadcast_in_dim3A_39 : vector<1280x1xf32> to vector<1280x192xf32>
    %div3A_40 = arith.divf %exp3A, %div3A : vector<1280x192xf32>
    %mul3A = arith.mulf %div3A_40, %concatenate3A_21 : vector<1280x192xf32>
    %slice3A_41 = vector.extract_strided_slice %mul3A {offsets = [0, 0], sizes = [1280, 128], strides = [1, 1]} : vector<1280x192xf32> to vector<1280x128xf32>
    %swap3A = arith.constant 0 : index
    %swap3A_42 = arith.constant 0 : index
    %swap3A_43 = vector.load %arg8[%swap3A, %swap3A_42] : memref<1280x128xf32, #tpu.memory_space<vmem>>, vector<1280x128xf32>
    tpu.vector_store %arg8[%swap3A, %swap3A_42], %slice3A_41 {strides = array<i32>} : memref<1280x128xf32, #tpu.memory_space<vmem>>, vector<1280x128xf32>,
    %slice3A_44 = vector.extract_strided_slice %mul3A {offsets = [0, 128], sizes = [1280, 64], strides = [1, 1]} : vector<1280x192xf32> to vector<1280x64xf32>
    %broadcast_in_dim3A_45 = arith.constant 0.000000e+00 : f32
    %broadcast_in_dim3A_46 = vector.broadcast %broadcast_in_dim3A_45 : f32 to vector<1280x64xf32>
    %concatenate3A_47 = tpu.concatenate %slice3A_44, %broadcast_in_dim3A_46 in 1 : vector<1280x64xf32>, vector<1280x64xf32> -> vector<1280x128xf32>
    %swap3A_48 = arith.constant 0 : index
    %swap3A_49 = arith.constant 0 : index
    %swap3A_50 = vector.load %arg9[%swap3A_48, %swap3A_49] : memref<1280x128xf32, #tpu.memory_space<vmem>>, vector<1280x128xf32>
    tpu.vector_store %arg9[%swap3A_48, %swap3A_49], %concatenate3A_47 {strides = array<i32>} : memref<1280x128xf32, #tpu.memory_space<vmem>>, vector<1280x128xf32>,
    return
  }
  func.func @transform_0(%arg0: i32) -> (i32, i32) {
    %c0_i32 = arith.constant 0 : i32
    %c0_i32_0 = arith.constant 0 : i32
    return %arg0, %c0_i32 : i32, i32
  }
  func.func @transform_1(%arg0: i32) -> (i32, i32) {
    %c0_i32 = arith.constant 0 : i32
    %c0_i32_0 = arith.constant 0 : i32
    return %c0_i32, %arg0 : i32, i32
  }
  func.func @transform_2(%arg0: i32) -> (i32, i32) {
    %c0_i32 = arith.constant 0 : i32
    %c0_i32_0 = arith.constant 0 : i32
    return %c0_i32, %arg0 : i32, i32
  }
  func.func @transform_3(%arg0: i32) -> (i32, i32) {
    %c0_i32 = arith.constant 0 : i32
    %c0_i32_0 = arith.constant 0 : i32
    %c0_i32_1 = arith.constant 0 : i32
    return %c0_i32, %c0_i32_0 : i32, i32
  }
  func.func @transform_4(%arg0: i32) -> (i32, i32) {
    %c0_i32 = arith.constant 0 : i32
    %c0_i32_0 = arith.constant 0 : i32
    %c0_i32_1 = arith.constant 0 : i32
    return %c0_i32, %c0_i32_0 : i32, i32
  }
  func.func @transform_5(%arg0: i32) -> (i32, i32) {
    %c0_i32 = arith.constant 0 : i32
    %c0_i32_0 = arith.constant 0 : i32
    %c0_i32_1 = arith.constant 0 : i32
    return %c0_i32, %c0_i32_0 : i32, i32
  }
  func.func @transform_6(%arg0: i32) -> (i32, i32) {
    %c0_i32 = arith.constant 0 : i32
    %c0_i32_0 = arith.constant 0 : i32
    %c0_i32_1 = arith.constant 0 : i32
    return %c0_i32, %c0_i32_0 : i32, i32
  }
  func.func @transform_7(%arg0: i32) -> (i32, i32) {
    %c0_i32 = arith.constant 0 : i32
    %c0_i32_0 = arith.constant 0 : i32
    return %arg0, %c0_i32 : i32, i32
  }
  func.func @transform_8(%arg0: i32) -> (i32, i32) {
    %c0_i32 = arith.constant 0 : i32
    %c0_i32_0 = arith.constant 0 : i32
    return %arg0, %c0_i32 : i32, i32
  }
}

module attributes {stable_mosaic.version = 14 : i64} {
  func.func @_update_body(%arg0: i32, %arg1: memref<1024x128xf32, #tpu.memory_space<vmem>>, %arg2: memref<1024x128xf32, #tpu.memory_space<vmem>>, %arg3: memref<192x128xf32, #tpu.memory_space<vmem>>, %arg4: memref<1x128xf32, #tpu.memory_space<vmem>>, %arg5: memref<1024x128xf32, #tpu.memory_space<vmem>>) attributes {dimension_semantics = [#tpu.dimension_semantics<arbitrary>], iteration_bounds = array<i64: 10>, scalar_prefetch = 0 : i64, scratch_operands = 0 : i64, tpu.core_type = #tpu.core_type<tc>, window_params = [{transform_indices = @transform_0, window_bounds = array<i64: 1024, 128>}, {transform_indices = @transform_1, window_bounds = array<i64: 1024, 128>}, {pipeline_mode = #tpu.pipeline_mode<synchronous>, transform_indices = @transform_2, window_bounds = array<i64: 192, 128>}, {pipeline_mode = #tpu.pipeline_mode<synchronous>, transform_indices = @transform_3, window_bounds = array<i64: 1, 128>}, {transform_indices = @transform_4, window_bounds = array<i64: 1024, 128>}]} {
    %get3A = arith.constant 0 : index
    %get3A_0 = arith.constant 0 : index
    %get3A_1 = vector.load %arg1[%get3A, %get3A_0] : memref<1024x128xf32, #tpu.memory_space<vmem>>, vector<1024x128xf32>
    %get3A_2 = arith.constant 0 : index
    %get3A_3 = arith.constant 0 : index
    %get3A_4 = vector.load %arg2[%get3A_2, %get3A_3] : memref<1024x128xf32, #tpu.memory_space<vmem>>, vector<1024x64xf32>
    %concatenate3A = tpu.concatenate %get3A_1, %get3A_4 in 1 : vector<1024x128xf32>, vector<1024x64xf32> -> vector<1024x192xf32>
    %get3A_5 = arith.constant 0 : index
    %get3A_6 = arith.constant 0 : index
    %get3A_7 = vector.load %arg3[%get3A_5, %get3A_6] : memref<192x128xf32, #tpu.memory_space<vmem>>, vector<192x128xf32>
    %dot_general3A = arith.constant dense<0.000000e+00> : vector<1024x128xf32>
    %dot_general3A_8 = tpu.matmul %concatenate3A, %get3A_7, %dot_general3A {dimension_numbers = #tpu.dot_dimension_numbers<[1], [0], [0], [1], [0, 0, 1, 1], [], []>, transpose_lhs_hint = false} : vector<1024x192xf32>, vector<192x128xf32>, vector<1024x128xf32> -> vector<1024x128xf32>
    %get3A_9 = arith.constant 0 : index
    %get3A_10 = arith.constant 0 : index
    %get3A_11 = vector.load %arg4[%get3A_9, %get3A_10] : memref<1x128xf32, #tpu.memory_space<vmem>>, vector<1x128xf32>
    %add3A = vector.broadcast %get3A_11 : vector<1x128xf32> to vector<1024x128xf32>
    %add3A_12 = arith.addf %dot_general3A_8, %add3A : vector<1024x128xf32>
    %max3A = arith.constant 0.000000e+00 : f32
    %max3A_13 = vector.broadcast %max3A : f32 to vector<1024x128xf32>
    %max3A_14 = arith.maximumf %add3A_12, %max3A_13 : vector<1024x128xf32>
    %swap3A = arith.constant 0 : index
    %swap3A_15 = arith.constant 0 : index
    %swap3A_16 = vector.load %arg5[%swap3A, %swap3A_15] : memref<1024x128xf32, #tpu.memory_space<vmem>>, vector<1024x128xf32>
    tpu.vector_store %arg5[%swap3A, %swap3A_15], %max3A_14 {strides = array<i32>} : memref<1024x128xf32, #tpu.memory_space<vmem>>, vector<1024x128xf32>,
    return
  }
  func.func @transform_0(%arg0: i32) -> (i32, i32) {
    %c0_i32 = arith.constant 0 : i32
    %c0_i32_0 = arith.constant 0 : i32
    return %arg0, %c0_i32 : i32, i32
  }
  func.func @transform_1(%arg0: i32) -> (i32, i32) {
    %c0_i32 = arith.constant 0 : i32
    %c0_i32_0 = arith.constant 0 : i32
    return %arg0, %c0_i32 : i32, i32
  }
  func.func @transform_2(%arg0: i32) -> (i32, i32) {
    %c0_i32 = arith.constant 0 : i32
    %c0_i32_0 = arith.constant 0 : i32
    %c0_i32_1 = arith.constant 0 : i32
    return %c0_i32, %c0_i32_0 : i32, i32
  }
  func.func @transform_3(%arg0: i32) -> (i32, i32) {
    %c0_i32 = arith.constant 0 : i32
    %c0_i32_0 = arith.constant 0 : i32
    %c0_i32_1 = arith.constant 0 : i32
    return %c0_i32, %c0_i32_0 : i32, i32
  }
  func.func @transform_4(%arg0: i32) -> (i32, i32) {
    %c0_i32 = arith.constant 0 : i32
    %c0_i32_0 = arith.constant 0 : i32
    return %arg0, %c0_i32 : i32, i32
  }
}

module attributes {stable_mosaic.version = 14 : i64} {
  func.func @_final_body(%arg0: i32, %arg1: memref<1024x128xf32, #tpu.memory_space<vmem>>, %arg2: memref<1024x128xf32, #tpu.memory_space<vmem>>, %arg3: memref<1024x128xf32, #tpu.memory_space<vmem>>, %arg4: memref<192x128xf32, #tpu.memory_space<vmem>>, %arg5: memref<1x128xf32, #tpu.memory_space<vmem>>, %arg6: memref<128x128xf32, #tpu.memory_space<vmem>>, %arg7: memref<1x128xf32, #tpu.memory_space<vmem>>, %arg8: memref<1024x128xf32, #tpu.memory_space<vmem>>) attributes {dimension_semantics = [#tpu.dimension_semantics<arbitrary>], iteration_bounds = array<i64: 10>, scalar_prefetch = 0 : i64, scratch_operands = 0 : i64, tpu.core_type = #tpu.core_type<tc>, window_params = [{transform_indices = @transform_0, window_bounds = array<i64: 1024, 128>}, {transform_indices = @transform_1, window_bounds = array<i64: 1024, 128>}, {transform_indices = @transform_2, window_bounds = array<i64: 1024, 128>}, {pipeline_mode = #tpu.pipeline_mode<synchronous>, transform_indices = @transform_3, window_bounds = array<i64: 192, 128>}, {pipeline_mode = #tpu.pipeline_mode<synchronous>, transform_indices = @transform_4, window_bounds = array<i64: 1, 128>}, {pipeline_mode = #tpu.pipeline_mode<synchronous>, transform_indices = @transform_5, window_bounds = array<i64: 128, 128>}, {pipeline_mode = #tpu.pipeline_mode<synchronous>, transform_indices = @transform_6, window_bounds = array<i64: 1, 128>}, {transform_indices = @transform_7, window_bounds = array<i64: 1024, 128>}]} {
    %get3A = arith.constant 0 : index
    %get3A_0 = arith.constant 0 : index
    %get3A_1 = vector.load %arg1[%get3A, %get3A_0] : memref<1024x128xf32, #tpu.memory_space<vmem>>, vector<1024x128xf32>
    %get3A_2 = arith.constant 0 : index
    %get3A_3 = arith.constant 0 : index
    %get3A_4 = vector.load %arg2[%get3A_2, %get3A_3] : memref<1024x128xf32, #tpu.memory_space<vmem>>, vector<1024x64xf32>
    %concatenate3A = tpu.concatenate %get3A_1, %get3A_4 in 1 : vector<1024x128xf32>, vector<1024x64xf32> -> vector<1024x192xf32>
    %get3A_5 = arith.constant 0 : index
    %get3A_6 = arith.constant 0 : index
    %get3A_7 = vector.load %arg4[%get3A_5, %get3A_6] : memref<192x128xf32, #tpu.memory_space<vmem>>, vector<192x128xf32>
    %dot_general3A = arith.constant dense<0.000000e+00> : vector<1024x128xf32>
    %dot_general3A_8 = tpu.matmul %concatenate3A, %get3A_7, %dot_general3A {dimension_numbers = #tpu.dot_dimension_numbers<[1], [0], [0], [1], [0, 0, 1, 1], [], []>, transpose_lhs_hint = false} : vector<1024x192xf32>, vector<192x128xf32>, vector<1024x128xf32> -> vector<1024x128xf32>
    %get3A_9 = arith.constant 0 : index
    %get3A_10 = arith.constant 0 : index
    %get3A_11 = vector.load %arg5[%get3A_9, %get3A_10] : memref<1x128xf32, #tpu.memory_space<vmem>>, vector<1x128xf32>
    %add3A = vector.broadcast %get3A_11 : vector<1x128xf32> to vector<1024x128xf32>
    %add3A_12 = arith.addf %dot_general3A_8, %add3A : vector<1024x128xf32>
    %max3A = arith.constant 0.000000e+00 : f32
    %max3A_13 = vector.broadcast %max3A : f32 to vector<1024x128xf32>
    %max3A_14 = arith.maximumf %add3A_12, %max3A_13 : vector<1024x128xf32>
    %get3A_15 = arith.constant 0 : index
    %get3A_16 = arith.constant 0 : index
    %get3A_17 = vector.load %arg3[%get3A_15, %get3A_16] : memref<1024x128xf32, #tpu.memory_space<vmem>>, vector<1024x128xf32>
    %get3A_18 = arith.constant 0 : index
    %get3A_19 = arith.constant 0 : index
    %get3A_20 = vector.load %arg6[%get3A_18, %get3A_19] : memref<128x128xf32, #tpu.memory_space<vmem>>, vector<128x128xf32>
    %dot_general3A_21 = arith.constant dense<0.000000e+00> : vector<1024x128xf32>
    %dot_general3A_22 = tpu.matmul %get3A_17, %get3A_20, %dot_general3A_21 {dimension_numbers = #tpu.dot_dimension_numbers<[1], [0], [0], [1], [0, 0, 1, 1], [], []>, transpose_lhs_hint = false} : vector<1024x128xf32>, vector<128x128xf32>, vector<1024x128xf32> -> vector<1024x128xf32>
    %get3A_23 = arith.constant 0 : index
    %get3A_24 = arith.constant 0 : index
    %get3A_25 = vector.load %arg7[%get3A_23, %get3A_24] : memref<1x128xf32, #tpu.memory_space<vmem>>, vector<1x128xf32>
    %add3A_26 = vector.broadcast %get3A_25 : vector<1x128xf32> to vector<1024x128xf32>
    %add3A_27 = arith.addf %dot_general3A_22, %add3A_26 : vector<1024x128xf32>
    %add3A_28 = arith.addf %max3A_14, %add3A_27 : vector<1024x128xf32>
    %max3A_29 = arith.constant 0.000000e+00 : f32
    %max3A_30 = vector.broadcast %max3A_29 : f32 to vector<1024x128xf32>
    %max3A_31 = arith.maximumf %add3A_28, %max3A_30 : vector<1024x128xf32>
    %swap3A = arith.constant 0 : index
    %swap3A_32 = arith.constant 0 : index
    %swap3A_33 = vector.load %arg8[%swap3A, %swap3A_32] : memref<1024x128xf32, #tpu.memory_space<vmem>>, vector<1024x128xf32>
    tpu.vector_store %arg8[%swap3A, %swap3A_32], %max3A_31 {strides = array<i32>} : memref<1024x128xf32, #tpu.memory_space<vmem>>, vector<1024x128xf32>,
    return
  }
  func.func @transform_0(%arg0: i32) -> (i32, i32) {
    %c0_i32 = arith.constant 0 : i32
    %c0_i32_0 = arith.constant 0 : i32
    return %arg0, %c0_i32 : i32, i32
  }
  func.func @transform_1(%arg0: i32) -> (i32, i32) {
    %c0_i32 = arith.constant 0 : i32
    %c0_i32_0 = arith.constant 0 : i32
    return %arg0, %c0_i32 : i32, i32
  }
  func.func @transform_2(%arg0: i32) -> (i32, i32) {
    %c0_i32 = arith.constant 0 : i32
    %c0_i32_0 = arith.constant 0 : i32
    return %arg0, %c0_i32 : i32, i32
  }
  func.func @transform_3(%arg0: i32) -> (i32, i32) {
    %c0_i32 = arith.constant 0 : i32
    %c0_i32_0 = arith.constant 0 : i32
    %c0_i32_1 = arith.constant 0 : i32
    return %c0_i32, %c0_i32_0 : i32, i32
  }
  func.func @transform_4(%arg0: i32) -> (i32, i32) {
    %c0_i32 = arith.constant 0 : i32
    %c0_i32_0 = arith.constant 0 : i32
    %c0_i32_1 = arith.constant 0 : i32
    return %c0_i32, %c0_i32_0 : i32, i32
  }
  func.func @transform_5(%arg0: i32) -> (i32, i32) {
    %c0_i32 = arith.constant 0 : i32
    %c0_i32_0 = arith.constant 0 : i32
    %c0_i32_1 = arith.constant 0 : i32
    return %c0_i32, %c0_i32_0 : i32, i32
  }
  func.func @transform_6(%arg0: i32) -> (i32, i32) {
    %c0_i32 = arith.constant 0 : i32
    %c0_i32_0 = arith.constant 0 : i32
    %c0_i32_1 = arith.constant 0 : i32
    return %c0_i32, %c0_i32_0 : i32, i32
  }
  func.func @transform_7(%arg0: i32) -> (i32, i32) {
    %c0_i32 = arith.constant 0 : i32
    %c0_i32_0 = arith.constant 0 : i32
    return %arg0, %c0_i32 : i32, i32
  }
}

</mosaic_0001>

<sc_bundles>
// kernel: kernel.11.cloned.1.call-start
scs
__scs_entry_jumppad:
0x0: {  	(pc) =	sbr.rel $0x88, $3  }
0x1: {  	(tag) =	ssettag $0x0;
	lr =	simm.s32 $0x1  }
0x2: {  	[smem:$0x3F90] =	sst lr;
	_ =	strace $0xD0000000  }
0x3: {  	_ = 	snop  }
0x4: {  	_ = 	snop  }
0x5: {  	_ = 	snop  }
0x6: {  	_ = 	snop  }
0x7: {  	_ = 	snop  }
__scs_overlays_trampoline_lowered:
0x8: {  	[smem:$0x3F9F] =	sst s0  }
0x9: {  	[smem:$0x3FA0] =	sst s1  }
0xa: {  	[smem:$0x3FA1] =	sst s2  }
0xb: {  	[smem:$0x3FA2] =	sst s3  }
0xc: {  	[smem:$0x3FA3] =	sst s4  }
0xd: {  	[smem:$0x3FA4] =	sst s5  }
0xe: {  	[smem:$0x3FA5] =	sst s6  }
0xf: {  	[smem:$0x3FA6] =	sst s7  }
0x10: {  	[smem:$0x3FA7] =	sst s8  }
0x11: {  	[smem:$0x3FA8] =	sst s9;
	s0 =	simm.s32 @!p0 $0x0  }
0x12: {  	s1 =	sld [smem:$0x3F8E];
	s0 =	simm.s32 @p0 $0x1  }
0x13: {  	[smem:$0x3FA9] =	sst s0;
	s0 =	simm.s32 @!p1 $0x0  }
0x14: {  	s2 =	sld [smem:$0x3F8D];
	s0 =	simm.s32 @p1 $0x1  }
0x15: {  	[smem:$0x3FAA] =	sst s0;
	s0 =	simm.s32 @!p2 $0x0  }
0x16: {  	s3 =	sld [smem:$0x3FDB];
	s0 =	simm.s32 @p2 $0x1  }
0x17: {  	s4 =	simm.s32 $0x1BF5;
	[smem:$0x3FAC] =	sst s0  }
0x18: {  	s0 =	sld [smem:$0x3F8F];
	_ =	swait.ge [sflag:s4], $0x0  }
0x19: {  	s7 =	sld [smem:$0x3F90]  }
0x1a: {  	s8 =	sadd.s32 $0xFFFFE003, lr  }
0x1b: {  	s9 =	sadd.s32 $0xFFFFFEF7, lr;
	s5 =	simm.s32 $0xFFFFFFFF;
	p2 =	slt.u32 s8, $0xFFFFF086  }
0x1c: {  	p1 =	slt.u32 s9, $0xF7A;
	s5 =	simm.s32 @!p2 $0x0  }
0x1d: {  	s5 =	simm.s32 @p1 $0x1;
	p0 =	seq.s32 s7, s2  }
0x1e: {  	s7 =	smul.u32 @!p0 $0xF7A, s2;
	p2 =	seq.s32 @!p0 s5, $0x0  }
0x1f: {  	s9 =	smul.u32 $0xF7A, s1;
	s8 =	simm.s32 @!p0 $0x1BF5;
	p2 =	por !p2, p0  }
0x20: {  	[sflag:s8] =	ssyncset.s32 @!p0 $0xFFFFF086;
	s6 =	sadd.s32 @!p0 s3, s7;
	s7 =	simm.s32 @!p0 $0x108  }
0x21: {  	s3 =	sadd.s32 s3, s9;
	s6 =	sadd.s32 @!p0 $0x88, s6;
	s7 =	simm.s32 @p2 $0x1082  }
0x22: {  	[simem:s7], [sflag:s8] =	dma.local @!p0 [hbm:s6], $0xF7A  }
0x23: {  	s9 =	sor.u32 $0xD0000000, s2;
	s6 =	simm.s32 $0x108;
	_ =	swait.ge @!p0 [sflag:s8], $0x0  }
0x24: {  	s3 =	sadd.s32 $0x88, s3;
	s6 =	simm.s32 @!p1 $0x1082;
	[sflag:s4] =	ssyncset.s32 $0xFFFFF086  }
0x25: {  	[simem:s6], [sflag:s4] =	dma.local [hbm:s3], $0xF7A  }
0x26: {  	[smem:$0x3F90] =	sst s1;
	(tag) =	ssettag s2;
	_ =	strace s9  }
0x27: {  	s1 =	sld [smem:$0x3FA0]  }
0x28: {  	s2 =	sld [smem:$0x3FA1]  }
0x29: {  	s4 =	sld [smem:$0x3FA3]  }
0x2a: {  	p0 =	seq.s32 s5, $0x0;
	s5 =	sld [smem:$0x3FA4]  }
0x2b: {  	s6 =	sld [smem:$0x3FA5]  }
0x2c: {  	s7 =	sld [smem:$0x3FA6]  }
0x2d: {  	s3 =	simm.s32 $0x108;
	s8 =	sld [smem:$0x3FA7]  }
0x2e: {  	s3 =	simm.s32 @!p0 $0x1082;
	s9 =	sld [smem:$0x3FA8]  }
0x2f: {  	lr =	sadd.s32 s0, s3;
	s0 =	sld [smem:$0x3F9F]  }
0x30: {  	s3 =	sld [smem:$0x3FA2]  }
0x31: {  	[smem:$0x3FAB] =	sst s10  }
0x32: {  	s10 =	sld [smem:$0x3FA9];
	_ =	sdelay $0x3  }
0x33: {  	p0 =	seq.s32 s10, $0x1;
	s10 =	sld [smem:$0x3FAB];
	_ =	sdelay $0x3  }
0x34: {  	[smem:$0x3FAB] =	sst s10  }
0x35: {  	s10 =	sld [smem:$0x3FAA];
	_ =	sdelay $0x3  }
0x36: {  	p1 =	seq.s32 s10, $0x1;
	s10 =	sld [smem:$0x3FAB];
	_ =	sdelay $0x3  }
0x37: {  	[smem:$0x3FAB] =	sst s10  }
0x38: {  	s10 =	sld [smem:$0x3FAC]  }
0x39: {  	_ = 	snop;
	(pc) =	sbr.ind lr, $3  }
0x3a: {  	_ = 	snop  }
0x3b: {  	_ = 	snop  }
0x3c: {  	p2 =	seq.s32 s10, $0x1;
	s10 =	sld [smem:$0x3FAB]  }
0x3d: {  	_ =	shalt  }
0x3e: {  	_ =	shalt  }
0x3f: {  	_ =	shalt  }
0x40: {  	_ =	shalt  }
0x41: {  	_ =	shalt  }
0x42: {  	_ =	shalt  }
0x43: {  	_ =	shalt  }
0x44: {  	_ =	shalt  }
0x45: {  	_ =	shalt  }
0x46: {  	_ =	shalt  }
0x47: {  	_ =	shalt  }
0x48: {  	_ =	shalt  }
0x49: {  	_ =	shalt  }
0x4a: {  	_ =	shalt  }
0x4b: {  	_ =	shalt  }
0x4c: {  	_ =	shalt  }
0x4d: {  	_ =	shalt  }
0x4e: {  	_ =	shalt  }
0x4f: {  	_ =	shalt  }
0x50: {  	_ =	shalt  }
0x51: {  	_ =	shalt  }
0x52: {  	_ =	shalt  }
0x53: {  	_ =	shalt  }
0x54: {  	_ =	shalt  }
0x55: {  	_ =	shalt  }
0x56: {  	_ =	shalt  }
0x57: {  	_ =	shalt  }
0x58: {  	_ =	shalt  }
0x59: {  	_ =	shalt  }
0x5a: {  	_ =	shalt  }
0x5b: {  	_ =	shalt  }
0x5c: {  	_ =	shalt  }
0x5d: {  	_ =	shalt  }
0x5e: {  	_ =	shalt  }
0x5f: {  	_ =	shalt  }
0x60: {  	_ =	shalt  }
0x61: {  	_ =	shalt  }
0x62: {  	_ =	shalt  }
0x63: {  	_ =	shalt  }
0x64: {  	_ =	shalt  }
0x65: {  	_ =	shalt  }
0x66: {  	_ =	shalt  }
0x67: {  	_ =	shalt  }
0x68: {  	_ =	shalt  }
0x69: {  	_ =	shalt  }
0x6a: {  	_ =	shalt  }
0x6b: {  	_ =	shalt  }
0x6c: {  	_ =	shalt  }
0x6d: {  	_ =	shalt  }
0x6e: {  	_ =	shalt  }
0x6f: {  	_ =	shalt  }
0x70: {  	_ =	shalt  }
0x71: {  	_ =	shalt  }
0x72: {  	_ =	shalt  }
0x73: {  	_ =	shalt  }
0x74: {  	_ =	shalt  }
0x75: {  	_ =	shalt  }
0x76: {  	_ =	shalt  }
0x77: {  	_ =	shalt  }
0x78: {  	_ =	shalt  }
0x79: {  	_ =	shalt  }
0x7a: {  	_ =	shalt  }
0x7b: {  	_ =	shalt  }
0x7c: {  	_ =	shalt  }
0x7d: {  	_ =	shalt  }
0x7e: {  	_ =	shalt  }
0x7f: {  	_ =	shalt  }
0x80: {  	_ =	shalt  }
0x81: {  	_ =	shalt  }
0x82: {  	_ =	shalt  }
0x83: {  	_ =	shalt  }
0x84: {  	_ =	shalt  }
0x85: {  	_ =	shalt  }
0x86: {  	_ =	shalt  }
0x87: {  	_ =	shalt  }
.Lfunc_end0:
.L_simem_size_0:
called_computation_lowered:
.L_overlay_start_0:
0x88: {  	s2 =	sld [smem:$0x3FD9]  }
0x89: {  	s3 =	sld [smem:$0x3FFE];
	_ =	sdelay $0x1  }
0x8a: {  	s1 =	srdreg.scid  }
0x8b: {  	s0 =	sand.u32 $0x1, s1  }
0x8c: {  	s17 =	sshll.u32 s0, $0xA;
	s2 =	sadd.s32 s3, s2  }
0x8d: {  	s2 =	sadd.s32 s2, s17  }
0x8e: {  	[smem:$0x3FB7] =	sst s2  }
0x8f: {  	_ = 	snop  }
0x90: {  	s2 =	sld [smem:$0x3FD0];
	(tm) =	ssettm $0x1  }
0x91: {  	s18 =	sld [smem:$0x3FFB];
	_ =	sdelay $0x3  }
0x92: {  	_ =	strace s18  }
0x93: {  	s3 =	sld [smem:$0x3FFC];
	_ =	sdelay $0x3  }
0x94: {  	_ =	strace s3  }
0x95: {  	s3 =	sld [smem:$0x3FFD];
	_ =	sdelay $0x3  }
0x96: {  	_ =	strace s3  }
0x97: {  	_ =	strace $0x8FFFFFFF  }
0x98: {  	s19 =	sld [smem:$0x3FDB];
	_ =	sdelay $0x1  }
0x99: {  	s4 =	simm.s32 $_scs_section_size  }
0x9a: {  	s5 =	simm.s32 $_size__tile_overlayer_lowered;
	s6 =	simm.s32 $_tile_overlayer_lowered  }
0x9b: {  	s22 =	simm.s32 $0x1BFF;
	s21 =	sshll.u32 s6, $0x1;
	s3 =	sadd.s32 s4, s19  }
0x9c: {  	s7 =	simm.s32 $0x0;
	s20 =	sshll.u32 s5, $0x1;
	s5 =	sadd.s32 s21, s3  }
0x9d: {  	[timem:s7], [sflag:s22] =	dma.local [hbm:s5], s20  }
0x9e: {  	_ =	swait.ge [sflag:s22], s20  }
0x9f: {  	s4 =	ssub.s32 $0x0, s20;
	[sflag:s22] =	ssyncset.done $0x0  }
0xa0: {  	[sflag:s22] =	ssyncadd.s32 s4;
	_ =	sdelay $0x1  }
0xa1: {  	s23 =	simm.s32 $0x1B8B  }
0xa2: {  	_ =	swait.ge [sflag:s23], $0x1  }
0xa3: {  	[sflag:s23] =	ssyncset.done $0x0  }
0xa4: {  	s25 =	simm.s32 $0x1B8E;
	s24 =	sld [smem:$0x3FFE];
	[sflag:s23] =	ssyncadd.s32 $0xFFFFFFFF  }
0xa5: {  	s26 =	simm.s32 $execute0_lowered;
	[smem:$0x3FD2] =	sst s25  }
0xa6: {  	s5 =	sshll.u32 s26, $0x1;
	_ =	strace $0x80000046;
	[dreg:$0x1] =	wrdreg $0xFFFFFFFF  }
0xa7: {  	s28 =	simm.s32 $_size_execute0_lowered;
	s3 =	sadd.s32 s3, s5;
	[dreg:$0x0] =	wrdreg $0x0  }
0xa8: {  	s5 =	sshll.u32 s28, $0x1;
	[dreg:$0x2] =	wrdreg s3  }
0xa9: {  	[dreg:$0x3] =	wrdreg s5  }
0xaa: {  	[dreg:$0x4] =	wrdreg $0xC0  }
0xab: {  	_ =	task [dreg:s7], $0x5FFFF  }
0xac: {  	[dreg:$0x1] =	wrdreg $0xFFFFFFFF  }
0xad: {  	[dreg:$0x0] =	wrdreg $0x60  }
0xae: {  	[dreg:$0x2] =	wrdreg s24  }
0xaf: {  	[dreg:$0x3] =	wrdreg s2  }
0xb0: {  	[dreg:$0x4] =	wrdreg $0x9  }
0xb1: {  	_ =	task.clear_ibuf [dreg:s7], $0x5FFFF;
	_ =	strace $0x90000046  }
0xb2: {  	s29 =	simm.s32 $0x9;
	_ =	strace $0x80000048  }
0xb3: {  	_ =	swait.ge [sflag:s29], $0x1  }
0xb4: {  	[sflag:s29] =	ssyncadd.s32 $0xFFFFFFFF  }
0xb5: {  	_ =	strace $0x90000048  }
0xb6: {  	_ =	sfence  }
0xb7: {  	s30 =	sld [smem:$0x0];
	_ =	sdelay $0x2  }
0xb8: {  	s31 =	sshll.u32 s1, $0xD;
	s1 =	sshrl.u32 s1, $0x2  }
0xb9: {  	s3 =	sand.u32 $0x4000, s31;
	s1 =	sadd.s32 s1, s30  }
0xba: {  	s0 =	sor.u32 s3, s0;
	s1 =	sshll.u32 s1, $0x11  }
0xbb: {  	s0 =	sor.u32 s1, s0  }
0xbc: {  	s0 =	sadd.s32 $0x8F2B, s0  }
0xbd: {  	[sflag:s0] =	ssyncadd.remote.s32 $0x1  }
0xbe: {  	_ =	sfence.sel $0xFFFF  }
0xbf: {  	[dreg:$0x0] =	wrdreg $0xFFFFFFFF;
	(pc) =	sbr.abs _section_cstart, $3  }
0xc0: {  	[dreg:$0x1] =	wrdreg $0xFFFFFFFF  }
0xc1: {  	_ =	task.clear_ibuf [dreg:s7], $0x2FFFF;
	_ =	strace $0x9FFFFFFF  }
0xc2: {  	(tm) =	ssettm $0x7FFFFFFF  }
0xc3: {  	_ =	shalt  }
tec
execute0_lowered:
.L_overlay_start_1:
0x0: {  	(tag) =	ssettag $0x1  }
0x1: {  	s7 =	rddreg [dreg:$0x0]  }
0x2: {  	s1 =	rddreg [dreg:$0x1]  }
0x3: {  	s0 =	rddreg [dreg:$0x2]  }
0x4: {  	s2 =	simm.s32 $0x0;
	s3 =	srdreg.scid;
	s12 =	simm.s32 $0xD200  }
0x5: {  	s13 =	simm.s32 $0x0;
	[smem:$0x7FF] =	sst s2;
	s4 =	sadd.s32 $0x15C00, s7  }
0x6: {  	s8 =	sand.u32 $0x1, s3;
	s5 =	sadd.s32 $0x10C00, s7;
	s3 =	stileid.u32  }
0x7: {  	s6 =	sadd.s32 $0x17000, s7;
	s7 =	sadd.s32 $0x3F000, s7;
	s9 =	ssub.s32 $0x2, s8  }
0x8: {  	_ =	strace $0x80000047;
	s11 =	sshll.u32 s3, $0x1;
	s10 =	sshrl.u32 s9, $0x1  }
0x9: {  	s8 =	sor.u32 s8, s11;
	s11 =	simm.s32 $0xAA00;
	s9 =	ssub.s32 s9, s10  }
0xa: {  	v0 =	vimm.f32 $0.0e+00;
	s8 =	smul.u32 $0x1400, s8;
	s10 =	simm.s32 $0x1;
	s9 =	smax.u32 s9, $0x1  }
.LBB2_1:
0xb: {  	[tilespmem:s2], [sflag:$0x1] =	stream.linear.gather [hbm4b:s4+s2], $0xA000, $0x38;
	[tilespmem:$0xFA00] =	vst v63  }
0xc: {  	_ =	swait.ge [sflag:s10], $0xA000  }
0xd: {  	s14 =	sand.u32 $0x70, s2;
	s15 =	sand.u32 $0x3C00, s2;
	[sflag:s10] =	ssyncset.done $0x0  }
0xe: {  	s16 =	sand.u32 $0x7, s2;
	s15 =	sor.u32 s14, s15;
	[sflag:s10] =	ssyncadd.s32 $0xFFFF6000  }
0xf: {  	s31 =	sshll.u32 s16, $0x4;
	[tilespmem:s15+$0xAC00] =	vst v0  }
0x10: {  	s14 =	sadd.s32 $0x0, s31;
	[tilespmem:s15+$0xAC80] =	vst v0  }
0x11: {  	s17 =	sor.u32 $0x380, s14;
	[tilespmem:s15+$0xAD00] =	vst v0  }
0x12: {  	[tilespmem:s17+$0xAA00] =	vst v0  }
0x13: {  	[tilespmem:s15+$0xD500] =	vst v0  }
0x14: {  	s18 =	simm.s32 $0x1;
	s19 =	simm.s32 $0x0;
	s16 =	simm.s32 $0x10;
	[tilespmem:s15+$0xD400] =	vst v0  }
.LBB2_2:
0x15: {  	s14 =	sand.u32 $0x7, s18;
	p0 =	sne.s32 s16, $0x4F0;
	[tilespmem:s15+$0xD380] =	vst v0;
	s19 =	sadd.s32 $0x80, s19  }
0x16: {  	s20 =	sand.u32 $0x70, s16;
	s14 =	sshll.u32 s14, $0x4;
	s21 =	sand.u32 $0x3C00, s19;
	[tilespmem:s15+$0xD480] =	vst v0  }
0x17: {  	s16 =	sadd.s32 $0x10, s16;
	s14 =	sadd.s32 s14, s19;
	s15 =	sor.u32 s20, s21;
	[tilespmem:s17+$0xD200] =	vst v0  }
0x18: {  	[tilespmem:s15+$0xAC00] =	vst v0  }
.Ltmp0:
0x19: {  	[tilespmem:s15+$0xAC80] =	vst v0;
	(pc) =	sbr.rel @p0 .LBB2_2-.Ltmp0, $4  }
0x1a: {  	s17 =	sor.u32 $0x380, s14;
	[tilespmem:s15+$0xAD00] =	vst v0  }
0x1b: {  	[tilespmem:s17+$0xAA00] =	vst v0  }
0x1c: {  	[tilespmem:s15+$0xD500] =	vst v0  }
0x1d: {  	s18 =	sadd.s32 $0x1, s18;
	s14 =	simm.s32 $0x0;
	[tilespmem:s15+$0xD400] =	vst v0  }
0x1e: {  	[tilespmem:s15+$0xD380] =	vst v0  }
0x1f: {  	[tilespmem:s15+$0xD480] =	vst v0  }
0x20: {  	s15 =	simm.s32 $0x0;
	[tilespmem:s17+$0xD200] =	vst v0  }
.LBB2_4:
0x21: {  	s16 =	smul.u32 $0x500, s15;
	_ =	sdelay $0x1  }
0x22: {  	s16 =	sadd.s32 s8, s16  }
0x23: {  	s18 =	sshrl.u32 s16, $0x3  }
0x24: {  	s17 =	simm.s32 $0xA000;
	s19 =	sadd.s32 s1, s18  }
0x25: {  	[tilespmem:s17], [sflag:$0x1] =	stream.linear.gather [hbm4b:s19+s14], $0x500, $0x38;
	[tilespmem:$0xFA00] =	vst v63  }
0x26: {  	_ =	swait.ge [sflag:s10], $0x500  }
0x27: {  	[sflag:s10] =	ssyncset.done $0x0  }
0x28: {  	s30 =	sadd.s32 s5, s18;
	s18 =	simm.s32 $0xA500;
	[sflag:s10] =	ssyncadd.s32 $0xFFFFFB00  }
0x29: {  	[tilespmem:s18], [sflag:$0x1] =	stream.linear.gather [hbm4b:s30+s14], $0x500, $0x38;
	[tilespmem:$0xFA00] =	vst v63  }
0x2a: {  	_ =	swait.ge [sflag:s10], $0x500  }
0x2b: {  	[sflag:s10] =	ssyncset.done $0x0  }
0x2c: {  	[sflag:s10] =	ssyncadd.s32 $0xFFFFFB00  }
0x2d: {  	v1 =	vld [tilespmem:s18+$0x0]  }
0x2e: {  	v2 =	vld [tilespmem:s17+$0x0];
	_ =	sdelay $0x3  }
0x2f: {  	v1 =	vshll.u32 v1, $0x2  }
0x30: {  	v2 =	vshll.u32 v2, $0x2;
	_ =	sdelay $0x3  }
0x31: {  	v3 =	vld.idx.msk [tilespmem:v1+s2+$0x0], $0xffff  }
0x32: {  	v4 =	vld.idx.msk [tilespmem:v2+s2+$0x0], $0xffff  }
0x33: {  	v5 =	vor.u32 $0x1, v2  }
0x34: {  	s31 =	sand.u32 $0x70, s14;
	s20 =	sand.u32 $0x3C00, s14;
	v6 =	vor.u32 $0x1, v1  }
0x35: {  	s21 =	sor.u32 s31, s20  }
0x36: {  	[tilespmem:s21+$0xAA00] =	vst v3  }
0x37: {  	[tilespmem:s21+$0xD200] =	vst v4  }
0x38: {  	v5 =	vld.idx.msk [tilespmem:v5+s2+$0x0], $0xffff  }
0x39: {  	v6 =	vld.idx.msk [tilespmem:v6+s2+$0x0], $0xffff  }
0x3a: {  	v2 =	vor.u32 $0x2, v2  }
0x3b: {  	v1 =	vor.u32 $0x2, v1;
	_ =	sdelay $0x1  }
0x3c: {  	[tilespmem:s21+$0xD280] =	vst v5  }
0x3d: {  	[tilespmem:s21+$0xAA80] =	vst v6  }
0x3e: {  	v2 =	vld.idx.msk [tilespmem:v2+s2+$0x0], $0xffff  }
0x3f: {  	v1 =	vld.idx.msk [tilespmem:v1+s2+$0x0], $0xffff;
	_ =	sdelay $0x2  }
0x40: {  	v3 =	vsub.f32 v3, v4;
	v62 =	vsub.f32 v6, v5;
	_ =	sdelay $0x1  }
0x41: {  	v3 =	vmul.f32 v3, v3;
	v4 =	vmul.f32 v62, v62;
	v63 =	vsub.f32 v1, v2  }
0x42: {  	[tilespmem:s21+$0xD300] =	vst v2  }
0x43: {  	s20 =	simm.s32 $0x0;
	s19 =	simm.s32 $0x10;
	[tilespmem:s21+$0xAB00] =	vst v1;
	v1 =	vadd.f32 v4, v3;
	v2 =	vmul.f32 v63, v63  }
.LBB2_5:
0x44: {  	_ = 	snop  }
0x45: {  	s20 =	sadd.s32 $0x80, s20;
	s17 =	sadd.s32 $0x10, s17;
	s18 =	sadd.s32 $0x10, s18;
	v1 =	vadd.f32 v2, v1  }
0x46: {  	p0 =	sne.s32 s19, $0x4F0;
	s22 =	smov.u32 s19;
	s19 =	sadd.s32 $0x10, s19  }
0x47: {  	[tilespmem:s21+$0xAB80] =	vst v1  }
0x48: {  	v1 =	vld [tilespmem:s18+$0x0]  }
0x49: {  	v2 =	vld [tilespmem:s17+$0x0];
	_ =	sdelay $0x3  }
0x4a: {  	v1 =	vshll.u32 v1, $0x2  }
0x4b: {  	v2 =	vshll.u32 v2, $0x2;
	_ =	sdelay $0x3  }
0x4c: {  	v3 =	vld.idx.msk [tilespmem:v1+s2+$0x0], $0xffff  }
0x4d: {  	v4 =	vld.idx.msk [tilespmem:v2+s2+$0x0], $0xffff;
	_ =	sdelay $0x1  }
0x4e: {  	v6 =	vor.u32 $0x1, v1;
	v5 =	vor.u32 $0x1, v2  }
0x4f: {  	s21 =	sand.u32 $0x70, s22;
	s22 =	sand.u32 $0x3C00, s20  }
0x50: {  	s21 =	sor.u32 s21, s22  }
0x51: {  	[tilespmem:s21+$0xAA00] =	vst v3  }
0x52: {  	v3 =	vsub.f32 v3, v4;
	[tilespmem:s21+$0xD200] =	vst v4  }
0x53: {  	v4 =	vld.idx.msk [tilespmem:v5+s2+$0x0], $0xffff  }
0x54: {  	v5 =	vld.idx.msk [tilespmem:v6+s2+$0x0], $0xffff;
	_ =	sdelay $0x1  }
0x55: {  	v1 =	vor.u32 $0x2, v1;
	v2 =	vor.u32 $0x2, v2;
	_ =	sdelay $0x2  }
0x56: {  	[tilespmem:s21+$0xD280] =	vst v4  }
0x57: {  	v4 =	vsub.f32 v5, v4;
	[tilespmem:s21+$0xAA80] =	vst v5  }
0x58: {  	v2 =	vld.idx.msk [tilespmem:v2+s2+$0x0], $0xffff  }
0x59: {  	v4 =	vmul.f32 v4, v4;
	v1 =	vld.idx.msk [tilespmem:v1+s2+$0x0], $0xffff;
	_ =	sdelay $0x3  }
.Ltmp1:
0x5a: {  	v3 =	vmul.f32 v3, v3;
	(pc) =	sbr.rel @p0 .LBB2_5-.Ltmp1, $3  }
0x5b: {  	[tilespmem:s21+$0xD300] =	vst v2  }
0x5c: {  	v2 =	vsub.f32 v1, v2;
	[tilespmem:s21+$0xAB00] =	vst v1;
	v1 =	vadd.f32 v4, v3;
	_ =	sdelay $0x1  }
0x5d: {  	v2 =	vmul.f32 v2, v2  }
0x5e: {  	_ = 	snop  }
0x5f: {  	v1 =	vadd.f32 v2, v1;
	_ =	sdelay $0x1  }
0x60: {  	s17 =	sadd.s32 s6, s16;
	[tilespmem:s21+$0xAB80] =	vst v1  }
0x61: {  	[hbm4b:s17+s2] =	stream.linear.scatter [tilespmem:s11], [sflag:$0x1], $0x2800, $0x38;
	[tilespmem:$0xFA00] =	vst v63  }
0x62: {  	s15 =	sadd.s32 $0x1, s15;
	_ =	swait.ge [sflag:s10], $0x2800  }
0x63: {  	p0 =	sne.s32 s15, $0x4;
	[sflag:s10] =	ssyncset.done $0x0  }
.Ltmp2:
0x64: {  	s31 =	sadd.s32 s7, s16;
	[sflag:s10] =	ssyncadd.s32 $0xFFFFD800;
	(pc) =	sbr.rel @p0 .LBB2_4-.Ltmp2, $4  }
0x65: {  	[hbm4b:s31+s2] =	stream.linear.scatter [tilespmem:s12], [sflag:$0x1], $0x2800, $0x38;
	[tilespmem:$0xFA00] =	vst v63  }
0x66: {  	_ =	swait.ge [sflag:s10], $0x2800  }
0x67: {  	[sflag:s10] =	ssyncset.done $0x0  }
0x68: {  	[sflag:s10] =	ssyncadd.s32 $0xFFFFD800  }
0x69: {  	s13 =	sadd.s32 $0x1, s13  }
0x6a: {  	p0 =	sne.s32 s13, s9  }
.Ltmp3:
0x6b: {  	_ = 	snop;
	(pc) =	sbr.rel @p0 .LBB2_1-.Ltmp3, $1  }
0x6c: {  	_ =	sdelay $0x3  }
0x6d: {  	_ =	sfence.sel $0x180000  }
0x6e: {  	[bflag:$0x0] =	sbarrier.arrive $0xFFFF  }
0x6f: {  	p0 =	sne.s32 s3, $0x0;
	_ =	strace $0x90000047  }
0x70: {  	s0 =	sadd.s32 @!p0 $0x100000, s0;
	[bflag:$0x2] =	sbarrier.arrive $0xFFFF  }
0x71: {  	[sflag:s0] =	ssyncadd.tile.s32 @!p0 $0x1;
	_ =	shalt  }
.Lfunc_end2:
_tile_overlayer_lowered:
.L_overlay_start_2:
0x72: {  	(tag) =	ssettag $0x2  }
0x73: {  	s0 =	rddreg [dreg:$0x0];
	s2 =	stileid.u32  }
0x74: {  	s1 =	rddreg [dreg:$0x1];
	p0 =	sne.s32 s2, $0x0  }
0x75: {  	s3 =	rddreg [dreg:$0x2];
	[bflag:$0x3] =	sbarrier.arrive $0xFFFF;
	s2 =	simm.s32 @!p0 $0x1C01  }
0x76: {  	[timem:s3], [sflag:s2] =	dma.local @!p0 [hbm:s0], s1  }
0x77: {  	s0 =	simm.s32 @!p0 $0x1  }
0x78: {  	_ =	swait.ge @!p0 [sflag:s0], s1  }
0x79: {  	s1 =	ssub.s32 @!p0 $0x0, s1;
	[sflag:s0] =	ssyncset.done @!p0 $0x0  }
0x7a: {  	[sflag:s0] =	ssyncadd.s32 @!p0 s1  }
0x7b: {  	[bflag:$0x3] =	sbarrier.arrive $0xFFFF  }
0x7c: {  	_ =	shalt  }

// kernel: kernel.14.cloned.1.call-start
scs
__scs_entry_jumppad:
0x0: {  	(pc) =	sbr.rel $0x88, $3  }
0x1: {  	(tag) =	ssettag $0x0;
	lr =	simm.s32 $0x1  }
0x2: {  	[smem:$0x3F90] =	sst lr;
	_ =	strace $0xD0000000  }
0x3: {  	_ = 	snop  }
0x4: {  	_ = 	snop  }
0x5: {  	_ = 	snop  }
0x6: {  	_ = 	snop  }
0x7: {  	_ = 	snop  }
__scs_overlays_trampoline_lowered:
0x8: {  	[smem:$0x3F9F] =	sst s0  }
0x9: {  	[smem:$0x3FA0] =	sst s1  }
0xa: {  	[smem:$0x3FA1] =	sst s2  }
0xb: {  	[smem:$0x3FA2] =	sst s3  }
0xc: {  	[smem:$0x3FA3] =	sst s4  }
0xd: {  	[smem:$0x3FA4] =	sst s5  }
0xe: {  	[smem:$0x3FA5] =	sst s6  }
0xf: {  	[smem:$0x3FA6] =	sst s7  }
0x10: {  	[smem:$0x3FA7] =	sst s8  }
0x11: {  	[smem:$0x3FA8] =	sst s9;
	s0 =	simm.s32 @!p0 $0x0  }
0x12: {  	s1 =	sld [smem:$0x3F8E];
	s0 =	simm.s32 @p0 $0x1  }
0x13: {  	[smem:$0x3FA9] =	sst s0;
	s0 =	simm.s32 @!p1 $0x0  }
0x14: {  	s2 =	sld [smem:$0x3F8D];
	s0 =	simm.s32 @p1 $0x1  }
0x15: {  	[smem:$0x3FAA] =	sst s0;
	s0 =	simm.s32 @!p2 $0x0  }
0x16: {  	s3 =	sld [smem:$0x3FDB];
	s0 =	simm.s32 @p2 $0x1  }
0x17: {  	s4 =	simm.s32 $0x1BF5;
	[smem:$0x3FAC] =	sst s0  }
0x18: {  	s0 =	sld [smem:$0x3F8F];
	_ =	swait.ge [sflag:s4], $0x0  }
0x19: {  	s7 =	sld [smem:$0x3F90]  }
0x1a: {  	s8 =	sadd.s32 $0xFFFFE003, lr  }
0x1b: {  	s9 =	sadd.s32 $0xFFFFFEF7, lr;
	s5 =	simm.s32 $0xFFFFFFFF;
	p2 =	slt.u32 s8, $0xFFFFF086  }
0x1c: {  	p1 =	slt.u32 s9, $0xF7A;
	s5 =	simm.s32 @!p2 $0x0  }
0x1d: {  	s5 =	simm.s32 @p1 $0x1;
	p0 =	seq.s32 s7, s2  }
0x1e: {  	s7 =	smul.u32 @!p0 $0xF7A, s2;
	p2 =	seq.s32 @!p0 s5, $0x0  }
0x1f: {  	s9 =	smul.u32 $0xF7A, s1;
	s8 =	simm.s32 @!p0 $0x1BF5;
	p2 =	por !p2, p0  }
0x20: {  	[sflag:s8] =	ssyncset.s32 @!p0 $0xFFFFF086;
	s6 =	sadd.s32 @!p0 s3, s7;
	s7 =	simm.s32 @!p0 $0x108  }
0x21: {  	s3 =	sadd.s32 s3, s9;
	s6 =	sadd.s32 @!p0 $0x88, s6;
	s7 =	simm.s32 @p2 $0x1082  }
0x22: {  	[simem:s7], [sflag:s8] =	dma.local @!p0 [hbm:s6], $0xF7A  }
0x23: {  	s9 =	sor.u32 $0xD0000000, s2;
	s6 =	simm.s32 $0x108;
	_ =	swait.ge @!p0 [sflag:s8], $0x0  }
0x24: {  	s3 =	sadd.s32 $0x88, s3;
	s6 =	simm.s32 @!p1 $0x1082;
	[sflag:s4] =	ssyncset.s32 $0xFFFFF086  }
0x25: {  	[simem:s6], [sflag:s4] =	dma.local [hbm:s3], $0xF7A  }
0x26: {  	[smem:$0x3F90] =	sst s1;
	(tag) =	ssettag s2;
	_ =	strace s9  }
0x27: {  	s1 =	sld [smem:$0x3FA0]  }
0x28: {  	s2 =	sld [smem:$0x3FA1]  }
0x29: {  	s4 =	sld [smem:$0x3FA3]  }
0x2a: {  	p0 =	seq.s32 s5, $0x0;
	s5 =	sld [smem:$0x3FA4]  }
0x2b: {  	s6 =	sld [smem:$0x3FA5]  }
0x2c: {  	s7 =	sld [smem:$0x3FA6]  }
0x2d: {  	s3 =	simm.s32 $0x108;
	s8 =	sld [smem:$0x3FA7]  }
0x2e: {  	s3 =	simm.s32 @!p0 $0x1082;
	s9 =	sld [smem:$0x3FA8]  }
0x2f: {  	lr =	sadd.s32 s0, s3;
	s0 =	sld [smem:$0x3F9F]  }
0x30: {  	s3 =	sld [smem:$0x3FA2]  }
0x31: {  	[smem:$0x3FAB] =	sst s10  }
0x32: {  	s10 =	sld [smem:$0x3FA9];
	_ =	sdelay $0x3  }
0x33: {  	p0 =	seq.s32 s10, $0x1;
	s10 =	sld [smem:$0x3FAB];
	_ =	sdelay $0x3  }
0x34: {  	[smem:$0x3FAB] =	sst s10  }
0x35: {  	s10 =	sld [smem:$0x3FAA];
	_ =	sdelay $0x3  }
0x36: {  	p1 =	seq.s32 s10, $0x1;
	s10 =	sld [smem:$0x3FAB];
	_ =	sdelay $0x3  }
0x37: {  	[smem:$0x3FAB] =	sst s10  }
0x38: {  	s10 =	sld [smem:$0x3FAC]  }
0x39: {  	_ = 	snop;
	(pc) =	sbr.ind lr, $3  }
0x3a: {  	_ = 	snop  }
0x3b: {  	_ = 	snop  }
0x3c: {  	p2 =	seq.s32 s10, $0x1;
	s10 =	sld [smem:$0x3FAB]  }
0x3d: {  	_ =	shalt  }
0x3e: {  	_ =	shalt  }
0x3f: {  	_ =	shalt  }
0x40: {  	_ =	shalt  }
0x41: {  	_ =	shalt  }
0x42: {  	_ =	shalt  }
0x43: {  	_ =	shalt  }
0x44: {  	_ =	shalt  }
0x45: {  	_ =	shalt  }
0x46: {  	_ =	shalt  }
0x47: {  	_ =	shalt  }
0x48: {  	_ =	shalt  }
0x49: {  	_ =	shalt  }
0x4a: {  	_ =	shalt  }
0x4b: {  	_ =	shalt  }
0x4c: {  	_ =	shalt  }
0x4d: {  	_ =	shalt  }
0x4e: {  	_ =	shalt  }
0x4f: {  	_ =	shalt  }
0x50: {  	_ =	shalt  }
0x51: {  	_ =	shalt  }
0x52: {  	_ =	shalt  }
0x53: {  	_ =	shalt  }
0x54: {  	_ =	shalt  }
0x55: {  	_ =	shalt  }
0x56: {  	_ =	shalt  }
0x57: {  	_ =	shalt  }
0x58: {  	_ =	shalt  }
0x59: {  	_ =	shalt  }
0x5a: {  	_ =	shalt  }
0x5b: {  	_ =	shalt  }
0x5c: {  	_ =	shalt  }
0x5d: {  	_ =	shalt  }
0x5e: {  	_ =	shalt  }
0x5f: {  	_ =	shalt  }
0x60: {  	_ =	shalt  }
0x61: {  	_ =	shalt  }
0x62: {  	_ =	shalt  }
0x63: {  	_ =	shalt  }
0x64: {  	_ =	shalt  }
0x65: {  	_ =	shalt  }
0x66: {  	_ =	shalt  }
0x67: {  	_ =	shalt  }
0x68: {  	_ =	shalt  }
0x69: {  	_ =	shalt  }
0x6a: {  	_ =	shalt  }
0x6b: {  	_ =	shalt  }
0x6c: {  	_ =	shalt  }
0x6d: {  	_ =	shalt  }
0x6e: {  	_ =	shalt  }
0x6f: {  	_ =	shalt  }
0x70: {  	_ =	shalt  }
0x71: {  	_ =	shalt  }
0x72: {  	_ =	shalt  }
0x73: {  	_ =	shalt  }
0x74: {  	_ =	shalt  }
0x75: {  	_ =	shalt  }
0x76: {  	_ =	shalt  }
0x77: {  	_ =	shalt  }
0x78: {  	_ =	shalt  }
0x79: {  	_ =	shalt  }
0x7a: {  	_ =	shalt  }
0x7b: {  	_ =	shalt  }
0x7c: {  	_ =	shalt  }
0x7d: {  	_ =	shalt  }
0x7e: {  	_ =	shalt  }
0x7f: {  	_ =	shalt  }
0x80: {  	_ =	shalt  }
0x81: {  	_ =	shalt  }
0x82: {  	_ =	shalt  }
0x83: {  	_ =	shalt  }
0x84: {  	_ =	shalt  }
0x85: {  	_ =	shalt  }
0x86: {  	_ =	shalt  }
0x87: {  	_ =	shalt  }
.Lfunc_end0:
.L_simem_size_0:
called_computation.1_lowered:
.L_overlay_start_0:
0x88: {  	s2 =	sld [smem:$0x3FD9]  }
0x89: {  	s3 =	sld [smem:$0x3FFE];
	_ =	sdelay $0x1  }
0x8a: {  	s1 =	srdreg.scid  }
0x8b: {  	s0 =	sand.u32 $0x1, s1  }
0x8c: {  	s17 =	sshll.u32 s0, $0xA;
	s2 =	sadd.s32 s3, s2  }
0x8d: {  	s2 =	sadd.s32 s2, s17  }
0x8e: {  	[smem:$0x3FB7] =	sst s2  }
0x8f: {  	_ = 	snop  }
0x90: {  	(tm) =	ssettm $0x1  }
0x91: {  	s18 =	sld [smem:$0x3FFB];
	_ =	sdelay $0x3  }
0x92: {  	_ =	strace s18  }
0x93: {  	s2 =	sld [smem:$0x3FFC];
	_ =	sdelay $0x3  }
0x94: {  	_ =	strace s2  }
0x95: {  	s2 =	sld [smem:$0x3FFD];
	_ =	sdelay $0x3  }
0x96: {  	_ =	strace s2  }
0x97: {  	_ =	strace $0x8FFFFFFF  }
0x98: {  	s19 =	sld [smem:$0x3FDB];
	_ =	sdelay $0x1  }
0x99: {  	s20 =	simm.s32 $_scs_section_size  }
0x9a: {  	s4 =	simm.s32 $_size__tile_overlayer_lowered;
	s5 =	simm.s32 $_tile_overlayer_lowered  }
0x9b: {  	s6 =	simm.s32 $0x1BFF;
	s21 =	sshll.u32 s5, $0x1;
	s3 =	sadd.s32 s20, s19  }
0x9c: {  	s22 =	simm.s32 $0x0;
	s4 =	sshll.u32 s4, $0x1;
	s5 =	sadd.s32 s21, s3  }
0x9d: {  	[timem:s22], [sflag:s6] =	dma.local [hbm:s5], s4  }
0x9e: {  	_ =	swait.ge [sflag:s6], s4  }
0x9f: {  	s4 =	ssub.s32 $0x0, s4;
	[sflag:s6] =	ssyncset.done $0x0  }
0xa0: {  	[sflag:s6] =	ssyncadd.s32 s4;
	_ =	sdelay $0x1  }
0xa1: {  	s23 =	simm.s32 $0x1B8B  }
0xa2: {  	_ =	swait.ge [sflag:s23], $0x1  }
0xa3: {  	[sflag:s23] =	ssyncset.done $0x0  }
0xa4: {  	[sflag:s23] =	ssyncadd.s32 $0xFFFFFFFF  }
0xa5: {  	s4 =	sld [smem:$0x0]  }
0xa6: {  	s5 =	sand.u32 $0xFFFFFFFE, s1  }
0xa7: {  	p0 =	sne.s32 s1, s5  }
0xa8: {  	s5 =	sshll.u32 @p0 s5, $0xE  }
0xa9: {  	s5 =	sadd.s32 @p0 $0x11B8D, s5;
	s6 =	sshll.u32 @p0 s4, $0x11  }
0xaa: {  	s5 =	sor.u32 @p0 s6, s5  }
0xab: {  	[sflag:s5] =	ssyncadd.remote.s32 @p0 $0x1;
	_ =	sdelay $0x1  }
0xac: {  	s5 =	simm.s32 @p0 $0x1B8D  }
0xad: {  	_ =	swait.eq @p0 [sflag:s5], $0x1  }
0xae: {  	[sflag:s5] =	ssyncadd.s32 @p0 $0xFFFFFFFF  }
0xaf: {  	s6 =	sshll.u32 @!p0 s1, $0xE  }
0xb0: {  	s6 =	sor.u32 @!p0 $0x4000, s6;
	s5 =	simm.s32 @!p0 $0x1B8D  }
0xb1: {  	s4 =	sshll.u32 @!p0 s4, $0x11;
	s6 =	sadd.s32 @!p0 $0x11B8D, s6;
	_ =	swait.eq @!p0 [sflag:s5], $0x1  }
0xb2: {  	s4 =	sor.u32 @!p0 s4, s6;
	[sflag:s5] =	ssyncadd.s32 @!p0 $0xFFFFFFFF  }
0xb3: {  	s25 =	simm.s32 $0x1B8E;
	s24 =	sld [smem:$0x3FFE];
	[sflag:s4] =	ssyncadd.remote.s32 @!p0 $0x1  }
0xb4: {  	s26 =	simm.s32 $execute0_lowered;
	[smem:$0x3FD2] =	sst s25  }
0xb5: {  	s5 =	sshll.u32 s26, $0x1;
	_ =	strace $0x80000049;
	[dreg:$0x1] =	wrdreg $0xFFFFFFFF  }
0xb6: {  	s28 =	simm.s32 $_size_execute0_lowered;
	s3 =	sadd.s32 s3, s5;
	[dreg:$0x0] =	wrdreg $0x0  }
0xb7: {  	s5 =	sshll.u32 s28, $0x1;
	[dreg:$0x2] =	wrdreg s3  }
0xb8: {  	[dreg:$0x3] =	wrdreg s5  }
0xb9: {  	[dreg:$0x4] =	wrdreg $0xC0  }
0xba: {  	_ =	task [dreg:s22], $0x5FFFF  }
0xbb: {  	[dreg:$0x1] =	wrdreg $0xFFFFFFFF  }
0xbc: {  	[dreg:$0x0] =	wrdreg $0x60  }
0xbd: {  	[dreg:$0x2] =	wrdreg s24  }
0xbe: {  	[dreg:$0x3] =	wrdreg $0xA  }
0xbf: {  	_ =	task.clear_ibuf [dreg:s22], $0x4FFFF;
	_ =	strace $0x90000049  }
0xc0: {  	s29 =	simm.s32 $0xA;
	_ =	strace $0x8000004B  }
0xc1: {  	_ =	swait.ge [sflag:s29], $0x1  }
0xc2: {  	[sflag:s29] =	ssyncadd.s32 $0xFFFFFFFF  }
0xc3: {  	_ =	strace $0x9000004B  }
0xc4: {  	_ =	sfence  }
0xc5: {  	s30 =	sld [smem:$0x0];
	_ =	sdelay $0x2  }
0xc6: {  	s31 =	sshll.u32 s1, $0xD;
	s1 =	sshrl.u32 s1, $0x2  }
0xc7: {  	s4 =	sand.u32 $0x4000, s31;
	s1 =	sadd.s32 s1, s30  }
0xc8: {  	s0 =	sor.u32 s4, s0;
	s1 =	sshll.u32 s1, $0x11  }
0xc9: {  	s0 =	sor.u32 s1, s0  }
0xca: {  	s0 =	sadd.s32 $0x8F2B, s0  }
0xcb: {  	[sflag:s0] =	ssyncadd.remote.s32 $0x1  }
0xcc: {  	_ =	sfence.sel $0xFFFF  }
0xcd: {  	[dreg:$0x0] =	wrdreg $0xFFFFFFFF;
	(pc) =	sbr.abs _section_cstart, $3  }
0xce: {  	[dreg:$0x1] =	wrdreg $0xFFFFFFFF  }
0xcf: {  	_ =	task.clear_ibuf [dreg:s22], $0x2FFFF;
	_ =	strace $0x9FFFFFFF  }
0xd0: {  	(tm) =	ssettm $0x7FFFFFFF  }
0xd1: {  	_ =	shalt  }
tec
execute0_lowered:
.L_overlay_start_1:
0x0: {  	(tag) =	ssettag $0x1  }
0x1: {  	s1 =	srdreg.scid;
	s0 =	stileid.u32  }
0x2: {  	s1 =	sand.u32 $0x1, s1;
	s2 =	sshll.u32 s0, $0x1  }
0x3: {  	s3 =	sor.u32 s1, s2  }
0x4: {  	s4 =	smul.u32 $0x271, s3  }
0x5: {  	s6 =	smul.u32 $0x9C400, s3  }
0x6: {  	s5 =	rddreg [dreg:$0x0];
	s3 =	smul.u32 $0x13880, s3  }
0x7: {  	s7 =	sadd.s32 $0x8F000, s5;
	s2 =	simm.s32 $0x0;
	s4 =	sadd.s32 s4, s5  }
0x8: {  	[smem:$0x7FF] =	sst s2;
	s3 =	sadd.s32 s7, s3;
	s4 =	sadd.s32 $0xBC00, s4  }
0x9: {  	_ =	strace $0x8000004A;
	s21 =	sadd.s32 $0x1800, s3;
	[dreg:$0x2] =	wrdreg s4  }
0xa: {  	s22 =	sadd.s32 $0x3000, s3;
	[dreg:$0x5] =	wrdreg s21  }
0xb: {  	s23 =	sadd.s32 $0x4800, s3;
	[dreg:$0x6] =	wrdreg s22  }
0xc: {  	s6 =	sshrl.u32 s6, $0x3;
	s24 =	sadd.s32 $0x6000, s3;
	[dreg:$0x7] =	wrdreg s23  }
0xd: {  	s6 =	sadd.s32 s7, s6;
	s26 =	sadd.s32 $0x7800, s3;
	[dreg:$0x8] =	wrdreg s24  }
0xe: {  	s19 =	sadd.s32 $0x12000, s6;
	[dreg:$0x9] =	wrdreg s26  }
0xf: {  	s20 =	sadd.s32 $0x13800, s6;
	[dreg:$0x3] =	wrdreg s19  }
0x10: {  	[dreg:$0x4] =	wrdreg s20  }
0x11: {  	s4 =	simm.s32 $0x4;
	s25 =	rddreg [dreg:$0x2]  }
0x12: {  	[tilespmem:s2], [sflag:$0x4] =	stream.linear.gather [hbm4b:s25+s2], $0x1388, $0x38;
	[tilespmem:$0x19400] =	vst v63  }
0x13: {  	_ =	swait.ge [sflag:s4], $0x1388  }
0x14: {  	s8 =	simm.s32 $0x1;
	s5 =	sadd.s32 $0x67000, s5;
	[sflag:s4] =	ssyncset.done $0x0  }
0x15: {  	s7 =	simm.s32 $0x1400;
	s6 =	simm.s32 $0x180;
	[sflag:s4] =	ssyncadd.s32 $0xFFFFEC78  }
0x16: {  	[tilespmem:s7], [sflag:$0x1] =	stream.indirect.gather [hbm4b:s5+s6], $0x80, s2, s6, $0xb8;
	[tilespmem:$0x19400] =	vst v63  }
0x17: {  	_ =	swait.ge [sflag:s8], $0xC000  }
0x18: {  	[sflag:s8] =	ssyncset.done $0x0  }
0x19: {  	[sflag:s8] =	ssyncadd.s32 $0xFFFF4000  }
0x1a: {  	[hbm4b:s3+s2] =	stream.linear.scatter [tilespmem:s7], [sflag:$0x2], $0xC000, $0x38;
	[tilespmem:$0x19400] =	vst v63  }
0x1b: {  	s9 =	simm.s32 $0xD400  }
0x1c: {  	[tilespmem:s9], [sflag:$0x1] =	stream.indirect.gather [hbm4b:s5+s6], $0x80, s6, s6, $0xb8;
	[tilespmem:$0x19400] =	vst v63  }
0x1d: {  	_ =	swait.ge [sflag:s8], $0xC000  }
0x1e: {  	[sflag:s8] =	ssyncset.done $0x0  }
0x1f: {  	s10 =	simm.s32 $0x2;
	s11 =	rddreg [dreg:$0x5];
	[sflag:s8] =	ssyncadd.s32 $0xFFFF4000  }
0x20: {  	[hbm4b:s11+s2] =	stream.linear.scatter [tilespmem:s9], [sflag:$0x3], $0xC000, $0x38;
	[tilespmem:$0x19400] =	vst v63  }
0x21: {  	_ =	swait.ge [sflag:s10], $0xC000  }
0x22: {  	[sflag:s10] =	ssyncset.done $0x0  }
0x23: {  	s11 =	simm.s32 $0x300;
	[sflag:s10] =	ssyncadd.s32 $0xFFFF4000  }
0x24: {  	[tilespmem:s7], [sflag:$0x1] =	stream.indirect.gather [hbm4b:s5+s6], $0x80, s11, s6, $0xb8;
	[tilespmem:$0x19400] =	vst v63  }
0x25: {  	_ =	swait.ge [sflag:s8], $0xC000  }
0x26: {  	[sflag:s8] =	ssyncset.done $0x0  }
0x27: {  	s12 =	simm.s32 $0x3;
	s13 =	rddreg [dreg:$0x6];
	[sflag:s8] =	ssyncadd.s32 $0xFFFF4000  }
0x28: {  	[hbm4b:s13+s2] =	stream.linear.scatter [tilespmem:s7], [sflag:$0x2], $0xC000, $0x38;
	[tilespmem:$0x19400] =	vst v63  }
0x29: {  	_ =	swait.ge [sflag:s12], $0xC000  }
0x2a: {  	[sflag:s12] =	ssyncset.done $0x0  }
0x2b: {  	s13 =	simm.s32 $0x480;
	[sflag:s12] =	ssyncadd.s32 $0xFFFF4000  }
0x2c: {  	[tilespmem:s9], [sflag:$0x1] =	stream.indirect.gather [hbm4b:s5+s6], $0x80, s13, s6, $0xb8;
	[tilespmem:$0x19400] =	vst v63  }
0x2d: {  	_ =	swait.ge [sflag:s8], $0xC000  }
0x2e: {  	[sflag:s8] =	ssyncset.done $0x0  }
0x2f: {  	s14 =	rddreg [dreg:$0x7];
	[sflag:s8] =	ssyncadd.s32 $0xFFFF4000  }
0x30: {  	[hbm4b:s14+s2] =	stream.linear.scatter [tilespmem:s9], [sflag:$0x3], $0xC000, $0x38;
	[tilespmem:$0x19400] =	vst v63  }
0x31: {  	_ =	swait.ge [sflag:s10], $0xC000  }
0x32: {  	[sflag:s10] =	ssyncset.done $0x0  }
0x33: {  	s14 =	simm.s32 $0x600;
	[sflag:s10] =	ssyncadd.s32 $0xFFFF4000  }
0x34: {  	[tilespmem:s7], [sflag:$0x1] =	stream.indirect.gather [hbm4b:s5+s6], $0x80, s14, s6, $0xb8;
	[tilespmem:$0x19400] =	vst v63  }
0x35: {  	_ =	swait.ge [sflag:s8], $0xC000  }
0x36: {  	[sflag:s8] =	ssyncset.done $0x0  }
0x37: {  	s15 =	rddreg [dreg:$0x8];
	[sflag:s8] =	ssyncadd.s32 $0xFFFF4000  }
0x38: {  	[hbm4b:s15+s2] =	stream.linear.scatter [tilespmem:s7], [sflag:$0x2], $0xC000, $0x38;
	[tilespmem:$0x19400] =	vst v63  }
0x39: {  	_ =	swait.ge [sflag:s12], $0xC000  }
0x3a: {  	[sflag:s12] =	ssyncset.done $0x0  }
0x3b: {  	s15 =	simm.s32 $0x780;
	[sflag:s12] =	ssyncadd.s32 $0xFFFF4000  }
0x3c: {  	[tilespmem:s9], [sflag:$0x1] =	stream.indirect.gather [hbm4b:s5+s6], $0x80, s15, s6, $0xb8;
	[tilespmem:$0x19400] =	vst v63  }
0x3d: {  	_ =	swait.ge [sflag:s8], $0xC000  }
0x3e: {  	[sflag:s8] =	ssyncset.done $0x0  }
0x3f: {  	s16 =	rddreg [dreg:$0x9];
	[sflag:s8] =	ssyncadd.s32 $0xFFFF4000  }
0x40: {  	[hbm4b:s16+s2] =	stream.linear.scatter [tilespmem:s9], [sflag:$0x3], $0xC000, $0x38;
	[tilespmem:$0x19400] =	vst v63  }
0x41: {  	_ =	swait.ge [sflag:s10], $0xC000  }
0x42: {  	[sflag:s10] =	ssyncset.done $0x0  }
0x43: {  	s16 =	simm.s32 $0x900;
	[sflag:s10] =	ssyncadd.s32 $0xFFFF4000  }
0x44: {  	[tilespmem:s7], [sflag:$0x1] =	stream.indirect.gather [hbm4b:s5+s6], $0x80, s16, s6, $0xb8;
	[tilespmem:$0x19400] =	vst v63  }
0x45: {  	_ =	swait.ge [sflag:s8], $0xC000  }
0x46: {  	[sflag:s8] =	ssyncset.done $0x0  }
0x47: {  	s17 =	sadd.s32 $0x9000, s3;
	[sflag:s8] =	ssyncadd.s32 $0xFFFF4000  }
0x48: {  	[hbm4b:s17+s2] =	stream.linear.scatter [tilespmem:s7], [sflag:$0x2], $0xC000, $0x38;
	[tilespmem:$0x19400] =	vst v63  }
0x49: {  	_ =	swait.ge [sflag:s12], $0xC000  }
0x4a: {  	[sflag:s12] =	ssyncset.done $0x0  }
0x4b: {  	s18 =	simm.s32 $0xA80;
	[sflag:s12] =	ssyncadd.s32 $0xFFFF4000  }
0x4c: {  	[tilespmem:s9], [sflag:$0x1] =	stream.indirect.gather [hbm4b:s5+s6], $0x80, s18, s6, $0xb8;
	[tilespmem:$0x19400] =	vst v63  }
0x4d: {  	_ =	swait.ge [sflag:s8], $0xC000  }
0x4e: {  	[sflag:s8] =	ssyncset.done $0x0  }
0x4f: {  	s19 =	sadd.s32 $0xA800, s3;
	[sflag:s8] =	ssyncadd.s32 $0xFFFF4000  }
0x50: {  	[hbm4b:s19+s2] =	stream.linear.scatter [tilespmem:s9], [sflag:$0x3], $0xC000, $0x38;
	[tilespmem:$0x19400] =	vst v63  }
0x51: {  	_ =	swait.ge [sflag:s10], $0xC000  }
0x52: {  	[sflag:s10] =	ssyncset.done $0x0  }
0x53: {  	s20 =	simm.s32 $0xC00;
	[sflag:s10] =	ssyncadd.s32 $0xFFFF4000  }
0x54: {  	[tilespmem:s7], [sflag:$0x1] =	stream.indirect.gather [hbm4b:s5+s6], $0x80, s20, s6, $0xb8;
	[tilespmem:$0x19400] =	vst v63  }
0x55: {  	_ =	swait.ge [sflag:s8], $0xC000  }
0x56: {  	[sflag:s8] =	ssyncset.done $0x0  }
0x57: {  	s21 =	sadd.s32 $0xC000, s3;
	[sflag:s8] =	ssyncadd.s32 $0xFFFF4000  }
0x58: {  	[hbm4b:s21+s2] =	stream.linear.scatter [tilespmem:s7], [sflag:$0x2], $0xC000, $0x38;
	[tilespmem:$0x19400] =	vst v63  }
0x59: {  	_ =	swait.ge [sflag:s12], $0xC000  }
0x5a: {  	[sflag:s12] =	ssyncset.done $0x0  }
0x5b: {  	s22 =	simm.s32 $0xD80;
	[sflag:s12] =	ssyncadd.s32 $0xFFFF4000  }
0x5c: {  	[tilespmem:s9], [sflag:$0x1] =	stream.indirect.gather [hbm4b:s5+s6], $0x80, s22, s6, $0xb8;
	[tilespmem:$0x19400] =	vst v63  }
0x5d: {  	_ =	swait.ge [sflag:s8], $0xC000  }
0x5e: {  	[sflag:s8] =	ssyncset.done $0x0  }
0x5f: {  	s23 =	sadd.s32 $0xD800, s3;
	[sflag:s8] =	ssyncadd.s32 $0xFFFF4000  }
0x60: {  	[hbm4b:s23+s2] =	stream.linear.scatter [tilespmem:s9], [sflag:$0x3], $0xC000, $0x38;
	[tilespmem:$0x19400] =	vst v63  }
0x61: {  	_ =	swait.ge [sflag:s10], $0xC000  }
0x62: {  	[sflag:s10] =	ssyncset.done $0x0  }
0x63: {  	s24 =	simm.s32 $0xF00;
	[sflag:s10] =	ssyncadd.s32 $0xFFFF4000  }
0x64: {  	[tilespmem:s7], [sflag:$0x1] =	stream.indirect.gather [hbm4b:s5+s6], $0x80, s24, s6, $0xb8;
	[tilespmem:$0x19400] =	vst v63  }
0x65: {  	_ =	swait.ge [sflag:s8], $0xC000  }
0x66: {  	[sflag:s8] =	ssyncset.done $0x0  }
0x67: {  	s25 =	sadd.s32 $0xF000, s3;
	[sflag:s8] =	ssyncadd.s32 $0xFFFF4000  }
0x68: {  	[hbm4b:s25+s2] =	stream.linear.scatter [tilespmem:s7], [sflag:$0x2], $0xC000, $0x38;
	[tilespmem:$0x19400] =	vst v63  }
0x69: {  	_ =	swait.ge [sflag:s12], $0xC000  }
0x6a: {  	[sflag:s12] =	ssyncset.done $0x0  }
0x6b: {  	s26 =	simm.s32 $0x1080;
	[sflag:s12] =	ssyncadd.s32 $0xFFFF4000  }
0x6c: {  	[tilespmem:s9], [sflag:$0x1] =	stream.indirect.gather [hbm4b:s5+s6], $0x80, s26, s6, $0xb8;
	[tilespmem:$0x19400] =	vst v63  }
0x6d: {  	_ =	swait.ge [sflag:s8], $0xC000  }
0x6e: {  	[sflag:s8] =	ssyncset.done $0x0  }
0x6f: {  	s28 =	sadd.s32 $0x10800, s3;
	[sflag:s8] =	ssyncadd.s32 $0xFFFF4000  }
0x70: {  	[hbm4b:s28+s2] =	stream.linear.scatter [tilespmem:s9], [sflag:$0x3], $0xC000, $0x38;
	[tilespmem:$0x19400] =	vst v63  }
0x71: {  	_ =	swait.ge [sflag:s10], $0xC000  }
0x72: {  	[sflag:s10] =	ssyncset.done $0x0  }
0x73: {  	s29 =	simm.s32 $0x1200;
	[sflag:s10] =	ssyncadd.s32 $0xFFFF4000  }
0x74: {  	[tilespmem:s7], [sflag:$0x1] =	stream.indirect.gather [hbm4b:s5+s6], $0x80, s29, s6, $0xb8;
	[tilespmem:$0x19400] =	vst v63  }
0x75: {  	_ =	swait.ge [sflag:s8], $0xC000  }
0x76: {  	[sflag:s8] =	ssyncset.done $0x0  }
0x77: {  	s30 =	rddreg [dreg:$0x3];
	[sflag:s8] =	ssyncadd.s32 $0xFFFF4000  }
0x78: {  	[hbm4b:s30+s2] =	stream.linear.scatter [tilespmem:s7], [sflag:$0x2], $0xC000, $0x38;
	[tilespmem:$0x19400] =	vst v63  }
0x79: {  	_ =	swait.ge [sflag:s10], $0xC000  }
0x7a: {  	[sflag:s10] =	ssyncset.done $0x0  }
0x7b: {  	[sflag:s10] =	ssyncadd.s32 $0xFFFF4000  }
0x7c: {  	_ =	swait.ge [sflag:s12], $0xC000  }
0x7d: {  	[sflag:s12] =	ssyncset.done $0x0  }
0x7e: {  	s31 =	simm.s32 $0x1380;
	s30 =	simm.s32 $0x8;
	[sflag:s12] =	ssyncadd.s32 $0xFFFF4000  }
0x7f: {  	[tilespmem:s7], [sflag:$0x1] =	stream.indirect.gather [hbm4b:s5+s30], $0x80, s31, s30, $0xb8;
	[tilespmem:$0x19400] =	vst v63  }
0x80: {  	_ =	swait.ge [sflag:s8], $0x400  }
0x81: {  	s1 =	ssub.s32 $0x2, s1;
	s0 =	rddreg [dreg:$0x4]  }
0x82: {  	[dreg:$0xa] =	wrdreg s0;
	s0 =	sshrl.u32 s1, $0x1  }
0x83: {  	s0 =	ssub.s32 s1, s0  }
0x84: {  	s0 =	smax.u32 s0, $0x1  }
0x85: {  	p0 =	sne.s32 s0, $0x1  }
.Ltmp0:
0x86: {  	_ = 	snop;
	(pc) =	sbr.rel @!p0 .LBB2_2-.Ltmp0, $4  }
0x87: {  	[sflag:s8] =	ssyncset.done $0x0  }
0x88: {  	[sflag:s8] =	ssyncadd.s32 $0xFFFFFC00;
	s1 =	rddreg [dreg:$0xa]  }
0x89: {  	[hbm4b:s1+s2] =	stream.linear.scatter [tilespmem:s7], [sflag:$0x4], $0x400, $0x38;
	[tilespmem:$0x19400] =	vst v63  }
0x8a: {  	s1 =	sadd.s32 $0xFFFFFFFF, s0;
	_ =	swait.ge [sflag:s4], $0x400  }
.LBB2_1:
0x8b: {  	[sflag:s4] =	ssyncset.done $0x0  }
0x8c: {  	s0 =	rddreg [dreg:$0x2];
	[sflag:s4] =	ssyncadd.s32 $0xFFFFFC00  }
0x8d: {  	[tilespmem:s2], [sflag:$0x4] =	stream.linear.gather [hbm4b:s0+s2], $0x1388, $0x38;
	[tilespmem:$0x19400] =	vst v63  }
0x8e: {  	_ =	swait.ge [sflag:s4], $0x1388  }
0x8f: {  	[sflag:s4] =	ssyncset.done $0x0  }
0x90: {  	[sflag:s4] =	ssyncadd.s32 $0xFFFFEC78  }
0x91: {  	[tilespmem:s7], [sflag:$0x1] =	stream.indirect.gather [hbm4b:s5+s6], $0x80, s2, s6, $0xb8;
	[tilespmem:$0x19400] =	vst v63  }
0x92: {  	_ =	swait.ge [sflag:s8], $0xC000  }
0x93: {  	[sflag:s8] =	ssyncset.done $0x0  }
0x94: {  	[sflag:s8] =	ssyncadd.s32 $0xFFFF4000  }
0x95: {  	[hbm4b:s3+s2] =	stream.linear.scatter [tilespmem:s7], [sflag:$0x2], $0xC000, $0x38;
	[tilespmem:$0x19400] =	vst v63  }
0x96: {  	_ = 	snop  }
0x97: {  	[tilespmem:s9], [sflag:$0x1] =	stream.indirect.gather [hbm4b:s5+s6], $0x80, s6, s6, $0xb8;
	[tilespmem:$0x19400] =	vst v63  }
0x98: {  	_ =	swait.ge [sflag:s8], $0xC000  }
0x99: {  	[sflag:s8] =	ssyncset.done $0x0  }
0x9a: {  	s0 =	rddreg [dreg:$0x5];
	[sflag:s8] =	ssyncadd.s32 $0xFFFF4000  }
0x9b: {  	[hbm4b:s0+s2] =	stream.linear.scatter [tilespmem:s9], [sflag:$0x3], $0xC000, $0x38;
	[tilespmem:$0x19400] =	vst v63  }
0x9c: {  	_ =	swait.ge [sflag:s10], $0xC000  }
0x9d: {  	[sflag:s10] =	ssyncset.done $0x0  }
0x9e: {  	[sflag:s10] =	ssyncadd.s32 $0xFFFF4000  }
0x9f: {  	[tilespmem:s7], [sflag:$0x1] =	stream.indirect.gather [hbm4b:s5+s6], $0x80, s11, s6, $0xb8;
	[tilespmem:$0x19400] =	vst v63  }
0xa0: {  	_ =	swait.ge [sflag:s8], $0xC000  }
0xa1: {  	[sflag:s8] =	ssyncset.done $0x0  }
0xa2: {  	s0 =	rddreg [dreg:$0x6];
	[sflag:s8] =	ssyncadd.s32 $0xFFFF4000  }
0xa3: {  	[hbm4b:s0+s2] =	stream.linear.scatter [tilespmem:s7], [sflag:$0x2], $0xC000, $0x38;
	[tilespmem:$0x19400] =	vst v63  }
0xa4: {  	_ =	swait.ge [sflag:s12], $0xC000  }
0xa5: {  	[sflag:s12] =	ssyncset.done $0x0  }
0xa6: {  	[sflag:s12] =	ssyncadd.s32 $0xFFFF4000  }
0xa7: {  	[tilespmem:s9], [sflag:$0x1] =	stream.indirect.gather [hbm4b:s5+s6], $0x80, s13, s6, $0xb8;
	[tilespmem:$0x19400] =	vst v63  }
0xa8: {  	_ =	swait.ge [sflag:s8], $0xC000  }
0xa9: {  	[sflag:s8] =	ssyncset.done $0x0  }
0xaa: {  	s0 =	rddreg [dreg:$0x7];
	[sflag:s8] =	ssyncadd.s32 $0xFFFF4000  }
0xab: {  	[hbm4b:s0+s2] =	stream.linear.scatter [tilespmem:s9], [sflag:$0x3], $0xC000, $0x38;
	[tilespmem:$0x19400] =	vst v63  }
0xac: {  	_ =	swait.ge [sflag:s10], $0xC000  }
0xad: {  	[sflag:s10] =	ssyncset.done $0x0  }
0xae: {  	[sflag:s10] =	ssyncadd.s32 $0xFFFF4000  }
0xaf: {  	[tilespmem:s7], [sflag:$0x1] =	stream.indirect.gather [hbm4b:s5+s6], $0x80, s14, s6, $0xb8;
	[tilespmem:$0x19400] =	vst v63  }
0xb0: {  	_ =	swait.ge [sflag:s8], $0xC000  }
0xb1: {  	[sflag:s8] =	ssyncset.done $0x0  }
0xb2: {  	s0 =	rddreg [dreg:$0x8];
	[sflag:s8] =	ssyncadd.s32 $0xFFFF4000  }
0xb3: {  	[hbm4b:s0+s2] =	stream.linear.scatter [tilespmem:s7], [sflag:$0x2], $0xC000, $0x38;
	[tilespmem:$0x19400] =	vst v63  }
0xb4: {  	_ =	swait.ge [sflag:s12], $0xC000  }
0xb5: {  	[sflag:s12] =	ssyncset.done $0x0  }
0xb6: {  	[sflag:s12] =	ssyncadd.s32 $0xFFFF4000  }
0xb7: {  	[tilespmem:s9], [sflag:$0x1] =	stream.indirect.gather [hbm4b:s5+s6], $0x80, s15, s6, $0xb8;
	[tilespmem:$0x19400] =	vst v63  }
0xb8: {  	_ =	swait.ge [sflag:s8], $0xC000  }
0xb9: {  	[sflag:s8] =	ssyncset.done $0x0  }
0xba: {  	s0 =	rddreg [dreg:$0x9];
	[sflag:s8] =	ssyncadd.s32 $0xFFFF4000  }
0xbb: {  	[hbm4b:s0+s2] =	stream.linear.scatter [tilespmem:s9], [sflag:$0x3], $0xC000, $0x38;
	[tilespmem:$0x19400] =	vst v63  }
0xbc: {  	_ =	swait.ge [sflag:s10], $0xC000  }
0xbd: {  	[sflag:s10] =	ssyncset.done $0x0  }
0xbe: {  	[sflag:s10] =	ssyncadd.s32 $0xFFFF4000  }
0xbf: {  	[tilespmem:s7], [sflag:$0x1] =	stream.indirect.gather [hbm4b:s5+s6], $0x80, s16, s6, $0xb8;
	[tilespmem:$0x19400] =	vst v63  }
0xc0: {  	_ =	swait.ge [sflag:s8], $0xC000  }
0xc1: {  	[sflag:s8] =	ssyncset.done $0x0  }
0xc2: {  	[sflag:s8] =	ssyncadd.s32 $0xFFFF4000  }
0xc3: {  	[hbm4b:s17+s2] =	stream.linear.scatter [tilespmem:s7], [sflag:$0x2], $0xC000, $0x38;
	[tilespmem:$0x19400] =	vst v63  }
0xc4: {  	_ =	swait.ge [sflag:s12], $0xC000  }
0xc5: {  	[sflag:s12] =	ssyncset.done $0x0  }
0xc6: {  	[sflag:s12] =	ssyncadd.s32 $0xFFFF4000  }
0xc7: {  	[tilespmem:s9], [sflag:$0x1] =	stream.indirect.gather [hbm4b:s5+s6], $0x80, s18, s6, $0xb8;
	[tilespmem:$0x19400] =	vst v63  }
0xc8: {  	_ =	swait.ge [sflag:s8], $0xC000  }
0xc9: {  	[sflag:s8] =	ssyncset.done $0x0  }
0xca: {  	[sflag:s8] =	ssyncadd.s32 $0xFFFF4000  }
0xcb: {  	[hbm4b:s19+s2] =	stream.linear.scatter [tilespmem:s9], [sflag:$0x3], $0xC000, $0x38;
	[tilespmem:$0x19400] =	vst v63  }
0xcc: {  	_ =	swait.ge [sflag:s10], $0xC000  }
0xcd: {  	[sflag:s10] =	ssyncset.done $0x0  }
0xce: {  	[sflag:s10] =	ssyncadd.s32 $0xFFFF4000  }
0xcf: {  	[tilespmem:s7], [sflag:$0x1] =	stream.indirect.gather [hbm4b:s5+s6], $0x80, s20, s6, $0xb8;
	[tilespmem:$0x19400] =	vst v63  }
0xd0: {  	_ =	swait.ge [sflag:s8], $0xC000  }
0xd1: {  	[sflag:s8] =	ssyncset.done $0x0  }
0xd2: {  	[sflag:s8] =	ssyncadd.s32 $0xFFFF4000  }
0xd3: {  	[hbm4b:s21+s2] =	stream.linear.scatter [tilespmem:s7], [sflag:$0x2], $0xC000, $0x38;
	[tilespmem:$0x19400] =	vst v63  }
0xd4: {  	_ =	swait.ge [sflag:s12], $0xC000  }
0xd5: {  	[sflag:s12] =	ssyncset.done $0x0  }
0xd6: {  	[sflag:s12] =	ssyncadd.s32 $0xFFFF4000  }
0xd7: {  	[tilespmem:s9], [sflag:$0x1] =	stream.indirect.gather [hbm4b:s5+s6], $0x80, s22, s6, $0xb8;
	[tilespmem:$0x19400] =	vst v63  }
0xd8: {  	_ =	swait.ge [sflag:s8], $0xC000  }
0xd9: {  	[sflag:s8] =	ssyncset.done $0x0  }
0xda: {  	[sflag:s8] =	ssyncadd.s32 $0xFFFF4000  }
0xdb: {  	[hbm4b:s23+s2] =	stream.linear.scatter [tilespmem:s9], [sflag:$0x3], $0xC000, $0x38;
	[tilespmem:$0x19400] =	vst v63  }
0xdc: {  	_ =	swait.ge [sflag:s10], $0xC000  }
0xdd: {  	[sflag:s10] =	ssyncset.done $0x0  }
0xde: {  	[sflag:s10] =	ssyncadd.s32 $0xFFFF4000  }
0xdf: {  	[tilespmem:s7], [sflag:$0x1] =	stream.indirect.gather [hbm4b:s5+s6], $0x80, s24, s6, $0xb8;
	[tilespmem:$0x19400] =	vst v63  }
0xe0: {  	_ =	swait.ge [sflag:s8], $0xC000  }
0xe1: {  	[sflag:s8] =	ssyncset.done $0x0  }
0xe2: {  	[sflag:s8] =	ssyncadd.s32 $0xFFFF4000  }
0xe3: {  	[hbm4b:s25+s2] =	stream.linear.scatter [tilespmem:s7], [sflag:$0x2], $0xC000, $0x38;
	[tilespmem:$0x19400] =	vst v63  }
0xe4: {  	_ =	swait.ge [sflag:s12], $0xC000  }
0xe5: {  	[sflag:s12] =	ssyncset.done $0x0  }
0xe6: {  	[sflag:s12] =	ssyncadd.s32 $0xFFFF4000  }
0xe7: {  	[tilespmem:s9], [sflag:$0x1] =	stream.indirect.gather [hbm4b:s5+s6], $0x80, s26, s6, $0xb8;
	[tilespmem:$0x19400] =	vst v63  }
0xe8: {  	_ =	swait.ge [sflag:s8], $0xC000  }
0xe9: {  	[sflag:s8] =	ssyncset.done $0x0  }
0xea: {  	[sflag:s8] =	ssyncadd.s32 $0xFFFF4000  }
0xeb: {  	[hbm4b:s28+s2] =	stream.linear.scatter [tilespmem:s9], [sflag:$0x3], $0xC000, $0x38;
	[tilespmem:$0x19400] =	vst v63  }
0xec: {  	_ =	swait.ge [sflag:s10], $0xC000  }
0xed: {  	[sflag:s10] =	ssyncset.done $0x0  }
0xee: {  	[sflag:s10] =	ssyncadd.s32 $0xFFFF4000  }
0xef: {  	[tilespmem:s7], [sflag:$0x1] =	stream.indirect.gather [hbm4b:s5+s6], $0x80, s29, s6, $0xb8;
	[tilespmem:$0x19400] =	vst v63  }
0xf0: {  	_ =	swait.ge [sflag:s8], $0xC000  }
0xf1: {  	[sflag:s8] =	ssyncset.done $0x0  }
0xf2: {  	s0 =	rddreg [dreg:$0x3];
	[sflag:s8] =	ssyncadd.s32 $0xFFFF4000  }
0xf3: {  	[hbm4b:s0+s2] =	stream.linear.scatter [tilespmem:s7], [sflag:$0x2], $0xC000, $0x38;
	[tilespmem:$0x19400] =	vst v63  }
0xf4: {  	_ =	swait.ge [sflag:s10], $0xC000  }
0xf5: {  	[sflag:s10] =	ssyncset.done $0x0  }
0xf6: {  	[sflag:s10] =	ssyncadd.s32 $0xFFFF4000  }
0xf7: {  	_ =	swait.ge [sflag:s12], $0xC000  }
0xf8: {  	[sflag:s12] =	ssyncset.done $0x0  }
0xf9: {  	p0 =	sne.s32 s1, $0x1;
	[sflag:s12] =	ssyncadd.s32 $0xFFFF4000  }
0xfa: {  	[tilespmem:s7], [sflag:$0x1] =	stream.indirect.gather [hbm4b:s5+s30], $0x80, s31, s30, $0xb8;
	[tilespmem:$0x19400] =	vst v63  }
.Ltmp1:
0xfb: {  	_ =	swait.ge [sflag:s8], $0x400;
	(pc) =	sbr.rel @p0 .LBB2_1-.Ltmp1, $4  }
0xfc: {  	[sflag:s8] =	ssyncset.done $0x0  }
0xfd: {  	s0 =	rddreg [dreg:$0x4];
	[sflag:s8] =	ssyncadd.s32 $0xFFFFFC00  }
0xfe: {  	[hbm4b:s0+s2] =	stream.linear.scatter [tilespmem:s7], [sflag:$0x4], $0x400, $0x38;
	[tilespmem:$0x19400] =	vst v63  }
0xff: {  	s1 =	sadd.s32 $0xFFFFFFFF, s1;
	_ =	swait.ge [sflag:s4], $0x400  }
.LBB2_2:
0x100: {  	[sflag:s4] =	ssyncset.done $0x0  }
0x101: {  	[sflag:s4] =	ssyncadd.s32 $0xFFFFFC00  }
0x102: {  	_ =	sfence.sel $0x180000  }
0x103: {  	[bflag:$0x0] =	sbarrier.arrive $0xFFFF  }
0x104: {  	_ =	strace $0x9000004A  }
0x105: {  	s0 =	stileid.u32;
	[bflag:$0x2] =	sbarrier.arrive $0xFFFF  }
0x106: {  	p0 =	sne.s32 s0, $0x0;
	s0 =	rddreg [dreg:$0x1]  }
0x107: {  	s0 =	sadd.s32 @!p0 $0x100000, s0  }
0x108: {  	[sflag:s0] =	ssyncadd.tile.s32 @!p0 $0x1;
	_ =	shalt  }
.Lfunc_end2:
_tile_overlayer_lowered:
.L_overlay_start_2:
0x109: {  	(tag) =	ssettag $0x2  }
0x10a: {  	s0 =	rddreg [dreg:$0x0];
	s2 =	stileid.u32  }
0x10b: {  	s1 =	rddreg [dreg:$0x1];
	p0 =	sne.s32 s2, $0x0  }
0x10c: {  	s3 =	rddreg [dreg:$0x2];
	[bflag:$0x3] =	sbarrier.arrive $0xFFFF;
	s2 =	simm.s32 @!p0 $0x1C04  }
0x10d: {  	[timem:s3], [sflag:s2] =	dma.local @!p0 [hbm:s0], s1  }
0x10e: {  	s0 =	simm.s32 @!p0 $0x4  }
0x10f: {  	_ =	swait.ge @!p0 [sflag:s0], s1  }
0x110: {  	s1 =	ssub.s32 @!p0 $0x0, s1;
	[sflag:s0] =	ssyncset.done @!p0 $0x0  }
0x111: {  	[sflag:s0] =	ssyncadd.s32 @!p0 s1  }
0x112: {  	[bflag:$0x3] =	sbarrier.arrive $0xFFFF  }
0x113: {  	_ =	shalt  }

// kernel: kernel.17.cloned.1.call-start
scs
__scs_entry_jumppad:
0x0: {  	(pc) =	sbr.rel $0x88, $3  }
0x1: {  	(tag) =	ssettag $0x0;
	lr =	simm.s32 $0x1  }
0x2: {  	[smem:$0x3F90] =	sst lr;
	_ =	strace $0xD0000000  }
0x3: {  	_ = 	snop  }
0x4: {  	_ = 	snop  }
0x5: {  	_ = 	snop  }
0x6: {  	_ = 	snop  }
0x7: {  	_ = 	snop  }
__scs_overlays_trampoline_lowered:
0x8: {  	[smem:$0x3F9F] =	sst s0  }
0x9: {  	[smem:$0x3FA0] =	sst s1  }
0xa: {  	[smem:$0x3FA1] =	sst s2  }
0xb: {  	[smem:$0x3FA2] =	sst s3  }
0xc: {  	[smem:$0x3FA3] =	sst s4  }
0xd: {  	[smem:$0x3FA4] =	sst s5  }
0xe: {  	[smem:$0x3FA5] =	sst s6  }
0xf: {  	[smem:$0x3FA6] =	sst s7  }
0x10: {  	[smem:$0x3FA7] =	sst s8  }
0x11: {  	[smem:$0x3FA8] =	sst s9;
	s0 =	simm.s32 @!p0 $0x0  }
0x12: {  	s1 =	sld [smem:$0x3F8E];
	s0 =	simm.s32 @p0 $0x1  }
0x13: {  	[smem:$0x3FA9] =	sst s0;
	s0 =	simm.s32 @!p1 $0x0  }
0x14: {  	s2 =	sld [smem:$0x3F8D];
	s0 =	simm.s32 @p1 $0x1  }
0x15: {  	[smem:$0x3FAA] =	sst s0;
	s0 =	simm.s32 @!p2 $0x0  }
0x16: {  	s3 =	sld [smem:$0x3FDB];
	s0 =	simm.s32 @p2 $0x1  }
0x17: {  	s4 =	simm.s32 $0x1BF5;
	[smem:$0x3FAC] =	sst s0  }
0x18: {  	s0 =	sld [smem:$0x3F8F];
	_ =	swait.ge [sflag:s4], $0x0  }
0x19: {  	s7 =	sld [smem:$0x3F90]  }
0x1a: {  	s8 =	sadd.s32 $0xFFFFE003, lr  }
0x1b: {  	s9 =	sadd.s32 $0xFFFFFEF7, lr;
	s5 =	simm.s32 $0xFFFFFFFF;
	p2 =	slt.u32 s8, $0xFFFFF086  }
0x1c: {  	p1 =	slt.u32 s9, $0xF7A;
	s5 =	simm.s32 @!p2 $0x0  }
0x1d: {  	s5 =	simm.s32 @p1 $0x1;
	p0 =	seq.s32 s7, s2  }
0x1e: {  	s7 =	smul.u32 @!p0 $0xF7A, s2;
	p2 =	seq.s32 @!p0 s5, $0x0  }
0x1f: {  	s9 =	smul.u32 $0xF7A, s1;
	s8 =	simm.s32 @!p0 $0x1BF5;
	p2 =	por !p2, p0  }
0x20: {  	[sflag:s8] =	ssyncset.s32 @!p0 $0xFFFFF086;
	s6 =	sadd.s32 @!p0 s3, s7;
	s7 =	simm.s32 @!p0 $0x108  }
0x21: {  	s3 =	sadd.s32 s3, s9;
	s6 =	sadd.s32 @!p0 $0x88, s6;
	s7 =	simm.s32 @p2 $0x1082  }
0x22: {  	[simem:s7], [sflag:s8] =	dma.local @!p0 [hbm:s6], $0xF7A  }
0x23: {  	s9 =	sor.u32 $0xD0000000, s2;
	s6 =	simm.s32 $0x108;
	_ =	swait.ge @!p0 [sflag:s8], $0x0  }
0x24: {  	s3 =	sadd.s32 $0x88, s3;
	s6 =	simm.s32 @!p1 $0x1082;
	[sflag:s4] =	ssyncset.s32 $0xFFFFF086  }
0x25: {  	[simem:s6], [sflag:s4] =	dma.local [hbm:s3], $0xF7A  }
0x26: {  	[smem:$0x3F90] =	sst s1;
	(tag) =	ssettag s2;
	_ =	strace s9  }
0x27: {  	s1 =	sld [smem:$0x3FA0]  }
0x28: {  	s2 =	sld [smem:$0x3FA1]  }
0x29: {  	s4 =	sld [smem:$0x3FA3]  }
0x2a: {  	p0 =	seq.s32 s5, $0x0;
	s5 =	sld [smem:$0x3FA4]  }
0x2b: {  	s6 =	sld [smem:$0x3FA5]  }
0x2c: {  	s7 =	sld [smem:$0x3FA6]  }
0x2d: {  	s3 =	simm.s32 $0x108;
	s8 =	sld [smem:$0x3FA7]  }
0x2e: {  	s3 =	simm.s32 @!p0 $0x1082;
	s9 =	sld [smem:$0x3FA8]  }
0x2f: {  	lr =	sadd.s32 s0, s3;
	s0 =	sld [smem:$0x3F9F]  }
0x30: {  	s3 =	sld [smem:$0x3FA2]  }
0x31: {  	[smem:$0x3FAB] =	sst s10  }
0x32: {  	s10 =	sld [smem:$0x3FA9];
	_ =	sdelay $0x3  }
0x33: {  	p0 =	seq.s32 s10, $0x1;
	s10 =	sld [smem:$0x3FAB];
	_ =	sdelay $0x3  }
0x34: {  	[smem:$0x3FAB] =	sst s10  }
0x35: {  	s10 =	sld [smem:$0x3FAA];
	_ =	sdelay $0x3  }
0x36: {  	p1 =	seq.s32 s10, $0x1;
	s10 =	sld [smem:$0x3FAB];
	_ =	sdelay $0x3  }
0x37: {  	[smem:$0x3FAB] =	sst s10  }
0x38: {  	s10 =	sld [smem:$0x3FAC]  }
0x39: {  	_ = 	snop;
	(pc) =	sbr.ind lr, $3  }
0x3a: {  	_ = 	snop  }
0x3b: {  	_ = 	snop  }
0x3c: {  	p2 =	seq.s32 s10, $0x1;
	s10 =	sld [smem:$0x3FAB]  }
0x3d: {  	_ =	shalt  }
0x3e: {  	_ =	shalt  }
0x3f: {  	_ =	shalt  }
0x40: {  	_ =	shalt  }
0x41: {  	_ =	shalt  }
0x42: {  	_ =	shalt  }
0x43: {  	_ =	shalt  }
0x44: {  	_ =	shalt  }
0x45: {  	_ =	shalt  }
0x46: {  	_ =	shalt  }
0x47: {  	_ =	shalt  }
0x48: {  	_ =	shalt  }
0x49: {  	_ =	shalt  }
0x4a: {  	_ =	shalt  }
0x4b: {  	_ =	shalt  }
0x4c: {  	_ =	shalt  }
0x4d: {  	_ =	shalt  }
0x4e: {  	_ =	shalt  }
0x4f: {  	_ =	shalt  }
0x50: {  	_ =	shalt  }
0x51: {  	_ =	shalt  }
0x52: {  	_ =	shalt  }
0x53: {  	_ =	shalt  }
0x54: {  	_ =	shalt  }
0x55: {  	_ =	shalt  }
0x56: {  	_ =	shalt  }
0x57: {  	_ =	shalt  }
0x58: {  	_ =	shalt  }
0x59: {  	_ =	shalt  }
0x5a: {  	_ =	shalt  }
0x5b: {  	_ =	shalt  }
0x5c: {  	_ =	shalt  }
0x5d: {  	_ =	shalt  }
0x5e: {  	_ =	shalt  }
0x5f: {  	_ =	shalt  }
0x60: {  	_ =	shalt  }
0x61: {  	_ =	shalt  }
0x62: {  	_ =	shalt  }
0x63: {  	_ =	shalt  }
0x64: {  	_ =	shalt  }
0x65: {  	_ =	shalt  }
0x66: {  	_ =	shalt  }
0x67: {  	_ =	shalt  }
0x68: {  	_ =	shalt  }
0x69: {  	_ =	shalt  }
0x6a: {  	_ =	shalt  }
0x6b: {  	_ =	shalt  }
0x6c: {  	_ =	shalt  }
0x6d: {  	_ =	shalt  }
0x6e: {  	_ =	shalt  }
0x6f: {  	_ =	shalt  }
0x70: {  	_ =	shalt  }
0x71: {  	_ =	shalt  }
0x72: {  	_ =	shalt  }
0x73: {  	_ =	shalt  }
0x74: {  	_ =	shalt  }
0x75: {  	_ =	shalt  }
0x76: {  	_ =	shalt  }
0x77: {  	_ =	shalt  }
0x78: {  	_ =	shalt  }
0x79: {  	_ =	shalt  }
0x7a: {  	_ =	shalt  }
0x7b: {  	_ =	shalt  }
0x7c: {  	_ =	shalt  }
0x7d: {  	_ =	shalt  }
0x7e: {  	_ =	shalt  }
0x7f: {  	_ =	shalt  }
0x80: {  	_ =	shalt  }
0x81: {  	_ =	shalt  }
0x82: {  	_ =	shalt  }
0x83: {  	_ =	shalt  }
0x84: {  	_ =	shalt  }
0x85: {  	_ =	shalt  }
0x86: {  	_ =	shalt  }
0x87: {  	_ =	shalt  }
.Lfunc_end0:
.L_simem_size_0:
called_computation.2_lowered:
.L_overlay_start_0:
0x88: {  	s2 =	sld [smem:$0x3FD9]  }
0x89: {  	s3 =	sld [smem:$0x3FFE];
	_ =	sdelay $0x1  }
0x8a: {  	s1 =	srdreg.scid  }
0x8b: {  	s0 =	sand.u32 $0x1, s1  }
0x8c: {  	s16 =	sshll.u32 s0, $0xA;
	s2 =	sadd.s32 s3, s2  }
0x8d: {  	s2 =	sadd.s32 s2, s16  }
0x8e: {  	[smem:$0x3FB7] =	sst s2  }
0x8f: {  	_ = 	snop  }
0x90: {  	(tm) =	ssettm $0x1  }
0x91: {  	s17 =	sld [smem:$0x3FFB];
	_ =	sdelay $0x3  }
0x92: {  	_ =	strace s17  }
0x93: {  	s2 =	sld [smem:$0x3FFC];
	_ =	sdelay $0x3  }
0x94: {  	_ =	strace s2  }
0x95: {  	s2 =	sld [smem:$0x3FFD];
	_ =	sdelay $0x3  }
0x96: {  	_ =	strace s2  }
0x97: {  	_ =	strace $0x8FFFFFFF  }
0x98: {  	s18 =	sld [smem:$0x3FDB];
	_ =	sdelay $0x1  }
0x99: {  	s19 =	simm.s32 $_scs_section_size  }
0x9a: {  	s4 =	simm.s32 $_size__tile_overlayer_lowered;
	s5 =	simm.s32 $_tile_overlayer_lowered  }
0x9b: {  	s22 =	simm.s32 $0x1BFF;
	s21 =	sshll.u32 s5, $0x1;
	s2 =	sadd.s32 s19, s18  }
0x9c: {  	s6 =	simm.s32 $0x0;
	s20 =	sshll.u32 s4, $0x1;
	s4 =	sadd.s32 s21, s2  }
0x9d: {  	[timem:s6], [sflag:s22] =	dma.local [hbm:s4], s20  }
0x9e: {  	_ =	swait.ge [sflag:s22], s20  }
0x9f: {  	s3 =	ssub.s32 $0x0, s20;
	[sflag:s22] =	ssyncset.done $0x0  }
0xa0: {  	[sflag:s22] =	ssyncadd.s32 s3;
	_ =	sdelay $0x1  }
0xa1: {  	s23 =	simm.s32 $0x1B8B  }
0xa2: {  	_ =	swait.ge [sflag:s23], $0x1  }
0xa3: {  	[sflag:s23] =	ssyncset.done $0x0  }
0xa4: {  	s25 =	simm.s32 $0x1B8E;
	s24 =	sld [smem:$0x3FFE];
	[sflag:s23] =	ssyncadd.s32 $0xFFFFFFFF  }
0xa5: {  	s26 =	simm.s32 $execute0_lowered;
	[smem:$0x3FD2] =	sst s25  }
0xa6: {  	s4 =	sshll.u32 s26, $0x1;
	_ =	strace $0x8000004C;
	[dreg:$0x1] =	wrdreg $0xFFFFFFFF  }
0xa7: {  	s28 =	simm.s32 $_size_execute0_lowered;
	s2 =	sadd.s32 s2, s4;
	[dreg:$0x0] =	wrdreg $0x0  }
0xa8: {  	s4 =	sshll.u32 s28, $0x1;
	[dreg:$0x2] =	wrdreg s2  }
0xa9: {  	[dreg:$0x3] =	wrdreg s4  }
0xaa: {  	[dreg:$0x4] =	wrdreg $0xC0  }
0xab: {  	_ =	task [dreg:s6], $0x5FFFF  }
0xac: {  	[dreg:$0x1] =	wrdreg $0xFFFFFFFF  }
0xad: {  	[dreg:$0x0] =	wrdreg $0x60  }
0xae: {  	[dreg:$0x2] =	wrdreg s24  }
0xaf: {  	[dreg:$0x3] =	wrdreg $0xA2800  }
0xb0: {  	[dreg:$0x4] =	wrdreg $0x9  }
0xb1: {  	_ =	task.clear_ibuf [dreg:s6], $0x5FFFF;
	_ =	strace $0x9000004C  }
0xb2: {  	s29 =	simm.s32 $0x9;
	_ =	strace $0x8000004E  }
0xb3: {  	_ =	swait.ge [sflag:s29], $0x1  }
0xb4: {  	[sflag:s29] =	ssyncadd.s32 $0xFFFFFFFF  }
0xb5: {  	_ =	strace $0x9000004E  }
0xb6: {  	_ =	sfence  }
0xb7: {  	s30 =	sld [smem:$0x0];
	_ =	sdelay $0x2  }
0xb8: {  	s31 =	sshll.u32 s1, $0xD;
	s1 =	sshrl.u32 s1, $0x2  }
0xb9: {  	s3 =	sand.u32 $0x4000, s31;
	s1 =	sadd.s32 s1, s30  }
0xba: {  	s0 =	sor.u32 s3, s0;
	s1 =	sshll.u32 s1, $0x11  }
0xbb: {  	s0 =	sor.u32 s1, s0  }
0xbc: {  	s0 =	sadd.s32 $0x8F2B, s0  }
0xbd: {  	[sflag:s0] =	ssyncadd.remote.s32 $0x1  }
0xbe: {  	_ =	sfence.sel $0xFFFF  }
0xbf: {  	[dreg:$0x0] =	wrdreg $0xFFFFFFFF;
	(pc) =	sbr.abs _section_cstart, $3  }
0xc0: {  	[dreg:$0x1] =	wrdreg $0xFFFFFFFF  }
0xc1: {  	_ =	task.clear_ibuf [dreg:s6], $0x2FFFF;
	_ =	strace $0x9FFFFFFF  }
0xc2: {  	(tm) =	ssettm $0x7FFFFFFF  }
0xc3: {  	_ =	shalt  }
tec
execute0_lowered:
.L_overlay_start_1:
0x0: {  	(tag) =	ssettag $0x1  }
0x1: {  	s0 =	rddreg [dreg:$0x0]  }
0x2: {  	s1 =	rddreg [dreg:$0x1];
	s3 =	simm.s32 $0x0  }
0x3: {  	s17 =	stileid.u32;
	s2 =	srdreg.scid;
	s28 =	simm.s32 $0xA0  }
0x4: {  	s29 =	simm.s32 $0x2;
	s30 =	simm.s32 $0x200;
	s31 =	simm.s32 $0x50  }
0x5: {  	[smem:$0x7FF] =	sst s3;
	s4 =	sadd.s32 $0x300200, s0;
	s5 =	smul.u32 $0x2800, s17  }
0x6: {  	s2 =	sand.u32 $0x1, s2;
	s6 =	sadd.s32 $0x571200, s0;
	s11 =	smul.u32 $0x50000, s17  }
0x7: {  	s7 =	sadd.s32 $0x6C00, s0;
	s12 =	sadd.s32 $0xB7000, s0;
	s15 =	smul.u32 $0x2710, s17  }
0x8: {  	s20 =	sshll.u32 s17, $0x6;
	s18 =	smul.u32 $0x27100, s17;
	_ =	strace $0x8000004D  }
0x9: {  	s8 =	ssub.s32 $0x2, s2;
	[dreg:$0x3] =	wrdreg s12;
	p0 =	seq.s32 s2, $0x1  }
0xa: {  	s10 =	sadd.s32 s5, s0;
	s9 =	sshrl.u32 s8, $0x1;
	s0 =	sadd.s32 $0xDF000, s0  }
0xb: {  	s19 =	sshrl.u32 s11, $0x2;
	s11 =	sor.u32 $0x1C03, s20;
	s21 =	sshrl.u32 s15, $0x3  }
0xc: {  	s16 =	sadd.s32 $0xA0, s15;
	s13 =	sadd.s32 s4, s18;
	s23 =	sadd.s32 $0x26C0, s15  }
0xd: {  	s20 =	smul.u32 $0x4E2, s17;
	s18 =	sadd.s32 s6, s18;
	[dreg:$0x4] =	wrdreg s0  }
0xe: {  	s0 =	ssub.s32 s8, s9;
	s9 =	sadd.s32 s19, s1;
	s10 =	sadd.s32 $0x8F000, s10  }
0xf: {  	s12 =	sadd.s32 s7, s21;
	s22 =	sshrl.u32 s16, $0x3;
	s24 =	sshll.u32 s16, $0x4  }
0x10: {  	s15 =	sshrl.u32 s23, $0x3;
	s17 =	sshll.u32 s23, $0x4;
	s23 =	simm.s32 $0x280  }
.Ltmp0:
0x11: {  	s14 =	sadd.s32 s7, s22;
	s16 =	sadd.s32 s4, s24;
	(pc) =	sbr.rel .LBB2_1-.Ltmp0, $4  }
0x12: {  	s25 =	sadd.s32 s6, s24;
	s26 =	sadd.s32 s20, s7;
	s20 =	smax.u32 s0, $0x1  }
0x13: {  	s22 =	simm.s32 $0x3;
	s24 =	simm.s32 $0x100;
	[dreg:$0x5] =	wrdreg s16  }
0x14: {  	s0 =	simm.s32 $0x0;
	s16 =	sadd.s32 s7, s15;
	[dreg:$0x6] =	wrdreg s25  }
0x15: {  	s21 =	sadd.s32 $0x3C, s26;
	s25 =	simm.s32 $0x5280;
	s26 =	simm.s32 $0x1  }
.LBB2_7:
0x16: {  	[tilespmem:s25], [sflag:$0x2] =	stream.linear.gather [hbm4b:s15+s3], $0x5000, $0x38;
	[tilespmem:$0x1E280] =	vst v63  }
0x17: {  	s8 =	smov.u32 s6;
	s7 =	rddreg [dreg:$0x4]  }
.LBB2_8:
0x18: {  	_ =	swait.ge [sflag:s26], $0xA0  }
0x19: {  	[sflag:s26] =	ssyncset.done $0x0  }
0x1a: {  	[sflag:s26] =	ssyncadd.s32 $0xFFFFFF60  }
0x1b: {  	_ =	swait.ge [sflag:s26], $0x5000  }
0x1c: {  	[sflag:s26] =	ssyncset.done $0x0  }
0x1d: {  	[sflag:s26] =	ssyncadd.s32 $0xFFFFB000  }
0x1e: {  	[spmem:s1] =	stream.indirect.scatter.add.f32 [tilespmem:s23], [sflag:$0x3], $0x80, s3, s28, $0xb8;
	[tilespmem:$0x1E280] =	vst v63  }
0x1f: {  	_ =	swait.ge [sflag:s22], $0x5000  }
0x20: {  	[sflag:s22] =	ssyncset.done $0x0  }
0x21: {  	[sflag:s22] =	ssyncadd.s32 $0xFFFFB000  }
0x22: {  	_ =	swait.ge [sflag:s29], $0xA0  }
0x23: {  	[sflag:s29] =	ssyncset.done $0x0  }
0x24: {  	[sflag:s29] =	ssyncadd.s32 $0xFFFFFF60  }
0x25: {  	_ =	swait.ge [sflag:s29], $0x5000  }
0x26: {  	[sflag:s29] =	ssyncset.done $0x0  }
0x27: {  	[sflag:s29] =	ssyncadd.s32 $0xFFFFB000  }
0x28: {  	[spmem:s1] =	stream.indirect.scatter.add.f32 [tilespmem:s25], [sflag:$0x3], $0x80, s24, s28, $0xb8;
	[tilespmem:$0x1E280] =	vst v63  }
0x29: {  	_ =	swait.ge [sflag:s22], $0x5000  }
0x2a: {  	[sflag:s22] =	ssyncset.done $0x0  }
0x2b: {  	[sflag:s22] =	ssyncadd.s32 $0xFFFFB000  }
0x2c: {  	[tilespmem:s30], [sflag:$0x3] =	stream.linear.gather [hbm4b:s16+s3], $0x50, $0x38;
	[tilespmem:$0x1E280] =	vst v63  }
0x2d: {  	_ =	swait.ge [sflag:s22], $0x50  }
0x2e: {  	[sflag:s22] =	ssyncset.done $0x0  }
0x2f: {  	s8 =	sadd.s32 s8, s17;
	[sflag:s22] =	ssyncadd.s32 $0xFFFFFFB0  }
0x30: {  	[tilespmem:s23], [sflag:$0x3] =	stream.linear.gather [hbm4b:s8+s3], $0x2800, $0x38;
	[tilespmem:$0x1E280] =	vst v63  }
0x31: {  	_ =	swait.ge [sflag:s22], $0x2800  }
0x32: {  	[sflag:s22] =	ssyncset.done $0x0  }
0x33: {  	[sflag:s22] =	ssyncadd.s32 $0xFFFFD800  }
0x34: {  	[spmem:s1] =	stream.indirect.scatter.add.f32 [tilespmem:s23], [sflag:$0x3], $0x80, s30, s31, $0xb8;
	[tilespmem:$0x1E280] =	vst v63  }
0x35: {  	_ =	swait.ge [sflag:s22], $0x2800  }
0x36: {  	s0 =	sadd.s32 $0x1, s0;
	[sflag:s22] =	ssyncset.done $0x0  }
0x37: {  	p1 =	sne.s32 s0, s20;
	[sflag:s22] =	ssyncadd.s32 $0xFFFFD800  }
.Ltmp1:
0x38: {  	s7 =	sadd.s32 s7, s5;
	[bflag:$0x0] =	sbarrier.arrive $0xFFFF;
	(pc) =	sbr.rel @!p1 .LBB2_9-.Ltmp1, $4  }
0x39: {  	[hbm:s7], [sflag:s11] =	dma.local [spmem:s2], $0x2800  }
0x3a: {  	_ =	swait.ge [sflag:s22], $0x2800  }
0x3b: {  	[sflag:s22] =	ssyncset.done $0x0  }
0x3c: {  	[sflag:s22] =	ssyncadd.s32 $0xFFFFD800  }
.LBB2_1:
0x3d: {  	s2 =	sshrl.u32 s9, $0x3  }
0x3e: {  	[spmem:s2], [sflag:s11] =	dma.local [hbm:s10], $0x2800  }
.Ltmp2:
0x3f: {  	_ =	swait.ge [sflag:s22], $0x2800;
	(pc) =	sbr.rel @!p0 .LBB2_2-.Ltmp2, $4  }
0x40: {  	[sflag:s22] =	ssyncset.done $0x0  }
0x41: {  	[sflag:s22] =	ssyncadd.s32 $0xFFFFD800  }
0x42: {  	s7 =	simm.s32 $0x0;
	[bflag:$0x0] =	sbarrier.arrive $0xFFFF  }
0x43: {  	[tilespmem:s3], [sflag:$0x1] =	stream.linear.gather [hbm4b:s12+s3], $0xA0, $0x38;
	[tilespmem:$0x1E280] =	vst v63  }
0x44: {  	[tilespmem:s23], [sflag:$0x1] =	stream.linear.gather [hbm4b:s18+s7], $0x5000, $0x38;
	[tilespmem:$0x1E280] =	vst v63  }
0x45: {  	_ = 	snop  }
0x46: {  	[tilespmem:s24], [sflag:$0x2] =	stream.linear.gather [hbm4b:s14+s7], $0xA0, $0x38;
	[tilespmem:$0x1E280] =	vst v63  }
0x47: {  	s8 =	rddreg [dreg:$0x6]  }
0x48: {  	[tilespmem:s25], [sflag:$0x2] =	stream.linear.gather [hbm4b:s8+s7], $0x5000, $0x38;
	[tilespmem:$0x1E280] =	vst v63  }
0x49: {  	_ =	swait.ge [sflag:s26], $0xA0  }
0x4a: {  	[sflag:s26] =	ssyncset.done $0x0  }
0x4b: {  	[sflag:s26] =	ssyncadd.s32 $0xFFFFFF60  }
0x4c: {  	_ =	swait.ge [sflag:s26], $0x5000  }
0x4d: {  	[sflag:s26] =	ssyncset.done $0x0  }
0x4e: {  	[sflag:s26] =	ssyncadd.s32 $0xFFFFB000  }
0x4f: {  	[spmem:s1] =	stream.indirect.scatter.add.f32 [tilespmem:s23], [sflag:$0x3], $0x80, s3, s28, $0xb8;
	[tilespmem:$0x1E280] =	vst v63  }
0x50: {  	_ =	swait.ge [sflag:s22], $0x5000  }
0x51: {  	[sflag:s22] =	ssyncset.done $0x0  }
0x52: {  	s15 =	sadd.s32 $0x0, s18;
	s8 =	sadd.s32 $0xFFFFFFEC, s21;
	[sflag:s22] =	ssyncadd.s32 $0xFFFFB000  }
0x53: {  	[tilespmem:s3], [sflag:$0x1] =	stream.linear.gather [hbm4b:s8+s3], $0xA0, $0x38;
	[tilespmem:$0x1E280] =	vst v63  }
0x54: {  	s19 =	sadd.s32 $0x1400, s15  }
0x55: {  	[tilespmem:s23], [sflag:$0x1] =	stream.linear.gather [hbm4b:s19+s3], $0x5000, $0x38;
	[tilespmem:$0x1E280] =	vst v63  }
0x56: {  	_ =	swait.ge [sflag:s29], $0xA0  }
0x57: {  	[sflag:s29] =	ssyncset.done $0x0  }
0x58: {  	[sflag:s29] =	ssyncadd.s32 $0xFFFFFF60  }
0x59: {  	_ =	swait.ge [sflag:s29], $0x5000  }
0x5a: {  	[sflag:s29] =	ssyncset.done $0x0  }
0x5b: {  	[sflag:s29] =	ssyncadd.s32 $0xFFFFB000  }
0x5c: {  	[spmem:s1] =	stream.indirect.scatter.add.f32 [tilespmem:s25], [sflag:$0x3], $0x80, s24, s28, $0xb8;
	[tilespmem:$0x1E280] =	vst v63  }
0x5d: {  	_ =	swait.ge [sflag:s22], $0x5000  }
0x5e: {  	s15 =	sadd.s32 $0x1E00, s15;
	[sflag:s22] =	ssyncset.done $0x0  }
0x5f: {  	s7 =	simm.s32 $0x1400;
	s8 =	sadd.s32 $0x28, s21;
	[sflag:s22] =	ssyncadd.s32 $0xFFFFB000  }
0x60: {  	[tilespmem:s24], [sflag:$0x2] =	stream.linear.gather [hbm4b:s21+s3], $0xA0, $0x38;
	[tilespmem:$0x1E280] =	vst v63  }
.LBB2_6:
0x61: {  	[tilespmem:s25], [sflag:$0x2] =	stream.linear.gather [hbm4b:s15+s3], $0x5000, $0x38;
	[tilespmem:$0x1E280] =	vst v63  }
0x62: {  	s15 =	smov.u32 s7  }
0x63: {  	p1 =	sne.s32 s7, $0x24400;
	s7 =	sadd.s32 $0x1400, s7;
	_ =	swait.ge [sflag:s26], $0xA0  }
0x64: {  	[sflag:s26] =	ssyncset.done $0x0  }
0x65: {  	[sflag:s26] =	ssyncadd.s32 $0xFFFFFF60  }
0x66: {  	_ =	swait.ge [sflag:s26], $0x5000  }
0x67: {  	[sflag:s26] =	ssyncset.done $0x0  }
0x68: {  	[sflag:s26] =	ssyncadd.s32 $0xFFFFB000  }
0x69: {  	[spmem:s1] =	stream.indirect.scatter.add.f32 [tilespmem:s23], [sflag:$0x3], $0x80, s3, s28, $0xb8;
	[tilespmem:$0x1E280] =	vst v63  }
0x6a: {  	_ =	swait.ge [sflag:s22], $0x5000  }
0x6b: {  	[sflag:s22] =	ssyncset.done $0x0  }
0x6c: {  	s19 =	sadd.s32 $0xFFFFFFEC, s8;
	s15 =	sadd.s32 s15, s18;
	[sflag:s22] =	ssyncadd.s32 $0xFFFFB000  }
0x6d: {  	[tilespmem:s3], [sflag:$0x1] =	stream.linear.gather [hbm4b:s19+s3], $0xA0, $0x38;
	[tilespmem:$0x1E280] =	vst v63  }
0x6e: {  	s19 =	sadd.s32 $0x1400, s15  }
0x6f: {  	[tilespmem:s23], [sflag:$0x1] =	stream.linear.gather [hbm4b:s19+s3], $0x5000, $0x38;
	[tilespmem:$0x1E280] =	vst v63  }
0x70: {  	_ =	swait.ge [sflag:s29], $0xA0  }
0x71: {  	[sflag:s29] =	ssyncset.done $0x0  }
0x72: {  	[sflag:s29] =	ssyncadd.s32 $0xFFFFFF60  }
0x73: {  	_ =	swait.ge [sflag:s29], $0x5000  }
0x74: {  	[sflag:s29] =	ssyncset.done $0x0  }
0x75: {  	[sflag:s29] =	ssyncadd.s32 $0xFFFFB000  }
0x76: {  	[spmem:s1] =	stream.indirect.scatter.add.f32 [tilespmem:s25], [sflag:$0x3], $0x80, s24, s28, $0xb8;
	[tilespmem:$0x1E280] =	vst v63  }
.Ltmp3:
0x77: {  	_ =	swait.ge [sflag:s22], $0x5000;
	(pc) =	sbr.rel @p1 .LBB2_6-.Ltmp3, $4  }
0x78: {  	[sflag:s22] =	ssyncset.done $0x0  }
0x79: {  	[sflag:s22] =	ssyncadd.s32 $0xFFFFB000  }
0x7a: {  	[tilespmem:s24], [sflag:$0x2] =	stream.linear.gather [hbm4b:s8+s3], $0xA0, $0x38;
	[tilespmem:$0x1E280] =	vst v63  }
0x7b: {  	s15 =	sadd.s32 $0x1E00, s15;
	s8 =	sadd.s32 $0x28, s8  }
.Ltmp4:
0x7c: {  	_ = 	snop;
	(pc) =	sbr.rel .LBB2_7-.Ltmp4, $1  }
0x7d: {  	_ =	sdelay $0x3  }
.LBB2_2:
0x7e: {  	[tilespmem:s23], [sflag:$0x1] =	stream.linear.gather [hbm4b:s13+s7], $0x5000, $0x38;
	[tilespmem:$0x1E280] =	vst v63  }
0x7f: {  	_ = 	snop  }
0x80: {  	[tilespmem:s24], [sflag:$0x2] =	stream.linear.gather [hbm4b:s14+s7], $0xA0, $0x38;
	[tilespmem:$0x1E280] =	vst v63  }
0x81: {  	s8 =	rddreg [dreg:$0x5]  }
0x82: {  	[tilespmem:s25], [sflag:$0x2] =	stream.linear.gather [hbm4b:s8+s7], $0x5000, $0x38;
	[tilespmem:$0x1E280] =	vst v63  }
0x83: {  	_ =	swait.ge [sflag:s26], $0xA0  }
0x84: {  	[sflag:s26] =	ssyncset.done $0x0  }
0x85: {  	[sflag:s26] =	ssyncadd.s32 $0xFFFFFF60  }
0x86: {  	_ =	swait.ge [sflag:s26], $0x5000  }
0x87: {  	[sflag:s26] =	ssyncset.done $0x0  }
0x88: {  	[sflag:s26] =	ssyncadd.s32 $0xFFFFB000  }
0x89: {  	[spmem:s1] =	stream.indirect.scatter.add.f32 [tilespmem:s23], [sflag:$0x3], $0x80, s3, s28, $0xb8;
	[tilespmem:$0x1E280] =	vst v63  }
0x8a: {  	_ =	swait.ge [sflag:s22], $0x5000  }
0x8b: {  	[sflag:s22] =	ssyncset.done $0x0  }
0x8c: {  	s15 =	sadd.s32 $0x0, s13;
	s8 =	sadd.s32 $0xFFFFFFEC, s21;
	[sflag:s22] =	ssyncadd.s32 $0xFFFFB000  }
0x8d: {  	[tilespmem:s3], [sflag:$0x1] =	stream.linear.gather [hbm4b:s8+s3], $0xA0, $0x38;
	[tilespmem:$0x1E280] =	vst v63  }
0x8e: {  	s19 =	sadd.s32 $0x1400, s15  }
0x8f: {  	[tilespmem:s23], [sflag:$0x1] =	stream.linear.gather [hbm4b:s19+s3], $0x5000, $0x38;
	[tilespmem:$0x1E280] =	vst v63  }
0x90: {  	_ =	swait.ge [sflag:s29], $0xA0  }
0x91: {  	[sflag:s29] =	ssyncset.done $0x0  }
0x92: {  	[sflag:s29] =	ssyncadd.s32 $0xFFFFFF60  }
0x93: {  	_ =	swait.ge [sflag:s29], $0x5000  }
0x94: {  	[sflag:s29] =	ssyncset.done $0x0  }
0x95: {  	[sflag:s29] =	ssyncadd.s32 $0xFFFFB000  }
0x96: {  	[spmem:s1] =	stream.indirect.scatter.add.f32 [tilespmem:s25], [sflag:$0x3], $0x80, s24, s28, $0xb8;
	[tilespmem:$0x1E280] =	vst v63  }
0x97: {  	_ =	swait.ge [sflag:s22], $0x5000  }
0x98: {  	s15 =	sadd.s32 $0x1E00, s15;
	[sflag:s22] =	ssyncset.done $0x0  }
0x99: {  	s7 =	simm.s32 $0x1400;
	s8 =	sadd.s32 $0x28, s21;
	[sflag:s22] =	ssyncadd.s32 $0xFFFFB000  }
0x9a: {  	[tilespmem:s24], [sflag:$0x2] =	stream.linear.gather [hbm4b:s21+s3], $0xA0, $0x38;
	[tilespmem:$0x1E280] =	vst v63  }
.LBB2_3:
0x9b: {  	[tilespmem:s25], [sflag:$0x2] =	stream.linear.gather [hbm4b:s15+s3], $0x5000, $0x38;
	[tilespmem:$0x1E280] =	vst v63  }
0x9c: {  	s15 =	smov.u32 s7  }
0x9d: {  	p1 =	seq.s32 s7, $0x24400;
	s7 =	sadd.s32 $0x1400, s7;
	_ =	swait.ge [sflag:s26], $0xA0  }
0x9e: {  	[sflag:s26] =	ssyncset.done $0x0  }
0x9f: {  	[sflag:s26] =	ssyncadd.s32 $0xFFFFFF60  }
0xa0: {  	_ =	swait.ge [sflag:s26], $0x5000  }
0xa1: {  	[sflag:s26] =	ssyncset.done $0x0  }
0xa2: {  	[sflag:s26] =	ssyncadd.s32 $0xFFFFB000  }
0xa3: {  	[spmem:s1] =	stream.indirect.scatter.add.f32 [tilespmem:s23], [sflag:$0x3], $0x80, s3, s28, $0xb8;
	[tilespmem:$0x1E280] =	vst v63  }
0xa4: {  	_ =	swait.ge [sflag:s22], $0x5000  }
0xa5: {  	[sflag:s22] =	ssyncset.done $0x0  }
0xa6: {  	s19 =	sadd.s32 $0xFFFFFFEC, s8;
	s15 =	sadd.s32 s15, s13;
	[sflag:s22] =	ssyncadd.s32 $0xFFFFB000  }
0xa7: {  	[tilespmem:s3], [sflag:$0x1] =	stream.linear.gather [hbm4b:s19+s3], $0xA0, $0x38;
	[tilespmem:$0x1E280] =	vst v63  }
0xa8: {  	s19 =	sadd.s32 $0x1400, s15  }
0xa9: {  	[tilespmem:s23], [sflag:$0x1] =	stream.linear.gather [hbm4b:s19+s3], $0x5000, $0x38;
	[tilespmem:$0x1E280] =	vst v63  }
0xaa: {  	_ =	swait.ge [sflag:s29], $0xA0  }
0xab: {  	[sflag:s29] =	ssyncset.done $0x0  }
0xac: {  	[sflag:s29] =	ssyncadd.s32 $0xFFFFFF60  }
0xad: {  	_ =	swait.ge [sflag:s29], $0x5000  }
0xae: {  	[sflag:s29] =	ssyncset.done $0x0  }
0xaf: {  	[sflag:s29] =	ssyncadd.s32 $0xFFFFB000  }
0xb0: {  	[spmem:s1] =	stream.indirect.scatter.add.f32 [tilespmem:s25], [sflag:$0x3], $0x80, s24, s28, $0xb8;
	[tilespmem:$0x1E280] =	vst v63  }
.Ltmp5:
0xb1: {  	_ =	swait.ge [sflag:s22], $0x5000;
	(pc) =	sbr.rel @!p1 .LBB2_3-.Ltmp5, $4  }
0xb2: {  	[sflag:s22] =	ssyncset.done $0x0  }
0xb3: {  	[sflag:s22] =	ssyncadd.s32 $0xFFFFB000  }
0xb4: {  	[tilespmem:s24], [sflag:$0x2] =	stream.linear.gather [hbm4b:s8+s3], $0xA0, $0x38;
	[tilespmem:$0x1E280] =	vst v63  }
0xb5: {  	s15 =	sadd.s32 $0x1E00, s15;
	s8 =	sadd.s32 $0x28, s8  }
.Ltmp6:
0xb6: {  	(pc) =	sbr.rel .LBB2_8-.Ltmp6, $3  }
0xb7: {  	_ =	sdelay $0x1  }
0xb8: {  	[tilespmem:s25], [sflag:$0x2] =	stream.linear.gather [hbm4b:s15+s3], $0x5000, $0x38;
	[tilespmem:$0x1E280] =	vst v63  }
0xb9: {  	s8 =	smov.u32 s4;
	s7 =	rddreg [dreg:$0x3]  }
.LBB2_9:
0xba: {  	_ =	sfence.sel $0x180000  }
0xbb: {  	[bflag:$0x0] =	sbarrier.arrive $0xFFFF  }
0xbc: {  	_ =	strace $0x9000004D  }
0xbd: {  	s0 =	stileid.u32;
	[bflag:$0x2] =	sbarrier.arrive $0xFFFF  }
0xbe: {  	p0 =	sne.s32 s0, $0x0;
	s0 =	rddreg [dreg:$0x2]  }
0xbf: {  	s0 =	sadd.s32 @!p0 $0x100000, s0  }
0xc0: {  	[sflag:s0] =	ssyncadd.tile.s32 @!p0 $0x1;
	_ =	shalt  }
.Lfunc_end2:
_tile_overlayer_lowered:
.L_overlay_start_2:
0xc1: {  	(tag) =	ssettag $0x2  }
0xc2: {  	s0 =	rddreg [dreg:$0x0];
	s2 =	stileid.u32  }
0xc3: {  	s1 =	rddreg [dreg:$0x1];
	p0 =	sne.s32 s2, $0x0  }
0xc4: {  	s3 =	rddreg [dreg:$0x2];
	[bflag:$0x3] =	sbarrier.arrive $0xFFFF;
	s2 =	simm.s32 @!p0 $0x1C03  }
0xc5: {  	[timem:s3], [sflag:s2] =	dma.local @!p0 [hbm:s0], s1  }
0xc6: {  	s0 =	simm.s32 @!p0 $0x3  }
0xc7: {  	_ =	swait.ge @!p0 [sflag:s0], s1  }
0xc8: {  	s1 =	ssub.s32 @!p0 $0x0, s1;
	[sflag:s0] =	ssyncset.done @!p0 $0x0  }
0xc9: {  	[sflag:s0] =	ssyncadd.s32 @!p0 s1  }
0xca: {  	[bflag:$0x3] =	sbarrier.arrive $0xFFFF  }
0xcb: {  	_ =	shalt  }

// kernel: kernel.20.cloned.1.call-start
scs
__scs_entry_jumppad:
0x0: {  	(pc) =	sbr.rel $0x88, $3  }
0x1: {  	(tag) =	ssettag $0x0;
	lr =	simm.s32 $0x1  }
0x2: {  	[smem:$0x3F90] =	sst lr;
	_ =	strace $0xD0000000  }
0x3: {  	_ = 	snop  }
0x4: {  	_ = 	snop  }
0x5: {  	_ = 	snop  }
0x6: {  	_ = 	snop  }
0x7: {  	_ = 	snop  }
__scs_overlays_trampoline_lowered:
0x8: {  	[smem:$0x3F9F] =	sst s0  }
0x9: {  	[smem:$0x3FA0] =	sst s1  }
0xa: {  	[smem:$0x3FA1] =	sst s2  }
0xb: {  	[smem:$0x3FA2] =	sst s3  }
0xc: {  	[smem:$0x3FA3] =	sst s4  }
0xd: {  	[smem:$0x3FA4] =	sst s5  }
0xe: {  	[smem:$0x3FA5] =	sst s6  }
0xf: {  	[smem:$0x3FA6] =	sst s7  }
0x10: {  	[smem:$0x3FA7] =	sst s8  }
0x11: {  	[smem:$0x3FA8] =	sst s9;
	s0 =	simm.s32 @!p0 $0x0  }
0x12: {  	s1 =	sld [smem:$0x3F8E];
	s0 =	simm.s32 @p0 $0x1  }
0x13: {  	[smem:$0x3FA9] =	sst s0;
	s0 =	simm.s32 @!p1 $0x0  }
0x14: {  	s2 =	sld [smem:$0x3F8D];
	s0 =	simm.s32 @p1 $0x1  }
0x15: {  	[smem:$0x3FAA] =	sst s0;
	s0 =	simm.s32 @!p2 $0x0  }
0x16: {  	s3 =	sld [smem:$0x3FDB];
	s0 =	simm.s32 @p2 $0x1  }
0x17: {  	s4 =	simm.s32 $0x1BF5;
	[smem:$0x3FAC] =	sst s0  }
0x18: {  	s0 =	sld [smem:$0x3F8F];
	_ =	swait.ge [sflag:s4], $0x0  }
0x19: {  	s7 =	sld [smem:$0x3F90]  }
0x1a: {  	s8 =	sadd.s32 $0xFFFFE003, lr  }
0x1b: {  	s9 =	sadd.s32 $0xFFFFFEF7, lr;
	s5 =	simm.s32 $0xFFFFFFFF;
	p2 =	slt.u32 s8, $0xFFFFF086  }
0x1c: {  	p1 =	slt.u32 s9, $0xF7A;
	s5 =	simm.s32 @!p2 $0x0  }
0x1d: {  	s5 =	simm.s32 @p1 $0x1;
	p0 =	seq.s32 s7, s2  }
0x1e: {  	s7 =	smul.u32 @!p0 $0xF7A, s2;
	p2 =	seq.s32 @!p0 s5, $0x0  }
0x1f: {  	s9 =	smul.u32 $0xF7A, s1;
	s8 =	simm.s32 @!p0 $0x1BF5;
	p2 =	por !p2, p0  }
0x20: {  	[sflag:s8] =	ssyncset.s32 @!p0 $0xFFFFF086;
	s6 =	sadd.s32 @!p0 s3, s7;
	s7 =	simm.s32 @!p0 $0x108  }
0x21: {  	s3 =	sadd.s32 s3, s9;
	s6 =	sadd.s32 @!p0 $0x88, s6;
	s7 =	simm.s32 @p2 $0x1082  }
0x22: {  	[simem:s7], [sflag:s8] =	dma.local @!p0 [hbm:s6], $0xF7A  }
0x23: {  	s9 =	sor.u32 $0xD0000000, s2;
	s6 =	simm.s32 $0x108;
	_ =	swait.ge @!p0 [sflag:s8], $0x0  }
0x24: {  	s3 =	sadd.s32 $0x88, s3;
	s6 =	simm.s32 @!p1 $0x1082;
	[sflag:s4] =	ssyncset.s32 $0xFFFFF086  }
0x25: {  	[simem:s6], [sflag:s4] =	dma.local [hbm:s3], $0xF7A  }
0x26: {  	[smem:$0x3F90] =	sst s1;
	(tag) =	ssettag s2;
	_ =	strace s9  }
0x27: {  	s1 =	sld [smem:$0x3FA0]  }
0x28: {  	s2 =	sld [smem:$0x3FA1]  }
0x29: {  	s4 =	sld [smem:$0x3FA3]  }
0x2a: {  	p0 =	seq.s32 s5, $0x0;
	s5 =	sld [smem:$0x3FA4]  }
0x2b: {  	s6 =	sld [smem:$0x3FA5]  }
0x2c: {  	s7 =	sld [smem:$0x3FA6]  }
0x2d: {  	s3 =	simm.s32 $0x108;
	s8 =	sld [smem:$0x3FA7]  }
0x2e: {  	s3 =	simm.s32 @!p0 $0x1082;
	s9 =	sld [smem:$0x3FA8]  }
0x2f: {  	lr =	sadd.s32 s0, s3;
	s0 =	sld [smem:$0x3F9F]  }
0x30: {  	s3 =	sld [smem:$0x3FA2]  }
0x31: {  	[smem:$0x3FAB] =	sst s10  }
0x32: {  	s10 =	sld [smem:$0x3FA9];
	_ =	sdelay $0x3  }
0x33: {  	p0 =	seq.s32 s10, $0x1;
	s10 =	sld [smem:$0x3FAB];
	_ =	sdelay $0x3  }
0x34: {  	[smem:$0x3FAB] =	sst s10  }
0x35: {  	s10 =	sld [smem:$0x3FAA];
	_ =	sdelay $0x3  }
0x36: {  	p1 =	seq.s32 s10, $0x1;
	s10 =	sld [smem:$0x3FAB];
	_ =	sdelay $0x3  }
0x37: {  	[smem:$0x3FAB] =	sst s10  }
0x38: {  	s10 =	sld [smem:$0x3FAC]  }
0x39: {  	_ = 	snop;
	(pc) =	sbr.ind lr, $3  }
0x3a: {  	_ = 	snop  }
0x3b: {  	_ = 	snop  }
0x3c: {  	p2 =	seq.s32 s10, $0x1;
	s10 =	sld [smem:$0x3FAB]  }
0x3d: {  	_ =	shalt  }
0x3e: {  	_ =	shalt  }
0x3f: {  	_ =	shalt  }
0x40: {  	_ =	shalt  }
0x41: {  	_ =	shalt  }
0x42: {  	_ =	shalt  }
0x43: {  	_ =	shalt  }
0x44: {  	_ =	shalt  }
0x45: {  	_ =	shalt  }
0x46: {  	_ =	shalt  }
0x47: {  	_ =	shalt  }
0x48: {  	_ =	shalt  }
0x49: {  	_ =	shalt  }
0x4a: {  	_ =	shalt  }
0x4b: {  	_ =	shalt  }
0x4c: {  	_ =	shalt  }
0x4d: {  	_ =	shalt  }
0x4e: {  	_ =	shalt  }
0x4f: {  	_ =	shalt  }
0x50: {  	_ =	shalt  }
0x51: {  	_ =	shalt  }
0x52: {  	_ =	shalt  }
0x53: {  	_ =	shalt  }
0x54: {  	_ =	shalt  }
0x55: {  	_ =	shalt  }
0x56: {  	_ =	shalt  }
0x57: {  	_ =	shalt  }
0x58: {  	_ =	shalt  }
0x59: {  	_ =	shalt  }
0x5a: {  	_ =	shalt  }
0x5b: {  	_ =	shalt  }
0x5c: {  	_ =	shalt  }
0x5d: {  	_ =	shalt  }
0x5e: {  	_ =	shalt  }
0x5f: {  	_ =	shalt  }
0x60: {  	_ =	shalt  }
0x61: {  	_ =	shalt  }
0x62: {  	_ =	shalt  }
0x63: {  	_ =	shalt  }
0x64: {  	_ =	shalt  }
0x65: {  	_ =	shalt  }
0x66: {  	_ =	shalt  }
0x67: {  	_ =	shalt  }
0x68: {  	_ =	shalt  }
0x69: {  	_ =	shalt  }
0x6a: {  	_ =	shalt  }
0x6b: {  	_ =	shalt  }
0x6c: {  	_ =	shalt  }
0x6d: {  	_ =	shalt  }
0x6e: {  	_ =	shalt  }
0x6f: {  	_ =	shalt  }
0x70: {  	_ =	shalt  }
0x71: {  	_ =	shalt  }
0x72: {  	_ =	shalt  }
0x73: {  	_ =	shalt  }
0x74: {  	_ =	shalt  }
0x75: {  	_ =	shalt  }
0x76: {  	_ =	shalt  }
0x77: {  	_ =	shalt  }
0x78: {  	_ =	shalt  }
0x79: {  	_ =	shalt  }
0x7a: {  	_ =	shalt  }
0x7b: {  	_ =	shalt  }
0x7c: {  	_ =	shalt  }
0x7d: {  	_ =	shalt  }
0x7e: {  	_ =	shalt  }
0x7f: {  	_ =	shalt  }
0x80: {  	_ =	shalt  }
0x81: {  	_ =	shalt  }
0x82: {  	_ =	shalt  }
0x83: {  	_ =	shalt  }
0x84: {  	_ =	shalt  }
0x85: {  	_ =	shalt  }
0x86: {  	_ =	shalt  }
0x87: {  	_ =	shalt  }
.Lfunc_end0:
.L_simem_size_0:
called_computation.3_lowered:
.L_overlay_start_0:
0x88: {  	s2 =	sld [smem:$0x3FD9]  }
0x89: {  	s3 =	sld [smem:$0x3FFE];
	_ =	sdelay $0x1  }
0x8a: {  	s1 =	srdreg.scid  }
0x8b: {  	s0 =	sand.u32 $0x1, s1  }
0x8c: {  	s16 =	sshll.u32 s0, $0xA;
	s2 =	sadd.s32 s3, s2  }
0x8d: {  	s2 =	sadd.s32 s2, s16  }
0x8e: {  	[smem:$0x3FB7] =	sst s2  }
0x8f: {  	_ = 	snop  }
0x90: {  	(tm) =	ssettm $0x1  }
0x91: {  	s17 =	sld [smem:$0x3FFB];
	_ =	sdelay $0x3  }
0x92: {  	_ =	strace s17  }
0x93: {  	s2 =	sld [smem:$0x3FFC];
	_ =	sdelay $0x3  }
0x94: {  	_ =	strace s2  }
0x95: {  	s2 =	sld [smem:$0x3FFD];
	_ =	sdelay $0x3  }
0x96: {  	_ =	strace s2  }
0x97: {  	_ =	strace $0x8FFFFFFF  }
0x98: {  	s18 =	sld [smem:$0x3FDB];
	_ =	sdelay $0x1  }
0x99: {  	s19 =	simm.s32 $_scs_section_size  }
0x9a: {  	s4 =	simm.s32 $_size__tile_overlayer_lowered;
	s5 =	simm.s32 $_tile_overlayer_lowered  }
0x9b: {  	s22 =	simm.s32 $0x1BFF;
	s21 =	sshll.u32 s5, $0x1;
	s2 =	sadd.s32 s19, s18  }
0x9c: {  	s6 =	simm.s32 $0x0;
	s20 =	sshll.u32 s4, $0x1;
	s4 =	sadd.s32 s21, s2  }
0x9d: {  	[timem:s6], [sflag:s22] =	dma.local [hbm:s4], s20  }
0x9e: {  	_ =	swait.ge [sflag:s22], s20  }
0x9f: {  	s3 =	ssub.s32 $0x0, s20;
	[sflag:s22] =	ssyncset.done $0x0  }
0xa0: {  	[sflag:s22] =	ssyncadd.s32 s3;
	_ =	sdelay $0x1  }
0xa1: {  	s23 =	simm.s32 $0x1B8B  }
0xa2: {  	_ =	swait.ge [sflag:s23], $0x1  }
0xa3: {  	[sflag:s23] =	ssyncset.done $0x0  }
0xa4: {  	s25 =	simm.s32 $0x1B8E;
	s24 =	sld [smem:$0x3FFE];
	[sflag:s23] =	ssyncadd.s32 $0xFFFFFFFF  }
0xa5: {  	s26 =	simm.s32 $execute0_lowered;
	[smem:$0x3FD2] =	sst s25  }
0xa6: {  	s4 =	sshll.u32 s26, $0x1;
	_ =	strace $0x8000004F;
	[dreg:$0x1] =	wrdreg $0xFFFFFFFF  }
0xa7: {  	s28 =	simm.s32 $_size_execute0_lowered;
	s2 =	sadd.s32 s2, s4;
	[dreg:$0x0] =	wrdreg $0x0  }
0xa8: {  	s4 =	sshll.u32 s28, $0x1;
	[dreg:$0x2] =	wrdreg s2  }
0xa9: {  	[dreg:$0x3] =	wrdreg s4  }
0xaa: {  	[dreg:$0x4] =	wrdreg $0xC0  }
0xab: {  	_ =	task [dreg:s6], $0x5FFFF  }
0xac: {  	[dreg:$0x1] =	wrdreg $0xFFFFFFFF  }
0xad: {  	[dreg:$0x0] =	wrdreg $0x60  }
0xae: {  	[dreg:$0x2] =	wrdreg s24  }
0xaf: {  	[dreg:$0x3] =	wrdreg $0x9  }
0xb0: {  	_ =	task.clear_ibuf [dreg:s6], $0x4FFFF;
	_ =	strace $0x9000004F  }
0xb1: {  	s29 =	simm.s32 $0x9;
	_ =	strace $0x80000051  }
0xb2: {  	_ =	swait.ge [sflag:s29], $0x1  }
0xb3: {  	[sflag:s29] =	ssyncadd.s32 $0xFFFFFFFF  }
0xb4: {  	_ =	strace $0x90000051  }
0xb5: {  	_ =	sfence  }
0xb6: {  	s30 =	sld [smem:$0x0];
	_ =	sdelay $0x2  }
0xb7: {  	s31 =	sshll.u32 s1, $0xD;
	s1 =	sshrl.u32 s1, $0x2  }
0xb8: {  	s3 =	sand.u32 $0x4000, s31;
	s1 =	sadd.s32 s1, s30  }
0xb9: {  	s0 =	sor.u32 s3, s0;
	s1 =	sshll.u32 s1, $0x11  }
0xba: {  	s0 =	sor.u32 s1, s0  }
0xbb: {  	s0 =	sadd.s32 $0x8F2B, s0  }
0xbc: {  	[sflag:s0] =	ssyncadd.remote.s32 $0x1  }
0xbd: {  	_ =	sfence.sel $0xFFFF  }
0xbe: {  	[dreg:$0x0] =	wrdreg $0xFFFFFFFF;
	(pc) =	sbr.abs _section_cstart, $3  }
0xbf: {  	[dreg:$0x1] =	wrdreg $0xFFFFFFFF  }
0xc0: {  	_ =	task.clear_ibuf [dreg:s6], $0x2FFFF;
	_ =	strace $0x9FFFFFFF  }
0xc1: {  	(tm) =	ssettm $0x7FFFFFFF  }
tec
execute0_lowered:
.L_overlay_start_1:
0x0: {  	(tag) =	ssettag $0x1  }
0x1: {  	s1 =	srdreg.scid;
	s0 =	stileid.u32  }
0x2: {  	s1 =	sand.u32 $0x1, s1;
	s2 =	sshll.u32 s0, $0x1  }
0x3: {  	s3 =	sor.u32 s1, s2  }
0x4: {  	s4 =	smul.u32 $0x271, s3  }
0x5: {  	s6 =	smul.u32 $0x9C400, s3  }
0x6: {  	s5 =	rddreg [dreg:$0x0];
	s3 =	smul.u32 $0x13880, s3  }
0x7: {  	s7 =	sadd.s32 $0x300200, s5;
	s2 =	simm.s32 $0x0;
	s4 =	sadd.s32 s4, s5  }
0x8: {  	[smem:$0x7FF] =	sst s2;
	s3 =	sadd.s32 s7, s3;
	s4 =	sadd.s32 $0xBC00, s4  }
0x9: {  	_ =	strace $0x80000050;
	s21 =	sadd.s32 $0x1800, s3;
	[dreg:$0x2] =	wrdreg s4  }
0xa: {  	s22 =	sadd.s32 $0x3000, s3;
	[dreg:$0x5] =	wrdreg s21  }
0xb: {  	s23 =	sadd.s32 $0x4800, s3;
	[dreg:$0x6] =	wrdreg s22  }
0xc: {  	s6 =	sshrl.u32 s6, $0x3;
	s24 =	sadd.s32 $0x6000, s3;
	[dreg:$0x7] =	wrdreg s23  }
0xd: {  	s6 =	sadd.s32 s7, s6;
	s26 =	sadd.s32 $0x7800, s3;
	[dreg:$0x8] =	wrdreg s24  }
0xe: {  	s19 =	sadd.s32 $0x12000, s6;
	[dreg:$0x9] =	wrdreg s26  }
0xf: {  	s20 =	sadd.s32 $0x13800, s6;
	[dreg:$0x3] =	wrdreg s19  }
0x10: {  	[dreg:$0x4] =	wrdreg s20  }
0x11: {  	s4 =	simm.s32 $0x4;
	s25 =	rddreg [dreg:$0x2]  }
0x12: {  	[tilespmem:s2], [sflag:$0x4] =	stream.linear.gather [hbm4b:s25+s2], $0x1388, $0x38;
	[tilespmem:$0x19400] =	vst v63  }
0x13: {  	_ =	swait.ge [sflag:s4], $0x1388  }
0x14: {  	s8 =	simm.s32 $0x1;
	s5 =	sadd.s32 $0xB7000, s5;
	[sflag:s4] =	ssyncset.done $0x0  }
0x15: {  	s7 =	simm.s32 $0x1400;
	s6 =	simm.s32 $0x180;
	[sflag:s4] =	ssyncadd.s32 $0xFFFFEC78  }
0x16: {  	[tilespmem:s7], [sflag:$0x1] =	stream.indirect.gather [hbm4b:s5+s6], $0x80, s2, s6, $0xb8;
	[tilespmem:$0x19400] =	vst v63  }
0x17: {  	_ =	swait.ge [sflag:s8], $0xC000  }
0x18: {  	[sflag:s8] =	ssyncset.done $0x0  }
0x19: {  	[sflag:s8] =	ssyncadd.s32 $0xFFFF4000  }
0x1a: {  	[hbm4b:s3+s2] =	stream.linear.scatter [tilespmem:s7], [sflag:$0x2], $0xC000, $0x38;
	[tilespmem:$0x19400] =	vst v63  }
0x1b: {  	s9 =	simm.s32 $0xD400  }
0x1c: {  	[tilespmem:s9], [sflag:$0x1] =	stream.indirect.gather [hbm4b:s5+s6], $0x80, s6, s6, $0xb8;
	[tilespmem:$0x19400] =	vst v63  }
0x1d: {  	_ =	swait.ge [sflag:s8], $0xC000  }
0x1e: {  	[sflag:s8] =	ssyncset.done $0x0  }
0x1f: {  	s10 =	simm.s32 $0x2;
	s11 =	rddreg [dreg:$0x5];
	[sflag:s8] =	ssyncadd.s32 $0xFFFF4000  }
0x20: {  	[hbm4b:s11+s2] =	stream.linear.scatter [tilespmem:s9], [sflag:$0x3], $0xC000, $0x38;
	[tilespmem:$0x19400] =	vst v63  }
0x21: {  	_ =	swait.ge [sflag:s10], $0xC000  }
0x22: {  	[sflag:s10] =	ssyncset.done $0x0  }
0x23: {  	s11 =	simm.s32 $0x300;
	[sflag:s10] =	ssyncadd.s32 $0xFFFF4000  }
0x24: {  	[tilespmem:s7], [sflag:$0x1] =	stream.indirect.gather [hbm4b:s5+s6], $0x80, s11, s6, $0xb8;
	[tilespmem:$0x19400] =	vst v63  }
0x25: {  	_ =	swait.ge [sflag:s8], $0xC000  }
0x26: {  	[sflag:s8] =	ssyncset.done $0x0  }
0x27: {  	s12 =	simm.s32 $0x3;
	s13 =	rddreg [dreg:$0x6];
	[sflag:s8] =	ssyncadd.s32 $0xFFFF4000  }
0x28: {  	[hbm4b:s13+s2] =	stream.linear.scatter [tilespmem:s7], [sflag:$0x2], $0xC000, $0x38;
	[tilespmem:$0x19400] =	vst v63  }
0x29: {  	_ =	swait.ge [sflag:s12], $0xC000  }
0x2a: {  	[sflag:s12] =	ssyncset.done $0x0  }
0x2b: {  	s13 =	simm.s32 $0x480;
	[sflag:s12] =	ssyncadd.s32 $0xFFFF4000  }
0x2c: {  	[tilespmem:s9], [sflag:$0x1] =	stream.indirect.gather [hbm4b:s5+s6], $0x80, s13, s6, $0xb8;
	[tilespmem:$0x19400] =	vst v63  }
0x2d: {  	_ =	swait.ge [sflag:s8], $0xC000  }
0x2e: {  	[sflag:s8] =	ssyncset.done $0x0  }
0x2f: {  	s14 =	rddreg [dreg:$0x7];
	[sflag:s8] =	ssyncadd.s32 $0xFFFF4000  }
0x30: {  	[hbm4b:s14+s2] =	stream.linear.scatter [tilespmem:s9], [sflag:$0x3], $0xC000, $0x38;
	[tilespmem:$0x19400] =	vst v63  }
0x31: {  	_ =	swait.ge [sflag:s10], $0xC000  }
0x32: {  	[sflag:s10] =	ssyncset.done $0x0  }
0x33: {  	s14 =	simm.s32 $0x600;
	[sflag:s10] =	ssyncadd.s32 $0xFFFF4000  }
0x34: {  	[tilespmem:s7], [sflag:$0x1] =	stream.indirect.gather [hbm4b:s5+s6], $0x80, s14, s6, $0xb8;
	[tilespmem:$0x19400] =	vst v63  }
0x35: {  	_ =	swait.ge [sflag:s8], $0xC000  }
0x36: {  	[sflag:s8] =	ssyncset.done $0x0  }
0x37: {  	s15 =	rddreg [dreg:$0x8];
	[sflag:s8] =	ssyncadd.s32 $0xFFFF4000  }
0x38: {  	[hbm4b:s15+s2] =	stream.linear.scatter [tilespmem:s7], [sflag:$0x2], $0xC000, $0x38;
	[tilespmem:$0x19400] =	vst v63  }
0x39: {  	_ =	swait.ge [sflag:s12], $0xC000  }
0x3a: {  	[sflag:s12] =	ssyncset.done $0x0  }
0x3b: {  	s15 =	simm.s32 $0x780;
	[sflag:s12] =	ssyncadd.s32 $0xFFFF4000  }
0x3c: {  	[tilespmem:s9], [sflag:$0x1] =	stream.indirect.gather [hbm4b:s5+s6], $0x80, s15, s6, $0xb8;
	[tilespmem:$0x19400] =	vst v63  }
0x3d: {  	_ =	swait.ge [sflag:s8], $0xC000  }
0x3e: {  	[sflag:s8] =	ssyncset.done $0x0  }
0x3f: {  	s16 =	rddreg [dreg:$0x9];
	[sflag:s8] =	ssyncadd.s32 $0xFFFF4000  }
0x40: {  	[hbm4b:s16+s2] =	stream.linear.scatter [tilespmem:s9], [sflag:$0x3], $0xC000, $0x38;
	[tilespmem:$0x19400] =	vst v63  }
0x41: {  	_ =	swait.ge [sflag:s10], $0xC000  }
0x42: {  	[sflag:s10] =	ssyncset.done $0x0  }
0x43: {  	s16 =	simm.s32 $0x900;
	[sflag:s10] =	ssyncadd.s32 $0xFFFF4000  }
0x44: {  	[tilespmem:s7], [sflag:$0x1] =	stream.indirect.gather [hbm4b:s5+s6], $0x80, s16, s6, $0xb8;
	[tilespmem:$0x19400] =	vst v63  }
0x45: {  	_ =	swait.ge [sflag:s8], $0xC000  }
0x46: {  	[sflag:s8] =	ssyncset.done $0x0  }
0x47: {  	s17 =	sadd.s32 $0x9000, s3;
	[sflag:s8] =	ssyncadd.s32 $0xFFFF4000  }
0x48: {  	[hbm4b:s17+s2] =	stream.linear.scatter [tilespmem:s7], [sflag:$0x2], $0xC000, $0x38;
	[tilespmem:$0x19400] =	vst v63  }
0x49: {  	_ =	swait.ge [sflag:s12], $0xC000  }
0x4a: {  	[sflag:s12] =	ssyncset.done $0x0  }
0x4b: {  	s18 =	simm.s32 $0xA80;
	[sflag:s12] =	ssyncadd.s32 $0xFFFF4000  }
0x4c: {  	[tilespmem:s9], [sflag:$0x1] =	stream.indirect.gather [hbm4b:s5+s6], $0x80, s18, s6, $0xb8;
	[tilespmem:$0x19400] =	vst v63  }
0x4d: {  	_ =	swait.ge [sflag:s8], $0xC000  }
0x4e: {  	[sflag:s8] =	ssyncset.done $0x0  }
0x4f: {  	s19 =	sadd.s32 $0xA800, s3;
	[sflag:s8] =	ssyncadd.s32 $0xFFFF4000  }
0x50: {  	[hbm4b:s19+s2] =	stream.linear.scatter [tilespmem:s9], [sflag:$0x3], $0xC000, $0x38;
	[tilespmem:$0x19400] =	vst v63  }
0x51: {  	_ =	swait.ge [sflag:s10], $0xC000  }
0x52: {  	[sflag:s10] =	ssyncset.done $0x0  }
0x53: {  	s20 =	simm.s32 $0xC00;
	[sflag:s10] =	ssyncadd.s32 $0xFFFF4000  }
0x54: {  	[tilespmem:s7], [sflag:$0x1] =	stream.indirect.gather [hbm4b:s5+s6], $0x80, s20, s6, $0xb8;
	[tilespmem:$0x19400] =	vst v63  }
0x55: {  	_ =	swait.ge [sflag:s8], $0xC000  }
0x56: {  	[sflag:s8] =	ssyncset.done $0x0  }
0x57: {  	s21 =	sadd.s32 $0xC000, s3;
	[sflag:s8] =	ssyncadd.s32 $0xFFFF4000  }
0x58: {  	[hbm4b:s21+s2] =	stream.linear.scatter [tilespmem:s7], [sflag:$0x2], $0xC000, $0x38;
	[tilespmem:$0x19400] =	vst v63  }
0x59: {  	_ =	swait.ge [sflag:s12], $0xC000  }
0x5a: {  	[sflag:s12] =	ssyncset.done $0x0  }
0x5b: {  	s22 =	simm.s32 $0xD80;
	[sflag:s12] =	ssyncadd.s32 $0xFFFF4000  }
0x5c: {  	[tilespmem:s9], [sflag:$0x1] =	stream.indirect.gather [hbm4b:s5+s6], $0x80, s22, s6, $0xb8;
	[tilespmem:$0x19400] =	vst v63  }
0x5d: {  	_ =	swait.ge [sflag:s8], $0xC000  }
0x5e: {  	[sflag:s8] =	ssyncset.done $0x0  }
0x5f: {  	s23 =	sadd.s32 $0xD800, s3;
	[sflag:s8] =	ssyncadd.s32 $0xFFFF4000  }
0x60: {  	[hbm4b:s23+s2] =	stream.linear.scatter [tilespmem:s9], [sflag:$0x3], $0xC000, $0x38;
	[tilespmem:$0x19400] =	vst v63  }
0x61: {  	_ =	swait.ge [sflag:s10], $0xC000  }
0x62: {  	[sflag:s10] =	ssyncset.done $0x0  }
0x63: {  	s24 =	simm.s32 $0xF00;
	[sflag:s10] =	ssyncadd.s32 $0xFFFF4000  }
0x64: {  	[tilespmem:s7], [sflag:$0x1] =	stream.indirect.gather [hbm4b:s5+s6], $0x80, s24, s6, $0xb8;
	[tilespmem:$0x19400] =	vst v63  }
0x65: {  	_ =	swait.ge [sflag:s8], $0xC000  }
0x66: {  	[sflag:s8] =	ssyncset.done $0x0  }
0x67: {  	s25 =	sadd.s32 $0xF000, s3;
	[sflag:s8] =	ssyncadd.s32 $0xFFFF4000  }
0x68: {  	[hbm4b:s25+s2] =	stream.linear.scatter [tilespmem:s7], [sflag:$0x2], $0xC000, $0x38;
	[tilespmem:$0x19400] =	vst v63  }
0x69: {  	_ =	swait.ge [sflag:s12], $0xC000  }
0x6a: {  	[sflag:s12] =	ssyncset.done $0x0  }
0x6b: {  	s26 =	simm.s32 $0x1080;
	[sflag:s12] =	ssyncadd.s32 $0xFFFF4000  }
0x6c: {  	[tilespmem:s9], [sflag:$0x1] =	stream.indirect.gather [hbm4b:s5+s6], $0x80, s26, s6, $0xb8;
	[tilespmem:$0x19400] =	vst v63  }
0x6d: {  	_ =	swait.ge [sflag:s8], $0xC000  }
0x6e: {  	[sflag:s8] =	ssyncset.done $0x0  }
0x6f: {  	s28 =	sadd.s32 $0x10800, s3;
	[sflag:s8] =	ssyncadd.s32 $0xFFFF4000  }
0x70: {  	[hbm4b:s28+s2] =	stream.linear.scatter [tilespmem:s9], [sflag:$0x3], $0xC000, $0x38;
	[tilespmem:$0x19400] =	vst v63  }
0x71: {  	_ =	swait.ge [sflag:s10], $0xC000  }
0x72: {  	[sflag:s10] =	ssyncset.done $0x0  }
0x73: {  	s29 =	simm.s32 $0x1200;
	[sflag:s10] =	ssyncadd.s32 $0xFFFF4000  }
0x74: {  	[tilespmem:s7], [sflag:$0x1] =	stream.indirect.gather [hbm4b:s5+s6], $0x80, s29, s6, $0xb8;
	[tilespmem:$0x19400] =	vst v63  }
0x75: {  	_ =	swait.ge [sflag:s8], $0xC000  }
0x76: {  	[sflag:s8] =	ssyncset.done $0x0  }
0x77: {  	s30 =	rddreg [dreg:$0x3];
	[sflag:s8] =	ssyncadd.s32 $0xFFFF4000  }
0x78: {  	[hbm4b:s30+s2] =	stream.linear.scatter [tilespmem:s7], [sflag:$0x2], $0xC000, $0x38;
	[tilespmem:$0x19400] =	vst v63  }
0x79: {  	_ =	swait.ge [sflag:s10], $0xC000  }
0x7a: {  	[sflag:s10] =	ssyncset.done $0x0  }
0x7b: {  	[sflag:s10] =	ssyncadd.s32 $0xFFFF4000  }
0x7c: {  	_ =	swait.ge [sflag:s12], $0xC000  }
0x7d: {  	[sflag:s12] =	ssyncset.done $0x0  }
0x7e: {  	s31 =	simm.s32 $0x1380;
	s30 =	simm.s32 $0x8;
	[sflag:s12] =	ssyncadd.s32 $0xFFFF4000  }
0x7f: {  	[tilespmem:s7], [sflag:$0x1] =	stream.indirect.gather [hbm4b:s5+s30], $0x80, s31, s30, $0xb8;
	[tilespmem:$0x19400] =	vst v63  }
0x80: {  	_ =	swait.ge [sflag:s8], $0x400  }
0x81: {  	s1 =	ssub.s32 $0x2, s1;
	s0 =	rddreg [dreg:$0x4]  }
0x82: {  	[dreg:$0xa] =	wrdreg s0;
	s0 =	sshrl.u32 s1, $0x1  }
0x83: {  	s0 =	ssub.s32 s1, s0  }
0x84: {  	s0 =	smax.u32 s0, $0x1  }
0x85: {  	p0 =	sne.s32 s0, $0x1  }
.Ltmp0:
0x86: {  	_ = 	snop;
	(pc) =	sbr.rel @!p0 .LBB2_2-.Ltmp0, $4  }
0x87: {  	[sflag:s8] =	ssyncset.done $0x0  }
0x88: {  	[sflag:s8] =	ssyncadd.s32 $0xFFFFFC00;
	s1 =	rddreg [dreg:$0xa]  }
0x89: {  	[hbm4b:s1+s2] =	stream.linear.scatter [tilespmem:s7], [sflag:$0x4], $0x400, $0x38;
	[tilespmem:$0x19400] =	vst v63  }
0x8a: {  	s1 =	sadd.s32 $0xFFFFFFFF, s0;
	_ =	swait.ge [sflag:s4], $0x400  }
.LBB2_1:
0x8b: {  	[sflag:s4] =	ssyncset.done $0x0  }
0x8c: {  	s0 =	rddreg [dreg:$0x2];
	[sflag:s4] =	ssyncadd.s32 $0xFFFFFC00  }
0x8d: {  	[tilespmem:s2], [sflag:$0x4] =	stream.linear.gather [hbm4b:s0+s2], $0x1388, $0x38;
	[tilespmem:$0x19400] =	vst v63  }
0x8e: {  	_ =	swait.ge [sflag:s4], $0x1388  }
0x8f: {  	[sflag:s4] =	ssyncset.done $0x0  }
0x90: {  	[sflag:s4] =	ssyncadd.s32 $0xFFFFEC78  }
0x91: {  	[tilespmem:s7], [sflag:$0x1] =	stream.indirect.gather [hbm4b:s5+s6], $0x80, s2, s6, $0xb8;
	[tilespmem:$0x19400] =	vst v63  }
0x92: {  	_ =	swait.ge [sflag:s8], $0xC000  }
0x93: {  	[sflag:s8] =	ssyncset.done $0x0  }
0x94: {  	[sflag:s8] =	ssyncadd.s32 $0xFFFF4000  }
0x95: {  	[hbm4b:s3+s2] =	stream.linear.scatter [tilespmem:s7], [sflag:$0x2], $0xC000, $0x38;
	[tilespmem:$0x19400] =	vst v63  }
0x96: {  	_ = 	snop  }
0x97: {  	[tilespmem:s9], [sflag:$0x1] =	stream.indirect.gather [hbm4b:s5+s6], $0x80, s6, s6, $0xb8;
	[tilespmem:$0x19400] =	vst v63  }
0x98: {  	_ =	swait.ge [sflag:s8], $0xC000  }
0x99: {  	[sflag:s8] =	ssyncset.done $0x0  }
0x9a: {  	s0 =	rddreg [dreg:$0x5];
	[sflag:s8] =	ssyncadd.s32 $0xFFFF4000  }
0x9b: {  	[hbm4b:s0+s2] =	stream.linear.scatter [tilespmem:s9], [sflag:$0x3], $0xC000, $0x38;
	[tilespmem:$0x19400] =	vst v63  }
0x9c: {  	_ =	swait.ge [sflag:s10], $0xC000  }
0x9d: {  	[sflag:s10] =	ssyncset.done $0x0  }
0x9e: {  	[sflag:s10] =	ssyncadd.s32 $0xFFFF4000  }
0x9f: {  	[tilespmem:s7], [sflag:$0x1] =	stream.indirect.gather [hbm4b:s5+s6], $0x80, s11, s6, $0xb8;
	[tilespmem:$0x19400] =	vst v63  }
0xa0: {  	_ =	swait.ge [sflag:s8], $0xC000  }
0xa1: {  	[sflag:s8] =	ssyncset.done $0x0  }
0xa2: {  	s0 =	rddreg [dreg:$0x6];
	[sflag:s8] =	ssyncadd.s32 $0xFFFF4000  }
0xa3: {  	[hbm4b:s0+s2] =	stream.linear.scatter [tilespmem:s7], [sflag:$0x2], $0xC000, $0x38;
	[tilespmem:$0x19400] =	vst v63  }
0xa4: {  	_ =	swait.ge [sflag:s12], $0xC000  }
0xa5: {  	[sflag:s12] =	ssyncset.done $0x0  }
0xa6: {  	[sflag:s12] =	ssyncadd.s32 $0xFFFF4000  }
0xa7: {  	[tilespmem:s9], [sflag:$0x1] =	stream.indirect.gather [hbm4b:s5+s6], $0x80, s13, s6, $0xb8;
	[tilespmem:$0x19400] =	vst v63  }
0xa8: {  	_ =	swait.ge [sflag:s8], $0xC000  }
0xa9: {  	[sflag:s8] =	ssyncset.done $0x0  }
0xaa: {  	s0 =	rddreg [dreg:$0x7];
	[sflag:s8] =	ssyncadd.s32 $0xFFFF4000  }
0xab: {  	[hbm4b:s0+s2] =	stream.linear.scatter [tilespmem:s9], [sflag:$0x3], $0xC000, $0x38;
	[tilespmem:$0x19400] =	vst v63  }
0xac: {  	_ =	swait.ge [sflag:s10], $0xC000  }
0xad: {  	[sflag:s10] =	ssyncset.done $0x0  }
0xae: {  	[sflag:s10] =	ssyncadd.s32 $0xFFFF4000  }
0xaf: {  	[tilespmem:s7], [sflag:$0x1] =	stream.indirect.gather [hbm4b:s5+s6], $0x80, s14, s6, $0xb8;
	[tilespmem:$0x19400] =	vst v63  }
0xb0: {  	_ =	swait.ge [sflag:s8], $0xC000  }
0xb1: {  	[sflag:s8] =	ssyncset.done $0x0  }
0xb2: {  	s0 =	rddreg [dreg:$0x8];
	[sflag:s8] =	ssyncadd.s32 $0xFFFF4000  }
0xb3: {  	[hbm4b:s0+s2] =	stream.linear.scatter [tilespmem:s7], [sflag:$0x2], $0xC000, $0x38;
	[tilespmem:$0x19400] =	vst v63  }
0xb4: {  	_ =	swait.ge [sflag:s12], $0xC000  }
0xb5: {  	[sflag:s12] =	ssyncset.done $0x0  }
0xb6: {  	[sflag:s12] =	ssyncadd.s32 $0xFFFF4000  }
0xb7: {  	[tilespmem:s9], [sflag:$0x1] =	stream.indirect.gather [hbm4b:s5+s6], $0x80, s15, s6, $0xb8;
	[tilespmem:$0x19400] =	vst v63  }
0xb8: {  	_ =	swait.ge [sflag:s8], $0xC000  }
0xb9: {  	[sflag:s8] =	ssyncset.done $0x0  }
0xba: {  	s0 =	rddreg [dreg:$0x9];
	[sflag:s8] =	ssyncadd.s32 $0xFFFF4000  }
0xbb: {  	[hbm4b:s0+s2] =	stream.linear.scatter [tilespmem:s9], [sflag:$0x3], $0xC000, $0x38;
	[tilespmem:$0x19400] =	vst v63  }
0xbc: {  	_ =	swait.ge [sflag:s10], $0xC000  }
0xbd: {  	[sflag:s10] =	ssyncset.done $0x0  }
0xbe: {  	[sflag:s10] =	ssyncadd.s32 $0xFFFF4000  }
0xbf: {  	[tilespmem:s7], [sflag:$0x1] =	stream.indirect.gather [hbm4b:s5+s6], $0x80, s16, s6, $0xb8;
	[tilespmem:$0x19400] =	vst v63  }
0xc0: {  	_ =	swait.ge [sflag:s8], $0xC000  }
0xc1: {  	[sflag:s8] =	ssyncset.done $0x0  }
0xc2: {  	[sflag:s8] =	ssyncadd.s32 $0xFFFF4000  }
0xc3: {  	[hbm4b:s17+s2] =	stream.linear.scatter [tilespmem:s7], [sflag:$0x2], $0xC000, $0x38;
	[tilespmem:$0x19400] =	vst v63  }
0xc4: {  	_ =	swait.ge [sflag:s12], $0xC000  }
0xc5: {  	[sflag:s12] =	ssyncset.done $0x0  }
0xc6: {  	[sflag:s12] =	ssyncadd.s32 $0xFFFF4000  }
0xc7: {  	[tilespmem:s9], [sflag:$0x1] =	stream.indirect.gather [hbm4b:s5+s6], $0x80, s18, s6, $0xb8;
	[tilespmem:$0x19400] =	vst v63  }
0xc8: {  	_ =	swait.ge [sflag:s8], $0xC000  }
0xc9: {  	[sflag:s8] =	ssyncset.done $0x0  }
0xca: {  	[sflag:s8] =	ssyncadd.s32 $0xFFFF4000  }
0xcb: {  	[hbm4b:s19+s2] =	stream.linear.scatter [tilespmem:s9], [sflag:$0x3], $0xC000, $0x38;
	[tilespmem:$0x19400] =	vst v63  }
0xcc: {  	_ =	swait.ge [sflag:s10], $0xC000  }
0xcd: {  	[sflag:s10] =	ssyncset.done $0x0  }
0xce: {  	[sflag:s10] =	ssyncadd.s32 $0xFFFF4000  }
0xcf: {  	[tilespmem:s7], [sflag:$0x1] =	stream.indirect.gather [hbm4b:s5+s6], $0x80, s20, s6, $0xb8;
	[tilespmem:$0x19400] =	vst v63  }
0xd0: {  	_ =	swait.ge [sflag:s8], $0xC000  }
0xd1: {  	[sflag:s8] =	ssyncset.done $0x0  }
0xd2: {  	[sflag:s8] =	ssyncadd.s32 $0xFFFF4000  }
0xd3: {  	[hbm4b:s21+s2] =	stream.linear.scatter [tilespmem:s7], [sflag:$0x2], $0xC000, $0x38;
	[tilespmem:$0x19400] =	vst v63  }
0xd4: {  	_ =	swait.ge [sflag:s12], $0xC000  }
0xd5: {  	[sflag:s12] =	ssyncset.done $0x0  }
0xd6: {  	[sflag:s12] =	ssyncadd.s32 $0xFFFF4000  }
0xd7: {  	[tilespmem:s9], [sflag:$0x1] =	stream.indirect.gather [hbm4b:s5+s6], $0x80, s22, s6, $0xb8;
	[tilespmem:$0x19400] =	vst v63  }
0xd8: {  	_ =	swait.ge [sflag:s8], $0xC000  }
0xd9: {  	[sflag:s8] =	ssyncset.done $0x0  }
0xda: {  	[sflag:s8] =	ssyncadd.s32 $0xFFFF4000  }
0xdb: {  	[hbm4b:s23+s2] =	stream.linear.scatter [tilespmem:s9], [sflag:$0x3], $0xC000, $0x38;
	[tilespmem:$0x19400] =	vst v63  }
0xdc: {  	_ =	swait.ge [sflag:s10], $0xC000  }
0xdd: {  	[sflag:s10] =	ssyncset.done $0x0  }
0xde: {  	[sflag:s10] =	ssyncadd.s32 $0xFFFF4000  }
0xdf: {  	[tilespmem:s7], [sflag:$0x1] =	stream.indirect.gather [hbm4b:s5+s6], $0x80, s24, s6, $0xb8;
	[tilespmem:$0x19400] =	vst v63  }
0xe0: {  	_ =	swait.ge [sflag:s8], $0xC000  }
0xe1: {  	[sflag:s8] =	ssyncset.done $0x0  }
0xe2: {  	[sflag:s8] =	ssyncadd.s32 $0xFFFF4000  }
0xe3: {  	[hbm4b:s25+s2] =	stream.linear.scatter [tilespmem:s7], [sflag:$0x2], $0xC000, $0x38;
	[tilespmem:$0x19400] =	vst v63  }
0xe4: {  	_ =	swait.ge [sflag:s12], $0xC000  }
0xe5: {  	[sflag:s12] =	ssyncset.done $0x0  }
0xe6: {  	[sflag:s12] =	ssyncadd.s32 $0xFFFF4000  }
0xe7: {  	[tilespmem:s9], [sflag:$0x1] =	stream.indirect.gather [hbm4b:s5+s6], $0x80, s26, s6, $0xb8;
	[tilespmem:$0x19400] =	vst v63  }
0xe8: {  	_ =	swait.ge [sflag:s8], $0xC000  }
0xe9: {  	[sflag:s8] =	ssyncset.done $0x0  }
0xea: {  	[sflag:s8] =	ssyncadd.s32 $0xFFFF4000  }
0xeb: {  	[hbm4b:s28+s2] =	stream.linear.scatter [tilespmem:s9], [sflag:$0x3], $0xC000, $0x38;
	[tilespmem:$0x19400] =	vst v63  }
0xec: {  	_ =	swait.ge [sflag:s10], $0xC000  }
0xed: {  	[sflag:s10] =	ssyncset.done $0x0  }
0xee: {  	[sflag:s10] =	ssyncadd.s32 $0xFFFF4000  }
0xef: {  	[tilespmem:s7], [sflag:$0x1] =	stream.indirect.gather [hbm4b:s5+s6], $0x80, s29, s6, $0xb8;
	[tilespmem:$0x19400] =	vst v63  }
0xf0: {  	_ =	swait.ge [sflag:s8], $0xC000  }
0xf1: {  	[sflag:s8] =	ssyncset.done $0x0  }
0xf2: {  	s0 =	rddreg [dreg:$0x3];
	[sflag:s8] =	ssyncadd.s32 $0xFFFF4000  }
0xf3: {  	[hbm4b:s0+s2] =	stream.linear.scatter [tilespmem:s7], [sflag:$0x2], $0xC000, $0x38;
	[tilespmem:$0x19400] =	vst v63  }
0xf4: {  	_ =	swait.ge [sflag:s10], $0xC000  }
0xf5: {  	[sflag:s10] =	ssyncset.done $0x0  }
0xf6: {  	[sflag:s10] =	ssyncadd.s32 $0xFFFF4000  }
0xf7: {  	_ =	swait.ge [sflag:s12], $0xC000  }
0xf8: {  	[sflag:s12] =	ssyncset.done $0x0  }
0xf9: {  	p0 =	sne.s32 s1, $0x1;
	[sflag:s12] =	ssyncadd.s32 $0xFFFF4000  }
0xfa: {  	[tilespmem:s7], [sflag:$0x1] =	stream.indirect.gather [hbm4b:s5+s30], $0x80, s31, s30, $0xb8;
	[tilespmem:$0x19400] =	vst v63  }
.Ltmp1:
0xfb: {  	_ =	swait.ge [sflag:s8], $0x400;
	(pc) =	sbr.rel @p0 .LBB2_1-.Ltmp1, $4  }
0xfc: {  	[sflag:s8] =	ssyncset.done $0x0  }
0xfd: {  	s0 =	rddreg [dreg:$0x4];
	[sflag:s8] =	ssyncadd.s32 $0xFFFFFC00  }
0xfe: {  	[hbm4b:s0+s2] =	stream.linear.scatter [tilespmem:s7], [sflag:$0x4], $0x400, $0x38;
	[tilespmem:$0x19400] =	vst v63  }
0xff: {  	s1 =	sadd.s32 $0xFFFFFFFF, s1;
	_ =	swait.ge [sflag:s4], $0x400  }
.LBB2_2:
0x100: {  	[sflag:s4] =	ssyncset.done $0x0  }
0x101: {  	[sflag:s4] =	ssyncadd.s32 $0xFFFFFC00  }
0x102: {  	_ =	sfence.sel $0x180000  }
0x103: {  	[bflag:$0x0] =	sbarrier.arrive $0xFFFF  }
0x104: {  	_ =	strace $0x90000050  }
0x105: {  	s0 =	stileid.u32;
	[bflag:$0x2] =	sbarrier.arrive $0xFFFF  }
0x106: {  	p0 =	sne.s32 s0, $0x0;
	s0 =	rddreg [dreg:$0x1]  }
0x107: {  	s0 =	sadd.s32 @!p0 $0x100000, s0  }
0x108: {  	[sflag:s0] =	ssyncadd.tile.s32 @!p0 $0x1;
	_ =	shalt  }
.Lfunc_end2:
_tile_overlayer_lowered:
.L_overlay_start_2:
0x109: {  	(tag) =	ssettag $0x2  }
0x10a: {  	s0 =	rddreg [dreg:$0x0];
	s2 =	stileid.u32  }
0x10b: {  	s1 =	rddreg [dreg:$0x1];
	p0 =	sne.s32 s2, $0x0  }
0x10c: {  	s3 =	rddreg [dreg:$0x2];
	[bflag:$0x3] =	sbarrier.arrive $0xFFFF;
	s2 =	simm.s32 @!p0 $0x1C04  }
0x10d: {  	[timem:s3], [sflag:s2] =	dma.local @!p0 [hbm:s0], s1  }
0x10e: {  	s0 =	simm.s32 @!p0 $0x4  }
0x10f: {  	_ =	swait.ge @!p0 [sflag:s0], s1  }
0x110: {  	s1 =	ssub.s32 @!p0 $0x0, s1;
	[sflag:s0] =	ssyncset.done @!p0 $0x0  }
0x111: {  	[sflag:s0] =	ssyncadd.s32 @!p0 s1  }
0x112: {  	[bflag:$0x3] =	sbarrier.arrive $0xFFFF  }
0x113: {  	_ =	shalt  }

// kernel: kernel.23.cloned.1.call-start
scs
__scs_entry_jumppad:
0x0: {  	(pc) =	sbr.rel $0x88, $3  }
0x1: {  	(tag) =	ssettag $0x0;
	lr =	simm.s32 $0x1  }
0x2: {  	[smem:$0x3F90] =	sst lr;
	_ =	strace $0xD0000000  }
0x3: {  	_ = 	snop  }
0x4: {  	_ = 	snop  }
0x5: {  	_ = 	snop  }
0x6: {  	_ = 	snop  }
0x7: {  	_ = 	snop  }
__scs_overlays_trampoline_lowered:
0x8: {  	[smem:$0x3F9F] =	sst s0  }
0x9: {  	[smem:$0x3FA0] =	sst s1  }
0xa: {  	[smem:$0x3FA1] =	sst s2  }
0xb: {  	[smem:$0x3FA2] =	sst s3  }
0xc: {  	[smem:$0x3FA3] =	sst s4  }
0xd: {  	[smem:$0x3FA4] =	sst s5  }
0xe: {  	[smem:$0x3FA5] =	sst s6  }
0xf: {  	[smem:$0x3FA6] =	sst s7  }
0x10: {  	[smem:$0x3FA7] =	sst s8  }
0x11: {  	[smem:$0x3FA8] =	sst s9;
	s0 =	simm.s32 @!p0 $0x0  }
0x12: {  	s1 =	sld [smem:$0x3F8E];
	s0 =	simm.s32 @p0 $0x1  }
0x13: {  	[smem:$0x3FA9] =	sst s0;
	s0 =	simm.s32 @!p1 $0x0  }
0x14: {  	s2 =	sld [smem:$0x3F8D];
	s0 =	simm.s32 @p1 $0x1  }
0x15: {  	[smem:$0x3FAA] =	sst s0;
	s0 =	simm.s32 @!p2 $0x0  }
0x16: {  	s3 =	sld [smem:$0x3FDB];
	s0 =	simm.s32 @p2 $0x1  }
0x17: {  	s4 =	simm.s32 $0x1BF5;
	[smem:$0x3FAC] =	sst s0  }
0x18: {  	s0 =	sld [smem:$0x3F8F];
	_ =	swait.ge [sflag:s4], $0x0  }
0x19: {  	s7 =	sld [smem:$0x3F90]  }
0x1a: {  	s8 =	sadd.s32 $0xFFFFE003, lr  }
0x1b: {  	s9 =	sadd.s32 $0xFFFFFEF7, lr;
	s5 =	simm.s32 $0xFFFFFFFF;
	p2 =	slt.u32 s8, $0xFFFFF086  }
0x1c: {  	p1 =	slt.u32 s9, $0xF7A;
	s5 =	simm.s32 @!p2 $0x0  }
0x1d: {  	s5 =	simm.s32 @p1 $0x1;
	p0 =	seq.s32 s7, s2  }
0x1e: {  	s7 =	smul.u32 @!p0 $0xF7A, s2;
	p2 =	seq.s32 @!p0 s5, $0x0  }
0x1f: {  	s9 =	smul.u32 $0xF7A, s1;
	s8 =	simm.s32 @!p0 $0x1BF5;
	p2 =	por !p2, p0  }
0x20: {  	[sflag:s8] =	ssyncset.s32 @!p0 $0xFFFFF086;
	s6 =	sadd.s32 @!p0 s3, s7;
	s7 =	simm.s32 @!p0 $0x108  }
0x21: {  	s3 =	sadd.s32 s3, s9;
	s6 =	sadd.s32 @!p0 $0x88, s6;
	s7 =	simm.s32 @p2 $0x1082  }
0x22: {  	[simem:s7], [sflag:s8] =	dma.local @!p0 [hbm:s6], $0xF7A  }
0x23: {  	s9 =	sor.u32 $0xD0000000, s2;
	s6 =	simm.s32 $0x108;
	_ =	swait.ge @!p0 [sflag:s8], $0x0  }
0x24: {  	s3 =	sadd.s32 $0x88, s3;
	s6 =	simm.s32 @!p1 $0x1082;
	[sflag:s4] =	ssyncset.s32 $0xFFFFF086  }
0x25: {  	[simem:s6], [sflag:s4] =	dma.local [hbm:s3], $0xF7A  }
0x26: {  	[smem:$0x3F90] =	sst s1;
	(tag) =	ssettag s2;
	_ =	strace s9  }
0x27: {  	s1 =	sld [smem:$0x3FA0]  }
0x28: {  	s2 =	sld [smem:$0x3FA1]  }
0x29: {  	s4 =	sld [smem:$0x3FA3]  }
0x2a: {  	p0 =	seq.s32 s5, $0x0;
	s5 =	sld [smem:$0x3FA4]  }
0x2b: {  	s6 =	sld [smem:$0x3FA5]  }
0x2c: {  	s7 =	sld [smem:$0x3FA6]  }
0x2d: {  	s3 =	simm.s32 $0x108;
	s8 =	sld [smem:$0x3FA7]  }
0x2e: {  	s3 =	simm.s32 @!p0 $0x1082;
	s9 =	sld [smem:$0x3FA8]  }
0x2f: {  	lr =	sadd.s32 s0, s3;
	s0 =	sld [smem:$0x3F9F]  }
0x30: {  	s3 =	sld [smem:$0x3FA2]  }
0x31: {  	[smem:$0x3FAB] =	sst s10  }
0x32: {  	s10 =	sld [smem:$0x3FA9];
	_ =	sdelay $0x3  }
0x33: {  	p0 =	seq.s32 s10, $0x1;
	s10 =	sld [smem:$0x3FAB];
	_ =	sdelay $0x3  }
0x34: {  	[smem:$0x3FAB] =	sst s10  }
0x35: {  	s10 =	sld [smem:$0x3FAA];
	_ =	sdelay $0x3  }
0x36: {  	p1 =	seq.s32 s10, $0x1;
	s10 =	sld [smem:$0x3FAB];
	_ =	sdelay $0x3  }
0x37: {  	[smem:$0x3FAB] =	sst s10  }
0x38: {  	s10 =	sld [smem:$0x3FAC]  }
0x39: {  	_ = 	snop;
	(pc) =	sbr.ind lr, $3  }
0x3a: {  	_ = 	snop  }
0x3b: {  	_ = 	snop  }
0x3c: {  	p2 =	seq.s32 s10, $0x1;
	s10 =	sld [smem:$0x3FAB]  }
0x3d: {  	_ =	shalt  }
0x3e: {  	_ =	shalt  }
0x3f: {  	_ =	shalt  }
0x40: {  	_ =	shalt  }
0x41: {  	_ =	shalt  }
0x42: {  	_ =	shalt  }
0x43: {  	_ =	shalt  }
0x44: {  	_ =	shalt  }
0x45: {  	_ =	shalt  }
0x46: {  	_ =	shalt  }
0x47: {  	_ =	shalt  }
0x48: {  	_ =	shalt  }
0x49: {  	_ =	shalt  }
0x4a: {  	_ =	shalt  }
0x4b: {  	_ =	shalt  }
0x4c: {  	_ =	shalt  }
0x4d: {  	_ =	shalt  }
0x4e: {  	_ =	shalt  }
0x4f: {  	_ =	shalt  }
0x50: {  	_ =	shalt  }
0x51: {  	_ =	shalt  }
0x52: {  	_ =	shalt  }
0x53: {  	_ =	shalt  }
0x54: {  	_ =	shalt  }
0x55: {  	_ =	shalt  }
0x56: {  	_ =	shalt  }
0x57: {  	_ =	shalt  }
0x58: {  	_ =	shalt  }
0x59: {  	_ =	shalt  }
0x5a: {  	_ =	shalt  }
0x5b: {  	_ =	shalt  }
0x5c: {  	_ =	shalt  }
0x5d: {  	_ =	shalt  }
0x5e: {  	_ =	shalt  }
0x5f: {  	_ =	shalt  }
0x60: {  	_ =	shalt  }
0x61: {  	_ =	shalt  }
0x62: {  	_ =	shalt  }
0x63: {  	_ =	shalt  }
0x64: {  	_ =	shalt  }
0x65: {  	_ =	shalt  }
0x66: {  	_ =	shalt  }
0x67: {  	_ =	shalt  }
0x68: {  	_ =	shalt  }
0x69: {  	_ =	shalt  }
0x6a: {  	_ =	shalt  }
0x6b: {  	_ =	shalt  }
0x6c: {  	_ =	shalt  }
0x6d: {  	_ =	shalt  }
0x6e: {  	_ =	shalt  }
0x6f: {  	_ =	shalt  }
0x70: {  	_ =	shalt  }
0x71: {  	_ =	shalt  }
0x72: {  	_ =	shalt  }
0x73: {  	_ =	shalt  }
0x74: {  	_ =	shalt  }
0x75: {  	_ =	shalt  }
0x76: {  	_ =	shalt  }
0x77: {  	_ =	shalt  }
0x78: {  	_ =	shalt  }
0x79: {  	_ =	shalt  }
0x7a: {  	_ =	shalt  }
0x7b: {  	_ =	shalt  }
0x7c: {  	_ =	shalt  }
0x7d: {  	_ =	shalt  }
0x7e: {  	_ =	shalt  }
0x7f: {  	_ =	shalt  }
0x80: {  	_ =	shalt  }
0x81: {  	_ =	shalt  }
0x82: {  	_ =	shalt  }
0x83: {  	_ =	shalt  }
0x84: {  	_ =	shalt  }
0x85: {  	_ =	shalt  }
0x86: {  	_ =	shalt  }
0x87: {  	_ =	shalt  }
.Lfunc_end0:
.L_simem_size_0:
called_computation.4_lowered:
.L_overlay_start_0:
0x88: {  	s2 =	sld [smem:$0x3FD9]  }
0x89: {  	s3 =	sld [smem:$0x3FFE];
	_ =	sdelay $0x1  }
0x8a: {  	s1 =	srdreg.scid  }
0x8b: {  	s0 =	sand.u32 $0x1, s1  }
0x8c: {  	s16 =	sshll.u32 s0, $0xA;
	s2 =	sadd.s32 s3, s2  }
0x8d: {  	s2 =	sadd.s32 s2, s16  }
0x8e: {  	[smem:$0x3FB7] =	sst s2  }
0x8f: {  	_ = 	snop  }
0x90: {  	(tm) =	ssettm $0x1  }
0x91: {  	s17 =	sld [smem:$0x3FFB];
	_ =	sdelay $0x3  }
0x92: {  	_ =	strace s17  }
0x93: {  	s2 =	sld [smem:$0x3FFC];
	_ =	sdelay $0x3  }
0x94: {  	_ =	strace s2  }
0x95: {  	s2 =	sld [smem:$0x3FFD];
	_ =	sdelay $0x3  }
0x96: {  	_ =	strace s2  }
0x97: {  	_ =	strace $0x8FFFFFFF  }
0x98: {  	s18 =	sld [smem:$0x3FDB];
	_ =	sdelay $0x1  }
0x99: {  	s19 =	simm.s32 $_scs_section_size  }
0x9a: {  	s4 =	simm.s32 $_size__tile_overlayer_lowered;
	s5 =	simm.s32 $_tile_overlayer_lowered  }
0x9b: {  	s22 =	simm.s32 $0x1BFF;
	s21 =	sshll.u32 s5, $0x1;
	s2 =	sadd.s32 s19, s18  }
0x9c: {  	s6 =	simm.s32 $0x0;
	s20 =	sshll.u32 s4, $0x1;
	s4 =	sadd.s32 s21, s2  }
0x9d: {  	[timem:s6], [sflag:s22] =	dma.local [hbm:s4], s20  }
0x9e: {  	_ =	swait.ge [sflag:s22], s20  }
0x9f: {  	s3 =	ssub.s32 $0x0, s20;
	[sflag:s22] =	ssyncset.done $0x0  }
0xa0: {  	[sflag:s22] =	ssyncadd.s32 s3;
	_ =	sdelay $0x1  }
0xa1: {  	s23 =	simm.s32 $0x1B8B  }
0xa2: {  	_ =	swait.ge [sflag:s23], $0x1  }
0xa3: {  	[sflag:s23] =	ssyncset.done $0x0  }
0xa4: {  	s25 =	simm.s32 $0x1B8E;
	s24 =	sld [smem:$0x3FFE];
	[sflag:s23] =	ssyncadd.s32 $0xFFFFFFFF  }
0xa5: {  	s26 =	simm.s32 $execute0_lowered;
	[smem:$0x3FD2] =	sst s25  }
0xa6: {  	s4 =	sshll.u32 s26, $0x1;
	_ =	strace $0x80000052;
	[dreg:$0x1] =	wrdreg $0xFFFFFFFF  }
0xa7: {  	s28 =	simm.s32 $_size_execute0_lowered;
	s2 =	sadd.s32 s2, s4;
	[dreg:$0x0] =	wrdreg $0x0  }
0xa8: {  	s4 =	sshll.u32 s28, $0x1;
	[dreg:$0x2] =	wrdreg s2  }
0xa9: {  	[dreg:$0x3] =	wrdreg s4  }
0xaa: {  	[dreg:$0x4] =	wrdreg $0xC0  }
0xab: {  	_ =	task [dreg:s6], $0x5FFFF  }
0xac: {  	[dreg:$0x1] =	wrdreg $0xFFFFFFFF  }
0xad: {  	[dreg:$0x0] =	wrdreg $0x60  }
0xae: {  	[dreg:$0x2] =	wrdreg s24  }
0xaf: {  	[dreg:$0x3] =	wrdreg $0xA2800  }
0xb0: {  	[dreg:$0x4] =	wrdreg $0x9  }
0xb1: {  	_ =	task.clear_ibuf [dreg:s6], $0x5FFFF;
	_ =	strace $0x90000052  }
0xb2: {  	s29 =	simm.s32 $0x9;
	_ =	strace $0x80000054  }
0xb3: {  	_ =	swait.ge [sflag:s29], $0x1  }
0xb4: {  	[sflag:s29] =	ssyncadd.s32 $0xFFFFFFFF  }
0xb5: {  	_ =	strace $0x90000054  }
0xb6: {  	_ =	sfence  }
0xb7: {  	s30 =	sld [smem:$0x0];
	_ =	sdelay $0x2  }
0xb8: {  	s31 =	sshll.u32 s1, $0xD;
	s1 =	sshrl.u32 s1, $0x2  }
0xb9: {  	s3 =	sand.u32 $0x4000, s31;
	s1 =	sadd.s32 s1, s30  }
0xba: {  	s0 =	sor.u32 s3, s0;
	s1 =	sshll.u32 s1, $0x11  }
0xbb: {  	s0 =	sor.u32 s1, s0  }
0xbc: {  	s0 =	sadd.s32 $0x8F2B, s0  }
0xbd: {  	[sflag:s0] =	ssyncadd.remote.s32 $0x1  }
0xbe: {  	_ =	sfence.sel $0xFFFF  }
0xbf: {  	[dreg:$0x0] =	wrdreg $0xFFFFFFFF;
	(pc) =	sbr.abs _section_cstart, $3  }
0xc0: {  	[dreg:$0x1] =	wrdreg $0xFFFFFFFF  }
0xc1: {  	_ =	task.clear_ibuf [dreg:s6], $0x2FFFF;
	_ =	strace $0x9FFFFFFF  }
0xc2: {  	(tm) =	ssettm $0x7FFFFFFF  }
0xc3: {  	_ =	shalt  }
tec
execute0_lowered:
.L_overlay_start_1:
0x0: {  	(tag) =	ssettag $0x1  }
0x1: {  	s0 =	rddreg [dreg:$0x0]  }
0x2: {  	s1 =	rddreg [dreg:$0x1];
	s3 =	simm.s32 $0x0  }
0x3: {  	s17 =	stileid.u32;
	s2 =	srdreg.scid;
	s28 =	simm.s32 $0xA0  }
0x4: {  	s29 =	simm.s32 $0x2;
	s30 =	simm.s32 $0x200;
	s31 =	simm.s32 $0x50  }
0x5: {  	[smem:$0x7FF] =	sst s3;
	s4 =	sadd.s32 $0x571200, s0;
	s5 =	smul.u32 $0x2800, s17  }
0x6: {  	s2 =	sand.u32 $0x1, s2;
	s6 =	sadd.s32 $0x7E2200, s0;
	s11 =	smul.u32 $0x50000, s17  }
0x7: {  	s7 =	sadd.s32 $0x6C00, s0;
	s12 =	sadd.s32 $0xBC00, s0;
	s15 =	smul.u32 $0x2710, s17  }
0x8: {  	s20 =	sshll.u32 s17, $0x6;
	s18 =	smul.u32 $0x27100, s17;
	_ =	strace $0x80000053  }
0x9: {  	s8 =	ssub.s32 $0x2, s2;
	[dreg:$0x3] =	wrdreg s12;
	p0 =	seq.s32 s2, $0x1  }
0xa: {  	s10 =	sadd.s32 s5, s0;
	s9 =	sshrl.u32 s8, $0x1;
	s0 =	sadd.s32 $0x33C00, s0  }
0xb: {  	s19 =	sshrl.u32 s11, $0x2;
	s11 =	sor.u32 $0x1C03, s20;
	s21 =	sshrl.u32 s15, $0x3  }
0xc: {  	s16 =	sadd.s32 $0xA0, s15;
	s13 =	sadd.s32 s4, s18;
	s23 =	sadd.s32 $0x26C0, s15  }
0xd: {  	s20 =	smul.u32 $0x4E2, s17;
	s18 =	sadd.s32 s6, s18;
	[dreg:$0x4] =	wrdreg s0  }
0xe: {  	s0 =	ssub.s32 s8, s9;
	s9 =	sadd.s32 s19, s1;
	s10 =	sadd.s32 $0x8F000, s10  }
0xf: {  	s12 =	sadd.s32 s7, s21;
	s22 =	sshrl.u32 s16, $0x3;
	s24 =	sshll.u32 s16, $0x4  }
0x10: {  	s15 =	sshrl.u32 s23, $0x3;
	s17 =	sshll.u32 s23, $0x4;
	s23 =	simm.s32 $0x280  }
.Ltmp0:
0x11: {  	s14 =	sadd.s32 s7, s22;
	s16 =	sadd.s32 s4, s24;
	(pc) =	sbr.rel .LBB2_1-.Ltmp0, $4  }
0x12: {  	s25 =	sadd.s32 s6, s24;
	s26 =	sadd.s32 s20, s7;
	s20 =	smax.u32 s0, $0x1  }
0x13: {  	s22 =	simm.s32 $0x3;
	s24 =	simm.s32 $0x100;
	[dreg:$0x5] =	wrdreg s16  }
0x14: {  	s0 =	simm.s32 $0x0;
	s16 =	sadd.s32 s7, s15;
	[dreg:$0x6] =	wrdreg s25  }
0x15: {  	s21 =	sadd.s32 $0x3C, s26;
	s25 =	simm.s32 $0x5280;
	s26 =	simm.s32 $0x1  }
.LBB2_7:
0x16: {  	[tilespmem:s25], [sflag:$0x2] =	stream.linear.gather [hbm4b:s15+s3], $0x5000, $0x38;
	[tilespmem:$0x1E280] =	vst v63  }
0x17: {  	s8 =	smov.u32 s6;
	s7 =	rddreg [dreg:$0x4]  }
.LBB2_8:
0x18: {  	_ =	swait.ge [sflag:s26], $0xA0  }
0x19: {  	[sflag:s26] =	ssyncset.done $0x0  }
0x1a: {  	[sflag:s26] =	ssyncadd.s32 $0xFFFFFF60  }
0x1b: {  	_ =	swait.ge [sflag:s26], $0x5000  }
0x1c: {  	[sflag:s26] =	ssyncset.done $0x0  }
0x1d: {  	[sflag:s26] =	ssyncadd.s32 $0xFFFFB000  }
0x1e: {  	[spmem:s1] =	stream.indirect.scatter.add.f32 [tilespmem:s23], [sflag:$0x3], $0x80, s3, s28, $0xb8;
	[tilespmem:$0x1E280] =	vst v63  }
0x1f: {  	_ =	swait.ge [sflag:s22], $0x5000  }
0x20: {  	[sflag:s22] =	ssyncset.done $0x0  }
0x21: {  	[sflag:s22] =	ssyncadd.s32 $0xFFFFB000  }
0x22: {  	_ =	swait.ge [sflag:s29], $0xA0  }
0x23: {  	[sflag:s29] =	ssyncset.done $0x0  }
0x24: {  	[sflag:s29] =	ssyncadd.s32 $0xFFFFFF60  }
0x25: {  	_ =	swait.ge [sflag:s29], $0x5000  }
0x26: {  	[sflag:s29] =	ssyncset.done $0x0  }
0x27: {  	[sflag:s29] =	ssyncadd.s32 $0xFFFFB000  }
0x28: {  	[spmem:s1] =	stream.indirect.scatter.add.f32 [tilespmem:s25], [sflag:$0x3], $0x80, s24, s28, $0xb8;
	[tilespmem:$0x1E280] =	vst v63  }
0x29: {  	_ =	swait.ge [sflag:s22], $0x5000  }
0x2a: {  	[sflag:s22] =	ssyncset.done $0x0  }
0x2b: {  	[sflag:s22] =	ssyncadd.s32 $0xFFFFB000  }
0x2c: {  	[tilespmem:s30], [sflag:$0x3] =	stream.linear.gather [hbm4b:s16+s3], $0x50, $0x38;
	[tilespmem:$0x1E280] =	vst v63  }
0x2d: {  	_ =	swait.ge [sflag:s22], $0x50  }
0x2e: {  	[sflag:s22] =	ssyncset.done $0x0  }
0x2f: {  	s8 =	sadd.s32 s8, s17;
	[sflag:s22] =	ssyncadd.s32 $0xFFFFFFB0  }
0x30: {  	[tilespmem:s23], [sflag:$0x3] =	stream.linear.gather [hbm4b:s8+s3], $0x2800, $0x38;
	[tilespmem:$0x1E280] =	vst v63  }
0x31: {  	_ =	swait.ge [sflag:s22], $0x2800  }
0x32: {  	[sflag:s22] =	ssyncset.done $0x0  }
0x33: {  	[sflag:s22] =	ssyncadd.s32 $0xFFFFD800  }
0x34: {  	[spmem:s1] =	stream.indirect.scatter.add.f32 [tilespmem:s23], [sflag:$0x3], $0x80, s30, s31, $0xb8;
	[tilespmem:$0x1E280] =	vst v63  }
0x35: {  	_ =	swait.ge [sflag:s22], $0x2800  }
0x36: {  	s0 =	sadd.s32 $0x1, s0;
	[sflag:s22] =	ssyncset.done $0x0  }
0x37: {  	p1 =	sne.s32 s0, s20;
	[sflag:s22] =	ssyncadd.s32 $0xFFFFD800  }
.Ltmp1:
0x38: {  	s7 =	sadd.s32 s7, s5;
	[bflag:$0x0] =	sbarrier.arrive $0xFFFF;
	(pc) =	sbr.rel @!p1 .LBB2_9-.Ltmp1, $4  }
0x39: {  	[hbm:s7], [sflag:s11] =	dma.local [spmem:s2], $0x2800  }
0x3a: {  	_ =	swait.ge [sflag:s22], $0x2800  }
0x3b: {  	[sflag:s22] =	ssyncset.done $0x0  }
0x3c: {  	[sflag:s22] =	ssyncadd.s32 $0xFFFFD800  }
.LBB2_1:
0x3d: {  	s2 =	sshrl.u32 s9, $0x3  }
0x3e: {  	[spmem:s2], [sflag:s11] =	dma.local [hbm:s10], $0x2800  }
.Ltmp2:
0x3f: {  	_ =	swait.ge [sflag:s22], $0x2800;
	(pc) =	sbr.rel @!p0 .LBB2_2-.Ltmp2, $4  }
0x40: {  	[sflag:s22] =	ssyncset.done $0x0  }
0x41: {  	[sflag:s22] =	ssyncadd.s32 $0xFFFFD800  }
0x42: {  	s7 =	simm.s32 $0x0;
	[bflag:$0x0] =	sbarrier.arrive $0xFFFF  }
0x43: {  	[tilespmem:s3], [sflag:$0x1] =	stream.linear.gather [hbm4b:s12+s3], $0xA0, $0x38;
	[tilespmem:$0x1E280] =	vst v63  }
0x44: {  	[tilespmem:s23], [sflag:$0x1] =	stream.linear.gather [hbm4b:s18+s7], $0x5000, $0x38;
	[tilespmem:$0x1E280] =	vst v63  }
0x45: {  	_ = 	snop  }
0x46: {  	[tilespmem:s24], [sflag:$0x2] =	stream.linear.gather [hbm4b:s14+s7], $0xA0, $0x38;
	[tilespmem:$0x1E280] =	vst v63  }
0x47: {  	s8 =	rddreg [dreg:$0x6]  }
0x48: {  	[tilespmem:s25], [sflag:$0x2] =	stream.linear.gather [hbm4b:s8+s7], $0x5000, $0x38;
	[tilespmem:$0x1E280] =	vst v63  }
0x49: {  	_ =	swait.ge [sflag:s26], $0xA0  }
0x4a: {  	[sflag:s26] =	ssyncset.done $0x0  }
0x4b: {  	[sflag:s26] =	ssyncadd.s32 $0xFFFFFF60  }
0x4c: {  	_ =	swait.ge [sflag:s26], $0x5000  }
0x4d: {  	[sflag:s26] =	ssyncset.done $0x0  }
0x4e: {  	[sflag:s26] =	ssyncadd.s32 $0xFFFFB000  }
0x4f: {  	[spmem:s1] =	stream.indirect.scatter.add.f32 [tilespmem:s23], [sflag:$0x3], $0x80, s3, s28, $0xb8;
	[tilespmem:$0x1E280] =	vst v63  }
0x50: {  	_ =	swait.ge [sflag:s22], $0x5000  }
0x51: {  	[sflag:s22] =	ssyncset.done $0x0  }
0x52: {  	s15 =	sadd.s32 $0x0, s18;
	s8 =	sadd.s32 $0xFFFFFFEC, s21;
	[sflag:s22] =	ssyncadd.s32 $0xFFFFB000  }
0x53: {  	[tilespmem:s3], [sflag:$0x1] =	stream.linear.gather [hbm4b:s8+s3], $0xA0, $0x38;
	[tilespmem:$0x1E280] =	vst v63  }
0x54: {  	s19 =	sadd.s32 $0x1400, s15  }
0x55: {  	[tilespmem:s23], [sflag:$0x1] =	stream.linear.gather [hbm4b:s19+s3], $0x5000, $0x38;
	[tilespmem:$0x1E280] =	vst v63  }
0x56: {  	_ =	swait.ge [sflag:s29], $0xA0  }
0x57: {  	[sflag:s29] =	ssyncset.done $0x0  }
0x58: {  	[sflag:s29] =	ssyncadd.s32 $0xFFFFFF60  }
0x59: {  	_ =	swait.ge [sflag:s29], $0x5000  }
0x5a: {  	[sflag:s29] =	ssyncset.done $0x0  }
0x5b: {  	[sflag:s29] =	ssyncadd.s32 $0xFFFFB000  }
0x5c: {  	[spmem:s1] =	stream.indirect.scatter.add.f32 [tilespmem:s25], [sflag:$0x3], $0x80, s24, s28, $0xb8;
	[tilespmem:$0x1E280] =	vst v63  }
0x5d: {  	_ =	swait.ge [sflag:s22], $0x5000  }
0x5e: {  	s15 =	sadd.s32 $0x1E00, s15;
	[sflag:s22] =	ssyncset.done $0x0  }
0x5f: {  	s7 =	simm.s32 $0x1400;
	s8 =	sadd.s32 $0x28, s21;
	[sflag:s22] =	ssyncadd.s32 $0xFFFFB000  }
0x60: {  	[tilespmem:s24], [sflag:$0x2] =	stream.linear.gather [hbm4b:s21+s3], $0xA0, $0x38;
	[tilespmem:$0x1E280] =	vst v63  }
.LBB2_6:
0x61: {  	[tilespmem:s25], [sflag:$0x2] =	stream.linear.gather [hbm4b:s15+s3], $0x5000, $0x38;
	[tilespmem:$0x1E280] =	vst v63  }
0x62: {  	s15 =	smov.u32 s7  }
0x63: {  	p1 =	sne.s32 s7, $0x24400;
	s7 =	sadd.s32 $0x1400, s7;
	_ =	swait.ge [sflag:s26], $0xA0  }
0x64: {  	[sflag:s26] =	ssyncset.done $0x0  }
0x65: {  	[sflag:s26] =	ssyncadd.s32 $0xFFFFFF60  }
0x66: {  	_ =	swait.ge [sflag:s26], $0x5000  }
0x67: {  	[sflag:s26] =	ssyncset.done $0x0  }
0x68: {  	[sflag:s26] =	ssyncadd.s32 $0xFFFFB000  }
0x69: {  	[spmem:s1] =	stream.indirect.scatter.add.f32 [tilespmem:s23], [sflag:$0x3], $0x80, s3, s28, $0xb8;
	[tilespmem:$0x1E280] =	vst v63  }
0x6a: {  	_ =	swait.ge [sflag:s22], $0x5000  }
0x6b: {  	[sflag:s22] =	ssyncset.done $0x0  }
0x6c: {  	s19 =	sadd.s32 $0xFFFFFFEC, s8;
	s15 =	sadd.s32 s15, s18;
	[sflag:s22] =	ssyncadd.s32 $0xFFFFB000  }
0x6d: {  	[tilespmem:s3], [sflag:$0x1] =	stream.linear.gather [hbm4b:s19+s3], $0xA0, $0x38;
	[tilespmem:$0x1E280] =	vst v63  }
0x6e: {  	s19 =	sadd.s32 $0x1400, s15  }
0x6f: {  	[tilespmem:s23], [sflag:$0x1] =	stream.linear.gather [hbm4b:s19+s3], $0x5000, $0x38;
	[tilespmem:$0x1E280] =	vst v63  }
0x70: {  	_ =	swait.ge [sflag:s29], $0xA0  }
0x71: {  	[sflag:s29] =	ssyncset.done $0x0  }
0x72: {  	[sflag:s29] =	ssyncadd.s32 $0xFFFFFF60  }
0x73: {  	_ =	swait.ge [sflag:s29], $0x5000  }
0x74: {  	[sflag:s29] =	ssyncset.done $0x0  }
0x75: {  	[sflag:s29] =	ssyncadd.s32 $0xFFFFB000  }
0x76: {  	[spmem:s1] =	stream.indirect.scatter.add.f32 [tilespmem:s25], [sflag:$0x3], $0x80, s24, s28, $0xb8;
	[tilespmem:$0x1E280] =	vst v63  }
.Ltmp3:
0x77: {  	_ =	swait.ge [sflag:s22], $0x5000;
	(pc) =	sbr.rel @p1 .LBB2_6-.Ltmp3, $4  }
0x78: {  	[sflag:s22] =	ssyncset.done $0x0  }
0x79: {  	[sflag:s22] =	ssyncadd.s32 $0xFFFFB000  }
0x7a: {  	[tilespmem:s24], [sflag:$0x2] =	stream.linear.gather [hbm4b:s8+s3], $0xA0, $0x38;
	[tilespmem:$0x1E280] =	vst v63  }
0x7b: {  	s15 =	sadd.s32 $0x1E00, s15;
	s8 =	sadd.s32 $0x28, s8  }
.Ltmp4:
0x7c: {  	_ = 	snop;
	(pc) =	sbr.rel .LBB2_7-.Ltmp4, $1  }
0x7d: {  	_ =	sdelay $0x3  }
.LBB2_2:
0x7e: {  	[tilespmem:s23], [sflag:$0x1] =	stream.linear.gather [hbm4b:s13+s7], $0x5000, $0x38;
	[tilespmem:$0x1E280] =	vst v63  }
0x7f: {  	_ = 	snop  }
0x80: {  	[tilespmem:s24], [sflag:$0x2] =	stream.linear.gather [hbm4b:s14+s7], $0xA0, $0x38;
	[tilespmem:$0x1E280] =	vst v63  }
0x81: {  	s8 =	rddreg [dreg:$0x5]  }
0x82: {  	[tilespmem:s25], [sflag:$0x2] =	stream.linear.gather [hbm4b:s8+s7], $0x5000, $0x38;
	[tilespmem:$0x1E280] =	vst v63  }
0x83: {  	_ =	swait.ge [sflag:s26], $0xA0  }
0x84: {  	[sflag:s26] =	ssyncset.done $0x0  }
0x85: {  	[sflag:s26] =	ssyncadd.s32 $0xFFFFFF60  }
0x86: {  	_ =	swait.ge [sflag:s26], $0x5000  }
0x87: {  	[sflag:s26] =	ssyncset.done $0x0  }
0x88: {  	[sflag:s26] =	ssyncadd.s32 $0xFFFFB000  }
0x89: {  	[spmem:s1] =	stream.indirect.scatter.add.f32 [tilespmem:s23], [sflag:$0x3], $0x80, s3, s28, $0xb8;
	[tilespmem:$0x1E280] =	vst v63  }
0x8a: {  	_ =	swait.ge [sflag:s22], $0x5000  }
0x8b: {  	[sflag:s22] =	ssyncset.done $0x0  }
0x8c: {  	s15 =	sadd.s32 $0x0, s13;
	s8 =	sadd.s32 $0xFFFFFFEC, s21;
	[sflag:s22] =	ssyncadd.s32 $0xFFFFB000  }
0x8d: {  	[tilespmem:s3], [sflag:$0x1] =	stream.linear.gather [hbm4b:s8+s3], $0xA0, $0x38;
	[tilespmem:$0x1E280] =	vst v63  }
0x8e: {  	s19 =	sadd.s32 $0x1400, s15  }
0x8f: {  	[tilespmem:s23], [sflag:$0x1] =	stream.linear.gather [hbm4b:s19+s3], $0x5000, $0x38;
	[tilespmem:$0x1E280] =	vst v63  }
0x90: {  	_ =	swait.ge [sflag:s29], $0xA0  }
0x91: {  	[sflag:s29] =	ssyncset.done $0x0  }
0x92: {  	[sflag:s29] =	ssyncadd.s32 $0xFFFFFF60  }
0x93: {  	_ =	swait.ge [sflag:s29], $0x5000  }
0x94: {  	[sflag:s29] =	ssyncset.done $0x0  }
0x95: {  	[sflag:s29] =	ssyncadd.s32 $0xFFFFB000  }
0x96: {  	[spmem:s1] =	stream.indirect.scatter.add.f32 [tilespmem:s25], [sflag:$0x3], $0x80, s24, s28, $0xb8;
	[tilespmem:$0x1E280] =	vst v63  }
0x97: {  	_ =	swait.ge [sflag:s22], $0x5000  }
0x98: {  	s15 =	sadd.s32 $0x1E00, s15;
	[sflag:s22] =	ssyncset.done $0x0  }
0x99: {  	s7 =	simm.s32 $0x1400;
	s8 =	sadd.s32 $0x28, s21;
	[sflag:s22] =	ssyncadd.s32 $0xFFFFB000  }
0x9a: {  	[tilespmem:s24], [sflag:$0x2] =	stream.linear.gather [hbm4b:s21+s3], $0xA0, $0x38;
	[tilespmem:$0x1E280] =	vst v63  }
.LBB2_3:
0x9b: {  	[tilespmem:s25], [sflag:$0x2] =	stream.linear.gather [hbm4b:s15+s3], $0x5000, $0x38;
	[tilespmem:$0x1E280] =	vst v63  }
0x9c: {  	s15 =	smov.u32 s7  }
0x9d: {  	p1 =	seq.s32 s7, $0x24400;
	s7 =	sadd.s32 $0x1400, s7;
	_ =	swait.ge [sflag:s26], $0xA0  }
0x9e: {  	[sflag:s26] =	ssyncset.done $0x0  }
0x9f: {  	[sflag:s26] =	ssyncadd.s32 $0xFFFFFF60  }
0xa0: {  	_ =	swait.ge [sflag:s26], $0x5000  }
0xa1: {  	[sflag:s26] =	ssyncset.done $0x0  }
0xa2: {  	[sflag:s26] =	ssyncadd.s32 $0xFFFFB000  }
0xa3: {  	[spmem:s1] =	stream.indirect.scatter.add.f32 [tilespmem:s23], [sflag:$0x3], $0x80, s3, s28, $0xb8;
	[tilespmem:$0x1E280] =	vst v63  }
0xa4: {  	_ =	swait.ge [sflag:s22], $0x5000  }
0xa5: {  	[sflag:s22] =	ssyncset.done $0x0  }
0xa6: {  	s19 =	sadd.s32 $0xFFFFFFEC, s8;
	s15 =	sadd.s32 s15, s13;
	[sflag:s22] =	ssyncadd.s32 $0xFFFFB000  }
0xa7: {  	[tilespmem:s3], [sflag:$0x1] =	stream.linear.gather [hbm4b:s19+s3], $0xA0, $0x38;
	[tilespmem:$0x1E280] =	vst v63  }
0xa8: {  	s19 =	sadd.s32 $0x1400, s15  }
0xa9: {  	[tilespmem:s23], [sflag:$0x1] =	stream.linear.gather [hbm4b:s19+s3], $0x5000, $0x38;
	[tilespmem:$0x1E280] =	vst v63  }
0xaa: {  	_ =	swait.ge [sflag:s29], $0xA0  }
0xab: {  	[sflag:s29] =	ssyncset.done $0x0  }
0xac: {  	[sflag:s29] =	ssyncadd.s32 $0xFFFFFF60  }
0xad: {  	_ =	swait.ge [sflag:s29], $0x5000  }
0xae: {  	[sflag:s29] =	ssyncset.done $0x0  }
0xaf: {  	[sflag:s29] =	ssyncadd.s32 $0xFFFFB000  }
0xb0: {  	[spmem:s1] =	stream.indirect.scatter.add.f32 [tilespmem:s25], [sflag:$0x3], $0x80, s24, s28, $0xb8;
	[tilespmem:$0x1E280] =	vst v63  }
.Ltmp5:
0xb1: {  	_ =	swait.ge [sflag:s22], $0x5000;
	(pc) =	sbr.rel @!p1 .LBB2_3-.Ltmp5, $4  }
0xb2: {  	[sflag:s22] =	ssyncset.done $0x0  }
0xb3: {  	[sflag:s22] =	ssyncadd.s32 $0xFFFFB000  }
0xb4: {  	[tilespmem:s24], [sflag:$0x2] =	stream.linear.gather [hbm4b:s8+s3], $0xA0, $0x38;
	[tilespmem:$0x1E280] =	vst v63  }
0xb5: {  	s15 =	sadd.s32 $0x1E00, s15;
	s8 =	sadd.s32 $0x28, s8  }
.Ltmp6:
0xb6: {  	(pc) =	sbr.rel .LBB2_8-.Ltmp6, $3  }
0xb7: {  	_ =	sdelay $0x1  }
0xb8: {  	[tilespmem:s25], [sflag:$0x2] =	stream.linear.gather [hbm4b:s15+s3], $0x5000, $0x38;
	[tilespmem:$0x1E280] =	vst v63  }
0xb9: {  	s8 =	smov.u32 s4;
	s7 =	rddreg [dreg:$0x3]  }
.LBB2_9:
0xba: {  	_ =	sfence.sel $0x180000  }
0xbb: {  	[bflag:$0x0] =	sbarrier.arrive $0xFFFF  }
0xbc: {  	_ =	strace $0x90000053  }
0xbd: {  	s0 =	stileid.u32;
	[bflag:$0x2] =	sbarrier.arrive $0xFFFF  }
0xbe: {  	p0 =	sne.s32 s0, $0x0;
	s0 =	rddreg [dreg:$0x2]  }
0xbf: {  	s0 =	sadd.s32 @!p0 $0x100000, s0  }
0xc0: {  	[sflag:s0] =	ssyncadd.tile.s32 @!p0 $0x1;
	_ =	shalt  }
.Lfunc_end2:
_tile_overlayer_lowered:
.L_overlay_start_2:
0xc1: {  	(tag) =	ssettag $0x2  }
0xc2: {  	s0 =	rddreg [dreg:$0x0];
	s2 =	stileid.u32  }
0xc3: {  	s1 =	rddreg [dreg:$0x1];
	p0 =	sne.s32 s2, $0x0  }
0xc4: {  	s3 =	rddreg [dreg:$0x2];
	[bflag:$0x3] =	sbarrier.arrive $0xFFFF;
	s2 =	simm.s32 @!p0 $0x1C03  }
0xc5: {  	[timem:s3], [sflag:s2] =	dma.local @!p0 [hbm:s0], s1  }
0xc6: {  	s0 =	simm.s32 @!p0 $0x3  }
0xc7: {  	_ =	swait.ge @!p0 [sflag:s0], s1  }
0xc8: {  	s1 =	ssub.s32 @!p0 $0x0, s1;
	[sflag:s0] =	ssyncset.done @!p0 $0x0  }
0xc9: {  	[sflag:s0] =	ssyncadd.s32 @!p0 s1  }
0xca: {  	[bflag:$0x3] =	sbarrier.arrive $0xFFFF  }
0xcb: {  	_ =	shalt  }

</sc_bundles>
